<compile_context>
chip_gen: v7x
topology: tpu7x:2x2x1
jax: 0.10.2.dev20260603
libtpu: 0.0.44.dev20260713+nightly
codegen_flags: <defaults>
</compile_context>

<pallas_src>
import functools

import jax
import jax.numpy as jnp
from jax import lax
from jax.experimental import pallas as pl
from jax.experimental.pallas import tpu as pltpu
from jax.experimental.pallas import tpu_sc as plsc

N = 10000
E = 320000
H = 32
DFEAT = 128
DEDGE = 16
DGLOB = 32
DN = H + DFEAT
DE = H + DEDGE
DU = H + DGLOB

F32 = jnp.float32

NC = 2
NS = 16
NW = NC * NS
C = 80
EPW = E // NW
KW = EPW // C
NPAD = 10240
RZ = NPAD // NS

_MESH = plsc.VectorSubcoreMesh(core_axis_name="c", subcore_axis_name="s")



def _tca_body(hnf_ref, nf_ref, wsh, wsn, wdh, wdn, p_ref, q_ref):
    hnf = hnf_ref[...]
    nf = nf_ref[...]
    p_ref[...] = (jnp.dot(hnf, wsh[...], preferred_element_type=F32)
                  + jnp.dot(nf, wsn[...], preferred_element_type=F32))
    q_ref[...] = (jnp.dot(hnf, wdh[...], preferred_element_type=F32)
                  + jnp.dot(nf, wdn[...], preferred_element_type=F32))



NBUF = 5
KSTEP = KW // NBUF

@functools.partial(
    pl.kernel,
    out_type=jax.ShapeDtypeStruct((E, DE), F32),
    mesh=_MESH,
    scratch_types=[
        pltpu.VMEM((EPW,), jnp.int32),
        pltpu.VMEM((EPW,), jnp.int32),
        pltpu.VMEM((NBUF, C, DE), F32),
        pltpu.VMEM((NBUF, C, DE), F32),
        pltpu.VMEM((NBUF, C, DE), F32),
        pltpu.SemaphoreType.DMA((NBUF,)),
        pltpu.SemaphoreType.DMA((NBUF,)),
        pltpu.SemaphoreType.DMA((NBUF,)),
    ],
    compiler_params=pltpu.CompilerParams(use_tc_tiling_on_sc=False),
)
def _sc_gather(p_hbm, q_hbm, src_hbm, dst_hbm, g_hbm,
               idx_s, idx_d, bufp, bufq, gout, semp, semq, semw):
    cid = lax.axis_index("c")
    sid = lax.axis_index("s")
    w = sid * NC + cid
    base = w * EPW
    pltpu.sync_copy(src_hbm.at[pl.ds(base, EPW)], idx_s)
    pltpu.sync_copy(dst_hbm.at[pl.ds(base, EPW)], idx_d)

    def gathers(k, ph):
        cp = pltpu.async_copy(p_hbm.at[idx_s.at[pl.ds(k * C, C)]],
                              bufp.at[ph], semp.at[ph])
        cq = pltpu.async_copy(q_hbm.at[idx_d.at[pl.ds(k * C, C)]],
                              bufq.at[ph], semq.at[ph])
        return cp, cq

    for ph in range(NBUF):
        gathers(ph, ph)

    def body(j, carry):
        for ph in range(NBUF):
            k = j * NBUF + ph
            pltpu.make_async_copy(p_hbm.at[idx_s.at[pl.ds(0, C)]],
                                  bufp.at[ph], semp.at[ph]).wait()
            pltpu.make_async_copy(q_hbm.at[idx_d.at[pl.ds(0, C)]],
                                  bufq.at[ph], semq.at[ph]).wait()
            @pl.when(j > 0)
            def _():
                pltpu.make_async_copy(gout.at[ph], g_hbm.at[pl.ds(0, C)],
                                      semw.at[ph]).wait()
            def addrow(r, c2):
                for cc in range(DE // 16):
                    gout[ph, r, pl.ds(cc * 16, 16)] = (
                        bufp[ph, r, pl.ds(cc * 16, 16)]
                        + bufq[ph, r, pl.ds(cc * 16, 16)])
                return c2
            lax.fori_loop(0, C, addrow, 0)
            pltpu.async_copy(gout.at[ph], g_hbm.at[pl.ds(base + k * C, C)],
                             semw.at[ph])
            kn = jnp.minimum(k + NBUF, KW - 1)
            @pl.when(k + NBUF < KW)
            def _():
                gathers(kn, ph)
        return carry

    lax.fori_loop(0, KSTEP, body, 0)
    for ph in range(NBUF):
        pltpu.make_async_copy(gout.at[ph], g_hbm.at[pl.ds(0, C)],
                              semw.at[ph]).wait()



EB = 16000
PK = 8
EBP = EB // PK

def _tcc_body(g_ref, hef8_ref, ef8_ref, w1bd, w2bd, whu8, wu8, hu_ref, u_ref,
              b8_ref, o32_ref, o16_ref):
    ec8 = (jnp.dot(hu_ref[...], whu8[...], preferred_element_type=F32)
           + jnp.dot(u_ref[...], wu8[...], preferred_element_type=F32)
           + b8_ref[...])
    g8 = jnp.reshape(g_ref[...], (EBP, PK * DE))
    s = (g8
         + jnp.dot(hef8_ref[...], w1bd[...], preferred_element_type=F32)
         + jnp.dot(ef8_ref[...], w2bd[...], preferred_element_type=F32)
         + ec8)
    t = jnp.tanh(s)
    h32 = jnp.concatenate([t[:, DE * j:DE * j + H] for j in range(PK)], axis=1)
    o32_ref[...] = jnp.reshape(h32, (EB * H // 128, 128))
    h16 = jnp.concatenate([t[:, DE * j + H:DE * (j + 1)] for j in range(PK)],
                          axis=1)
    o16_ref[...] = jnp.reshape(h16, (EB * DEDGE // 128, 128))



FZ = RZ // 2

@functools.partial(
    pl.kernel,
    out_type=jax.ShapeDtypeStruct((NC, NPAD, 128), F32),
    mesh=_MESH,
    scratch_types=[
        pltpu.VMEM((KW, C), jnp.int32),
        pltpu.VMEM((NBUF, C, H), F32),
        pltpu.VMEM((NBUF, C, DEDGE), F32),
        pltpu.VMEM_SHARED((NPAD, H), F32),
        pltpu.VMEM_SHARED((NPAD, DEDGE), F32),
        pltpu.VMEM((FZ, H), F32),
        pltpu.VMEM((FZ, DEDGE), F32),
        pltpu.VMEM((FZ, 128), F32),
        pltpu.SemaphoreType.DMA((NBUF,)),
        pltpu.SemaphoreType.DMA((NBUF,)),
        pltpu.SemaphoreType.DMA,
        pltpu.SemaphoreType.DMA,
    ],
    compiler_params=pltpu.CompilerParams(use_tc_tiling_on_sc=False),
)
def _sc_scatter(h32_hbm, h16_hbm, dst3_hbm, a48_hbm,
                idx2, buf32, buf16, sh32, sh16, f32b, f16b, mout,
                sem32, sem16, ssc32, ssc16):
    cid = lax.axis_index("c")
    sid = lax.axis_index("s")
    w = sid * NC + cid
    base = w * EPW
    zv = jnp.zeros((16,), F32)

    def zrow(r, carry):
        f32b[r, pl.ds(0, 16)] = zv
        f32b[r, pl.ds(16, 16)] = zv
        f16b[r, pl.ds(0, 16)] = zv
        return carry

    lax.fori_loop(0, FZ, zrow, 0)
    for m in range(RZ // FZ):
        pltpu.sync_copy(f32b, sh32.at[pl.ds(sid * RZ + m * FZ, FZ)])
        pltpu.sync_copy(f16b, sh16.at[pl.ds(sid * RZ + m * FZ, FZ)])
    pltpu.sync_copy(dst3_hbm.at[w], idx2)
    plsc.subcore_barrier()

    def loads(k, ph):
        off = base + k * C
        pltpu.async_copy(h32_hbm.at[pl.ds(off, C)], buf32.at[ph], sem32.at[ph])
        pltpu.async_copy(h16_hbm.at[pl.ds(off, C)], buf16.at[ph], sem16.at[ph])

    for ph in range(NBUF):
        loads(ph, ph)

    def body(j, carry):
        for ph in range(NBUF):
            k = j * NBUF + ph
            pltpu.make_async_copy(h32_hbm.at[pl.ds(0, C)], buf32.at[ph],
                                  sem32.at[ph]).wait()
            pltpu.make_async_copy(h16_hbm.at[pl.ds(0, C)], buf16.at[ph],
                                  sem16.at[ph]).wait()
            s32 = pltpu.async_copy(buf32.at[ph], sh32.at[idx2.at[k]], ssc32,
                                   add=True)
            s16 = pltpu.async_copy(buf16.at[ph], sh16.at[idx2.at[k]], ssc16,
                                   add=True)
            s32.wait()
            s16.wait()
            kn = jnp.minimum(k + NBUF, KW - 1)
            @pl.when(k + NBUF < KW)
            def _():
                loads(kn, ph)
        return carry

    lax.fori_loop(0, KSTEP, body, 0)
    plsc.subcore_barrier()
    for m in range(RZ // FZ):
        row0 = sid * RZ + m * FZ
        pltpu.sync_copy(sh32.at[pl.ds(row0, FZ)], f32b)
        pltpu.sync_copy(sh16.at[pl.ds(row0, FZ)], f16b)

        def mrow(r, carry):
            mout[r, pl.ds(0, 16)] = f32b[r, pl.ds(0, 16)]
            mout[r, pl.ds(16, 16)] = f32b[r, pl.ds(16, 16)]
            mout[r, pl.ds(32, 16)] = f16b[r, pl.ds(0, 16)]
            return carry

        lax.fori_loop(0, FZ, mrow, 0)
        pltpu.sync_copy(mout, a48_hbm.at[cid, pl.ds(row0, FZ)])



NB = 2000
NGRID = N // NB

def _tce_body(hnf_ref, nf_ref, a48_ref, wnh, wnn, wna32, wna16,
              wnhu, wnu, wnb, wghu, wgu, wgn, wge, wgb, hu_ref, u_ref,
              hnfn_ref, unfo_ref, hun_ref, uuo_ref, accn, acce):
    i = pl.program_id(0)
    a48 = a48_ref[0] + a48_ref[1]
    a32 = a48[:, :H]
    a16 = a48[:, H:DE]
    nc_term = (jnp.dot(hu_ref[...], wnhu[...], preferred_element_type=F32)
               + jnp.dot(u_ref[...], wnu[...], preferred_element_type=F32)
               + wnb[...])
    pre = (jnp.dot(hnf_ref[...], wnh[...], preferred_element_type=F32)
           + jnp.dot(nf_ref[...], wnn[...], preferred_element_type=F32)
           + jnp.dot(a32, wna32[...], preferred_element_type=F32)
           + jnp.dot(a16, wna16[...], preferred_element_type=F32)
           + nc_term)
    unf = jnp.tanh(pre)
    hnfn_ref[...] = unf[:, :H]
    unfo_ref[...] = unf[:, H:]

    @pl.when(i == 0)
    def _():
        accn[...] = jnp.zeros_like(accn)
        acce[...] = jnp.zeros_like(acce)

    accn[...] += jnp.sum(unf, axis=0, keepdims=True)
    acce[...] += jnp.concatenate(
        [jnp.sum(a32, axis=0, keepdims=True),
         jnp.sum(a16, axis=0, keepdims=True)], axis=1)

    ug = (jnp.dot(hu_ref[...], wghu[...], preferred_element_type=F32)
          + jnp.dot(u_ref[...], wgu[...], preferred_element_type=F32)
          + wgb[...])
    uu = jnp.tanh(ug + jnp.dot(accn[...], wgn[...], preferred_element_type=F32)
                  + jnp.dot(acce[...], wge[...], preferred_element_type=F32))
    hun_ref[...] = uu[:, :H]
    uuo_ref[...] = uu[:, H:]


def kernel(nf, ef, u, edge_index, hnf, hef, hu, We_w, We_b, Wn_w, Wn_b, Wg_w, Wg_b):
    src2 = edge_index[0]
    dst2 = edge_index[1]

    p, q = pl.pallas_call(
        _tca_body,
        out_shape=(jax.ShapeDtypeStruct((N, DE), F32),
                   jax.ShapeDtypeStruct((N, DE), F32)),
    )(hnf, nf, We_w[0:H], We_w[H:DN], We_w[DN:DN + H], We_w[DN + H:2 * DN])

    g = _sc_gather(p, q, src2, dst2)

    import jax.scipy.linalg as _jsl
    w1 = We_w[2 * DN:2 * DN + H]
    w2 = We_w[2 * DN + H:2 * DN + DE]
    w1bd = _jsl.block_diag(*([w1] * PK)).astype(jnp.bfloat16)
    w2bd = _jsl.block_diag(*([w2] * PK)).astype(jnp.bfloat16)
    whu8 = jnp.tile(We_w[2 * DN + DE:2 * DN + DE + H], (1, PK))
    wu8 = jnp.tile(We_w[2 * DN + DE + H:], (1, PK))
    b8 = jnp.tile(We_b.reshape(1, DE), (1, PK))
    g2 = g.reshape(E * DE // 128, 128)
    hef8 = hef.astype(jnp.bfloat16).reshape(E // PK, PK * H)
    ef8 = ef.astype(jnp.bfloat16).reshape(E // PK, PK * DEDGE)
    grid_e = E // EB
    h32p, h16p = pl.pallas_call(
        _tcc_body,
        grid=(grid_e,),
        in_specs=[
            pl.BlockSpec((EB * DE // 128, 128), lambda i: (i, 0)),
            pl.BlockSpec((EBP, PK * H), lambda i: (i, 0)),
            pl.BlockSpec((EBP, PK * DEDGE), lambda i: (i, 0)),
            pl.BlockSpec((PK * H, PK * DE), lambda i: (0, 0)),
            pl.BlockSpec((PK * DEDGE, PK * DE), lambda i: (0, 0)),
            pl.BlockSpec((H, PK * DE), lambda i: (0, 0)),
            pl.BlockSpec((DGLOB, PK * DE), lambda i: (0, 0)),
            pl.BlockSpec((1, H), lambda i: (0, 0)),
            pl.BlockSpec((1, DGLOB), lambda i: (0, 0)),
            pl.BlockSpec((1, PK * DE), lambda i: (0, 0)),
        ],
        out_specs=(pl.BlockSpec((EB * H // 128, 128), lambda i: (i, 0)),
                   pl.BlockSpec((EB * DEDGE // 128, 128), lambda i: (i, 0))),
        out_shape=(jax.ShapeDtypeStruct((E * H // 128, 128), F32),
                   jax.ShapeDtypeStruct((E * DEDGE // 128, 128), F32)),
        compiler_params=pltpu.CompilerParams(
            dimension_semantics=("parallel",)),
    )(g2, hef8, ef8, w1bd, w2bd, whu8, wu8, hu, u, b8)
    h32 = h32p.reshape(E, H)
    h16 = h16p.reshape(E, DEDGE)

    dst3 = dst2.reshape(NW, KW, C)
    a48 = _sc_scatter(h32, h16, dst3)

    hnfn, unfo, hun, uuo = pl.pallas_call(
        _tce_body,
        grid=(NGRID,),
        in_specs=[
            pl.BlockSpec((NB, H), lambda i: (i, 0)),
            pl.BlockSpec((NB, DFEAT), lambda i: (i, 0)),
            pl.BlockSpec((NC, NB, 128), lambda i: (0, i, 0)),
            pl.BlockSpec((H, DN), lambda i: (0, 0)),
            pl.BlockSpec((DFEAT, DN), lambda i: (0, 0)),
            pl.BlockSpec((H, DN), lambda i: (0, 0)),
            pl.BlockSpec((DEDGE, DN), lambda i: (0, 0)),
            pl.BlockSpec((H, DN), lambda i: (0, 0)),
            pl.BlockSpec((DGLOB, DN), lambda i: (0, 0)),
            pl.BlockSpec((1, DN), lambda i: (0, 0)),
            pl.BlockSpec((H, DU), lambda i: (0, 0)),
            pl.BlockSpec((DGLOB, DU), lambda i: (0, 0)),
            pl.BlockSpec((DN, DU), lambda i: (0, 0)),
            pl.BlockSpec((DE, DU), lambda i: (0, 0)),
            pl.BlockSpec((1, DU), lambda i: (0, 0)),
            pl.BlockSpec((1, H), lambda i: (0, 0)),
            pl.BlockSpec((1, DGLOB), lambda i: (0, 0)),
        ],
        out_specs=(pl.BlockSpec((NB, H), lambda i: (i, 0)),
                   pl.BlockSpec((NB, DFEAT), lambda i: (i, 0)),
                   pl.BlockSpec((1, H), lambda i: (0, 0)),
                   pl.BlockSpec((1, H), lambda i: (0, 0))),
        out_shape=(jax.ShapeDtypeStruct((N, H), F32),
                   jax.ShapeDtypeStruct((N, DFEAT), F32),
                   jax.ShapeDtypeStruct((1, H), F32),
                   jax.ShapeDtypeStruct((1, H), F32)),
        scratch_shapes=[pltpu.VMEM((1, DN), F32), pltpu.VMEM((1, DE), F32)],
        compiler_params=pltpu.CompilerParams(
            dimension_semantics=("arbitrary",)),
    )(hnf, nf, a48,
      Wn_w[0:H], Wn_w[H:DN], Wn_w[DN:DN + H], Wn_w[DN + H:DN + DE],
      Wn_w[DN + DE:DN + DE + H], Wn_w[DN + DE + H:], Wn_b.reshape(1, DN),
      Wg_w[0:H], Wg_w[H:DU], Wg_w[DU:DU + DN], Wg_w[DU + DN:],
      Wg_b.reshape(1, DU), hu, u)

    return (hnfn, h32, hun, unfo, h16, uuo)

# --- scband reference (transcript-rebuilt; emitter-appended) ---
"""Pipeline reference for scband-recurrent-graph-network-64424509440349 (READ-ONLY COPY).

The authoritative reference and input builder live on the scoring server;
editing this copy changes nothing except your own understanding.
"""

import jax, jax.numpy as jnp
import numpy as np

N = 10000
E = 320000
D_FEAT = 128
D_EDGE = 16
D_GLOB = 32
H = 32
DN = H + D_FEAT
DE = H + D_EDGE
DU = H + D_GLOB


def setup_inputs(seed: int = 0) -> dict:
    key = jax.random.key(seed)
    ks = jax.random.split(key, 12)
    nf = jax.random.normal(ks[0], (N, D_FEAT), dtype=jnp.float32)
    ef = jax.random.normal(ks[1], (E, D_EDGE), dtype=jnp.float32)
    u = jax.random.normal(ks[2], (1, D_GLOB), dtype=jnp.float32)
    edge_index = jax.random.randint(ks[3], (2, E), 0, N, dtype=jnp.int32)
    hnf = jnp.zeros((N, H), dtype=jnp.float32)
    hef = jnp.zeros((E, H), dtype=jnp.float32)
    hu = jnp.zeros((1, H), dtype=jnp.float32)
    We_w = jax.random.normal(ks[4], (2 * DN + DE + DU, DE), dtype=jnp.float32) * 0.05
    We_b = jnp.zeros((DE,), dtype=jnp.float32)
    Wn_w = jax.random.normal(ks[5], (DN + DE + DU, DN), dtype=jnp.float32) * 0.05
    Wn_b = jnp.zeros((DN,), dtype=jnp.float32)
    Wg_w = jax.random.normal(ks[6], (DU + DN + DE, DU), dtype=jnp.float32) * 0.05
    Wg_b = jnp.zeros((DU,), dtype=jnp.float32)
    return {"nf": nf, "ef": ef, "u": u, "edge_index": edge_index, "hnf": hnf, "hef": hef, "hu": hu, "We_w": We_w, "We_b": We_b, "Wn_w": Wn_w, "Wn_b": Wn_b, "Wg_w": Wg_w, "Wg_b": Wg_b}


def reference(nf, ef, u, edge_index, hnf, hef, hu, We_w, We_b, Wn_w, Wn_b, Wg_w, Wg_b):
    n_nodes = nf.shape[0]
    n_edges = ef.shape[0]
    # RNN-style concat of hidden state with inputs
    nf_c = jnp.concatenate([hnf, nf], axis=-1)
    ef_c = jnp.concatenate([hef, ef], axis=-1)
    u_c = jnp.concatenate([hu, u], axis=-1)
    src = edge_index[0]
    dst = edge_index[1]
    # --- core GraphNetwork block ---
    # edge update: phi_e([src_nf, dst_nf, ef, u])
    u_e = jnp.broadcast_to(u_c, (n_edges, u_c.shape[-1]))
    e_in = jnp.concatenate([nf_c[src], nf_c[dst], ef_c, u_e], axis=-1)
    uef = jnp.tanh(e_in @ We_w + We_b)
    # node update: phi_n([nf, sum-aggregated incoming edges, u])
    agg_e = jax.ops.segment_sum(uef, dst, num_segments=n_nodes)
    u_n = jnp.broadcast_to(u_c, (n_nodes, u_c.shape[-1]))
    n_in = jnp.concatenate([nf_c, agg_e, u_n], axis=-1)
    unf = jnp.tanh(n_in @ Wn_w + Wn_b)
    # global update: phi_g([u, sum nodes, sum edges])
    g_nf = jnp.sum(unf, axis=0, keepdims=True)
    g_ef = jnp.sum(uef, axis=0, keepdims=True)
    g_in = jnp.concatenate([u_c, g_nf, g_ef], axis=-1)
    uu = jnp.tanh(g_in @ Wg_w + Wg_b)
    # split hidden state from outputs
    hnf_new, unf_out = unf[:, :H], unf[:, H:]
    hef_new, uef_out = uef[:, :H], uef[:, H:]
    hu_new, uu_out = uu[:, :H], uu[:, H:]
    return (hnf_new, hef_new, hu_new, unf_out, uef_out, uu_out)

if __name__ == "__main__":
    import jax
    _d = setup_inputs()
    print(jax.jit(kernel)(*tuple(_d.values())))

</pallas_src>

<mosaic_0001>
#map = affine_map<(d0, d1) -> (0, 0)>
#map1 = affine_map<(d0, d1) -> (0)>
module attributes {stable_mosaic.version = 14 : i64} {
  func.func @_sc_gather(%arg0: i32, %arg1: i32, %arg2: memref<10000x48xf32, #tpu.memory_space<hbm>>, %arg3: memref<10000x48xf32, #tpu.memory_space<hbm>>, %arg4: memref<320000xi32, #tpu.memory_space<hbm>>, %arg5: memref<320000xi32, #tpu.memory_space<hbm>>, %arg6: memref<320000x48xf32, #tpu.memory_space<hbm>>, %arg7: memref<10000xi32, #tpu.memory_space<vmem>>, %arg8: memref<10000xi32, #tpu.memory_space<vmem>>, %arg9: memref<5x80x48xf32, #tpu.memory_space<vmem>>, %arg10: memref<5x80x48xf32, #tpu.memory_space<vmem>>, %arg11: memref<5x80x48xf32, #tpu.memory_space<vmem>>, %arg12: memref<5x!tpu.dma_semaphore, #tpu.memory_space<semaphore_mem>>, %arg13: memref<5x!tpu.dma_semaphore, #tpu.memory_space<semaphore_mem>>, %arg14: memref<5x!tpu.dma_semaphore, #tpu.memory_space<semaphore_mem>>) attributes {dimension_semantics = [#tpu.dimension_semantics<core_parallel>, #tpu.dimension_semantics<subcore_parallel>], iteration_bounds = array<i64: 2, 16>, scalar_prefetch = 0 : i64, scratch_operands = 8 : i64, tpu.core_type = #tpu.core_type<sc_vector_subcore>, window_params = [{transform_indices = #map}, {transform_indices = #map}, {transform_indices = #map1}, {transform_indices = #map1}, {transform_indices = #map}]} {
    %mul3A = arith.constant 2 : i32
    %mul3A_0 = arith.muli %arg1, %mul3A : i32
    %add3A = arith.addi %mul3A_0, %arg0 : i32
    %mul3A_1 = arith.constant 10000 : i32
    %mul3A_2 = arith.muli %add3A, %mul3A_1 : i32
    "tpu.region"() ({
      %run_scoped3A = tpu.sem_alloc : memref<!tpu.dma_semaphore, #tpu.memory_space<semaphore_mem>>
      %dma_start3A_226 = tpu.memref_slice %arg4[%mul3A_2] : memref<320000xi32, #tpu.memory_space<hbm>> -> memref<10000xi32, #tpu.memory_space<hbm>>
      %dma_start3A_227 = tpu.memref_slice %arg4[%mul3A_2] : memref<320000xi32, #tpu.memory_space<hbm>> -> memref<10000xi32, #tpu.memory_space<hbm>>
      tpu.enqueue_dma source(%dma_start3A_227 : memref<10000xi32, #tpu.memory_space<hbm>>) target(%arg7 : memref<10000xi32, #tpu.memory_space<vmem>>) target_semaphore(%run_scoped3A : memref<!tpu.dma_semaphore, #tpu.memory_space<semaphore_mem>>)
      %dma_wait3A_228 = tpu.memref_slice %arg4[%mul3A_2] : memref<320000xi32, #tpu.memory_space<hbm>> -> memref<10000xi32, #tpu.memory_space<hbm>>
      %dma_wait3A_229 = tpu.memref_slice %arg4[%mul3A_2] : memref<320000xi32, #tpu.memory_space<hbm>> -> memref<10000xi32, #tpu.memory_space<hbm>>
      tpu.wait_dma2 semaphore(%run_scoped3A : memref<!tpu.dma_semaphore, #tpu.memory_space<semaphore_mem>>) src(%dma_wait3A_229 : memref<10000xi32, #tpu.memory_space<hbm>>) dst(%arg7 : memref<10000xi32, #tpu.memory_space<vmem>>)
      tpu.yield
    }) : () -> ()
    "tpu.region"() ({
      %run_scoped3A = tpu.sem_alloc : memref<!tpu.dma_semaphore, #tpu.memory_space<semaphore_mem>>
      %dma_start3A_226 = tpu.memref_slice %arg5[%mul3A_2] : memref<320000xi32, #tpu.memory_space<hbm>> -> memref<10000xi32, #tpu.memory_space<hbm>>
      %dma_start3A_227 = tpu.memref_slice %arg5[%mul3A_2] : memref<320000xi32, #tpu.memory_space<hbm>> -> memref<10000xi32, #tpu.memory_space<hbm>>
      tpu.enqueue_dma source(%dma_start3A_227 : memref<10000xi32, #tpu.memory_space<hbm>>) target(%arg8 : memref<10000xi32, #tpu.memory_space<vmem>>) target_semaphore(%run_scoped3A : memref<!tpu.dma_semaphore, #tpu.memory_space<semaphore_mem>>)
      %dma_wait3A_228 = tpu.memref_slice %arg5[%mul3A_2] : memref<320000xi32, #tpu.memory_space<hbm>> -> memref<10000xi32, #tpu.memory_space<hbm>>
      %dma_wait3A_229 = tpu.memref_slice %arg5[%mul3A_2] : memref<320000xi32, #tpu.memory_space<hbm>> -> memref<10000xi32, #tpu.memory_space<hbm>>
      tpu.wait_dma2 semaphore(%run_scoped3A : memref<!tpu.dma_semaphore, #tpu.memory_space<semaphore_mem>>) src(%dma_wait3A_229 : memref<10000xi32, #tpu.memory_space<hbm>>) dst(%arg8 : memref<10000xi32, #tpu.memory_space<vmem>>)
      tpu.yield
    }) : () -> ()
    %dma_start3A = arith.constant 0 : i32
    %dma_start3A_3 = arith.constant 0 : i32
    %dma_start3A_4 = arith.constant 0 : i32
    %dma_start3A_5 = arith.constant 0 : i32
    %dma_start3A_6 = tpu.memref_slice %arg9[%dma_start3A, %dma_start3A_4, %dma_start3A_5] : memref<5x80x48xf32, #tpu.memory_space<vmem>> -> memref<1x80x48xf32, #tpu.memory_space<vmem>>
    %dma_start3A_7 = tpu.memref_squeeze %dma_start3A_6 : memref<1x80x48xf32, #tpu.memory_space<vmem>> -> memref<80x48xf32, #tpu.memory_space<vmem>>
    %dma_start3A_8 = arith.constant 0 : i32
    %dma_start3A_9 = tpu.memref_slice %arg7[%dma_start3A_8] : memref<10000xi32, #tpu.memory_space<vmem>> -> memref<80xi32, #tpu.memory_space<vmem>>
    %dma_start3A_10 = arith.constant 0 : i32
    %dma_start3A_11 = arith.constant 0 : i32
    %dma_start3A_12 = tpu.memref_slice %arg2[%dma_start3A_10, %dma_start3A_11] : memref<10000x48xf32, #tpu.memory_space<hbm>> -> memref<10000x48xf32, #tpu.memory_space<hbm>>
    %dma_start3A_13 = tpu.memref_slice %arg12[%dma_start3A_3] : memref<5x!tpu.dma_semaphore, #tpu.memory_space<semaphore_mem>> -> memref<1x!tpu.dma_semaphore, #tpu.memory_space<semaphore_mem>>
    %dma_start3A_14 = tpu.memref_squeeze %dma_start3A_13 : memref<1x!tpu.dma_semaphore, #tpu.memory_space<semaphore_mem>> -> memref<!tpu.dma_semaphore, #tpu.memory_space<semaphore_mem>>
    tpu.enqueue_indirect_dma source(%dma_start3A_12 : memref<10000x48xf32, #tpu.memory_space<hbm>>) target(%dma_start3A_7 : memref<80x48xf32, #tpu.memory_space<vmem>>) offsets(%dma_start3A_9 : memref<80xi32, #tpu.memory_space<vmem>>) semaphore(%dma_start3A_14 : memref<!tpu.dma_semaphore, #tpu.memory_space<semaphore_mem>>)
    %dma_start3A_15 = arith.constant 0 : i32
    %dma_start3A_16 = arith.constant 0 : i32
    %dma_start3A_17 = arith.constant 0 : i32
    %dma_start3A_18 = arith.constant 0 : i32
    %dma_start3A_19 = tpu.memref_slice %arg10[%dma_start3A_15, %dma_start3A_17, %dma_start3A_18] : memref<5x80x48xf32, #tpu.memory_space<vmem>> -> memref<1x80x48xf32, #tpu.memory_space<vmem>>
    %dma_start3A_20 = tpu.memref_squeeze %dma_start3A_19 : memref<1x80x48xf32, #tpu.memory_space<vmem>> -> memref<80x48xf32, #tpu.memory_space<vmem>>
    %dma_start3A_21 = arith.constant 0 : i32
    %dma_start3A_22 = tpu.memref_slice %arg8[%dma_start3A_21] : memref<10000xi32, #tpu.memory_space<vmem>> -> memref<80xi32, #tpu.memory_space<vmem>>
    %dma_start3A_23 = arith.constant 0 : i32
    %dma_start3A_24 = arith.constant 0 : i32
    %dma_start3A_25 = tpu.memref_slice %arg3[%dma_start3A_23, %dma_start3A_24] : memref<10000x48xf32, #tpu.memory_space<hbm>> -> memref<10000x48xf32, #tpu.memory_space<hbm>>
    %dma_start3A_26 = tpu.memref_slice %arg13[%dma_start3A_16] : memref<5x!tpu.dma_semaphore, #tpu.memory_space<semaphore_mem>> -> memref<1x!tpu.dma_semaphore, #tpu.memory_space<semaphore_mem>>
    %dma_start3A_27 = tpu.memref_squeeze %dma_start3A_26 : memref<1x!tpu.dma_semaphore, #tpu.memory_space<semaphore_mem>> -> memref<!tpu.dma_semaphore, #tpu.memory_space<semaphore_mem>>
    tpu.enqueue_indirect_dma source(%dma_start3A_25 : memref<10000x48xf32, #tpu.memory_space<hbm>>) target(%dma_start3A_20 : memref<80x48xf32, #tpu.memory_space<vmem>>) offsets(%dma_start3A_22 : memref<80xi32, #tpu.memory_space<vmem>>) semaphore(%dma_start3A_27 : memref<!tpu.dma_semaphore, #tpu.memory_space<semaphore_mem>>)
    %dma_start3A_28 = arith.constant 1 : i32
    %dma_start3A_29 = arith.constant 1 : i32
    %dma_start3A_30 = arith.constant 0 : i32
    %dma_start3A_31 = arith.constant 0 : i32
    %dma_start3A_32 = tpu.memref_slice %arg9[%dma_start3A_28, %dma_start3A_30, %dma_start3A_31] : memref<5x80x48xf32, #tpu.memory_space<vmem>> -> memref<1x80x48xf32, #tpu.memory_space<vmem>>
    %dma_start3A_33 = tpu.memref_squeeze %dma_start3A_32 : memref<1x80x48xf32, #tpu.memory_space<vmem>> -> memref<80x48xf32, #tpu.memory_space<vmem>>
    %dma_start3A_34 = arith.constant 80 : i32
    %dma_start3A_35 = tpu.memref_slice %arg7[%dma_start3A_34] : memref<10000xi32, #tpu.memory_space<vmem>> -> memref<80xi32, #tpu.memory_space<vmem>>
    %dma_start3A_36 = arith.constant 0 : i32
    %dma_start3A_37 = arith.constant 0 : i32
    %dma_start3A_38 = tpu.memref_slice %arg2[%dma_start3A_36, %dma_start3A_37] : memref<10000x48xf32, #tpu.memory_space<hbm>> -> memref<10000x48xf32, #tpu.memory_space<hbm>>
    %dma_start3A_39 = tpu.memref_slice %arg12[%dma_start3A_29] : memref<5x!tpu.dma_semaphore, #tpu.memory_space<semaphore_mem>> -> memref<1x!tpu.dma_semaphore, #tpu.memory_space<semaphore_mem>>
    %dma_start3A_40 = tpu.memref_squeeze %dma_start3A_39 : memref<1x!tpu.dma_semaphore, #tpu.memory_space<semaphore_mem>> -> memref<!tpu.dma_semaphore, #tpu.memory_space<semaphore_mem>>
    tpu.enqueue_indirect_dma source(%dma_start3A_38 : memref<10000x48xf32, #tpu.memory_space<hbm>>) target(%dma_start3A_33 : memref<80x48xf32, #tpu.memory_space<vmem>>) offsets(%dma_start3A_35 : memref<80xi32, #tpu.memory_space<vmem>>) semaphore(%dma_start3A_40 : memref<!tpu.dma_semaphore, #tpu.memory_space<semaphore_mem>>)
    %dma_start3A_41 = arith.constant 1 : i32
    %dma_start3A_42 = arith.constant 1 : i32
    %dma_start3A_43 = arith.constant 0 : i32
    %dma_start3A_44 = arith.constant 0 : i32
    %dma_start3A_45 = tpu.memref_slice %arg10[%dma_start3A_41, %dma_start3A_43, %dma_start3A_44] : memref<5x80x48xf32, #tpu.memory_space<vmem>> -> memref<1x80x48xf32, #tpu.memory_space<vmem>>
    %dma_start3A_46 = tpu.memref_squeeze %dma_start3A_45 : memref<1x80x48xf32, #tpu.memory_space<vmem>> -> memref<80x48xf32, #tpu.memory_space<vmem>>
    %dma_start3A_47 = arith.constant 80 : i32
    %dma_start3A_48 = tpu.memref_slice %arg8[%dma_start3A_47] : memref<10000xi32, #tpu.memory_space<vmem>> -> memref<80xi32, #tpu.memory_space<vmem>>
    %dma_start3A_49 = arith.constant 0 : i32
    %dma_start3A_50 = arith.constant 0 : i32
    %dma_start3A_51 = tpu.memref_slice %arg3[%dma_start3A_49, %dma_start3A_50] : memref<10000x48xf32, #tpu.memory_space<hbm>> -> memref<10000x48xf32, #tpu.memory_space<hbm>>
    %dma_start3A_52 = tpu.memref_slice %arg13[%dma_start3A_42] : memref<5x!tpu.dma_semaphore, #tpu.memory_space<semaphore_mem>> -> memref<1x!tpu.dma_semaphore, #tpu.memory_space<semaphore_mem>>
    %dma_start3A_53 = tpu.memref_squeeze %dma_start3A_52 : memref<1x!tpu.dma_semaphore, #tpu.memory_space<semaphore_mem>> -> memref<!tpu.dma_semaphore, #tpu.memory_space<semaphore_mem>>
    tpu.enqueue_indirect_dma source(%dma_start3A_51 : memref<10000x48xf32, #tpu.memory_space<hbm>>) target(%dma_start3A_46 : memref<80x48xf32, #tpu.memory_space<vmem>>) offsets(%dma_start3A_48 : memref<80xi32, #tpu.memory_space<vmem>>) semaphore(%dma_start3A_53 : memref<!tpu.dma_semaphore, #tpu.memory_space<semaphore_mem>>)
    %dma_start3A_54 = arith.constant 2 : i32
    %dma_start3A_55 = arith.constant 2 : i32
    %dma_start3A_56 = arith.constant 0 : i32
    %dma_start3A_57 = arith.constant 0 : i32
    %dma_start3A_58 = tpu.memref_slice %arg9[%dma_start3A_54, %dma_start3A_56, %dma_start3A_57] : memref<5x80x48xf32, #tpu.memory_space<vmem>> -> memref<1x80x48xf32, #tpu.memory_space<vmem>>
    %dma_start3A_59 = tpu.memref_squeeze %dma_start3A_58 : memref<1x80x48xf32, #tpu.memory_space<vmem>> -> memref<80x48xf32, #tpu.memory_space<vmem>>
    %dma_start3A_60 = arith.constant 160 : i32
    %dma_start3A_61 = tpu.memref_slice %arg7[%dma_start3A_60] : memref<10000xi32, #tpu.memory_space<vmem>> -> memref<80xi32, #tpu.memory_space<vmem>>
    %dma_start3A_62 = arith.constant 0 : i32
    %dma_start3A_63 = arith.constant 0 : i32
    %dma_start3A_64 = tpu.memref_slice %arg2[%dma_start3A_62, %dma_start3A_63] : memref<10000x48xf32, #tpu.memory_space<hbm>> -> memref<10000x48xf32, #tpu.memory_space<hbm>>
    %dma_start3A_65 = tpu.memref_slice %arg12[%dma_start3A_55] : memref<5x!tpu.dma_semaphore, #tpu.memory_space<semaphore_mem>> -> memref<1x!tpu.dma_semaphore, #tpu.memory_space<semaphore_mem>>
    %dma_start3A_66 = tpu.memref_squeeze %dma_start3A_65 : memref<1x!tpu.dma_semaphore, #tpu.memory_space<semaphore_mem>> -> memref<!tpu.dma_semaphore, #tpu.memory_space<semaphore_mem>>
    tpu.enqueue_indirect_dma source(%dma_start3A_64 : memref<10000x48xf32, #tpu.memory_space<hbm>>) target(%dma_start3A_59 : memref<80x48xf32, #tpu.memory_space<vmem>>) offsets(%dma_start3A_61 : memref<80xi32, #tpu.memory_space<vmem>>) semaphore(%dma_start3A_66 : memref<!tpu.dma_semaphore, #tpu.memory_space<semaphore_mem>>)
    %dma_start3A_67 = arith.constant 2 : i32
    %dma_start3A_68 = arith.constant 2 : i32
    %dma_start3A_69 = arith.constant 0 : i32
    %dma_start3A_70 = arith.constant 0 : i32
    %dma_start3A_71 = tpu.memref_slice %arg10[%dma_start3A_67, %dma_start3A_69, %dma_start3A_70] : memref<5x80x48xf32, #tpu.memory_space<vmem>> -> memref<1x80x48xf32, #tpu.memory_space<vmem>>
    %dma_start3A_72 = tpu.memref_squeeze %dma_start3A_71 : memref<1x80x48xf32, #tpu.memory_space<vmem>> -> memref<80x48xf32, #tpu.memory_space<vmem>>
    %dma_start3A_73 = arith.constant 160 : i32
    %dma_start3A_74 = tpu.memref_slice %arg8[%dma_start3A_73] : memref<10000xi32, #tpu.memory_space<vmem>> -> memref<80xi32, #tpu.memory_space<vmem>>
    %dma_start3A_75 = arith.constant 0 : i32
    %dma_start3A_76 = arith.constant 0 : i32
    %dma_start3A_77 = tpu.memref_slice %arg3[%dma_start3A_75, %dma_start3A_76] : memref<10000x48xf32, #tpu.memory_space<hbm>> -> memref<10000x48xf32, #tpu.memory_space<hbm>>
    %dma_start3A_78 = tpu.memref_slice %arg13[%dma_start3A_68] : memref<5x!tpu.dma_semaphore, #tpu.memory_space<semaphore_mem>> -> memref<1x!tpu.dma_semaphore, #tpu.memory_space<semaphore_mem>>
    %dma_start3A_79 = tpu.memref_squeeze %dma_start3A_78 : memref<1x!tpu.dma_semaphore, #tpu.memory_space<semaphore_mem>> -> memref<!tpu.dma_semaphore, #tpu.memory_space<semaphore_mem>>
    tpu.enqueue_indirect_dma source(%dma_start3A_77 : memref<10000x48xf32, #tpu.memory_space<hbm>>) target(%dma_start3A_72 : memref<80x48xf32, #tpu.memory_space<vmem>>) offsets(%dma_start3A_74 : memref<80xi32, #tpu.memory_space<vmem>>) semaphore(%dma_start3A_79 : memref<!tpu.dma_semaphore, #tpu.memory_space<semaphore_mem>>)
    %dma_start3A_80 = arith.constant 3 : i32
    %dma_start3A_81 = arith.constant 3 : i32
    %dma_start3A_82 = arith.constant 0 : i32
    %dma_start3A_83 = arith.constant 0 : i32
    %dma_start3A_84 = tpu.memref_slice %arg9[%dma_start3A_80, %dma_start3A_82, %dma_start3A_83] : memref<5x80x48xf32, #tpu.memory_space<vmem>> -> memref<1x80x48xf32, #tpu.memory_space<vmem>>
    %dma_start3A_85 = tpu.memref_squeeze %dma_start3A_84 : memref<1x80x48xf32, #tpu.memory_space<vmem>> -> memref<80x48xf32, #tpu.memory_space<vmem>>
    %dma_start3A_86 = arith.constant 240 : i32
    %dma_start3A_87 = tpu.memref_slice %arg7[%dma_start3A_86] : memref<10000xi32, #tpu.memory_space<vmem>> -> memref<80xi32, #tpu.memory_space<vmem>>
    %dma_start3A_88 = arith.constant 0 : i32
    %dma_start3A_89 = arith.constant 0 : i32
    %dma_start3A_90 = tpu.memref_slice %arg2[%dma_start3A_88, %dma_start3A_89] : memref<10000x48xf32, #tpu.memory_space<hbm>> -> memref<10000x48xf32, #tpu.memory_space<hbm>>
    %dma_start3A_91 = tpu.memref_slice %arg12[%dma_start3A_81] : memref<5x!tpu.dma_semaphore, #tpu.memory_space<semaphore_mem>> -> memref<1x!tpu.dma_semaphore, #tpu.memory_space<semaphore_mem>>
    %dma_start3A_92 = tpu.memref_squeeze %dma_start3A_91 : memref<1x!tpu.dma_semaphore, #tpu.memory_space<semaphore_mem>> -> memref<!tpu.dma_semaphore, #tpu.memory_space<semaphore_mem>>
    tpu.enqueue_indirect_dma source(%dma_start3A_90 : memref<10000x48xf32, #tpu.memory_space<hbm>>) target(%dma_start3A_85 : memref<80x48xf32, #tpu.memory_space<vmem>>) offsets(%dma_start3A_87 : memref<80xi32, #tpu.memory_space<vmem>>) semaphore(%dma_start3A_92 : memref<!tpu.dma_semaphore, #tpu.memory_space<semaphore_mem>>)
    %dma_start3A_93 = arith.constant 3 : i32
    %dma_start3A_94 = arith.constant 3 : i32
    %dma_start3A_95 = arith.constant 0 : i32
    %dma_start3A_96 = arith.constant 0 : i32
    %dma_start3A_97 = tpu.memref_slice %arg10[%dma_start3A_93, %dma_start3A_95, %dma_start3A_96] : memref<5x80x48xf32, #tpu.memory_space<vmem>> -> memref<1x80x48xf32, #tpu.memory_space<vmem>>
    %dma_start3A_98 = tpu.memref_squeeze %dma_start3A_97 : memref<1x80x48xf32, #tpu.memory_space<vmem>> -> memref<80x48xf32, #tpu.memory_space<vmem>>
    %dma_start3A_99 = arith.constant 240 : i32
    %dma_start3A_100 = tpu.memref_slice %arg8[%dma_start3A_99] : memref<10000xi32, #tpu.memory_space<vmem>> -> memref<80xi32, #tpu.memory_space<vmem>>
    %dma_start3A_101 = arith.constant 0 : i32
    %dma_start3A_102 = arith.constant 0 : i32
    %dma_start3A_103 = tpu.memref_slice %arg3[%dma_start3A_101, %dma_start3A_102] : memref<10000x48xf32, #tpu.memory_space<hbm>> -> memref<10000x48xf32, #tpu.memory_space<hbm>>
    %dma_start3A_104 = tpu.memref_slice %arg13[%dma_start3A_94] : memref<5x!tpu.dma_semaphore, #tpu.memory_space<semaphore_mem>> -> memref<1x!tpu.dma_semaphore, #tpu.memory_space<semaphore_mem>>
    %dma_start3A_105 = tpu.memref_squeeze %dma_start3A_104 : memref<1x!tpu.dma_semaphore, #tpu.memory_space<semaphore_mem>> -> memref<!tpu.dma_semaphore, #tpu.memory_space<semaphore_mem>>
    tpu.enqueue_indirect_dma source(%dma_start3A_103 : memref<10000x48xf32, #tpu.memory_space<hbm>>) target(%dma_start3A_98 : memref<80x48xf32, #tpu.memory_space<vmem>>) offsets(%dma_start3A_100 : memref<80xi32, #tpu.memory_space<vmem>>) semaphore(%dma_start3A_105 : memref<!tpu.dma_semaphore, #tpu.memory_space<semaphore_mem>>)
    %dma_start3A_106 = arith.constant 4 : i32
    %dma_start3A_107 = arith.constant 4 : i32
    %dma_start3A_108 = arith.constant 0 : i32
    %dma_start3A_109 = arith.constant 0 : i32
    %dma_start3A_110 = tpu.memref_slice %arg9[%dma_start3A_106, %dma_start3A_108, %dma_start3A_109] : memref<5x80x48xf32, #tpu.memory_space<vmem>> -> memref<1x80x48xf32, #tpu.memory_space<vmem>>
    %dma_start3A_111 = tpu.memref_squeeze %dma_start3A_110 : memref<1x80x48xf32, #tpu.memory_space<vmem>> -> memref<80x48xf32, #tpu.memory_space<vmem>>
    %dma_start3A_112 = arith.constant 320 : i32
    %dma_start3A_113 = tpu.memref_slice %arg7[%dma_start3A_112] : memref<10000xi32, #tpu.memory_space<vmem>> -> memref<80xi32, #tpu.memory_space<vmem>>
    %dma_start3A_114 = arith.constant 0 : i32
    %dma_start3A_115 = arith.constant 0 : i32
    %dma_start3A_116 = tpu.memref_slice %arg2[%dma_start3A_114, %dma_start3A_115] : memref<10000x48xf32, #tpu.memory_space<hbm>> -> memref<10000x48xf32, #tpu.memory_space<hbm>>
    %dma_start3A_117 = tpu.memref_slice %arg12[%dma_start3A_107] : memref<5x!tpu.dma_semaphore, #tpu.memory_space<semaphore_mem>> -> memref<1x!tpu.dma_semaphore, #tpu.memory_space<semaphore_mem>>
    %dma_start3A_118 = tpu.memref_squeeze %dma_start3A_117 : memref<1x!tpu.dma_semaphore, #tpu.memory_space<semaphore_mem>> -> memref<!tpu.dma_semaphore, #tpu.memory_space<semaphore_mem>>
    tpu.enqueue_indirect_dma source(%dma_start3A_116 : memref<10000x48xf32, #tpu.memory_space<hbm>>) target(%dma_start3A_111 : memref<80x48xf32, #tpu.memory_space<vmem>>) offsets(%dma_start3A_113 : memref<80xi32, #tpu.memory_space<vmem>>) semaphore(%dma_start3A_118 : memref<!tpu.dma_semaphore, #tpu.memory_space<semaphore_mem>>)
    %dma_start3A_119 = arith.constant 4 : i32
    %dma_start3A_120 = arith.constant 4 : i32
    %dma_start3A_121 = arith.constant 0 : i32
    %dma_start3A_122 = arith.constant 0 : i32
    %dma_start3A_123 = tpu.memref_slice %arg10[%dma_start3A_119, %dma_start3A_121, %dma_start3A_122] : memref<5x80x48xf32, #tpu.memory_space<vmem>> -> memref<1x80x48xf32, #tpu.memory_space<vmem>>
    %dma_start3A_124 = tpu.memref_squeeze %dma_start3A_123 : memref<1x80x48xf32, #tpu.memory_space<vmem>> -> memref<80x48xf32, #tpu.memory_space<vmem>>
    %dma_start3A_125 = arith.constant 320 : i32
    %dma_start3A_126 = tpu.memref_slice %arg8[%dma_start3A_125] : memref<10000xi32, #tpu.memory_space<vmem>> -> memref<80xi32, #tpu.memory_space<vmem>>
    %dma_start3A_127 = arith.constant 0 : i32
    %dma_start3A_128 = arith.constant 0 : i32
    %dma_start3A_129 = tpu.memref_slice %arg3[%dma_start3A_127, %dma_start3A_128] : memref<10000x48xf32, #tpu.memory_space<hbm>> -> memref<10000x48xf32, #tpu.memory_space<hbm>>
    %dma_start3A_130 = tpu.memref_slice %arg13[%dma_start3A_120] : memref<5x!tpu.dma_semaphore, #tpu.memory_space<semaphore_mem>> -> memref<1x!tpu.dma_semaphore, #tpu.memory_space<semaphore_mem>>
    %dma_start3A_131 = tpu.memref_squeeze %dma_start3A_130 : memref<1x!tpu.dma_semaphore, #tpu.memory_space<semaphore_mem>> -> memref<!tpu.dma_semaphore, #tpu.memory_space<semaphore_mem>>
    tpu.enqueue_indirect_dma source(%dma_start3A_129 : memref<10000x48xf32, #tpu.memory_space<hbm>>) target(%dma_start3A_124 : memref<80x48xf32, #tpu.memory_space<vmem>>) offsets(%dma_start3A_126 : memref<80xi32, #tpu.memory_space<vmem>>) semaphore(%dma_start3A_131 : memref<!tpu.dma_semaphore, #tpu.memory_space<semaphore_mem>>)
    %scan3A = arith.constant 0 : i32
    %scan3A_132 = arith.constant 0 : i32
    %scan3A_133 = arith.constant 25 : i32
    %scan3A_134 = arith.addi %scan3A_132, %scan3A_133 : i32
    %scan3A_135 = arith.constant 1 : i32
    scf.for %scan3A_226 = %scan3A_132 to %scan3A_134 step %scan3A_135  : i32 {
      %mul3A_227 = arith.constant 5 : i32
      %mul3A_228 = arith.muli %scan3A_226, %mul3A_227 : i32
      %add3A_229 = arith.constant 0 : i32
      %add3A_230 = arith.addi %mul3A_228, %add3A_229 : i32
      %dma_wait3A_231 = arith.constant 0 : i32
      %dma_wait3A_232 = arith.constant 0 : i32
      %dma_wait3A_233 = arith.constant 0 : i32
      %dma_wait3A_234 = arith.constant 0 : i32
      %dma_wait3A_235 = tpu.memref_slice %arg9[%dma_wait3A_231, %dma_wait3A_233, %dma_wait3A_234] : memref<5x80x48xf32, #tpu.memory_space<vmem>> -> memref<1x80x48xf32, #tpu.memory_space<vmem>>
      %dma_wait3A_236 = tpu.memref_squeeze %dma_wait3A_235 : memref<1x80x48xf32, #tpu.memory_space<vmem>> -> memref<80x48xf32, #tpu.memory_space<vmem>>
      %dma_wait3A_237 = arith.constant 0 : i32
      %dma_wait3A_238 = tpu.memref_slice %arg7[%dma_wait3A_237] : memref<10000xi32, #tpu.memory_space<vmem>> -> memref<80xi32, #tpu.memory_space<vmem>>
      %dma_wait3A_239 = arith.constant 0 : i32
      %dma_wait3A_240 = arith.constant 0 : i32
      %dma_wait3A_241 = tpu.memref_slice %arg2[%dma_wait3A_239, %dma_wait3A_240] : memref<10000x48xf32, #tpu.memory_space<hbm>> -> memref<10000x48xf32, #tpu.memory_space<hbm>>
      %dma_wait3A_242 = tpu.memref_slice %arg12[%dma_wait3A_232] : memref<5x!tpu.dma_semaphore, #tpu.memory_space<semaphore_mem>> -> memref<1x!tpu.dma_semaphore, #tpu.memory_space<semaphore_mem>>
      %dma_wait3A_243 = tpu.memref_squeeze %dma_wait3A_242 : memref<1x!tpu.dma_semaphore, #tpu.memory_space<semaphore_mem>> -> memref<!tpu.dma_semaphore, #tpu.memory_space<semaphore_mem>>
      tpu.wait_indirect_dma semaphore(%dma_wait3A_243 : memref<!tpu.dma_semaphore, #tpu.memory_space<semaphore_mem>>) src(%dma_wait3A_241 : memref<10000x48xf32, #tpu.memory_space<hbm>>) dst(%dma_wait3A_236 : memref<80x48xf32, #tpu.memory_space<vmem>>)
      %dma_wait3A_244 = arith.constant 0 : i32
      %dma_wait3A_245 = arith.constant 0 : i32
      %dma_wait3A_246 = arith.constant 0 : i32
      %dma_wait3A_247 = arith.constant 0 : i32
      %dma_wait3A_248 = tpu.memref_slice %arg10[%dma_wait3A_244, %dma_wait3A_246, %dma_wait3A_247] : memref<5x80x48xf32, #tpu.memory_space<vmem>> -> memref<1x80x48xf32, #tpu.memory_space<vmem>>
      %dma_wait3A_249 = tpu.memref_squeeze %dma_wait3A_248 : memref<1x80x48xf32, #tpu.memory_space<vmem>> -> memref<80x48xf32, #tpu.memory_space<vmem>>
      %dma_wait3A_250 = arith.constant 0 : i32
      %dma_wait3A_251 = tpu.memref_slice %arg8[%dma_wait3A_250] : memref<10000xi32, #tpu.memory_space<vmem>> -> memref<80xi32, #tpu.memory_space<vmem>>
      %dma_wait3A_252 = arith.constant 0 : i32
      %dma_wait3A_253 = arith.constant 0 : i32
      %dma_wait3A_254 = tpu.memref_slice %arg3[%dma_wait3A_252, %dma_wait3A_253] : memref<10000x48xf32, #tpu.memory_space<hbm>> -> memref<10000x48xf32, #tpu.memory_space<hbm>>
      %dma_wait3A_255 = tpu.memref_slice %arg13[%dma_wait3A_245] : memref<5x!tpu.dma_semaphore, #tpu.memory_space<semaphore_mem>> -> memref<1x!tpu.dma_semaphore, #tpu.memory_space<semaphore_mem>>
      %dma_wait3A_256 = tpu.memref_squeeze %dma_wait3A_255 : memref<1x!tpu.dma_semaphore, #tpu.memory_space<semaphore_mem>> -> memref<!tpu.dma_semaphore, #tpu.memory_space<semaphore_mem>>
      tpu.wait_indirect_dma semaphore(%dma_wait3A_256 : memref<!tpu.dma_semaphore, #tpu.memory_space<semaphore_mem>>) src(%dma_wait3A_254 : memref<10000x48xf32, #tpu.memory_space<hbm>>) dst(%dma_wait3A_249 : memref<80x48xf32, #tpu.memory_space<vmem>>)
      %gt3A = arith.constant 0 : i32
      %gt3A_257 = arith.cmpi sgt, %scan3A_226, %gt3A : i32
      %convert_element_type3A = arith.extui %gt3A_257 : i1 to i32
      %cond3A = arith.constant 0 : i32
      %cond3A_258 = arith.cmpi ne, %convert_element_type3A, %cond3A : i32
      scf.if %cond3A_258 {
        %dma_wait3A_577 = arith.constant 0 : i32
        %dma_wait3A_578 = arith.constant 0 : i32
        %dma_wait3A_579 = arith.constant 0 : i32
        %dma_wait3A_580 = arith.constant 0 : i32
        %dma_wait3A_581 = tpu.memref_slice %arg11[%dma_wait3A_577, %dma_wait3A_579, %dma_wait3A_580] : memref<5x80x48xf32, #tpu.memory_space<vmem>> -> memref<1x80x48xf32, #tpu.memory_space<vmem>>
        %dma_wait3A_582 = tpu.memref_squeeze %dma_wait3A_581 : memref<1x80x48xf32, #tpu.memory_space<vmem>> -> memref<80x48xf32, #tpu.memory_space<vmem>>
        %dma_wait3A_583 = arith.constant 0 : i32
        %dma_wait3A_584 = arith.constant 0 : i32
        %dma_wait3A_585 = tpu.memref_slice %arg6[%dma_wait3A_583, %dma_wait3A_584] : memref<320000x48xf32, #tpu.memory_space<hbm>> -> memref<80x48xf32, #tpu.memory_space<hbm>>
        %dma_wait3A_586 = tpu.memref_slice %arg14[%dma_wait3A_578] : memref<5x!tpu.dma_semaphore, #tpu.memory_space<semaphore_mem>> -> memref<1x!tpu.dma_semaphore, #tpu.memory_space<semaphore_mem>>
        %dma_wait3A_587 = tpu.memref_squeeze %dma_wait3A_586 : memref<1x!tpu.dma_semaphore, #tpu.memory_space<semaphore_mem>> -> memref<!tpu.dma_semaphore, #tpu.memory_space<semaphore_mem>>
        %dma_wait3A_588 = arith.constant 0 : i32
        %dma_wait3A_589 = arith.constant 0 : i32
        %dma_wait3A_590 = tpu.memref_slice %arg6[%dma_wait3A_588, %dma_wait3A_589] : memref<320000x48xf32, #tpu.memory_space<hbm>> -> memref<80x48xf32, #tpu.memory_space<hbm>>
        %dma_wait3A_591 = arith.constant 0 : i32
        %dma_wait3A_592 = arith.constant 0 : i32
        %dma_wait3A_593 = tpu.memref_slice %arg11[%dma_wait3A_577, %dma_wait3A_591, %dma_wait3A_592] : memref<5x80x48xf32, #tpu.memory_space<vmem>> -> memref<1x80x48xf32, #tpu.memory_space<vmem>>
        %dma_wait3A_594 = tpu.memref_squeeze %dma_wait3A_593 : memref<1x80x48xf32, #tpu.memory_space<vmem>> -> memref<80x48xf32, #tpu.memory_space<vmem>>
        tpu.wait_dma2 semaphore(%dma_wait3A_587 : memref<!tpu.dma_semaphore, #tpu.memory_space<semaphore_mem>>) src(%dma_wait3A_594 : memref<80x48xf32, #tpu.memory_space<vmem>>) dst(%dma_wait3A_590 : memref<80x48xf32, #tpu.memory_space<hbm>>)
      } else {
      }
      %scan3A_259 = arith.constant 0 : i32
      %scan3A_260 = arith.constant 0 : i32
      %scan3A_261 = arith.constant 80 : i32
      %scan3A_262 = arith.addi %scan3A_260, %scan3A_261 : i32
      %scan3A_263 = arith.constant 1 : i32
      scf.for %scan3A_577 = %scan3A_260 to %scan3A_262 step %scan3A_263  : i32 {
        %get3A = arith.constant 0 : i32
        %get3A_578 = arith.index_cast %get3A : i32 to index
        %get3A_579 = arith.index_cast %scan3A_577 : i32 to index
        %get3A_580 = arith.constant 0 : index
        %get3A_581 = tpu.vector_load %arg9[%get3A_578, %get3A_579, %get3A_580] {strides = array<i32>} : memref<5x80x48xf32, #tpu.memory_space<vmem>>, vector<1x1x16xf32>,
        %get3A_582 = vector.shape_cast %get3A_581 : vector<1x1x16xf32> to vector<16xf32>
        %get3A_583 = arith.constant 0 : i32
        %get3A_584 = arith.index_cast %get3A_583 : i32 to index
        %get3A_585 = arith.index_cast %scan3A_577 : i32 to index
        %get3A_586 = arith.constant 0 : index
        %get3A_587 = tpu.vector_load %arg10[%get3A_584, %get3A_585, %get3A_586] {strides = array<i32>} : memref<5x80x48xf32, #tpu.memory_space<vmem>>, vector<1x1x16xf32>,
        %get3A_588 = vector.shape_cast %get3A_587 : vector<1x1x16xf32> to vector<16xf32>
        %add3A_589 = arith.addf %get3A_582, %get3A_588 : vector<16xf32>
        %swap3A = arith.constant 0 : i32
        %swap3A_590 = arith.index_cast %swap3A : i32 to index
        %swap3A_591 = arith.index_cast %scan3A_577 : i32 to index
        %swap3A_592 = arith.constant 0 : index
        %swap3A_593 = tpu.vector_load %arg11[%swap3A_590, %swap3A_591, %swap3A_592] {strides = array<i32>} : memref<5x80x48xf32, #tpu.memory_space<vmem>>, vector<1x1x16xf32>,
        %swap3A_594 = vector.shape_cast %swap3A_593 : vector<1x1x16xf32> to vector<16xf32>
        %swap3A_595 = vector.shape_cast %add3A_589 : vector<16xf32> to vector<1x1x16xf32>
        tpu.vector_store %arg11[%swap3A_590, %swap3A_591, %swap3A_592], %swap3A_595 {strides = array<i32>} : memref<5x80x48xf32, #tpu.memory_space<vmem>>, vector<1x1x16xf32>,
        %get3A_596 = arith.constant 0 : i32
        %get3A_597 = arith.index_cast %get3A_596 : i32 to index
        %get3A_598 = arith.index_cast %scan3A_577 : i32 to index
        %get3A_599 = arith.constant 16 : index
        %get3A_600 = tpu.vector_load %arg9[%get3A_597, %get3A_598, %get3A_599] {strides = array<i32>} : memref<5x80x48xf32, #tpu.memory_space<vmem>>, vector<1x1x16xf32>,
        %get3A_601 = vector.shape_cast %get3A_600 : vector<1x1x16xf32> to vector<16xf32>
        %get3A_602 = arith.constant 0 : i32
        %get3A_603 = arith.index_cast %get3A_602 : i32 to index
        %get3A_604 = arith.index_cast %scan3A_577 : i32 to index
        %get3A_605 = arith.constant 16 : index
        %get3A_606 = tpu.vector_load %arg10[%get3A_603, %get3A_604, %get3A_605] {strides = array<i32>} : memref<5x80x48xf32, #tpu.memory_space<vmem>>, vector<1x1x16xf32>,
        %get3A_607 = vector.shape_cast %get3A_606 : vector<1x1x16xf32> to vector<16xf32>
        %add3A_608 = arith.addf %get3A_601, %get3A_607 : vector<16xf32>
        %swap3A_609 = arith.constant 0 : i32
        %swap3A_610 = arith.index_cast %swap3A_609 : i32 to index
        %swap3A_611 = arith.index_cast %scan3A_577 : i32 to index
        %swap3A_612 = arith.constant 16 : index
        %swap3A_613 = tpu.vector_load %arg11[%swap3A_610, %swap3A_611, %swap3A_612] {strides = array<i32>} : memref<5x80x48xf32, #tpu.memory_space<vmem>>, vector<1x1x16xf32>,
        %swap3A_614 = vector.shape_cast %swap3A_613 : vector<1x1x16xf32> to vector<16xf32>
        %swap3A_615 = vector.shape_cast %add3A_608 : vector<16xf32> to vector<1x1x16xf32>
        tpu.vector_store %arg11[%swap3A_610, %swap3A_611, %swap3A_612], %swap3A_615 {strides = array<i32>} : memref<5x80x48xf32, #tpu.memory_space<vmem>>, vector<1x1x16xf32>,
        %get3A_616 = arith.constant 0 : i32
        %get3A_617 = arith.index_cast %get3A_616 : i32 to index
        %get3A_618 = arith.index_cast %scan3A_577 : i32 to index
        %get3A_619 = arith.constant 32 : index
        %get3A_620 = tpu.vector_load %arg9[%get3A_617, %get3A_618, %get3A_619] {strides = array<i32>} : memref<5x80x48xf32, #tpu.memory_space<vmem>>, vector<1x1x16xf32>,
        %get3A_621 = vector.shape_cast %get3A_620 : vector<1x1x16xf32> to vector<16xf32>
        %get3A_622 = arith.constant 0 : i32
        %get3A_623 = arith.index_cast %get3A_622 : i32 to index
        %get3A_624 = arith.index_cast %scan3A_577 : i32 to index
        %get3A_625 = arith.constant 32 : index
        %get3A_626 = tpu.vector_load %arg10[%get3A_623, %get3A_624, %get3A_625] {strides = array<i32>} : memref<5x80x48xf32, #tpu.memory_space<vmem>>, vector<1x1x16xf32>,
        %get3A_627 = vector.shape_cast %get3A_626 : vector<1x1x16xf32> to vector<16xf32>
        %add3A_628 = arith.addf %get3A_621, %get3A_627 : vector<16xf32>
        %swap3A_629 = arith.constant 0 : i32
        %swap3A_630 = arith.index_cast %swap3A_629 : i32 to index
        %swap3A_631 = arith.index_cast %scan3A_577 : i32 to index
        %swap3A_632 = arith.constant 32 : index
        %swap3A_633 = tpu.vector_load %arg11[%swap3A_630, %swap3A_631, %swap3A_632] {strides = array<i32>} : memref<5x80x48xf32, #tpu.memory_space<vmem>>, vector<1x1x16xf32>,
        %swap3A_634 = vector.shape_cast %swap3A_633 : vector<1x1x16xf32> to vector<16xf32>
        %swap3A_635 = vector.shape_cast %add3A_628 : vector<16xf32> to vector<1x1x16xf32>
        tpu.vector_store %arg11[%swap3A_630, %swap3A_631, %swap3A_632], %swap3A_635 {strides = array<i32>} : memref<5x80x48xf32, #tpu.memory_space<vmem>>, vector<1x1x16xf32>,
      }
      %scan3A_264 = arith.constant 80 : i32
      %mul3A_265 = arith.constant 80 : i32
      %mul3A_266 = arith.muli %add3A_230, %mul3A_265 : i32
      %add3A_267 = arith.addi %mul3A_2, %mul3A_266 : i32
      %dma_start3A_268 = arith.constant 0 : i32
      %dma_start3A_269 = arith.constant 0 : i32
      %dma_start3A_270 = arith.constant 0 : i32
      %dma_start3A_271 = arith.constant 0 : i32
      %dma_start3A_272 = tpu.memref_slice %arg11[%dma_start3A_268, %dma_start3A_270, %dma_start3A_271] : memref<5x80x48xf32, #tpu.memory_space<vmem>> -> memref<1x80x48xf32, #tpu.memory_space<vmem>>
      %dma_start3A_273 = tpu.memref_squeeze %dma_start3A_272 : memref<1x80x48xf32, #tpu.memory_space<vmem>> -> memref<80x48xf32, #tpu.memory_space<vmem>>
      %dma_start3A_274 = arith.constant 0 : i32
      %dma_start3A_275 = tpu.memref_slice %arg6[%add3A_267, %dma_start3A_274] : memref<320000x48xf32, #tpu.memory_space<hbm>> -> memref<80x48xf32, #tpu.memory_space<hbm>>
      %dma_start3A_276 = tpu.memref_slice %arg14[%dma_start3A_269] : memref<5x!tpu.dma_semaphore, #tpu.memory_space<semaphore_mem>> -> memref<1x!tpu.dma_semaphore, #tpu.memory_space<semaphore_mem>>
      %dma_start3A_277 = tpu.memref_squeeze %dma_start3A_276 : memref<1x!tpu.dma_semaphore, #tpu.memory_space<semaphore_mem>> -> memref<!tpu.dma_semaphore, #tpu.memory_space<semaphore_mem>>
      %dma_start3A_278 = arith.constant 0 : i32
      %dma_start3A_279 = tpu.memref_slice %arg6[%add3A_267, %dma_start3A_278] : memref<320000x48xf32, #tpu.memory_space<hbm>> -> memref<80x48xf32, #tpu.memory_space<hbm>>
      %dma_start3A_280 = arith.constant 0 : i32
      %dma_start3A_281 = arith.constant 0 : i32
      %dma_start3A_282 = tpu.memref_slice %arg11[%dma_start3A_268, %dma_start3A_280, %dma_start3A_281] : memref<5x80x48xf32, #tpu.memory_space<vmem>> -> memref<1x80x48xf32, #tpu.memory_space<vmem>>
      %dma_start3A_283 = tpu.memref_squeeze %dma_start3A_282 : memref<1x80x48xf32, #tpu.memory_space<vmem>> -> memref<80x48xf32, #tpu.memory_space<vmem>>
      tpu.enqueue_dma source(%dma_start3A_283 : memref<80x48xf32, #tpu.memory_space<vmem>>) target(%dma_start3A_279 : memref<80x48xf32, #tpu.memory_space<hbm>>) target_semaphore(%dma_start3A_277 : memref<!tpu.dma_semaphore, #tpu.memory_space<semaphore_mem>>)
      %add3A_284 = arith.constant 5 : i32
      %add3A_285 = arith.addi %add3A_230, %add3A_284 : i32
      %min3A = arith.constant 124 : i32
      %min3A_286 = arith.minsi %add3A_285, %min3A : i32
      %add3A_287 = arith.constant 5 : i32
      %add3A_288 = arith.addi %add3A_230, %add3A_287 : i32
      %lt3A = arith.constant 125 : i32
      %lt3A_289 = arith.cmpi slt, %add3A_288, %lt3A : i32
      %convert_element_type3A_290 = arith.extui %lt3A_289 : i1 to i32
      %cond3A_291 = arith.constant 0 : i32
      %cond3A_292 = arith.cmpi ne, %convert_element_type3A_290, %cond3A_291 : i32
      scf.if %cond3A_292 {
        %mul3A_577 = arith.constant 80 : i32
        %mul3A_578 = arith.muli %min3A_286, %mul3A_577 : i32
        %dma_start3A_579 = arith.constant 0 : i32
        %dma_start3A_580 = arith.constant 0 : i32
        %dma_start3A_581 = arith.constant 0 : i32
        %dma_start3A_582 = arith.constant 0 : i32
        %dma_start3A_583 = tpu.memref_slice %arg9[%dma_start3A_579, %dma_start3A_581, %dma_start3A_582] : memref<5x80x48xf32, #tpu.memory_space<vmem>> -> memref<1x80x48xf32, #tpu.memory_space<vmem>>
        %dma_start3A_584 = tpu.memref_squeeze %dma_start3A_583 : memref<1x80x48xf32, #tpu.memory_space<vmem>> -> memref<80x48xf32, #tpu.memory_space<vmem>>
        %dma_start3A_585 = tpu.memref_slice %arg7[%mul3A_578] : memref<10000xi32, #tpu.memory_space<vmem>> -> memref<80xi32, #tpu.memory_space<vmem>>
        %dma_start3A_586 = arith.constant 0 : i32
        %dma_start3A_587 = arith.constant 0 : i32
        %dma_start3A_588 = tpu.memref_slice %arg2[%dma_start3A_586, %dma_start3A_587] : memref<10000x48xf32, #tpu.memory_space<hbm>> -> memref<10000x48xf32, #tpu.memory_space<hbm>>
        %dma_start3A_589 = tpu.memref_slice %arg12[%dma_start3A_580] : memref<5x!tpu.dma_semaphore, #tpu.memory_space<semaphore_mem>> -> memref<1x!tpu.dma_semaphore, #tpu.memory_space<semaphore_mem>>
        %dma_start3A_590 = tpu.memref_squeeze %dma_start3A_589 : memref<1x!tpu.dma_semaphore, #tpu.memory_space<semaphore_mem>> -> memref<!tpu.dma_semaphore, #tpu.memory_space<semaphore_mem>>
        tpu.enqueue_indirect_dma source(%dma_start3A_588 : memref<10000x48xf32, #tpu.memory_space<hbm>>) target(%dma_start3A_584 : memref<80x48xf32, #tpu.memory_space<vmem>>) offsets(%dma_start3A_585 : memref<80xi32, #tpu.memory_space<vmem>>) semaphore(%dma_start3A_590 : memref<!tpu.dma_semaphore, #tpu.memory_space<semaphore_mem>>)
        %mul3A_591 = arith.constant 80 : i32
        %mul3A_592 = arith.muli %min3A_286, %mul3A_591 : i32
        %dma_start3A_593 = arith.constant 0 : i32
        %dma_start3A_594 = arith.constant 0 : i32
        %dma_start3A_595 = arith.constant 0 : i32
        %dma_start3A_596 = arith.constant 0 : i32
        %dma_start3A_597 = tpu.memref_slice %arg10[%dma_start3A_593, %dma_start3A_595, %dma_start3A_596] : memref<5x80x48xf32, #tpu.memory_space<vmem>> -> memref<1x80x48xf32, #tpu.memory_space<vmem>>
        %dma_start3A_598 = tpu.memref_squeeze %dma_start3A_597 : memref<1x80x48xf32, #tpu.memory_space<vmem>> -> memref<80x48xf32, #tpu.memory_space<vmem>>
        %dma_start3A_599 = tpu.memref_slice %arg8[%mul3A_592] : memref<10000xi32, #tpu.memory_space<vmem>> -> memref<80xi32, #tpu.memory_space<vmem>>
        %dma_start3A_600 = arith.constant 0 : i32
        %dma_start3A_601 = arith.constant 0 : i32
        %dma_start3A_602 = tpu.memref_slice %arg3[%dma_start3A_600, %dma_start3A_601] : memref<10000x48xf32, #tpu.memory_space<hbm>> -> memref<10000x48xf32, #tpu.memory_space<hbm>>
        %dma_start3A_603 = tpu.memref_slice %arg13[%dma_start3A_594] : memref<5x!tpu.dma_semaphore, #tpu.memory_space<semaphore_mem>> -> memref<1x!tpu.dma_semaphore, #tpu.memory_space<semaphore_mem>>
        %dma_start3A_604 = tpu.memref_squeeze %dma_start3A_603 : memref<1x!tpu.dma_semaphore, #tpu.memory_space<semaphore_mem>> -> memref<!tpu.dma_semaphore, #tpu.memory_space<semaphore_mem>>
        tpu.enqueue_indirect_dma source(%dma_start3A_602 : memref<10000x48xf32, #tpu.memory_space<hbm>>) target(%dma_start3A_598 : memref<80x48xf32, #tpu.memory_space<vmem>>) offsets(%dma_start3A_599 : memref<80xi32, #tpu.memory_space<vmem>>) semaphore(%dma_start3A_604 : memref<!tpu.dma_semaphore, #tpu.memory_space<semaphore_mem>>)
      } else {
      }
      %mul3A_293 = arith.constant 5 : i32
      %mul3A_294 = arith.muli %scan3A_226, %mul3A_293 : i32
      %add3A_295 = arith.constant 1 : i32
      %add3A_296 = arith.addi %mul3A_294, %add3A_295 : i32
      %dma_wait3A_297 = arith.constant 1 : i32
      %dma_wait3A_298 = arith.constant 1 : i32
      %dma_wait3A_299 = arith.constant 0 : i32
      %dma_wait3A_300 = arith.constant 0 : i32
      %dma_wait3A_301 = tpu.memref_slice %arg9[%dma_wait3A_297, %dma_wait3A_299, %dma_wait3A_300] : memref<5x80x48xf32, #tpu.memory_space<vmem>> -> memref<1x80x48xf32, #tpu.memory_space<vmem>>
      %dma_wait3A_302 = tpu.memref_squeeze %dma_wait3A_301 : memref<1x80x48xf32, #tpu.memory_space<vmem>> -> memref<80x48xf32, #tpu.memory_space<vmem>>
      %dma_wait3A_303 = arith.constant 0 : i32
      %dma_wait3A_304 = tpu.memref_slice %arg7[%dma_wait3A_303] : memref<10000xi32, #tpu.memory_space<vmem>> -> memref<80xi32, #tpu.memory_space<vmem>>
      %dma_wait3A_305 = arith.constant 0 : i32
      %dma_wait3A_306 = arith.constant 0 : i32
      %dma_wait3A_307 = tpu.memref_slice %arg2[%dma_wait3A_305, %dma_wait3A_306] : memref<10000x48xf32, #tpu.memory_space<hbm>> -> memref<10000x48xf32, #tpu.memory_space<hbm>>
      %dma_wait3A_308 = tpu.memref_slice %arg12[%dma_wait3A_298] : memref<5x!tpu.dma_semaphore, #tpu.memory_space<semaphore_mem>> -> memref<1x!tpu.dma_semaphore, #tpu.memory_space<semaphore_mem>>
      %dma_wait3A_309 = tpu.memref_squeeze %dma_wait3A_308 : memref<1x!tpu.dma_semaphore, #tpu.memory_space<semaphore_mem>> -> memref<!tpu.dma_semaphore, #tpu.memory_space<semaphore_mem>>
      tpu.wait_indirect_dma semaphore(%dma_wait3A_309 : memref<!tpu.dma_semaphore, #tpu.memory_space<semaphore_mem>>) src(%dma_wait3A_307 : memref<10000x48xf32, #tpu.memory_space<hbm>>) dst(%dma_wait3A_302 : memref<80x48xf32, #tpu.memory_space<vmem>>)
      %dma_wait3A_310 = arith.constant 1 : i32
      %dma_wait3A_311 = arith.constant 1 : i32
      %dma_wait3A_312 = arith.constant 0 : i32
      %dma_wait3A_313 = arith.constant 0 : i32
      %dma_wait3A_314 = tpu.memref_slice %arg10[%dma_wait3A_310, %dma_wait3A_312, %dma_wait3A_313] : memref<5x80x48xf32, #tpu.memory_space<vmem>> -> memref<1x80x48xf32, #tpu.memory_space<vmem>>
      %dma_wait3A_315 = tpu.memref_squeeze %dma_wait3A_314 : memref<1x80x48xf32, #tpu.memory_space<vmem>> -> memref<80x48xf32, #tpu.memory_space<vmem>>
      %dma_wait3A_316 = arith.constant 0 : i32
      %dma_wait3A_317 = tpu.memref_slice %arg8[%dma_wait3A_316] : memref<10000xi32, #tpu.memory_space<vmem>> -> memref<80xi32, #tpu.memory_space<vmem>>
      %dma_wait3A_318 = arith.constant 0 : i32
      %dma_wait3A_319 = arith.constant 0 : i32
      %dma_wait3A_320 = tpu.memref_slice %arg3[%dma_wait3A_318, %dma_wait3A_319] : memref<10000x48xf32, #tpu.memory_space<hbm>> -> memref<10000x48xf32, #tpu.memory_space<hbm>>
      %dma_wait3A_321 = tpu.memref_slice %arg13[%dma_wait3A_311] : memref<5x!tpu.dma_semaphore, #tpu.memory_space<semaphore_mem>> -> memref<1x!tpu.dma_semaphore, #tpu.memory_space<semaphore_mem>>
      %dma_wait3A_322 = tpu.memref_squeeze %dma_wait3A_321 : memref<1x!tpu.dma_semaphore, #tpu.memory_space<semaphore_mem>> -> memref<!tpu.dma_semaphore, #tpu.memory_space<semaphore_mem>>
      tpu.wait_indirect_dma semaphore(%dma_wait3A_322 : memref<!tpu.dma_semaphore, #tpu.memory_space<semaphore_mem>>) src(%dma_wait3A_320 : memref<10000x48xf32, #tpu.memory_space<hbm>>) dst(%dma_wait3A_315 : memref<80x48xf32, #tpu.memory_space<vmem>>)
      %gt3A_323 = arith.constant 0 : i32
      %gt3A_324 = arith.cmpi sgt, %scan3A_226, %gt3A_323 : i32
      %convert_element_type3A_325 = arith.extui %gt3A_324 : i1 to i32
      %cond3A_326 = arith.constant 0 : i32
      %cond3A_327 = arith.cmpi ne, %convert_element_type3A_325, %cond3A_326 : i32
      scf.if %cond3A_327 {
        %dma_wait3A_577 = arith.constant 1 : i32
        %dma_wait3A_578 = arith.constant 1 : i32
        %dma_wait3A_579 = arith.constant 0 : i32
        %dma_wait3A_580 = arith.constant 0 : i32
        %dma_wait3A_581 = tpu.memref_slice %arg11[%dma_wait3A_577, %dma_wait3A_579, %dma_wait3A_580] : memref<5x80x48xf32, #tpu.memory_space<vmem>> -> memref<1x80x48xf32, #tpu.memory_space<vmem>>
        %dma_wait3A_582 = tpu.memref_squeeze %dma_wait3A_581 : memref<1x80x48xf32, #tpu.memory_space<vmem>> -> memref<80x48xf32, #tpu.memory_space<vmem>>
        %dma_wait3A_583 = arith.constant 0 : i32
        %dma_wait3A_584 = arith.constant 0 : i32
        %dma_wait3A_585 = tpu.memref_slice %arg6[%dma_wait3A_583, %dma_wait3A_584] : memref<320000x48xf32, #tpu.memory_space<hbm>> -> memref<80x48xf32, #tpu.memory_space<hbm>>
        %dma_wait3A_586 = tpu.memref_slice %arg14[%dma_wait3A_578] : memref<5x!tpu.dma_semaphore, #tpu.memory_space<semaphore_mem>> -> memref<1x!tpu.dma_semaphore, #tpu.memory_space<semaphore_mem>>
        %dma_wait3A_587 = tpu.memref_squeeze %dma_wait3A_586 : memref<1x!tpu.dma_semaphore, #tpu.memory_space<semaphore_mem>> -> memref<!tpu.dma_semaphore, #tpu.memory_space<semaphore_mem>>
        %dma_wait3A_588 = arith.constant 0 : i32
        %dma_wait3A_589 = arith.constant 0 : i32
        %dma_wait3A_590 = tpu.memref_slice %arg6[%dma_wait3A_588, %dma_wait3A_589] : memref<320000x48xf32, #tpu.memory_space<hbm>> -> memref<80x48xf32, #tpu.memory_space<hbm>>
        %dma_wait3A_591 = arith.constant 0 : i32
        %dma_wait3A_592 = arith.constant 0 : i32
        %dma_wait3A_593 = tpu.memref_slice %arg11[%dma_wait3A_577, %dma_wait3A_591, %dma_wait3A_592] : memref<5x80x48xf32, #tpu.memory_space<vmem>> -> memref<1x80x48xf32, #tpu.memory_space<vmem>>
        %dma_wait3A_594 = tpu.memref_squeeze %dma_wait3A_593 : memref<1x80x48xf32, #tpu.memory_space<vmem>> -> memref<80x48xf32, #tpu.memory_space<vmem>>
        tpu.wait_dma2 semaphore(%dma_wait3A_587 : memref<!tpu.dma_semaphore, #tpu.memory_space<semaphore_mem>>) src(%dma_wait3A_594 : memref<80x48xf32, #tpu.memory_space<vmem>>) dst(%dma_wait3A_590 : memref<80x48xf32, #tpu.memory_space<hbm>>)
      } else {
      }
      %scan3A_328 = arith.constant 0 : i32
      %scan3A_329 = arith.constant 0 : i32
      %scan3A_330 = arith.constant 80 : i32
      %scan3A_331 = arith.addi %scan3A_329, %scan3A_330 : i32
      %scan3A_332 = arith.constant 1 : i32
      scf.for %scan3A_577 = %scan3A_329 to %scan3A_331 step %scan3A_332  : i32 {
        %get3A = arith.constant 1 : i32
        %get3A_578 = arith.index_cast %get3A : i32 to index
        %get3A_579 = arith.index_cast %scan3A_577 : i32 to index
        %get3A_580 = arith.constant 0 : index
        %get3A_581 = tpu.vector_load %arg9[%get3A_578, %get3A_579, %get3A_580] {strides = array<i32>} : memref<5x80x48xf32, #tpu.memory_space<vmem>>, vector<1x1x16xf32>,
        %get3A_582 = vector.shape_cast %get3A_581 : vector<1x1x16xf32> to vector<16xf32>
        %get3A_583 = arith.constant 1 : i32
        %get3A_584 = arith.index_cast %get3A_583 : i32 to index
        %get3A_585 = arith.index_cast %scan3A_577 : i32 to index
        %get3A_586 = arith.constant 0 : index
        %get3A_587 = tpu.vector_load %arg10[%get3A_584, %get3A_585, %get3A_586] {strides = array<i32>} : memref<5x80x48xf32, #tpu.memory_space<vmem>>, vector<1x1x16xf32>,
        %get3A_588 = vector.shape_cast %get3A_587 : vector<1x1x16xf32> to vector<16xf32>
        %add3A_589 = arith.addf %get3A_582, %get3A_588 : vector<16xf32>
        %swap3A = arith.constant 1 : i32
        %swap3A_590 = arith.index_cast %swap3A : i32 to index
        %swap3A_591 = arith.index_cast %scan3A_577 : i32 to index
        %swap3A_592 = arith.constant 0 : index
        %swap3A_593 = tpu.vector_load %arg11[%swap3A_590, %swap3A_591, %swap3A_592] {strides = array<i32>} : memref<5x80x48xf32, #tpu.memory_space<vmem>>, vector<1x1x16xf32>,
        %swap3A_594 = vector.shape_cast %swap3A_593 : vector<1x1x16xf32> to vector<16xf32>
        %swap3A_595 = vector.shape_cast %add3A_589 : vector<16xf32> to vector<1x1x16xf32>
        tpu.vector_store %arg11[%swap3A_590, %swap3A_591, %swap3A_592], %swap3A_595 {strides = array<i32>} : memref<5x80x48xf32, #tpu.memory_space<vmem>>, vector<1x1x16xf32>,
        %get3A_596 = arith.constant 1 : i32
        %get3A_597 = arith.index_cast %get3A_596 : i32 to index
        %get3A_598 = arith.index_cast %scan3A_577 : i32 to index
        %get3A_599 = arith.constant 16 : index
        %get3A_600 = tpu.vector_load %arg9[%get3A_597, %get3A_598, %get3A_599] {strides = array<i32>} : memref<5x80x48xf32, #tpu.memory_space<vmem>>, vector<1x1x16xf32>,
        %get3A_601 = vector.shape_cast %get3A_600 : vector<1x1x16xf32> to vector<16xf32>
        %get3A_602 = arith.constant 1 : i32
        %get3A_603 = arith.index_cast %get3A_602 : i32 to index
        %get3A_604 = arith.index_cast %scan3A_577 : i32 to index
        %get3A_605 = arith.constant 16 : index
        %get3A_606 = tpu.vector_load %arg10[%get3A_603, %get3A_604, %get3A_605] {strides = array<i32>} : memref<5x80x48xf32, #tpu.memory_space<vmem>>, vector<1x1x16xf32>,
        %get3A_607 = vector.shape_cast %get3A_606 : vector<1x1x16xf32> to vector<16xf32>
        %add3A_608 = arith.addf %get3A_601, %get3A_607 : vector<16xf32>
        %swap3A_609 = arith.constant 1 : i32
        %swap3A_610 = arith.index_cast %swap3A_609 : i32 to index
        %swap3A_611 = arith.index_cast %scan3A_577 : i32 to index
        %swap3A_612 = arith.constant 16 : index
        %swap3A_613 = tpu.vector_load %arg11[%swap3A_610, %swap3A_611, %swap3A_612] {strides = array<i32>} : memref<5x80x48xf32, #tpu.memory_space<vmem>>, vector<1x1x16xf32>,
        %swap3A_614 = vector.shape_cast %swap3A_613 : vector<1x1x16xf32> to vector<16xf32>
        %swap3A_615 = vector.shape_cast %add3A_608 : vector<16xf32> to vector<1x1x16xf32>
        tpu.vector_store %arg11[%swap3A_610, %swap3A_611, %swap3A_612], %swap3A_615 {strides = array<i32>} : memref<5x80x48xf32, #tpu.memory_space<vmem>>, vector<1x1x16xf32>,
        %get3A_616 = arith.constant 1 : i32
        %get3A_617 = arith.index_cast %get3A_616 : i32 to index
        %get3A_618 = arith.index_cast %scan3A_577 : i32 to index
        %get3A_619 = arith.constant 32 : index
        %get3A_620 = tpu.vector_load %arg9[%get3A_617, %get3A_618, %get3A_619] {strides = array<i32>} : memref<5x80x48xf32, #tpu.memory_space<vmem>>, vector<1x1x16xf32>,
        %get3A_621 = vector.shape_cast %get3A_620 : vector<1x1x16xf32> to vector<16xf32>
        %get3A_622 = arith.constant 1 : i32
        %get3A_623 = arith.index_cast %get3A_622 : i32 to index
        %get3A_624 = arith.index_cast %scan3A_577 : i32 to index
        %get3A_625 = arith.constant 32 : index
        %get3A_626 = tpu.vector_load %arg10[%get3A_623, %get3A_624, %get3A_625] {strides = array<i32>} : memref<5x80x48xf32, #tpu.memory_space<vmem>>, vector<1x1x16xf32>,
        %get3A_627 = vector.shape_cast %get3A_626 : vector<1x1x16xf32> to vector<16xf32>
        %add3A_628 = arith.addf %get3A_621, %get3A_627 : vector<16xf32>
        %swap3A_629 = arith.constant 1 : i32
        %swap3A_630 = arith.index_cast %swap3A_629 : i32 to index
        %swap3A_631 = arith.index_cast %scan3A_577 : i32 to index
        %swap3A_632 = arith.constant 32 : index
        %swap3A_633 = tpu.vector_load %arg11[%swap3A_630, %swap3A_631, %swap3A_632] {strides = array<i32>} : memref<5x80x48xf32, #tpu.memory_space<vmem>>, vector<1x1x16xf32>,
        %swap3A_634 = vector.shape_cast %swap3A_633 : vector<1x1x16xf32> to vector<16xf32>
        %swap3A_635 = vector.shape_cast %add3A_628 : vector<16xf32> to vector<1x1x16xf32>
        tpu.vector_store %arg11[%swap3A_630, %swap3A_631, %swap3A_632], %swap3A_635 {strides = array<i32>} : memref<5x80x48xf32, #tpu.memory_space<vmem>>, vector<1x1x16xf32>,
      }
      %scan3A_333 = arith.constant 80 : i32
      %mul3A_334 = arith.constant 80 : i32
      %mul3A_335 = arith.muli %add3A_296, %mul3A_334 : i32
      %add3A_336 = arith.addi %mul3A_2, %mul3A_335 : i32
      %dma_start3A_337 = arith.constant 1 : i32
      %dma_start3A_338 = arith.constant 1 : i32
      %dma_start3A_339 = arith.constant 0 : i32
      %dma_start3A_340 = arith.constant 0 : i32
      %dma_start3A_341 = tpu.memref_slice %arg11[%dma_start3A_337, %dma_start3A_339, %dma_start3A_340] : memref<5x80x48xf32, #tpu.memory_space<vmem>> -> memref<1x80x48xf32, #tpu.memory_space<vmem>>
      %dma_start3A_342 = tpu.memref_squeeze %dma_start3A_341 : memref<1x80x48xf32, #tpu.memory_space<vmem>> -> memref<80x48xf32, #tpu.memory_space<vmem>>
      %dma_start3A_343 = arith.constant 0 : i32
      %dma_start3A_344 = tpu.memref_slice %arg6[%add3A_336, %dma_start3A_343] : memref<320000x48xf32, #tpu.memory_space<hbm>> -> memref<80x48xf32, #tpu.memory_space<hbm>>
      %dma_start3A_345 = tpu.memref_slice %arg14[%dma_start3A_338] : memref<5x!tpu.dma_semaphore, #tpu.memory_space<semaphore_mem>> -> memref<1x!tpu.dma_semaphore, #tpu.memory_space<semaphore_mem>>
      %dma_start3A_346 = tpu.memref_squeeze %dma_start3A_345 : memref<1x!tpu.dma_semaphore, #tpu.memory_space<semaphore_mem>> -> memref<!tpu.dma_semaphore, #tpu.memory_space<semaphore_mem>>
      %dma_start3A_347 = arith.constant 0 : i32
      %dma_start3A_348 = tpu.memref_slice %arg6[%add3A_336, %dma_start3A_347] : memref<320000x48xf32, #tpu.memory_space<hbm>> -> memref<80x48xf32, #tpu.memory_space<hbm>>
      %dma_start3A_349 = arith.constant 0 : i32
      %dma_start3A_350 = arith.constant 0 : i32
      %dma_start3A_351 = tpu.memref_slice %arg11[%dma_start3A_337, %dma_start3A_349, %dma_start3A_350] : memref<5x80x48xf32, #tpu.memory_space<vmem>> -> memref<1x80x48xf32, #tpu.memory_space<vmem>>
      %dma_start3A_352 = tpu.memref_squeeze %dma_start3A_351 : memref<1x80x48xf32, #tpu.memory_space<vmem>> -> memref<80x48xf32, #tpu.memory_space<vmem>>
      tpu.enqueue_dma source(%dma_start3A_352 : memref<80x48xf32, #tpu.memory_space<vmem>>) target(%dma_start3A_348 : memref<80x48xf32, #tpu.memory_space<hbm>>) target_semaphore(%dma_start3A_346 : memref<!tpu.dma_semaphore, #tpu.memory_space<semaphore_mem>>)
      %add3A_353 = arith.constant 5 : i32
      %add3A_354 = arith.addi %add3A_296, %add3A_353 : i32
      %min3A_355 = arith.constant 124 : i32
      %min3A_356 = arith.minsi %add3A_354, %min3A_355 : i32
      %add3A_357 = arith.constant 5 : i32
      %add3A_358 = arith.addi %add3A_296, %add3A_357 : i32
      %lt3A_359 = arith.constant 125 : i32
      %lt3A_360 = arith.cmpi slt, %add3A_358, %lt3A_359 : i32
      %convert_element_type3A_361 = arith.extui %lt3A_360 : i1 to i32
      %cond3A_362 = arith.constant 0 : i32
      %cond3A_363 = arith.cmpi ne, %convert_element_type3A_361, %cond3A_362 : i32
      scf.if %cond3A_363 {
        %mul3A_577 = arith.constant 80 : i32
        %mul3A_578 = arith.muli %min3A_356, %mul3A_577 : i32
        %dma_start3A_579 = arith.constant 1 : i32
        %dma_start3A_580 = arith.constant 1 : i32
        %dma_start3A_581 = arith.constant 0 : i32
        %dma_start3A_582 = arith.constant 0 : i32
        %dma_start3A_583 = tpu.memref_slice %arg9[%dma_start3A_579, %dma_start3A_581, %dma_start3A_582] : memref<5x80x48xf32, #tpu.memory_space<vmem>> -> memref<1x80x48xf32, #tpu.memory_space<vmem>>
        %dma_start3A_584 = tpu.memref_squeeze %dma_start3A_583 : memref<1x80x48xf32, #tpu.memory_space<vmem>> -> memref<80x48xf32, #tpu.memory_space<vmem>>
        %dma_start3A_585 = tpu.memref_slice %arg7[%mul3A_578] : memref<10000xi32, #tpu.memory_space<vmem>> -> memref<80xi32, #tpu.memory_space<vmem>>
        %dma_start3A_586 = arith.constant 0 : i32
        %dma_start3A_587 = arith.constant 0 : i32
        %dma_start3A_588 = tpu.memref_slice %arg2[%dma_start3A_586, %dma_start3A_587] : memref<10000x48xf32, #tpu.memory_space<hbm>> -> memref<10000x48xf32, #tpu.memory_space<hbm>>
        %dma_start3A_589 = tpu.memref_slice %arg12[%dma_start3A_580] : memref<5x!tpu.dma_semaphore, #tpu.memory_space<semaphore_mem>> -> memref<1x!tpu.dma_semaphore, #tpu.memory_space<semaphore_mem>>
        %dma_start3A_590 = tpu.memref_squeeze %dma_start3A_589 : memref<1x!tpu.dma_semaphore, #tpu.memory_space<semaphore_mem>> -> memref<!tpu.dma_semaphore, #tpu.memory_space<semaphore_mem>>
        tpu.enqueue_indirect_dma source(%dma_start3A_588 : memref<10000x48xf32, #tpu.memory_space<hbm>>) target(%dma_start3A_584 : memref<80x48xf32, #tpu.memory_space<vmem>>) offsets(%dma_start3A_585 : memref<80xi32, #tpu.memory_space<vmem>>) semaphore(%dma_start3A_590 : memref<!tpu.dma_semaphore, #tpu.memory_space<semaphore_mem>>)
        %mul3A_591 = arith.constant 80 : i32
        %mul3A_592 = arith.muli %min3A_356, %mul3A_591 : i32
        %dma_start3A_593 = arith.constant 1 : i32
        %dma_start3A_594 = arith.constant 1 : i32
        %dma_start3A_595 = arith.constant 0 : i32
        %dma_start3A_596 = arith.constant 0 : i32
        %dma_start3A_597 = tpu.memref_slice %arg10[%dma_start3A_593, %dma_start3A_595, %dma_start3A_596] : memref<5x80x48xf32, #tpu.memory_space<vmem>> -> memref<1x80x48xf32, #tpu.memory_space<vmem>>
        %dma_start3A_598 = tpu.memref_squeeze %dma_start3A_597 : memref<1x80x48xf32, #tpu.memory_space<vmem>> -> memref<80x48xf32, #tpu.memory_space<vmem>>
        %dma_start3A_599 = tpu.memref_slice %arg8[%mul3A_592] : memref<10000xi32, #tpu.memory_space<vmem>> -> memref<80xi32, #tpu.memory_space<vmem>>
        %dma_start3A_600 = arith.constant 0 : i32
        %dma_start3A_601 = arith.constant 0 : i32
        %dma_start3A_602 = tpu.memref_slice %arg3[%dma_start3A_600, %dma_start3A_601] : memref<10000x48xf32, #tpu.memory_space<hbm>> -> memref<10000x48xf32, #tpu.memory_space<hbm>>
        %dma_start3A_603 = tpu.memref_slice %arg13[%dma_start3A_594] : memref<5x!tpu.dma_semaphore, #tpu.memory_space<semaphore_mem>> -> memref<1x!tpu.dma_semaphore, #tpu.memory_space<semaphore_mem>>
        %dma_start3A_604 = tpu.memref_squeeze %dma_start3A_603 : memref<1x!tpu.dma_semaphore, #tpu.memory_space<semaphore_mem>> -> memref<!tpu.dma_semaphore, #tpu.memory_space<semaphore_mem>>
        tpu.enqueue_indirect_dma source(%dma_start3A_602 : memref<10000x48xf32, #tpu.memory_space<hbm>>) target(%dma_start3A_598 : memref<80x48xf32, #tpu.memory_space<vmem>>) offsets(%dma_start3A_599 : memref<80xi32, #tpu.memory_space<vmem>>) semaphore(%dma_start3A_604 : memref<!tpu.dma_semaphore, #tpu.memory_space<semaphore_mem>>)
      } else {
      }
      %mul3A_364 = arith.constant 5 : i32
      %mul3A_365 = arith.muli %scan3A_226, %mul3A_364 : i32
      %add3A_366 = arith.constant 2 : i32
      %add3A_367 = arith.addi %mul3A_365, %add3A_366 : i32
      %dma_wait3A_368 = arith.constant 2 : i32
      %dma_wait3A_369 = arith.constant 2 : i32
      %dma_wait3A_370 = arith.constant 0 : i32
      %dma_wait3A_371 = arith.constant 0 : i32
      %dma_wait3A_372 = tpu.memref_slice %arg9[%dma_wait3A_368, %dma_wait3A_370, %dma_wait3A_371] : memref<5x80x48xf32, #tpu.memory_space<vmem>> -> memref<1x80x48xf32, #tpu.memory_space<vmem>>
      %dma_wait3A_373 = tpu.memref_squeeze %dma_wait3A_372 : memref<1x80x48xf32, #tpu.memory_space<vmem>> -> memref<80x48xf32, #tpu.memory_space<vmem>>
      %dma_wait3A_374 = arith.constant 0 : i32
      %dma_wait3A_375 = tpu.memref_slice %arg7[%dma_wait3A_374] : memref<10000xi32, #tpu.memory_space<vmem>> -> memref<80xi32, #tpu.memory_space<vmem>>
      %dma_wait3A_376 = arith.constant 0 : i32
      %dma_wait3A_377 = arith.constant 0 : i32
      %dma_wait3A_378 = tpu.memref_slice %arg2[%dma_wait3A_376, %dma_wait3A_377] : memref<10000x48xf32, #tpu.memory_space<hbm>> -> memref<10000x48xf32, #tpu.memory_space<hbm>>
      %dma_wait3A_379 = tpu.memref_slice %arg12[%dma_wait3A_369] : memref<5x!tpu.dma_semaphore, #tpu.memory_space<semaphore_mem>> -> memref<1x!tpu.dma_semaphore, #tpu.memory_space<semaphore_mem>>
      %dma_wait3A_380 = tpu.memref_squeeze %dma_wait3A_379 : memref<1x!tpu.dma_semaphore, #tpu.memory_space<semaphore_mem>> -> memref<!tpu.dma_semaphore, #tpu.memory_space<semaphore_mem>>
      tpu.wait_indirect_dma semaphore(%dma_wait3A_380 : memref<!tpu.dma_semaphore, #tpu.memory_space<semaphore_mem>>) src(%dma_wait3A_378 : memref<10000x48xf32, #tpu.memory_space<hbm>>) dst(%dma_wait3A_373 : memref<80x48xf32, #tpu.memory_space<vmem>>)
      %dma_wait3A_381 = arith.constant 2 : i32
      %dma_wait3A_382 = arith.constant 2 : i32
      %dma_wait3A_383 = arith.constant 0 : i32
      %dma_wait3A_384 = arith.constant 0 : i32
      %dma_wait3A_385 = tpu.memref_slice %arg10[%dma_wait3A_381, %dma_wait3A_383, %dma_wait3A_384] : memref<5x80x48xf32, #tpu.memory_space<vmem>> -> memref<1x80x48xf32, #tpu.memory_space<vmem>>
      %dma_wait3A_386 = tpu.memref_squeeze %dma_wait3A_385 : memref<1x80x48xf32, #tpu.memory_space<vmem>> -> memref<80x48xf32, #tpu.memory_space<vmem>>
      %dma_wait3A_387 = arith.constant 0 : i32
      %dma_wait3A_388 = tpu.memref_slice %arg8[%dma_wait3A_387] : memref<10000xi32, #tpu.memory_space<vmem>> -> memref<80xi32, #tpu.memory_space<vmem>>
      %dma_wait3A_389 = arith.constant 0 : i32
      %dma_wait3A_390 = arith.constant 0 : i32
      %dma_wait3A_391 = tpu.memref_slice %arg3[%dma_wait3A_389, %dma_wait3A_390] : memref<10000x48xf32, #tpu.memory_space<hbm>> -> memref<10000x48xf32, #tpu.memory_space<hbm>>
      %dma_wait3A_392 = tpu.memref_slice %arg13[%dma_wait3A_382] : memref<5x!tpu.dma_semaphore, #tpu.memory_space<semaphore_mem>> -> memref<1x!tpu.dma_semaphore, #tpu.memory_space<semaphore_mem>>
      %dma_wait3A_393 = tpu.memref_squeeze %dma_wait3A_392 : memref<1x!tpu.dma_semaphore, #tpu.memory_space<semaphore_mem>> -> memref<!tpu.dma_semaphore, #tpu.memory_space<semaphore_mem>>
      tpu.wait_indirect_dma semaphore(%dma_wait3A_393 : memref<!tpu.dma_semaphore, #tpu.memory_space<semaphore_mem>>) src(%dma_wait3A_391 : memref<10000x48xf32, #tpu.memory_space<hbm>>) dst(%dma_wait3A_386 : memref<80x48xf32, #tpu.memory_space<vmem>>)
      %gt3A_394 = arith.constant 0 : i32
      %gt3A_395 = arith.cmpi sgt, %scan3A_226, %gt3A_394 : i32
      %convert_element_type3A_396 = arith.extui %gt3A_395 : i1 to i32
      %cond3A_397 = arith.constant 0 : i32
      %cond3A_398 = arith.cmpi ne, %convert_element_type3A_396, %cond3A_397 : i32
      scf.if %cond3A_398 {
        %dma_wait3A_577 = arith.constant 2 : i32
        %dma_wait3A_578 = arith.constant 2 : i32
        %dma_wait3A_579 = arith.constant 0 : i32
        %dma_wait3A_580 = arith.constant 0 : i32
        %dma_wait3A_581 = tpu.memref_slice %arg11[%dma_wait3A_577, %dma_wait3A_579, %dma_wait3A_580] : memref<5x80x48xf32, #tpu.memory_space<vmem>> -> memref<1x80x48xf32, #tpu.memory_space<vmem>>
        %dma_wait3A_582 = tpu.memref_squeeze %dma_wait3A_581 : memref<1x80x48xf32, #tpu.memory_space<vmem>> -> memref<80x48xf32, #tpu.memory_space<vmem>>
        %dma_wait3A_583 = arith.constant 0 : i32
        %dma_wait3A_584 = arith.constant 0 : i32
        %dma_wait3A_585 = tpu.memref_slice %arg6[%dma_wait3A_583, %dma_wait3A_584] : memref<320000x48xf32, #tpu.memory_space<hbm>> -> memref<80x48xf32, #tpu.memory_space<hbm>>
        %dma_wait3A_586 = tpu.memref_slice %arg14[%dma_wait3A_578] : memref<5x!tpu.dma_semaphore, #tpu.memory_space<semaphore_mem>> -> memref<1x!tpu.dma_semaphore, #tpu.memory_space<semaphore_mem>>
        %dma_wait3A_587 = tpu.memref_squeeze %dma_wait3A_586 : memref<1x!tpu.dma_semaphore, #tpu.memory_space<semaphore_mem>> -> memref<!tpu.dma_semaphore, #tpu.memory_space<semaphore_mem>>
        %dma_wait3A_588 = arith.constant 0 : i32
        %dma_wait3A_589 = arith.constant 0 : i32
        %dma_wait3A_590 = tpu.memref_slice %arg6[%dma_wait3A_588, %dma_wait3A_589] : memref<320000x48xf32, #tpu.memory_space<hbm>> -> memref<80x48xf32, #tpu.memory_space<hbm>>
        %dma_wait3A_591 = arith.constant 0 : i32
        %dma_wait3A_592 = arith.constant 0 : i32
        %dma_wait3A_593 = tpu.memref_slice %arg11[%dma_wait3A_577, %dma_wait3A_591, %dma_wait3A_592] : memref<5x80x48xf32, #tpu.memory_space<vmem>> -> memref<1x80x48xf32, #tpu.memory_space<vmem>>
        %dma_wait3A_594 = tpu.memref_squeeze %dma_wait3A_593 : memref<1x80x48xf32, #tpu.memory_space<vmem>> -> memref<80x48xf32, #tpu.memory_space<vmem>>
        tpu.wait_dma2 semaphore(%dma_wait3A_587 : memref<!tpu.dma_semaphore, #tpu.memory_space<semaphore_mem>>) src(%dma_wait3A_594 : memref<80x48xf32, #tpu.memory_space<vmem>>) dst(%dma_wait3A_590 : memref<80x48xf32, #tpu.memory_space<hbm>>)
      } else {
      }
      %scan3A_399 = arith.constant 0 : i32
      %scan3A_400 = arith.constant 0 : i32
      %scan3A_401 = arith.constant 80 : i32
      %scan3A_402 = arith.addi %scan3A_400, %scan3A_401 : i32
      %scan3A_403 = arith.constant 1 : i32
      scf.for %scan3A_577 = %scan3A_400 to %scan3A_402 step %scan3A_403  : i32 {
        %get3A = arith.constant 2 : i32
        %get3A_578 = arith.index_cast %get3A : i32 to index
        %get3A_579 = arith.index_cast %scan3A_577 : i32 to index
        %get3A_580 = arith.constant 0 : index
        %get3A_581 = tpu.vector_load %arg9[%get3A_578, %get3A_579, %get3A_580] {strides = array<i32>} : memref<5x80x48xf32, #tpu.memory_space<vmem>>, vector<1x1x16xf32>,
        %get3A_582 = vector.shape_cast %get3A_581 : vector<1x1x16xf32> to vector<16xf32>
        %get3A_583 = arith.constant 2 : i32
        %get3A_584 = arith.index_cast %get3A_583 : i32 to index
        %get3A_585 = arith.index_cast %scan3A_577 : i32 to index
        %get3A_586 = arith.constant 0 : index
        %get3A_587 = tpu.vector_load %arg10[%get3A_584, %get3A_585, %get3A_586] {strides = array<i32>} : memref<5x80x48xf32, #tpu.memory_space<vmem>>, vector<1x1x16xf32>,
        %get3A_588 = vector.shape_cast %get3A_587 : vector<1x1x16xf32> to vector<16xf32>
        %add3A_589 = arith.addf %get3A_582, %get3A_588 : vector<16xf32>
        %swap3A = arith.constant 2 : i32
        %swap3A_590 = arith.index_cast %swap3A : i32 to index
        %swap3A_591 = arith.index_cast %scan3A_577 : i32 to index
        %swap3A_592 = arith.constant 0 : index
        %swap3A_593 = tpu.vector_load %arg11[%swap3A_590, %swap3A_591, %swap3A_592] {strides = array<i32>} : memref<5x80x48xf32, #tpu.memory_space<vmem>>, vector<1x1x16xf32>,
        %swap3A_594 = vector.shape_cast %swap3A_593 : vector<1x1x16xf32> to vector<16xf32>
        %swap3A_595 = vector.shape_cast %add3A_589 : vector<16xf32> to vector<1x1x16xf32>
        tpu.vector_store %arg11[%swap3A_590, %swap3A_591, %swap3A_592], %swap3A_595 {strides = array<i32>} : memref<5x80x48xf32, #tpu.memory_space<vmem>>, vector<1x1x16xf32>,
        %get3A_596 = arith.constant 2 : i32
        %get3A_597 = arith.index_cast %get3A_596 : i32 to index
        %get3A_598 = arith.index_cast %scan3A_577 : i32 to index
        %get3A_599 = arith.constant 16 : index
        %get3A_600 = tpu.vector_load %arg9[%get3A_597, %get3A_598, %get3A_599] {strides = array<i32>} : memref<5x80x48xf32, #tpu.memory_space<vmem>>, vector<1x1x16xf32>,
        %get3A_601 = vector.shape_cast %get3A_600 : vector<1x1x16xf32> to vector<16xf32>
        %get3A_602 = arith.constant 2 : i32
        %get3A_603 = arith.index_cast %get3A_602 : i32 to index
        %get3A_604 = arith.index_cast %scan3A_577 : i32 to index
        %get3A_605 = arith.constant 16 : index
        %get3A_606 = tpu.vector_load %arg10[%get3A_603, %get3A_604, %get3A_605] {strides = array<i32>} : memref<5x80x48xf32, #tpu.memory_space<vmem>>, vector<1x1x16xf32>,
        %get3A_607 = vector.shape_cast %get3A_606 : vector<1x1x16xf32> to vector<16xf32>
        %add3A_608 = arith.addf %get3A_601, %get3A_607 : vector<16xf32>
        %swap3A_609 = arith.constant 2 : i32
        %swap3A_610 = arith.index_cast %swap3A_609 : i32 to index
        %swap3A_611 = arith.index_cast %scan3A_577 : i32 to index
        %swap3A_612 = arith.constant 16 : index
        %swap3A_613 = tpu.vector_load %arg11[%swap3A_610, %swap3A_611, %swap3A_612] {strides = array<i32>} : memref<5x80x48xf32, #tpu.memory_space<vmem>>, vector<1x1x16xf32>,
        %swap3A_614 = vector.shape_cast %swap3A_613 : vector<1x1x16xf32> to vector<16xf32>
        %swap3A_615 = vector.shape_cast %add3A_608 : vector<16xf32> to vector<1x1x16xf32>
        tpu.vector_store %arg11[%swap3A_610, %swap3A_611, %swap3A_612], %swap3A_615 {strides = array<i32>} : memref<5x80x48xf32, #tpu.memory_space<vmem>>, vector<1x1x16xf32>,
        %get3A_616 = arith.constant 2 : i32
        %get3A_617 = arith.index_cast %get3A_616 : i32 to index
        %get3A_618 = arith.index_cast %scan3A_577 : i32 to index
        %get3A_619 = arith.constant 32 : index
        %get3A_620 = tpu.vector_load %arg9[%get3A_617, %get3A_618, %get3A_619] {strides = array<i32>} : memref<5x80x48xf32, #tpu.memory_space<vmem>>, vector<1x1x16xf32>,
        %get3A_621 = vector.shape_cast %get3A_620 : vector<1x1x16xf32> to vector<16xf32>
        %get3A_622 = arith.constant 2 : i32
        %get3A_623 = arith.index_cast %get3A_622 : i32 to index
        %get3A_624 = arith.index_cast %scan3A_577 : i32 to index
        %get3A_625 = arith.constant 32 : index
        %get3A_626 = tpu.vector_load %arg10[%get3A_623, %get3A_624, %get3A_625] {strides = array<i32>} : memref<5x80x48xf32, #tpu.memory_space<vmem>>, vector<1x1x16xf32>,
        %get3A_627 = vector.shape_cast %get3A_626 : vector<1x1x16xf32> to vector<16xf32>
        %add3A_628 = arith.addf %get3A_621, %get3A_627 : vector<16xf32>
        %swap3A_629 = arith.constant 2 : i32
        %swap3A_630 = arith.index_cast %swap3A_629 : i32 to index
        %swap3A_631 = arith.index_cast %scan3A_577 : i32 to index
        %swap3A_632 = arith.constant 32 : index
        %swap3A_633 = tpu.vector_load %arg11[%swap3A_630, %swap3A_631, %swap3A_632] {strides = array<i32>} : memref<5x80x48xf32, #tpu.memory_space<vmem>>, vector<1x1x16xf32>,
        %swap3A_634 = vector.shape_cast %swap3A_633 : vector<1x1x16xf32> to vector<16xf32>
        %swap3A_635 = vector.shape_cast %add3A_628 : vector<16xf32> to vector<1x1x16xf32>
        tpu.vector_store %arg11[%swap3A_630, %swap3A_631, %swap3A_632], %swap3A_635 {strides = array<i32>} : memref<5x80x48xf32, #tpu.memory_space<vmem>>, vector<1x1x16xf32>,
      }
      %scan3A_404 = arith.constant 80 : i32
      %mul3A_405 = arith.constant 80 : i32
      %mul3A_406 = arith.muli %add3A_367, %mul3A_405 : i32
      %add3A_407 = arith.addi %mul3A_2, %mul3A_406 : i32
      %dma_start3A_408 = arith.constant 2 : i32
      %dma_start3A_409 = arith.constant 2 : i32
      %dma_start3A_410 = arith.constant 0 : i32
      %dma_start3A_411 = arith.constant 0 : i32
      %dma_start3A_412 = tpu.memref_slice %arg11[%dma_start3A_408, %dma_start3A_410, %dma_start3A_411] : memref<5x80x48xf32, #tpu.memory_space<vmem>> -> memref<1x80x48xf32, #tpu.memory_space<vmem>>
      %dma_start3A_413 = tpu.memref_squeeze %dma_start3A_412 : memref<1x80x48xf32, #tpu.memory_space<vmem>> -> memref<80x48xf32, #tpu.memory_space<vmem>>
      %dma_start3A_414 = arith.constant 0 : i32
      %dma_start3A_415 = tpu.memref_slice %arg6[%add3A_407, %dma_start3A_414] : memref<320000x48xf32, #tpu.memory_space<hbm>> -> memref<80x48xf32, #tpu.memory_space<hbm>>
      %dma_start3A_416 = tpu.memref_slice %arg14[%dma_start3A_409] : memref<5x!tpu.dma_semaphore, #tpu.memory_space<semaphore_mem>> -> memref<1x!tpu.dma_semaphore, #tpu.memory_space<semaphore_mem>>
      %dma_start3A_417 = tpu.memref_squeeze %dma_start3A_416 : memref<1x!tpu.dma_semaphore, #tpu.memory_space<semaphore_mem>> -> memref<!tpu.dma_semaphore, #tpu.memory_space<semaphore_mem>>
      %dma_start3A_418 = arith.constant 0 : i32
      %dma_start3A_419 = tpu.memref_slice %arg6[%add3A_407, %dma_start3A_418] : memref<320000x48xf32, #tpu.memory_space<hbm>> -> memref<80x48xf32, #tpu.memory_space<hbm>>
      %dma_start3A_420 = arith.constant 0 : i32
      %dma_start3A_421 = arith.constant 0 : i32
      %dma_start3A_422 = tpu.memref_slice %arg11[%dma_start3A_408, %dma_start3A_420, %dma_start3A_421] : memref<5x80x48xf32, #tpu.memory_space<vmem>> -> memref<1x80x48xf32, #tpu.memory_space<vmem>>
      %dma_start3A_423 = tpu.memref_squeeze %dma_start3A_422 : memref<1x80x48xf32, #tpu.memory_space<vmem>> -> memref<80x48xf32, #tpu.memory_space<vmem>>
      tpu.enqueue_dma source(%dma_start3A_423 : memref<80x48xf32, #tpu.memory_space<vmem>>) target(%dma_start3A_419 : memref<80x48xf32, #tpu.memory_space<hbm>>) target_semaphore(%dma_start3A_417 : memref<!tpu.dma_semaphore, #tpu.memory_space<semaphore_mem>>)
      %add3A_424 = arith.constant 5 : i32
      %add3A_425 = arith.addi %add3A_367, %add3A_424 : i32
      %min3A_426 = arith.constant 124 : i32
      %min3A_427 = arith.minsi %add3A_425, %min3A_426 : i32
      %add3A_428 = arith.constant 5 : i32
      %add3A_429 = arith.addi %add3A_367, %add3A_428 : i32
      %lt3A_430 = arith.constant 125 : i32
      %lt3A_431 = arith.cmpi slt, %add3A_429, %lt3A_430 : i32
      %convert_element_type3A_432 = arith.extui %lt3A_431 : i1 to i32
      %cond3A_433 = arith.constant 0 : i32
      %cond3A_434 = arith.cmpi ne, %convert_element_type3A_432, %cond3A_433 : i32
      scf.if %cond3A_434 {
        %mul3A_577 = arith.constant 80 : i32
        %mul3A_578 = arith.muli %min3A_427, %mul3A_577 : i32
        %dma_start3A_579 = arith.constant 2 : i32
        %dma_start3A_580 = arith.constant 2 : i32
        %dma_start3A_581 = arith.constant 0 : i32
        %dma_start3A_582 = arith.constant 0 : i32
        %dma_start3A_583 = tpu.memref_slice %arg9[%dma_start3A_579, %dma_start3A_581, %dma_start3A_582] : memref<5x80x48xf32, #tpu.memory_space<vmem>> -> memref<1x80x48xf32, #tpu.memory_space<vmem>>
        %dma_start3A_584 = tpu.memref_squeeze %dma_start3A_583 : memref<1x80x48xf32, #tpu.memory_space<vmem>> -> memref<80x48xf32, #tpu.memory_space<vmem>>
        %dma_start3A_585 = tpu.memref_slice %arg7[%mul3A_578] : memref<10000xi32, #tpu.memory_space<vmem>> -> memref<80xi32, #tpu.memory_space<vmem>>
        %dma_start3A_586 = arith.constant 0 : i32
        %dma_start3A_587 = arith.constant 0 : i32
        %dma_start3A_588 = tpu.memref_slice %arg2[%dma_start3A_586, %dma_start3A_587] : memref<10000x48xf32, #tpu.memory_space<hbm>> -> memref<10000x48xf32, #tpu.memory_space<hbm>>
        %dma_start3A_589 = tpu.memref_slice %arg12[%dma_start3A_580] : memref<5x!tpu.dma_semaphore, #tpu.memory_space<semaphore_mem>> -> memref<1x!tpu.dma_semaphore, #tpu.memory_space<semaphore_mem>>
        %dma_start3A_590 = tpu.memref_squeeze %dma_start3A_589 : memref<1x!tpu.dma_semaphore, #tpu.memory_space<semaphore_mem>> -> memref<!tpu.dma_semaphore, #tpu.memory_space<semaphore_mem>>
        tpu.enqueue_indirect_dma source(%dma_start3A_588 : memref<10000x48xf32, #tpu.memory_space<hbm>>) target(%dma_start3A_584 : memref<80x48xf32, #tpu.memory_space<vmem>>) offsets(%dma_start3A_585 : memref<80xi32, #tpu.memory_space<vmem>>) semaphore(%dma_start3A_590 : memref<!tpu.dma_semaphore, #tpu.memory_space<semaphore_mem>>)
        %mul3A_591 = arith.constant 80 : i32
        %mul3A_592 = arith.muli %min3A_427, %mul3A_591 : i32
        %dma_start3A_593 = arith.constant 2 : i32
        %dma_start3A_594 = arith.constant 2 : i32
        %dma_start3A_595 = arith.constant 0 : i32
        %dma_start3A_596 = arith.constant 0 : i32
        %dma_start3A_597 = tpu.memref_slice %arg10[%dma_start3A_593, %dma_start3A_595, %dma_start3A_596] : memref<5x80x48xf32, #tpu.memory_space<vmem>> -> memref<1x80x48xf32, #tpu.memory_space<vmem>>
        %dma_start3A_598 = tpu.memref_squeeze %dma_start3A_597 : memref<1x80x48xf32, #tpu.memory_space<vmem>> -> memref<80x48xf32, #tpu.memory_space<vmem>>
        %dma_start3A_599 = tpu.memref_slice %arg8[%mul3A_592] : memref<10000xi32, #tpu.memory_space<vmem>> -> memref<80xi32, #tpu.memory_space<vmem>>
        %dma_start3A_600 = arith.constant 0 : i32
        %dma_start3A_601 = arith.constant 0 : i32
        %dma_start3A_602 = tpu.memref_slice %arg3[%dma_start3A_600, %dma_start3A_601] : memref<10000x48xf32, #tpu.memory_space<hbm>> -> memref<10000x48xf32, #tpu.memory_space<hbm>>
        %dma_start3A_603 = tpu.memref_slice %arg13[%dma_start3A_594] : memref<5x!tpu.dma_semaphore, #tpu.memory_space<semaphore_mem>> -> memref<1x!tpu.dma_semaphore, #tpu.memory_space<semaphore_mem>>
        %dma_start3A_604 = tpu.memref_squeeze %dma_start3A_603 : memref<1x!tpu.dma_semaphore, #tpu.memory_space<semaphore_mem>> -> memref<!tpu.dma_semaphore, #tpu.memory_space<semaphore_mem>>
        tpu.enqueue_indirect_dma source(%dma_start3A_602 : memref<10000x48xf32, #tpu.memory_space<hbm>>) target(%dma_start3A_598 : memref<80x48xf32, #tpu.memory_space<vmem>>) offsets(%dma_start3A_599 : memref<80xi32, #tpu.memory_space<vmem>>) semaphore(%dma_start3A_604 : memref<!tpu.dma_semaphore, #tpu.memory_space<semaphore_mem>>)
      } else {
      }
      %mul3A_435 = arith.constant 5 : i32
      %mul3A_436 = arith.muli %scan3A_226, %mul3A_435 : i32
      %add3A_437 = arith.constant 3 : i32
      %add3A_438 = arith.addi %mul3A_436, %add3A_437 : i32
      %dma_wait3A_439 = arith.constant 3 : i32
      %dma_wait3A_440 = arith.constant 3 : i32
      %dma_wait3A_441 = arith.constant 0 : i32
      %dma_wait3A_442 = arith.constant 0 : i32
      %dma_wait3A_443 = tpu.memref_slice %arg9[%dma_wait3A_439, %dma_wait3A_441, %dma_wait3A_442] : memref<5x80x48xf32, #tpu.memory_space<vmem>> -> memref<1x80x48xf32, #tpu.memory_space<vmem>>
      %dma_wait3A_444 = tpu.memref_squeeze %dma_wait3A_443 : memref<1x80x48xf32, #tpu.memory_space<vmem>> -> memref<80x48xf32, #tpu.memory_space<vmem>>
      %dma_wait3A_445 = arith.constant 0 : i32
      %dma_wait3A_446 = tpu.memref_slice %arg7[%dma_wait3A_445] : memref<10000xi32, #tpu.memory_space<vmem>> -> memref<80xi32, #tpu.memory_space<vmem>>
      %dma_wait3A_447 = arith.constant 0 : i32
      %dma_wait3A_448 = arith.constant 0 : i32
      %dma_wait3A_449 = tpu.memref_slice %arg2[%dma_wait3A_447, %dma_wait3A_448] : memref<10000x48xf32, #tpu.memory_space<hbm>> -> memref<10000x48xf32, #tpu.memory_space<hbm>>
      %dma_wait3A_450 = tpu.memref_slice %arg12[%dma_wait3A_440] : memref<5x!tpu.dma_semaphore, #tpu.memory_space<semaphore_mem>> -> memref<1x!tpu.dma_semaphore, #tpu.memory_space<semaphore_mem>>
      %dma_wait3A_451 = tpu.memref_squeeze %dma_wait3A_450 : memref<1x!tpu.dma_semaphore, #tpu.memory_space<semaphore_mem>> -> memref<!tpu.dma_semaphore, #tpu.memory_space<semaphore_mem>>
      tpu.wait_indirect_dma semaphore(%dma_wait3A_451 : memref<!tpu.dma_semaphore, #tpu.memory_space<semaphore_mem>>) src(%dma_wait3A_449 : memref<10000x48xf32, #tpu.memory_space<hbm>>) dst(%dma_wait3A_444 : memref<80x48xf32, #tpu.memory_space<vmem>>)
      %dma_wait3A_452 = arith.constant 3 : i32
      %dma_wait3A_453 = arith.constant 3 : i32
      %dma_wait3A_454 = arith.constant 0 : i32
      %dma_wait3A_455 = arith.constant 0 : i32
      %dma_wait3A_456 = tpu.memref_slice %arg10[%dma_wait3A_452, %dma_wait3A_454, %dma_wait3A_455] : memref<5x80x48xf32, #tpu.memory_space<vmem>> -> memref<1x80x48xf32, #tpu.memory_space<vmem>>
      %dma_wait3A_457 = tpu.memref_squeeze %dma_wait3A_456 : memref<1x80x48xf32, #tpu.memory_space<vmem>> -> memref<80x48xf32, #tpu.memory_space<vmem>>
      %dma_wait3A_458 = arith.constant 0 : i32
      %dma_wait3A_459 = tpu.memref_slice %arg8[%dma_wait3A_458] : memref<10000xi32, #tpu.memory_space<vmem>> -> memref<80xi32, #tpu.memory_space<vmem>>
      %dma_wait3A_460 = arith.constant 0 : i32
      %dma_wait3A_461 = arith.constant 0 : i32
      %dma_wait3A_462 = tpu.memref_slice %arg3[%dma_wait3A_460, %dma_wait3A_461] : memref<10000x48xf32, #tpu.memory_space<hbm>> -> memref<10000x48xf32, #tpu.memory_space<hbm>>
      %dma_wait3A_463 = tpu.memref_slice %arg13[%dma_wait3A_453] : memref<5x!tpu.dma_semaphore, #tpu.memory_space<semaphore_mem>> -> memref<1x!tpu.dma_semaphore, #tpu.memory_space<semaphore_mem>>
      %dma_wait3A_464 = tpu.memref_squeeze %dma_wait3A_463 : memref<1x!tpu.dma_semaphore, #tpu.memory_space<semaphore_mem>> -> memref<!tpu.dma_semaphore, #tpu.memory_space<semaphore_mem>>
      tpu.wait_indirect_dma semaphore(%dma_wait3A_464 : memref<!tpu.dma_semaphore, #tpu.memory_space<semaphore_mem>>) src(%dma_wait3A_462 : memref<10000x48xf32, #tpu.memory_space<hbm>>) dst(%dma_wait3A_457 : memref<80x48xf32, #tpu.memory_space<vmem>>)
      %gt3A_465 = arith.constant 0 : i32
      %gt3A_466 = arith.cmpi sgt, %scan3A_226, %gt3A_465 : i32
      %convert_element_type3A_467 = arith.extui %gt3A_466 : i1 to i32
      %cond3A_468 = arith.constant 0 : i32
      %cond3A_469 = arith.cmpi ne, %convert_element_type3A_467, %cond3A_468 : i32
      scf.if %cond3A_469 {
        %dma_wait3A_577 = arith.constant 3 : i32
        %dma_wait3A_578 = arith.constant 3 : i32
        %dma_wait3A_579 = arith.constant 0 : i32
        %dma_wait3A_580 = arith.constant 0 : i32
        %dma_wait3A_581 = tpu.memref_slice %arg11[%dma_wait3A_577, %dma_wait3A_579, %dma_wait3A_580] : memref<5x80x48xf32, #tpu.memory_space<vmem>> -> memref<1x80x48xf32, #tpu.memory_space<vmem>>
        %dma_wait3A_582 = tpu.memref_squeeze %dma_wait3A_581 : memref<1x80x48xf32, #tpu.memory_space<vmem>> -> memref<80x48xf32, #tpu.memory_space<vmem>>
        %dma_wait3A_583 = arith.constant 0 : i32
        %dma_wait3A_584 = arith.constant 0 : i32
        %dma_wait3A_585 = tpu.memref_slice %arg6[%dma_wait3A_583, %dma_wait3A_584] : memref<320000x48xf32, #tpu.memory_space<hbm>> -> memref<80x48xf32, #tpu.memory_space<hbm>>
        %dma_wait3A_586 = tpu.memref_slice %arg14[%dma_wait3A_578] : memref<5x!tpu.dma_semaphore, #tpu.memory_space<semaphore_mem>> -> memref<1x!tpu.dma_semaphore, #tpu.memory_space<semaphore_mem>>
        %dma_wait3A_587 = tpu.memref_squeeze %dma_wait3A_586 : memref<1x!tpu.dma_semaphore, #tpu.memory_space<semaphore_mem>> -> memref<!tpu.dma_semaphore, #tpu.memory_space<semaphore_mem>>
        %dma_wait3A_588 = arith.constant 0 : i32
        %dma_wait3A_589 = arith.constant 0 : i32
        %dma_wait3A_590 = tpu.memref_slice %arg6[%dma_wait3A_588, %dma_wait3A_589] : memref<320000x48xf32, #tpu.memory_space<hbm>> -> memref<80x48xf32, #tpu.memory_space<hbm>>
        %dma_wait3A_591 = arith.constant 0 : i32
        %dma_wait3A_592 = arith.constant 0 : i32
        %dma_wait3A_593 = tpu.memref_slice %arg11[%dma_wait3A_577, %dma_wait3A_591, %dma_wait3A_592] : memref<5x80x48xf32, #tpu.memory_space<vmem>> -> memref<1x80x48xf32, #tpu.memory_space<vmem>>
        %dma_wait3A_594 = tpu.memref_squeeze %dma_wait3A_593 : memref<1x80x48xf32, #tpu.memory_space<vmem>> -> memref<80x48xf32, #tpu.memory_space<vmem>>
        tpu.wait_dma2 semaphore(%dma_wait3A_587 : memref<!tpu.dma_semaphore, #tpu.memory_space<semaphore_mem>>) src(%dma_wait3A_594 : memref<80x48xf32, #tpu.memory_space<vmem>>) dst(%dma_wait3A_590 : memref<80x48xf32, #tpu.memory_space<hbm>>)
      } else {
      }
      %scan3A_470 = arith.constant 0 : i32
      %scan3A_471 = arith.constant 0 : i32
      %scan3A_472 = arith.constant 80 : i32
      %scan3A_473 = arith.addi %scan3A_471, %scan3A_472 : i32
      %scan3A_474 = arith.constant 1 : i32
      scf.for %scan3A_577 = %scan3A_471 to %scan3A_473 step %scan3A_474  : i32 {
        %get3A = arith.constant 3 : i32
        %get3A_578 = arith.index_cast %get3A : i32 to index
        %get3A_579 = arith.index_cast %scan3A_577 : i32 to index
        %get3A_580 = arith.constant 0 : index
        %get3A_581 = tpu.vector_load %arg9[%get3A_578, %get3A_579, %get3A_580] {strides = array<i32>} : memref<5x80x48xf32, #tpu.memory_space<vmem>>, vector<1x1x16xf32>,
        %get3A_582 = vector.shape_cast %get3A_581 : vector<1x1x16xf32> to vector<16xf32>
        %get3A_583 = arith.constant 3 : i32
        %get3A_584 = arith.index_cast %get3A_583 : i32 to index
        %get3A_585 = arith.index_cast %scan3A_577 : i32 to index
        %get3A_586 = arith.constant 0 : index
        %get3A_587 = tpu.vector_load %arg10[%get3A_584, %get3A_585, %get3A_586] {strides = array<i32>} : memref<5x80x48xf32, #tpu.memory_space<vmem>>, vector<1x1x16xf32>,
        %get3A_588 = vector.shape_cast %get3A_587 : vector<1x1x16xf32> to vector<16xf32>
        %add3A_589 = arith.addf %get3A_582, %get3A_588 : vector<16xf32>
        %swap3A = arith.constant 3 : i32
        %swap3A_590 = arith.index_cast %swap3A : i32 to index
        %swap3A_591 = arith.index_cast %scan3A_577 : i32 to index
        %swap3A_592 = arith.constant 0 : index
        %swap3A_593 = tpu.vector_load %arg11[%swap3A_590, %swap3A_591, %swap3A_592] {strides = array<i32>} : memref<5x80x48xf32, #tpu.memory_space<vmem>>, vector<1x1x16xf32>,
        %swap3A_594 = vector.shape_cast %swap3A_593 : vector<1x1x16xf32> to vector<16xf32>
        %swap3A_595 = vector.shape_cast %add3A_589 : vector<16xf32> to vector<1x1x16xf32>
        tpu.vector_store %arg11[%swap3A_590, %swap3A_591, %swap3A_592], %swap3A_595 {strides = array<i32>} : memref<5x80x48xf32, #tpu.memory_space<vmem>>, vector<1x1x16xf32>,
        %get3A_596 = arith.constant 3 : i32
        %get3A_597 = arith.index_cast %get3A_596 : i32 to index
        %get3A_598 = arith.index_cast %scan3A_577 : i32 to index
        %get3A_599 = arith.constant 16 : index
        %get3A_600 = tpu.vector_load %arg9[%get3A_597, %get3A_598, %get3A_599] {strides = array<i32>} : memref<5x80x48xf32, #tpu.memory_space<vmem>>, vector<1x1x16xf32>,
        %get3A_601 = vector.shape_cast %get3A_600 : vector<1x1x16xf32> to vector<16xf32>
        %get3A_602 = arith.constant 3 : i32
        %get3A_603 = arith.index_cast %get3A_602 : i32 to index
        %get3A_604 = arith.index_cast %scan3A_577 : i32 to index
        %get3A_605 = arith.constant 16 : index
        %get3A_606 = tpu.vector_load %arg10[%get3A_603, %get3A_604, %get3A_605] {strides = array<i32>} : memref<5x80x48xf32, #tpu.memory_space<vmem>>, vector<1x1x16xf32>,
        %get3A_607 = vector.shape_cast %get3A_606 : vector<1x1x16xf32> to vector<16xf32>
        %add3A_608 = arith.addf %get3A_601, %get3A_607 : vector<16xf32>
        %swap3A_609 = arith.constant 3 : i32
        %swap3A_610 = arith.index_cast %swap3A_609 : i32 to index
        %swap3A_611 = arith.index_cast %scan3A_577 : i32 to index
        %swap3A_612 = arith.constant 16 : index
        %swap3A_613 = tpu.vector_load %arg11[%swap3A_610, %swap3A_611, %swap3A_612] {strides = array<i32>} : memref<5x80x48xf32, #tpu.memory_space<vmem>>, vector<1x1x16xf32>,
        %swap3A_614 = vector.shape_cast %swap3A_613 : vector<1x1x16xf32> to vector<16xf32>
        %swap3A_615 = vector.shape_cast %add3A_608 : vector<16xf32> to vector<1x1x16xf32>
        tpu.vector_store %arg11[%swap3A_610, %swap3A_611, %swap3A_612], %swap3A_615 {strides = array<i32>} : memref<5x80x48xf32, #tpu.memory_space<vmem>>, vector<1x1x16xf32>,
        %get3A_616 = arith.constant 3 : i32
        %get3A_617 = arith.index_cast %get3A_616 : i32 to index
        %get3A_618 = arith.index_cast %scan3A_577 : i32 to index
        %get3A_619 = arith.constant 32 : index
        %get3A_620 = tpu.vector_load %arg9[%get3A_617, %get3A_618, %get3A_619] {strides = array<i32>} : memref<5x80x48xf32, #tpu.memory_space<vmem>>, vector<1x1x16xf32>,
        %get3A_621 = vector.shape_cast %get3A_620 : vector<1x1x16xf32> to vector<16xf32>
        %get3A_622 = arith.constant 3 : i32
        %get3A_623 = arith.index_cast %get3A_622 : i32 to index
        %get3A_624 = arith.index_cast %scan3A_577 : i32 to index
        %get3A_625 = arith.constant 32 : index
        %get3A_626 = tpu.vector_load %arg10[%get3A_623, %get3A_624, %get3A_625] {strides = array<i32>} : memref<5x80x48xf32, #tpu.memory_space<vmem>>, vector<1x1x16xf32>,
        %get3A_627 = vector.shape_cast %get3A_626 : vector<1x1x16xf32> to vector<16xf32>
        %add3A_628 = arith.addf %get3A_621, %get3A_627 : vector<16xf32>
        %swap3A_629 = arith.constant 3 : i32
        %swap3A_630 = arith.index_cast %swap3A_629 : i32 to index
        %swap3A_631 = arith.index_cast %scan3A_577 : i32 to index
        %swap3A_632 = arith.constant 32 : index
        %swap3A_633 = tpu.vector_load %arg11[%swap3A_630, %swap3A_631, %swap3A_632] {strides = array<i32>} : memref<5x80x48xf32, #tpu.memory_space<vmem>>, vector<1x1x16xf32>,
        %swap3A_634 = vector.shape_cast %swap3A_633 : vector<1x1x16xf32> to vector<16xf32>
        %swap3A_635 = vector.shape_cast %add3A_628 : vector<16xf32> to vector<1x1x16xf32>
        tpu.vector_store %arg11[%swap3A_630, %swap3A_631, %swap3A_632], %swap3A_635 {strides = array<i32>} : memref<5x80x48xf32, #tpu.memory_space<vmem>>, vector<1x1x16xf32>,
      }
      %scan3A_475 = arith.constant 80 : i32
      %mul3A_476 = arith.constant 80 : i32
      %mul3A_477 = arith.muli %add3A_438, %mul3A_476 : i32
      %add3A_478 = arith.addi %mul3A_2, %mul3A_477 : i32
      %dma_start3A_479 = arith.constant 3 : i32
      %dma_start3A_480 = arith.constant 3 : i32
      %dma_start3A_481 = arith.constant 0 : i32
      %dma_start3A_482 = arith.constant 0 : i32
      %dma_start3A_483 = tpu.memref_slice %arg11[%dma_start3A_479, %dma_start3A_481, %dma_start3A_482] : memref<5x80x48xf32, #tpu.memory_space<vmem>> -> memref<1x80x48xf32, #tpu.memory_space<vmem>>
      %dma_start3A_484 = tpu.memref_squeeze %dma_start3A_483 : memref<1x80x48xf32, #tpu.memory_space<vmem>> -> memref<80x48xf32, #tpu.memory_space<vmem>>
      %dma_start3A_485 = arith.constant 0 : i32
      %dma_start3A_486 = tpu.memref_slice %arg6[%add3A_478, %dma_start3A_485] : memref<320000x48xf32, #tpu.memory_space<hbm>> -> memref<80x48xf32, #tpu.memory_space<hbm>>
      %dma_start3A_487 = tpu.memref_slice %arg14[%dma_start3A_480] : memref<5x!tpu.dma_semaphore, #tpu.memory_space<semaphore_mem>> -> memref<1x!tpu.dma_semaphore, #tpu.memory_space<semaphore_mem>>
      %dma_start3A_488 = tpu.memref_squeeze %dma_start3A_487 : memref<1x!tpu.dma_semaphore, #tpu.memory_space<semaphore_mem>> -> memref<!tpu.dma_semaphore, #tpu.memory_space<semaphore_mem>>
      %dma_start3A_489 = arith.constant 0 : i32
      %dma_start3A_490 = tpu.memref_slice %arg6[%add3A_478, %dma_start3A_489] : memref<320000x48xf32, #tpu.memory_space<hbm>> -> memref<80x48xf32, #tpu.memory_space<hbm>>
      %dma_start3A_491 = arith.constant 0 : i32
      %dma_start3A_492 = arith.constant 0 : i32
      %dma_start3A_493 = tpu.memref_slice %arg11[%dma_start3A_479, %dma_start3A_491, %dma_start3A_492] : memref<5x80x48xf32, #tpu.memory_space<vmem>> -> memref<1x80x48xf32, #tpu.memory_space<vmem>>
      %dma_start3A_494 = tpu.memref_squeeze %dma_start3A_493 : memref<1x80x48xf32, #tpu.memory_space<vmem>> -> memref<80x48xf32, #tpu.memory_space<vmem>>
      tpu.enqueue_dma source(%dma_start3A_494 : memref<80x48xf32, #tpu.memory_space<vmem>>) target(%dma_start3A_490 : memref<80x48xf32, #tpu.memory_space<hbm>>) target_semaphore(%dma_start3A_488 : memref<!tpu.dma_semaphore, #tpu.memory_space<semaphore_mem>>)
      %add3A_495 = arith.constant 5 : i32
      %add3A_496 = arith.addi %add3A_438, %add3A_495 : i32
      %min3A_497 = arith.constant 124 : i32
      %min3A_498 = arith.minsi %add3A_496, %min3A_497 : i32
      %add3A_499 = arith.constant 5 : i32
      %add3A_500 = arith.addi %add3A_438, %add3A_499 : i32
      %lt3A_501 = arith.constant 125 : i32
      %lt3A_502 = arith.cmpi slt, %add3A_500, %lt3A_501 : i32
      %convert_element_type3A_503 = arith.extui %lt3A_502 : i1 to i32
      %cond3A_504 = arith.constant 0 : i32
      %cond3A_505 = arith.cmpi ne, %convert_element_type3A_503, %cond3A_504 : i32
      scf.if %cond3A_505 {
        %mul3A_577 = arith.constant 80 : i32
        %mul3A_578 = arith.muli %min3A_498, %mul3A_577 : i32
        %dma_start3A_579 = arith.constant 3 : i32
        %dma_start3A_580 = arith.constant 3 : i32
        %dma_start3A_581 = arith.constant 0 : i32
        %dma_start3A_582 = arith.constant 0 : i32
        %dma_start3A_583 = tpu.memref_slice %arg9[%dma_start3A_579, %dma_start3A_581, %dma_start3A_582] : memref<5x80x48xf32, #tpu.memory_space<vmem>> -> memref<1x80x48xf32, #tpu.memory_space<vmem>>
        %dma_start3A_584 = tpu.memref_squeeze %dma_start3A_583 : memref<1x80x48xf32, #tpu.memory_space<vmem>> -> memref<80x48xf32, #tpu.memory_space<vmem>>
        %dma_start3A_585 = tpu.memref_slice %arg7[%mul3A_578] : memref<10000xi32, #tpu.memory_space<vmem>> -> memref<80xi32, #tpu.memory_space<vmem>>
        %dma_start3A_586 = arith.constant 0 : i32
        %dma_start3A_587 = arith.constant 0 : i32
        %dma_start3A_588 = tpu.memref_slice %arg2[%dma_start3A_586, %dma_start3A_587] : memref<10000x48xf32, #tpu.memory_space<hbm>> -> memref<10000x48xf32, #tpu.memory_space<hbm>>
        %dma_start3A_589 = tpu.memref_slice %arg12[%dma_start3A_580] : memref<5x!tpu.dma_semaphore, #tpu.memory_space<semaphore_mem>> -> memref<1x!tpu.dma_semaphore, #tpu.memory_space<semaphore_mem>>
        %dma_start3A_590 = tpu.memref_squeeze %dma_start3A_589 : memref<1x!tpu.dma_semaphore, #tpu.memory_space<semaphore_mem>> -> memref<!tpu.dma_semaphore, #tpu.memory_space<semaphore_mem>>
        tpu.enqueue_indirect_dma source(%dma_start3A_588 : memref<10000x48xf32, #tpu.memory_space<hbm>>) target(%dma_start3A_584 : memref<80x48xf32, #tpu.memory_space<vmem>>) offsets(%dma_start3A_585 : memref<80xi32, #tpu.memory_space<vmem>>) semaphore(%dma_start3A_590 : memref<!tpu.dma_semaphore, #tpu.memory_space<semaphore_mem>>)
        %mul3A_591 = arith.constant 80 : i32
        %mul3A_592 = arith.muli %min3A_498, %mul3A_591 : i32
        %dma_start3A_593 = arith.constant 3 : i32
        %dma_start3A_594 = arith.constant 3 : i32
        %dma_start3A_595 = arith.constant 0 : i32
        %dma_start3A_596 = arith.constant 0 : i32
        %dma_start3A_597 = tpu.memref_slice %arg10[%dma_start3A_593, %dma_start3A_595, %dma_start3A_596] : memref<5x80x48xf32, #tpu.memory_space<vmem>> -> memref<1x80x48xf32, #tpu.memory_space<vmem>>
        %dma_start3A_598 = tpu.memref_squeeze %dma_start3A_597 : memref<1x80x48xf32, #tpu.memory_space<vmem>> -> memref<80x48xf32, #tpu.memory_space<vmem>>
        %dma_start3A_599 = tpu.memref_slice %arg8[%mul3A_592] : memref<10000xi32, #tpu.memory_space<vmem>> -> memref<80xi32, #tpu.memory_space<vmem>>
        %dma_start3A_600 = arith.constant 0 : i32
        %dma_start3A_601 = arith.constant 0 : i32
        %dma_start3A_602 = tpu.memref_slice %arg3[%dma_start3A_600, %dma_start3A_601] : memref<10000x48xf32, #tpu.memory_space<hbm>> -> memref<10000x48xf32, #tpu.memory_space<hbm>>
        %dma_start3A_603 = tpu.memref_slice %arg13[%dma_start3A_594] : memref<5x!tpu.dma_semaphore, #tpu.memory_space<semaphore_mem>> -> memref<1x!tpu.dma_semaphore, #tpu.memory_space<semaphore_mem>>
        %dma_start3A_604 = tpu.memref_squeeze %dma_start3A_603 : memref<1x!tpu.dma_semaphore, #tpu.memory_space<semaphore_mem>> -> memref<!tpu.dma_semaphore, #tpu.memory_space<semaphore_mem>>
        tpu.enqueue_indirect_dma source(%dma_start3A_602 : memref<10000x48xf32, #tpu.memory_space<hbm>>) target(%dma_start3A_598 : memref<80x48xf32, #tpu.memory_space<vmem>>) offsets(%dma_start3A_599 : memref<80xi32, #tpu.memory_space<vmem>>) semaphore(%dma_start3A_604 : memref<!tpu.dma_semaphore, #tpu.memory_space<semaphore_mem>>)
      } else {
      }
      %mul3A_506 = arith.constant 5 : i32
      %mul3A_507 = arith.muli %scan3A_226, %mul3A_506 : i32
      %add3A_508 = arith.constant 4 : i32
      %add3A_509 = arith.addi %mul3A_507, %add3A_508 : i32
      %dma_wait3A_510 = arith.constant 4 : i32
      %dma_wait3A_511 = arith.constant 4 : i32
      %dma_wait3A_512 = arith.constant 0 : i32
      %dma_wait3A_513 = arith.constant 0 : i32
      %dma_wait3A_514 = tpu.memref_slice %arg9[%dma_wait3A_510, %dma_wait3A_512, %dma_wait3A_513] : memref<5x80x48xf32, #tpu.memory_space<vmem>> -> memref<1x80x48xf32, #tpu.memory_space<vmem>>
      %dma_wait3A_515 = tpu.memref_squeeze %dma_wait3A_514 : memref<1x80x48xf32, #tpu.memory_space<vmem>> -> memref<80x48xf32, #tpu.memory_space<vmem>>
      %dma_wait3A_516 = arith.constant 0 : i32
      %dma_wait3A_517 = tpu.memref_slice %arg7[%dma_wait3A_516] : memref<10000xi32, #tpu.memory_space<vmem>> -> memref<80xi32, #tpu.memory_space<vmem>>
      %dma_wait3A_518 = arith.constant 0 : i32
      %dma_wait3A_519 = arith.constant 0 : i32
      %dma_wait3A_520 = tpu.memref_slice %arg2[%dma_wait3A_518, %dma_wait3A_519] : memref<10000x48xf32, #tpu.memory_space<hbm>> -> memref<10000x48xf32, #tpu.memory_space<hbm>>
      %dma_wait3A_521 = tpu.memref_slice %arg12[%dma_wait3A_511] : memref<5x!tpu.dma_semaphore, #tpu.memory_space<semaphore_mem>> -> memref<1x!tpu.dma_semaphore, #tpu.memory_space<semaphore_mem>>
      %dma_wait3A_522 = tpu.memref_squeeze %dma_wait3A_521 : memref<1x!tpu.dma_semaphore, #tpu.memory_space<semaphore_mem>> -> memref<!tpu.dma_semaphore, #tpu.memory_space<semaphore_mem>>
      tpu.wait_indirect_dma semaphore(%dma_wait3A_522 : memref<!tpu.dma_semaphore, #tpu.memory_space<semaphore_mem>>) src(%dma_wait3A_520 : memref<10000x48xf32, #tpu.memory_space<hbm>>) dst(%dma_wait3A_515 : memref<80x48xf32, #tpu.memory_space<vmem>>)
      %dma_wait3A_523 = arith.constant 4 : i32
      %dma_wait3A_524 = arith.constant 4 : i32
      %dma_wait3A_525 = arith.constant 0 : i32
      %dma_wait3A_526 = arith.constant 0 : i32
      %dma_wait3A_527 = tpu.memref_slice %arg10[%dma_wait3A_523, %dma_wait3A_525, %dma_wait3A_526] : memref<5x80x48xf32, #tpu.memory_space<vmem>> -> memref<1x80x48xf32, #tpu.memory_space<vmem>>
      %dma_wait3A_528 = tpu.memref_squeeze %dma_wait3A_527 : memref<1x80x48xf32, #tpu.memory_space<vmem>> -> memref<80x48xf32, #tpu.memory_space<vmem>>
      %dma_wait3A_529 = arith.constant 0 : i32
      %dma_wait3A_530 = tpu.memref_slice %arg8[%dma_wait3A_529] : memref<10000xi32, #tpu.memory_space<vmem>> -> memref<80xi32, #tpu.memory_space<vmem>>
      %dma_wait3A_531 = arith.constant 0 : i32
      %dma_wait3A_532 = arith.constant 0 : i32
      %dma_wait3A_533 = tpu.memref_slice %arg3[%dma_wait3A_531, %dma_wait3A_532] : memref<10000x48xf32, #tpu.memory_space<hbm>> -> memref<10000x48xf32, #tpu.memory_space<hbm>>
      %dma_wait3A_534 = tpu.memref_slice %arg13[%dma_wait3A_524] : memref<5x!tpu.dma_semaphore, #tpu.memory_space<semaphore_mem>> -> memref<1x!tpu.dma_semaphore, #tpu.memory_space<semaphore_mem>>
      %dma_wait3A_535 = tpu.memref_squeeze %dma_wait3A_534 : memref<1x!tpu.dma_semaphore, #tpu.memory_space<semaphore_mem>> -> memref<!tpu.dma_semaphore, #tpu.memory_space<semaphore_mem>>
      tpu.wait_indirect_dma semaphore(%dma_wait3A_535 : memref<!tpu.dma_semaphore, #tpu.memory_space<semaphore_mem>>) src(%dma_wait3A_533 : memref<10000x48xf32, #tpu.memory_space<hbm>>) dst(%dma_wait3A_528 : memref<80x48xf32, #tpu.memory_space<vmem>>)
      %gt3A_536 = arith.constant 0 : i32
      %gt3A_537 = arith.cmpi sgt, %scan3A_226, %gt3A_536 : i32
      %convert_element_type3A_538 = arith.extui %gt3A_537 : i1 to i32
      %cond3A_539 = arith.constant 0 : i32
      %cond3A_540 = arith.cmpi ne, %convert_element_type3A_538, %cond3A_539 : i32
      scf.if %cond3A_540 {
        %dma_wait3A_577 = arith.constant 4 : i32
        %dma_wait3A_578 = arith.constant 4 : i32
        %dma_wait3A_579 = arith.constant 0 : i32
        %dma_wait3A_580 = arith.constant 0 : i32
        %dma_wait3A_581 = tpu.memref_slice %arg11[%dma_wait3A_577, %dma_wait3A_579, %dma_wait3A_580] : memref<5x80x48xf32, #tpu.memory_space<vmem>> -> memref<1x80x48xf32, #tpu.memory_space<vmem>>
        %dma_wait3A_582 = tpu.memref_squeeze %dma_wait3A_581 : memref<1x80x48xf32, #tpu.memory_space<vmem>> -> memref<80x48xf32, #tpu.memory_space<vmem>>
        %dma_wait3A_583 = arith.constant 0 : i32
        %dma_wait3A_584 = arith.constant 0 : i32
        %dma_wait3A_585 = tpu.memref_slice %arg6[%dma_wait3A_583, %dma_wait3A_584] : memref<320000x48xf32, #tpu.memory_space<hbm>> -> memref<80x48xf32, #tpu.memory_space<hbm>>
        %dma_wait3A_586 = tpu.memref_slice %arg14[%dma_wait3A_578] : memref<5x!tpu.dma_semaphore, #tpu.memory_space<semaphore_mem>> -> memref<1x!tpu.dma_semaphore, #tpu.memory_space<semaphore_mem>>
        %dma_wait3A_587 = tpu.memref_squeeze %dma_wait3A_586 : memref<1x!tpu.dma_semaphore, #tpu.memory_space<semaphore_mem>> -> memref<!tpu.dma_semaphore, #tpu.memory_space<semaphore_mem>>
        %dma_wait3A_588 = arith.constant 0 : i32
        %dma_wait3A_589 = arith.constant 0 : i32
        %dma_wait3A_590 = tpu.memref_slice %arg6[%dma_wait3A_588, %dma_wait3A_589] : memref<320000x48xf32, #tpu.memory_space<hbm>> -> memref<80x48xf32, #tpu.memory_space<hbm>>
        %dma_wait3A_591 = arith.constant 0 : i32
        %dma_wait3A_592 = arith.constant 0 : i32
        %dma_wait3A_593 = tpu.memref_slice %arg11[%dma_wait3A_577, %dma_wait3A_591, %dma_wait3A_592] : memref<5x80x48xf32, #tpu.memory_space<vmem>> -> memref<1x80x48xf32, #tpu.memory_space<vmem>>
        %dma_wait3A_594 = tpu.memref_squeeze %dma_wait3A_593 : memref<1x80x48xf32, #tpu.memory_space<vmem>> -> memref<80x48xf32, #tpu.memory_space<vmem>>
        tpu.wait_dma2 semaphore(%dma_wait3A_587 : memref<!tpu.dma_semaphore, #tpu.memory_space<semaphore_mem>>) src(%dma_wait3A_594 : memref<80x48xf32, #tpu.memory_space<vmem>>) dst(%dma_wait3A_590 : memref<80x48xf32, #tpu.memory_space<hbm>>)
      } else {
      }
      %scan3A_541 = arith.constant 0 : i32
      %scan3A_542 = arith.constant 0 : i32
      %scan3A_543 = arith.constant 80 : i32
      %scan3A_544 = arith.addi %scan3A_542, %scan3A_543 : i32
      %scan3A_545 = arith.constant 1 : i32
      scf.for %scan3A_577 = %scan3A_542 to %scan3A_544 step %scan3A_545  : i32 {
        %get3A = arith.constant 4 : i32
        %get3A_578 = arith.index_cast %get3A : i32 to index
        %get3A_579 = arith.index_cast %scan3A_577 : i32 to index
        %get3A_580 = arith.constant 0 : index
        %get3A_581 = tpu.vector_load %arg9[%get3A_578, %get3A_579, %get3A_580] {strides = array<i32>} : memref<5x80x48xf32, #tpu.memory_space<vmem>>, vector<1x1x16xf32>,
        %get3A_582 = vector.shape_cast %get3A_581 : vector<1x1x16xf32> to vector<16xf32>
        %get3A_583 = arith.constant 4 : i32
        %get3A_584 = arith.index_cast %get3A_583 : i32 to index
        %get3A_585 = arith.index_cast %scan3A_577 : i32 to index
        %get3A_586 = arith.constant 0 : index
        %get3A_587 = tpu.vector_load %arg10[%get3A_584, %get3A_585, %get3A_586] {strides = array<i32>} : memref<5x80x48xf32, #tpu.memory_space<vmem>>, vector<1x1x16xf32>,
        %get3A_588 = vector.shape_cast %get3A_587 : vector<1x1x16xf32> to vector<16xf32>
        %add3A_589 = arith.addf %get3A_582, %get3A_588 : vector<16xf32>
        %swap3A = arith.constant 4 : i32
        %swap3A_590 = arith.index_cast %swap3A : i32 to index
        %swap3A_591 = arith.index_cast %scan3A_577 : i32 to index
        %swap3A_592 = arith.constant 0 : index
        %swap3A_593 = tpu.vector_load %arg11[%swap3A_590, %swap3A_591, %swap3A_592] {strides = array<i32>} : memref<5x80x48xf32, #tpu.memory_space<vmem>>, vector<1x1x16xf32>,
        %swap3A_594 = vector.shape_cast %swap3A_593 : vector<1x1x16xf32> to vector<16xf32>
        %swap3A_595 = vector.shape_cast %add3A_589 : vector<16xf32> to vector<1x1x16xf32>
        tpu.vector_store %arg11[%swap3A_590, %swap3A_591, %swap3A_592], %swap3A_595 {strides = array<i32>} : memref<5x80x48xf32, #tpu.memory_space<vmem>>, vector<1x1x16xf32>,
        %get3A_596 = arith.constant 4 : i32
        %get3A_597 = arith.index_cast %get3A_596 : i32 to index
        %get3A_598 = arith.index_cast %scan3A_577 : i32 to index
        %get3A_599 = arith.constant 16 : index
        %get3A_600 = tpu.vector_load %arg9[%get3A_597, %get3A_598, %get3A_599] {strides = array<i32>} : memref<5x80x48xf32, #tpu.memory_space<vmem>>, vector<1x1x16xf32>,
        %get3A_601 = vector.shape_cast %get3A_600 : vector<1x1x16xf32> to vector<16xf32>
        %get3A_602 = arith.constant 4 : i32
        %get3A_603 = arith.index_cast %get3A_602 : i32 to index
        %get3A_604 = arith.index_cast %scan3A_577 : i32 to index
        %get3A_605 = arith.constant 16 : index
        %get3A_606 = tpu.vector_load %arg10[%get3A_603, %get3A_604, %get3A_605] {strides = array<i32>} : memref<5x80x48xf32, #tpu.memory_space<vmem>>, vector<1x1x16xf32>,
        %get3A_607 = vector.shape_cast %get3A_606 : vector<1x1x16xf32> to vector<16xf32>
        %add3A_608 = arith.addf %get3A_601, %get3A_607 : vector<16xf32>
        %swap3A_609 = arith.constant 4 : i32
        %swap3A_610 = arith.index_cast %swap3A_609 : i32 to index
        %swap3A_611 = arith.index_cast %scan3A_577 : i32 to index
        %swap3A_612 = arith.constant 16 : index
        %swap3A_613 = tpu.vector_load %arg11[%swap3A_610, %swap3A_611, %swap3A_612] {strides = array<i32>} : memref<5x80x48xf32, #tpu.memory_space<vmem>>, vector<1x1x16xf32>,
        %swap3A_614 = vector.shape_cast %swap3A_613 : vector<1x1x16xf32> to vector<16xf32>
        %swap3A_615 = vector.shape_cast %add3A_608 : vector<16xf32> to vector<1x1x16xf32>
        tpu.vector_store %arg11[%swap3A_610, %swap3A_611, %swap3A_612], %swap3A_615 {strides = array<i32>} : memref<5x80x48xf32, #tpu.memory_space<vmem>>, vector<1x1x16xf32>,
        %get3A_616 = arith.constant 4 : i32
        %get3A_617 = arith.index_cast %get3A_616 : i32 to index
        %get3A_618 = arith.index_cast %scan3A_577 : i32 to index
        %get3A_619 = arith.constant 32 : index
        %get3A_620 = tpu.vector_load %arg9[%get3A_617, %get3A_618, %get3A_619] {strides = array<i32>} : memref<5x80x48xf32, #tpu.memory_space<vmem>>, vector<1x1x16xf32>,
        %get3A_621 = vector.shape_cast %get3A_620 : vector<1x1x16xf32> to vector<16xf32>
        %get3A_622 = arith.constant 4 : i32
        %get3A_623 = arith.index_cast %get3A_622 : i32 to index
        %get3A_624 = arith.index_cast %scan3A_577 : i32 to index
        %get3A_625 = arith.constant 32 : index
        %get3A_626 = tpu.vector_load %arg10[%get3A_623, %get3A_624, %get3A_625] {strides = array<i32>} : memref<5x80x48xf32, #tpu.memory_space<vmem>>, vector<1x1x16xf32>,
        %get3A_627 = vector.shape_cast %get3A_626 : vector<1x1x16xf32> to vector<16xf32>
        %add3A_628 = arith.addf %get3A_621, %get3A_627 : vector<16xf32>
        %swap3A_629 = arith.constant 4 : i32
        %swap3A_630 = arith.index_cast %swap3A_629 : i32 to index
        %swap3A_631 = arith.index_cast %scan3A_577 : i32 to index
        %swap3A_632 = arith.constant 32 : index
        %swap3A_633 = tpu.vector_load %arg11[%swap3A_630, %swap3A_631, %swap3A_632] {strides = array<i32>} : memref<5x80x48xf32, #tpu.memory_space<vmem>>, vector<1x1x16xf32>,
        %swap3A_634 = vector.shape_cast %swap3A_633 : vector<1x1x16xf32> to vector<16xf32>
        %swap3A_635 = vector.shape_cast %add3A_628 : vector<16xf32> to vector<1x1x16xf32>
        tpu.vector_store %arg11[%swap3A_630, %swap3A_631, %swap3A_632], %swap3A_635 {strides = array<i32>} : memref<5x80x48xf32, #tpu.memory_space<vmem>>, vector<1x1x16xf32>,
      }
      %scan3A_546 = arith.constant 80 : i32
      %mul3A_547 = arith.constant 80 : i32
      %mul3A_548 = arith.muli %add3A_509, %mul3A_547 : i32
      %add3A_549 = arith.addi %mul3A_2, %mul3A_548 : i32
      %dma_start3A_550 = arith.constant 4 : i32
      %dma_start3A_551 = arith.constant 4 : i32
      %dma_start3A_552 = arith.constant 0 : i32
      %dma_start3A_553 = arith.constant 0 : i32
      %dma_start3A_554 = tpu.memref_slice %arg11[%dma_start3A_550, %dma_start3A_552, %dma_start3A_553] : memref<5x80x48xf32, #tpu.memory_space<vmem>> -> memref<1x80x48xf32, #tpu.memory_space<vmem>>
      %dma_start3A_555 = tpu.memref_squeeze %dma_start3A_554 : memref<1x80x48xf32, #tpu.memory_space<vmem>> -> memref<80x48xf32, #tpu.memory_space<vmem>>
      %dma_start3A_556 = arith.constant 0 : i32
      %dma_start3A_557 = tpu.memref_slice %arg6[%add3A_549, %dma_start3A_556] : memref<320000x48xf32, #tpu.memory_space<hbm>> -> memref<80x48xf32, #tpu.memory_space<hbm>>
      %dma_start3A_558 = tpu.memref_slice %arg14[%dma_start3A_551] : memref<5x!tpu.dma_semaphore, #tpu.memory_space<semaphore_mem>> -> memref<1x!tpu.dma_semaphore, #tpu.memory_space<semaphore_mem>>
      %dma_start3A_559 = tpu.memref_squeeze %dma_start3A_558 : memref<1x!tpu.dma_semaphore, #tpu.memory_space<semaphore_mem>> -> memref<!tpu.dma_semaphore, #tpu.memory_space<semaphore_mem>>
      %dma_start3A_560 = arith.constant 0 : i32
      %dma_start3A_561 = tpu.memref_slice %arg6[%add3A_549, %dma_start3A_560] : memref<320000x48xf32, #tpu.memory_space<hbm>> -> memref<80x48xf32, #tpu.memory_space<hbm>>
      %dma_start3A_562 = arith.constant 0 : i32
      %dma_start3A_563 = arith.constant 0 : i32
      %dma_start3A_564 = tpu.memref_slice %arg11[%dma_start3A_550, %dma_start3A_562, %dma_start3A_563] : memref<5x80x48xf32, #tpu.memory_space<vmem>> -> memref<1x80x48xf32, #tpu.memory_space<vmem>>
      %dma_start3A_565 = tpu.memref_squeeze %dma_start3A_564 : memref<1x80x48xf32, #tpu.memory_space<vmem>> -> memref<80x48xf32, #tpu.memory_space<vmem>>
      tpu.enqueue_dma source(%dma_start3A_565 : memref<80x48xf32, #tpu.memory_space<vmem>>) target(%dma_start3A_561 : memref<80x48xf32, #tpu.memory_space<hbm>>) target_semaphore(%dma_start3A_559 : memref<!tpu.dma_semaphore, #tpu.memory_space<semaphore_mem>>)
      %add3A_566 = arith.constant 5 : i32
      %add3A_567 = arith.addi %add3A_509, %add3A_566 : i32
      %min3A_568 = arith.constant 124 : i32
      %min3A_569 = arith.minsi %add3A_567, %min3A_568 : i32
      %add3A_570 = arith.constant 5 : i32
      %add3A_571 = arith.addi %add3A_509, %add3A_570 : i32
      %lt3A_572 = arith.constant 125 : i32
      %lt3A_573 = arith.cmpi slt, %add3A_571, %lt3A_572 : i32
      %convert_element_type3A_574 = arith.extui %lt3A_573 : i1 to i32
      %cond3A_575 = arith.constant 0 : i32
      %cond3A_576 = arith.cmpi ne, %convert_element_type3A_574, %cond3A_575 : i32
      scf.if %cond3A_576 {
        %mul3A_577 = arith.constant 80 : i32
        %mul3A_578 = arith.muli %min3A_569, %mul3A_577 : i32
        %dma_start3A_579 = arith.constant 4 : i32
        %dma_start3A_580 = arith.constant 4 : i32
        %dma_start3A_581 = arith.constant 0 : i32
        %dma_start3A_582 = arith.constant 0 : i32
        %dma_start3A_583 = tpu.memref_slice %arg9[%dma_start3A_579, %dma_start3A_581, %dma_start3A_582] : memref<5x80x48xf32, #tpu.memory_space<vmem>> -> memref<1x80x48xf32, #tpu.memory_space<vmem>>
        %dma_start3A_584 = tpu.memref_squeeze %dma_start3A_583 : memref<1x80x48xf32, #tpu.memory_space<vmem>> -> memref<80x48xf32, #tpu.memory_space<vmem>>
        %dma_start3A_585 = tpu.memref_slice %arg7[%mul3A_578] : memref<10000xi32, #tpu.memory_space<vmem>> -> memref<80xi32, #tpu.memory_space<vmem>>
        %dma_start3A_586 = arith.constant 0 : i32
        %dma_start3A_587 = arith.constant 0 : i32
        %dma_start3A_588 = tpu.memref_slice %arg2[%dma_start3A_586, %dma_start3A_587] : memref<10000x48xf32, #tpu.memory_space<hbm>> -> memref<10000x48xf32, #tpu.memory_space<hbm>>
        %dma_start3A_589 = tpu.memref_slice %arg12[%dma_start3A_580] : memref<5x!tpu.dma_semaphore, #tpu.memory_space<semaphore_mem>> -> memref<1x!tpu.dma_semaphore, #tpu.memory_space<semaphore_mem>>
        %dma_start3A_590 = tpu.memref_squeeze %dma_start3A_589 : memref<1x!tpu.dma_semaphore, #tpu.memory_space<semaphore_mem>> -> memref<!tpu.dma_semaphore, #tpu.memory_space<semaphore_mem>>
        tpu.enqueue_indirect_dma source(%dma_start3A_588 : memref<10000x48xf32, #tpu.memory_space<hbm>>) target(%dma_start3A_584 : memref<80x48xf32, #tpu.memory_space<vmem>>) offsets(%dma_start3A_585 : memref<80xi32, #tpu.memory_space<vmem>>) semaphore(%dma_start3A_590 : memref<!tpu.dma_semaphore, #tpu.memory_space<semaphore_mem>>)
        %mul3A_591 = arith.constant 80 : i32
        %mul3A_592 = arith.muli %min3A_569, %mul3A_591 : i32
        %dma_start3A_593 = arith.constant 4 : i32
        %dma_start3A_594 = arith.constant 4 : i32
        %dma_start3A_595 = arith.constant 0 : i32
        %dma_start3A_596 = arith.constant 0 : i32
        %dma_start3A_597 = tpu.memref_slice %arg10[%dma_start3A_593, %dma_start3A_595, %dma_start3A_596] : memref<5x80x48xf32, #tpu.memory_space<vmem>> -> memref<1x80x48xf32, #tpu.memory_space<vmem>>
        %dma_start3A_598 = tpu.memref_squeeze %dma_start3A_597 : memref<1x80x48xf32, #tpu.memory_space<vmem>> -> memref<80x48xf32, #tpu.memory_space<vmem>>
        %dma_start3A_599 = tpu.memref_slice %arg8[%mul3A_592] : memref<10000xi32, #tpu.memory_space<vmem>> -> memref<80xi32, #tpu.memory_space<vmem>>
        %dma_start3A_600 = arith.constant 0 : i32
        %dma_start3A_601 = arith.constant 0 : i32
        %dma_start3A_602 = tpu.memref_slice %arg3[%dma_start3A_600, %dma_start3A_601] : memref<10000x48xf32, #tpu.memory_space<hbm>> -> memref<10000x48xf32, #tpu.memory_space<hbm>>
        %dma_start3A_603 = tpu.memref_slice %arg13[%dma_start3A_594] : memref<5x!tpu.dma_semaphore, #tpu.memory_space<semaphore_mem>> -> memref<1x!tpu.dma_semaphore, #tpu.memory_space<semaphore_mem>>
        %dma_start3A_604 = tpu.memref_squeeze %dma_start3A_603 : memref<1x!tpu.dma_semaphore, #tpu.memory_space<semaphore_mem>> -> memref<!tpu.dma_semaphore, #tpu.memory_space<semaphore_mem>>
        tpu.enqueue_indirect_dma source(%dma_start3A_602 : memref<10000x48xf32, #tpu.memory_space<hbm>>) target(%dma_start3A_598 : memref<80x48xf32, #tpu.memory_space<vmem>>) offsets(%dma_start3A_599 : memref<80xi32, #tpu.memory_space<vmem>>) semaphore(%dma_start3A_604 : memref<!tpu.dma_semaphore, #tpu.memory_space<semaphore_mem>>)
      } else {
      }
    }
    %scan3A_136 = arith.constant 25 : i32
    %dma_wait3A = arith.constant 0 : i32
    %dma_wait3A_137 = arith.constant 0 : i32
    %dma_wait3A_138 = arith.constant 0 : i32
    %dma_wait3A_139 = arith.constant 0 : i32
    %dma_wait3A_140 = tpu.memref_slice %arg11[%dma_wait3A, %dma_wait3A_138, %dma_wait3A_139] : memref<5x80x48xf32, #tpu.memory_space<vmem>> -> memref<1x80x48xf32, #tpu.memory_space<vmem>>
    %dma_wait3A_141 = tpu.memref_squeeze %dma_wait3A_140 : memref<1x80x48xf32, #tpu.memory_space<vmem>> -> memref<80x48xf32, #tpu.memory_space<vmem>>
    %dma_wait3A_142 = arith.constant 0 : i32
    %dma_wait3A_143 = arith.constant 0 : i32
    %dma_wait3A_144 = tpu.memref_slice %arg6[%dma_wait3A_142, %dma_wait3A_143] : memref<320000x48xf32, #tpu.memory_space<hbm>> -> memref<80x48xf32, #tpu.memory_space<hbm>>
    %dma_wait3A_145 = tpu.memref_slice %arg14[%dma_wait3A_137] : memref<5x!tpu.dma_semaphore, #tpu.memory_space<semaphore_mem>> -> memref<1x!tpu.dma_semaphore, #tpu.memory_space<semaphore_mem>>
    %dma_wait3A_146 = tpu.memref_squeeze %dma_wait3A_145 : memref<1x!tpu.dma_semaphore, #tpu.memory_space<semaphore_mem>> -> memref<!tpu.dma_semaphore, #tpu.memory_space<semaphore_mem>>
    %dma_wait3A_147 = arith.constant 0 : i32
    %dma_wait3A_148 = arith.constant 0 : i32
    %dma_wait3A_149 = tpu.memref_slice %arg6[%dma_wait3A_147, %dma_wait3A_148] : memref<320000x48xf32, #tpu.memory_space<hbm>> -> memref<80x48xf32, #tpu.memory_space<hbm>>
    %dma_wait3A_150 = arith.constant 0 : i32
    %dma_wait3A_151 = arith.constant 0 : i32
    %dma_wait3A_152 = tpu.memref_slice %arg11[%dma_wait3A, %dma_wait3A_150, %dma_wait3A_151] : memref<5x80x48xf32, #tpu.memory_space<vmem>> -> memref<1x80x48xf32, #tpu.memory_space<vmem>>
    %dma_wait3A_153 = tpu.memref_squeeze %dma_wait3A_152 : memref<1x80x48xf32, #tpu.memory_space<vmem>> -> memref<80x48xf32, #tpu.memory_space<vmem>>
    tpu.wait_dma2 semaphore(%dma_wait3A_146 : memref<!tpu.dma_semaphore, #tpu.memory_space<semaphore_mem>>) src(%dma_wait3A_153 : memref<80x48xf32, #tpu.memory_space<vmem>>) dst(%dma_wait3A_149 : memref<80x48xf32, #tpu.memory_space<hbm>>)
    %dma_wait3A_154 = arith.constant 1 : i32
    %dma_wait3A_155 = arith.constant 1 : i32
    %dma_wait3A_156 = arith.constant 0 : i32
    %dma_wait3A_157 = arith.constant 0 : i32
    %dma_wait3A_158 = tpu.memref_slice %arg11[%dma_wait3A_154, %dma_wait3A_156, %dma_wait3A_157] : memref<5x80x48xf32, #tpu.memory_space<vmem>> -> memref<1x80x48xf32, #tpu.memory_space<vmem>>
    %dma_wait3A_159 = tpu.memref_squeeze %dma_wait3A_158 : memref<1x80x48xf32, #tpu.memory_space<vmem>> -> memref<80x48xf32, #tpu.memory_space<vmem>>
    %dma_wait3A_160 = arith.constant 0 : i32
    %dma_wait3A_161 = arith.constant 0 : i32
    %dma_wait3A_162 = tpu.memref_slice %arg6[%dma_wait3A_160, %dma_wait3A_161] : memref<320000x48xf32, #tpu.memory_space<hbm>> -> memref<80x48xf32, #tpu.memory_space<hbm>>
    %dma_wait3A_163 = tpu.memref_slice %arg14[%dma_wait3A_155] : memref<5x!tpu.dma_semaphore, #tpu.memory_space<semaphore_mem>> -> memref<1x!tpu.dma_semaphore, #tpu.memory_space<semaphore_mem>>
    %dma_wait3A_164 = tpu.memref_squeeze %dma_wait3A_163 : memref<1x!tpu.dma_semaphore, #tpu.memory_space<semaphore_mem>> -> memref<!tpu.dma_semaphore, #tpu.memory_space<semaphore_mem>>
    %dma_wait3A_165 = arith.constant 0 : i32
    %dma_wait3A_166 = arith.constant 0 : i32
    %dma_wait3A_167 = tpu.memref_slice %arg6[%dma_wait3A_165, %dma_wait3A_166] : memref<320000x48xf32, #tpu.memory_space<hbm>> -> memref<80x48xf32, #tpu.memory_space<hbm>>
    %dma_wait3A_168 = arith.constant 0 : i32
    %dma_wait3A_169 = arith.constant 0 : i32
    %dma_wait3A_170 = tpu.memref_slice %arg11[%dma_wait3A_154, %dma_wait3A_168, %dma_wait3A_169] : memref<5x80x48xf32, #tpu.memory_space<vmem>> -> memref<1x80x48xf32, #tpu.memory_space<vmem>>
    %dma_wait3A_171 = tpu.memref_squeeze %dma_wait3A_170 : memref<1x80x48xf32, #tpu.memory_space<vmem>> -> memref<80x48xf32, #tpu.memory_space<vmem>>
    tpu.wait_dma2 semaphore(%dma_wait3A_164 : memref<!tpu.dma_semaphore, #tpu.memory_space<semaphore_mem>>) src(%dma_wait3A_171 : memref<80x48xf32, #tpu.memory_space<vmem>>) dst(%dma_wait3A_167 : memref<80x48xf32, #tpu.memory_space<hbm>>)
    %dma_wait3A_172 = arith.constant 2 : i32
    %dma_wait3A_173 = arith.constant 2 : i32
    %dma_wait3A_174 = arith.constant 0 : i32
    %dma_wait3A_175 = arith.constant 0 : i32
    %dma_wait3A_176 = tpu.memref_slice %arg11[%dma_wait3A_172, %dma_wait3A_174, %dma_wait3A_175] : memref<5x80x48xf32, #tpu.memory_space<vmem>> -> memref<1x80x48xf32, #tpu.memory_space<vmem>>
    %dma_wait3A_177 = tpu.memref_squeeze %dma_wait3A_176 : memref<1x80x48xf32, #tpu.memory_space<vmem>> -> memref<80x48xf32, #tpu.memory_space<vmem>>
    %dma_wait3A_178 = arith.constant 0 : i32
    %dma_wait3A_179 = arith.constant 0 : i32
    %dma_wait3A_180 = tpu.memref_slice %arg6[%dma_wait3A_178, %dma_wait3A_179] : memref<320000x48xf32, #tpu.memory_space<hbm>> -> memref<80x48xf32, #tpu.memory_space<hbm>>
    %dma_wait3A_181 = tpu.memref_slice %arg14[%dma_wait3A_173] : memref<5x!tpu.dma_semaphore, #tpu.memory_space<semaphore_mem>> -> memref<1x!tpu.dma_semaphore, #tpu.memory_space<semaphore_mem>>
    %dma_wait3A_182 = tpu.memref_squeeze %dma_wait3A_181 : memref<1x!tpu.dma_semaphore, #tpu.memory_space<semaphore_mem>> -> memref<!tpu.dma_semaphore, #tpu.memory_space<semaphore_mem>>
    %dma_wait3A_183 = arith.constant 0 : i32
    %dma_wait3A_184 = arith.constant 0 : i32
    %dma_wait3A_185 = tpu.memref_slice %arg6[%dma_wait3A_183, %dma_wait3A_184] : memref<320000x48xf32, #tpu.memory_space<hbm>> -> memref<80x48xf32, #tpu.memory_space<hbm>>
    %dma_wait3A_186 = arith.constant 0 : i32
    %dma_wait3A_187 = arith.constant 0 : i32
    %dma_wait3A_188 = tpu.memref_slice %arg11[%dma_wait3A_172, %dma_wait3A_186, %dma_wait3A_187] : memref<5x80x48xf32, #tpu.memory_space<vmem>> -> memref<1x80x48xf32, #tpu.memory_space<vmem>>
    %dma_wait3A_189 = tpu.memref_squeeze %dma_wait3A_188 : memref<1x80x48xf32, #tpu.memory_space<vmem>> -> memref<80x48xf32, #tpu.memory_space<vmem>>
    tpu.wait_dma2 semaphore(%dma_wait3A_182 : memref<!tpu.dma_semaphore, #tpu.memory_space<semaphore_mem>>) src(%dma_wait3A_189 : memref<80x48xf32, #tpu.memory_space<vmem>>) dst(%dma_wait3A_185 : memref<80x48xf32, #tpu.memory_space<hbm>>)
    %dma_wait3A_190 = arith.constant 3 : i32
    %dma_wait3A_191 = arith.constant 3 : i32
    %dma_wait3A_192 = arith.constant 0 : i32
    %dma_wait3A_193 = arith.constant 0 : i32
    %dma_wait3A_194 = tpu.memref_slice %arg11[%dma_wait3A_190, %dma_wait3A_192, %dma_wait3A_193] : memref<5x80x48xf32, #tpu.memory_space<vmem>> -> memref<1x80x48xf32, #tpu.memory_space<vmem>>
    %dma_wait3A_195 = tpu.memref_squeeze %dma_wait3A_194 : memref<1x80x48xf32, #tpu.memory_space<vmem>> -> memref<80x48xf32, #tpu.memory_space<vmem>>
    %dma_wait3A_196 = arith.constant 0 : i32
    %dma_wait3A_197 = arith.constant 0 : i32
    %dma_wait3A_198 = tpu.memref_slice %arg6[%dma_wait3A_196, %dma_wait3A_197] : memref<320000x48xf32, #tpu.memory_space<hbm>> -> memref<80x48xf32, #tpu.memory_space<hbm>>
    %dma_wait3A_199 = tpu.memref_slice %arg14[%dma_wait3A_191] : memref<5x!tpu.dma_semaphore, #tpu.memory_space<semaphore_mem>> -> memref<1x!tpu.dma_semaphore, #tpu.memory_space<semaphore_mem>>
    %dma_wait3A_200 = tpu.memref_squeeze %dma_wait3A_199 : memref<1x!tpu.dma_semaphore, #tpu.memory_space<semaphore_mem>> -> memref<!tpu.dma_semaphore, #tpu.memory_space<semaphore_mem>>
    %dma_wait3A_201 = arith.constant 0 : i32
    %dma_wait3A_202 = arith.constant 0 : i32
    %dma_wait3A_203 = tpu.memref_slice %arg6[%dma_wait3A_201, %dma_wait3A_202] : memref<320000x48xf32, #tpu.memory_space<hbm>> -> memref<80x48xf32, #tpu.memory_space<hbm>>
    %dma_wait3A_204 = arith.constant 0 : i32
    %dma_wait3A_205 = arith.constant 0 : i32
    %dma_wait3A_206 = tpu.memref_slice %arg11[%dma_wait3A_190, %dma_wait3A_204, %dma_wait3A_205] : memref<5x80x48xf32, #tpu.memory_space<vmem>> -> memref<1x80x48xf32, #tpu.memory_space<vmem>>
    %dma_wait3A_207 = tpu.memref_squeeze %dma_wait3A_206 : memref<1x80x48xf32, #tpu.memory_space<vmem>> -> memref<80x48xf32, #tpu.memory_space<vmem>>
    tpu.wait_dma2 semaphore(%dma_wait3A_200 : memref<!tpu.dma_semaphore, #tpu.memory_space<semaphore_mem>>) src(%dma_wait3A_207 : memref<80x48xf32, #tpu.memory_space<vmem>>) dst(%dma_wait3A_203 : memref<80x48xf32, #tpu.memory_space<hbm>>)
    %dma_wait3A_208 = arith.constant 4 : i32
    %dma_wait3A_209 = arith.constant 4 : i32
    %dma_wait3A_210 = arith.constant 0 : i32
    %dma_wait3A_211 = arith.constant 0 : i32
    %dma_wait3A_212 = tpu.memref_slice %arg11[%dma_wait3A_208, %dma_wait3A_210, %dma_wait3A_211] : memref<5x80x48xf32, #tpu.memory_space<vmem>> -> memref<1x80x48xf32, #tpu.memory_space<vmem>>
    %dma_wait3A_213 = tpu.memref_squeeze %dma_wait3A_212 : memref<1x80x48xf32, #tpu.memory_space<vmem>> -> memref<80x48xf32, #tpu.memory_space<vmem>>
    %dma_wait3A_214 = arith.constant 0 : i32
    %dma_wait3A_215 = arith.constant 0 : i32
    %dma_wait3A_216 = tpu.memref_slice %arg6[%dma_wait3A_214, %dma_wait3A_215] : memref<320000x48xf32, #tpu.memory_space<hbm>> -> memref<80x48xf32, #tpu.memory_space<hbm>>
    %dma_wait3A_217 = tpu.memref_slice %arg14[%dma_wait3A_209] : memref<5x!tpu.dma_semaphore, #tpu.memory_space<semaphore_mem>> -> memref<1x!tpu.dma_semaphore, #tpu.memory_space<semaphore_mem>>
    %dma_wait3A_218 = tpu.memref_squeeze %dma_wait3A_217 : memref<1x!tpu.dma_semaphore, #tpu.memory_space<semaphore_mem>> -> memref<!tpu.dma_semaphore, #tpu.memory_space<semaphore_mem>>
    %dma_wait3A_219 = arith.constant 0 : i32
    %dma_wait3A_220 = arith.constant 0 : i32
    %dma_wait3A_221 = tpu.memref_slice %arg6[%dma_wait3A_219, %dma_wait3A_220] : memref<320000x48xf32, #tpu.memory_space<hbm>> -> memref<80x48xf32, #tpu.memory_space<hbm>>
    %dma_wait3A_222 = arith.constant 0 : i32
    %dma_wait3A_223 = arith.constant 0 : i32
    %dma_wait3A_224 = tpu.memref_slice %arg11[%dma_wait3A_208, %dma_wait3A_222, %dma_wait3A_223] : memref<5x80x48xf32, #tpu.memory_space<vmem>> -> memref<1x80x48xf32, #tpu.memory_space<vmem>>
    %dma_wait3A_225 = tpu.memref_squeeze %dma_wait3A_224 : memref<1x80x48xf32, #tpu.memory_space<vmem>> -> memref<80x48xf32, #tpu.memory_space<vmem>>
    tpu.wait_dma2 semaphore(%dma_wait3A_218 : memref<!tpu.dma_semaphore, #tpu.memory_space<semaphore_mem>>) src(%dma_wait3A_225 : memref<80x48xf32, #tpu.memory_space<vmem>>) dst(%dma_wait3A_221 : memref<80x48xf32, #tpu.memory_space<hbm>>)
    return
  }
}

#map = affine_map<(d0, d1) -> (0, 0)>
#map1 = affine_map<(d0, d1) -> (0, 0, 0)>
module attributes {stable_mosaic.version = 14 : i64} {
  func.func @_sc_scatter(%arg0: i32, %arg1: i32, %arg2: memref<320000x32xf32, #tpu.memory_space<hbm>>, %arg3: memref<320000x16xf32, #tpu.memory_space<hbm>>, %arg4: memref<32x125x80xi32, #tpu.memory_space<hbm>>, %arg5: memref<2x10240x128xf32, #tpu.memory_space<hbm>>, %arg6: memref<125x80xi32, #tpu.memory_space<vmem>>, %arg7: memref<5x80x32xf32, #tpu.memory_space<vmem>>, %arg8: memref<5x80x16xf32, #tpu.memory_space<vmem>>, %arg9: memref<10240x32xf32, #tpu.memory_space<vmem_shared>>, %arg10: memref<10240x16xf32, #tpu.memory_space<vmem_shared>>, %arg11: memref<320x32xf32, #tpu.memory_space<vmem>>, %arg12: memref<320x16xf32, #tpu.memory_space<vmem>>, %arg13: memref<320x128xf32, #tpu.memory_space<vmem>>, %arg14: memref<5x!tpu.dma_semaphore, #tpu.memory_space<semaphore_mem>>, %arg15: memref<5x!tpu.dma_semaphore, #tpu.memory_space<semaphore_mem>>, %arg16: memref<!tpu.dma_semaphore, #tpu.memory_space<semaphore_mem>>, %arg17: memref<!tpu.dma_semaphore, #tpu.memory_space<semaphore_mem>>) attributes {dimension_semantics = [#tpu.dimension_semantics<core_parallel>, #tpu.dimension_semantics<subcore_parallel>], iteration_bounds = array<i64: 2, 16>, scalar_prefetch = 0 : i64, scratch_operands = 12 : i64, tpu.core_type = #tpu.core_type<sc_vector_subcore>, window_params = [{transform_indices = #map}, {transform_indices = #map}, {transform_indices = #map1}, {transform_indices = #map1}]} {
    %mul3A = arith.constant 2 : i32
    %mul3A_0 = arith.muli %arg1, %mul3A : i32
    %add3A = arith.addi %mul3A_0, %arg0 : i32
    %mul3A_1 = arith.constant 10000 : i32
    %mul3A_2 = arith.muli %add3A, %mul3A_1 : i32
    %broadcast_in_dim3A = arith.constant 0.000000e+00 : f32
    %broadcast_in_dim3A_3 = vector.broadcast %broadcast_in_dim3A : f32 to vector<16xf32>
    %scan3A = arith.constant 0 : i32
    %scan3A_4 = arith.constant 0 : i32
    %scan3A_5 = arith.constant 320 : i32
    %scan3A_6 = arith.addi %scan3A_4, %scan3A_5 : i32
    %scan3A_7 = arith.constant 1 : i32
    scf.for %scan3A_221 = %scan3A_4 to %scan3A_6 step %scan3A_7  : i32 {
      %swap3A = arith.index_cast %scan3A_221 : i32 to index
      %swap3A_222 = arith.constant 0 : index
      %swap3A_223 = tpu.vector_load %arg11[%swap3A, %swap3A_222] {strides = array<i32>} : memref<320x32xf32, #tpu.memory_space<vmem>>, vector<1x16xf32>,
      %swap3A_224 = vector.shape_cast %swap3A_223 : vector<1x16xf32> to vector<16xf32>
      %swap3A_225 = vector.shape_cast %broadcast_in_dim3A_3 : vector<16xf32> to vector<1x16xf32>
      tpu.vector_store %arg11[%swap3A, %swap3A_222], %swap3A_225 {strides = array<i32>} : memref<320x32xf32, #tpu.memory_space<vmem>>, vector<1x16xf32>,
      %swap3A_226 = arith.index_cast %scan3A_221 : i32 to index
      %swap3A_227 = arith.constant 16 : index
      %swap3A_228 = tpu.vector_load %arg11[%swap3A_226, %swap3A_227] {strides = array<i32>} : memref<320x32xf32, #tpu.memory_space<vmem>>, vector<1x16xf32>,
      %swap3A_229 = vector.shape_cast %swap3A_228 : vector<1x16xf32> to vector<16xf32>
      %swap3A_230 = vector.shape_cast %broadcast_in_dim3A_3 : vector<16xf32> to vector<1x16xf32>
      tpu.vector_store %arg11[%swap3A_226, %swap3A_227], %swap3A_230 {strides = array<i32>} : memref<320x32xf32, #tpu.memory_space<vmem>>, vector<1x16xf32>,
      %swap3A_231 = arith.index_cast %scan3A_221 : i32 to index
      %swap3A_232 = arith.constant 0 : index
      %swap3A_233 = tpu.vector_load %arg12[%swap3A_231, %swap3A_232] {strides = array<i32>} : memref<320x16xf32, #tpu.memory_space<vmem>>, vector<1x16xf32>,
      %swap3A_234 = vector.shape_cast %swap3A_233 : vector<1x16xf32> to vector<16xf32>
      %swap3A_235 = vector.shape_cast %broadcast_in_dim3A_3 : vector<16xf32> to vector<1x16xf32>
      tpu.vector_store %arg12[%swap3A_231, %swap3A_232], %swap3A_235 {strides = array<i32>} : memref<320x16xf32, #tpu.memory_space<vmem>>, vector<1x16xf32>,
    }
    %scan3A_8 = arith.constant 320 : i32
    %mul3A_9 = arith.constant 640 : i32
    %mul3A_10 = arith.muli %arg1, %mul3A_9 : i32
    %add3A_11 = arith.constant 0 : i32
    %add3A_12 = arith.addi %mul3A_10, %add3A_11 : i32
    "tpu.region"() ({
      %run_scoped3A = tpu.sem_alloc : memref<!tpu.dma_semaphore, #tpu.memory_space<semaphore_mem>>
      %dma_start3A_221 = arith.constant 0 : i32
      %dma_start3A_222 = tpu.memref_slice %arg9[%add3A_12, %dma_start3A_221] : memref<10240x32xf32, #tpu.memory_space<vmem_shared>> -> memref<320x32xf32, #tpu.memory_space<vmem_shared>>
      %dma_start3A_223 = arith.constant 0 : i32
      %dma_start3A_224 = tpu.memref_slice %arg9[%add3A_12, %dma_start3A_223] : memref<10240x32xf32, #tpu.memory_space<vmem_shared>> -> memref<320x32xf32, #tpu.memory_space<vmem_shared>>
      tpu.enqueue_dma source(%arg11 : memref<320x32xf32, #tpu.memory_space<vmem>>) target(%dma_start3A_224 : memref<320x32xf32, #tpu.memory_space<vmem_shared>>) target_semaphore(%run_scoped3A : memref<!tpu.dma_semaphore, #tpu.memory_space<semaphore_mem>>)
      %dma_wait3A = arith.constant 0 : i32
      %dma_wait3A_225 = tpu.memref_slice %arg9[%add3A_12, %dma_wait3A] : memref<10240x32xf32, #tpu.memory_space<vmem_shared>> -> memref<320x32xf32, #tpu.memory_space<vmem_shared>>
      %dma_wait3A_226 = arith.constant 0 : i32
      %dma_wait3A_227 = tpu.memref_slice %arg9[%add3A_12, %dma_wait3A_226] : memref<10240x32xf32, #tpu.memory_space<vmem_shared>> -> memref<320x32xf32, #tpu.memory_space<vmem_shared>>
      tpu.wait_dma2 semaphore(%run_scoped3A : memref<!tpu.dma_semaphore, #tpu.memory_space<semaphore_mem>>) src(%arg11 : memref<320x32xf32, #tpu.memory_space<vmem>>) dst(%dma_wait3A_227 : memref<320x32xf32, #tpu.memory_space<vmem_shared>>)
      tpu.yield
    }) : () -> ()
    %mul3A_13 = arith.constant 640 : i32
    %mul3A_14 = arith.muli %arg1, %mul3A_13 : i32
    %add3A_15 = arith.constant 0 : i32
    %add3A_16 = arith.addi %mul3A_14, %add3A_15 : i32
    "tpu.region"() ({
      %run_scoped3A = tpu.sem_alloc : memref<!tpu.dma_semaphore, #tpu.memory_space<semaphore_mem>>
      %dma_start3A_221 = arith.constant 0 : i32
      %dma_start3A_222 = tpu.memref_slice %arg10[%add3A_16, %dma_start3A_221] : memref<10240x16xf32, #tpu.memory_space<vmem_shared>> -> memref<320x16xf32, #tpu.memory_space<vmem_shared>>
      %dma_start3A_223 = arith.constant 0 : i32
      %dma_start3A_224 = tpu.memref_slice %arg10[%add3A_16, %dma_start3A_223] : memref<10240x16xf32, #tpu.memory_space<vmem_shared>> -> memref<320x16xf32, #tpu.memory_space<vmem_shared>>
      tpu.enqueue_dma source(%arg12 : memref<320x16xf32, #tpu.memory_space<vmem>>) target(%dma_start3A_224 : memref<320x16xf32, #tpu.memory_space<vmem_shared>>) target_semaphore(%run_scoped3A : memref<!tpu.dma_semaphore, #tpu.memory_space<semaphore_mem>>)
      %dma_wait3A = arith.constant 0 : i32
      %dma_wait3A_225 = tpu.memref_slice %arg10[%add3A_16, %dma_wait3A] : memref<10240x16xf32, #tpu.memory_space<vmem_shared>> -> memref<320x16xf32, #tpu.memory_space<vmem_shared>>
      %dma_wait3A_226 = arith.constant 0 : i32
      %dma_wait3A_227 = tpu.memref_slice %arg10[%add3A_16, %dma_wait3A_226] : memref<10240x16xf32, #tpu.memory_space<vmem_shared>> -> memref<320x16xf32, #tpu.memory_space<vmem_shared>>
      tpu.wait_dma2 semaphore(%run_scoped3A : memref<!tpu.dma_semaphore, #tpu.memory_space<semaphore_mem>>) src(%arg12 : memref<320x16xf32, #tpu.memory_space<vmem>>) dst(%dma_wait3A_227 : memref<320x16xf32, #tpu.memory_space<vmem_shared>>)
      tpu.yield
    }) : () -> ()
    %mul3A_17 = arith.constant 640 : i32
    %mul3A_18 = arith.muli %arg1, %mul3A_17 : i32
    %add3A_19 = arith.constant 320 : i32
    %add3A_20 = arith.addi %mul3A_18, %add3A_19 : i32
    "tpu.region"() ({
      %run_scoped3A = tpu.sem_alloc : memref<!tpu.dma_semaphore, #tpu.memory_space<semaphore_mem>>
      %dma_start3A_221 = arith.constant 0 : i32
      %dma_start3A_222 = tpu.memref_slice %arg9[%add3A_20, %dma_start3A_221] : memref<10240x32xf32, #tpu.memory_space<vmem_shared>> -> memref<320x32xf32, #tpu.memory_space<vmem_shared>>
      %dma_start3A_223 = arith.constant 0 : i32
      %dma_start3A_224 = tpu.memref_slice %arg9[%add3A_20, %dma_start3A_223] : memref<10240x32xf32, #tpu.memory_space<vmem_shared>> -> memref<320x32xf32, #tpu.memory_space<vmem_shared>>
      tpu.enqueue_dma source(%arg11 : memref<320x32xf32, #tpu.memory_space<vmem>>) target(%dma_start3A_224 : memref<320x32xf32, #tpu.memory_space<vmem_shared>>) target_semaphore(%run_scoped3A : memref<!tpu.dma_semaphore, #tpu.memory_space<semaphore_mem>>)
      %dma_wait3A = arith.constant 0 : i32
      %dma_wait3A_225 = tpu.memref_slice %arg9[%add3A_20, %dma_wait3A] : memref<10240x32xf32, #tpu.memory_space<vmem_shared>> -> memref<320x32xf32, #tpu.memory_space<vmem_shared>>
      %dma_wait3A_226 = arith.constant 0 : i32
      %dma_wait3A_227 = tpu.memref_slice %arg9[%add3A_20, %dma_wait3A_226] : memref<10240x32xf32, #tpu.memory_space<vmem_shared>> -> memref<320x32xf32, #tpu.memory_space<vmem_shared>>
      tpu.wait_dma2 semaphore(%run_scoped3A : memref<!tpu.dma_semaphore, #tpu.memory_space<semaphore_mem>>) src(%arg11 : memref<320x32xf32, #tpu.memory_space<vmem>>) dst(%dma_wait3A_227 : memref<320x32xf32, #tpu.memory_space<vmem_shared>>)
      tpu.yield
    }) : () -> ()
    %mul3A_21 = arith.constant 640 : i32
    %mul3A_22 = arith.muli %arg1, %mul3A_21 : i32
    %add3A_23 = arith.constant 320 : i32
    %add3A_24 = arith.addi %mul3A_22, %add3A_23 : i32
    "tpu.region"() ({
      %run_scoped3A = tpu.sem_alloc : memref<!tpu.dma_semaphore, #tpu.memory_space<semaphore_mem>>
      %dma_start3A_221 = arith.constant 0 : i32
      %dma_start3A_222 = tpu.memref_slice %arg10[%add3A_24, %dma_start3A_221] : memref<10240x16xf32, #tpu.memory_space<vmem_shared>> -> memref<320x16xf32, #tpu.memory_space<vmem_shared>>
      %dma_start3A_223 = arith.constant 0 : i32
      %dma_start3A_224 = tpu.memref_slice %arg10[%add3A_24, %dma_start3A_223] : memref<10240x16xf32, #tpu.memory_space<vmem_shared>> -> memref<320x16xf32, #tpu.memory_space<vmem_shared>>
      tpu.enqueue_dma source(%arg12 : memref<320x16xf32, #tpu.memory_space<vmem>>) target(%dma_start3A_224 : memref<320x16xf32, #tpu.memory_space<vmem_shared>>) target_semaphore(%run_scoped3A : memref<!tpu.dma_semaphore, #tpu.memory_space<semaphore_mem>>)
      %dma_wait3A = arith.constant 0 : i32
      %dma_wait3A_225 = tpu.memref_slice %arg10[%add3A_24, %dma_wait3A] : memref<10240x16xf32, #tpu.memory_space<vmem_shared>> -> memref<320x16xf32, #tpu.memory_space<vmem_shared>>
      %dma_wait3A_226 = arith.constant 0 : i32
      %dma_wait3A_227 = tpu.memref_slice %arg10[%add3A_24, %dma_wait3A_226] : memref<10240x16xf32, #tpu.memory_space<vmem_shared>> -> memref<320x16xf32, #tpu.memory_space<vmem_shared>>
      tpu.wait_dma2 semaphore(%run_scoped3A : memref<!tpu.dma_semaphore, #tpu.memory_space<semaphore_mem>>) src(%arg12 : memref<320x16xf32, #tpu.memory_space<vmem>>) dst(%dma_wait3A_227 : memref<320x16xf32, #tpu.memory_space<vmem_shared>>)
      tpu.yield
    }) : () -> ()
    "tpu.region"() ({
      %run_scoped3A = tpu.sem_alloc : memref<!tpu.dma_semaphore, #tpu.memory_space<semaphore_mem>>
      %dma_start3A_221 = arith.constant 0 : i32
      %dma_start3A_222 = arith.constant 0 : i32
      %dma_start3A_223 = tpu.memref_slice %arg4[%add3A, %dma_start3A_221, %dma_start3A_222] : memref<32x125x80xi32, #tpu.memory_space<hbm>> -> memref<1x125x80xi32, #tpu.memory_space<hbm>>
      %dma_start3A_224 = tpu.memref_squeeze %dma_start3A_223 : memref<1x125x80xi32, #tpu.memory_space<hbm>> -> memref<125x80xi32, #tpu.memory_space<hbm>>
      %dma_start3A_225 = arith.constant 0 : i32
      %dma_start3A_226 = arith.constant 0 : i32
      %dma_start3A_227 = tpu.memref_slice %arg4[%add3A, %dma_start3A_225, %dma_start3A_226] : memref<32x125x80xi32, #tpu.memory_space<hbm>> -> memref<1x125x80xi32, #tpu.memory_space<hbm>>
      %dma_start3A_228 = tpu.memref_squeeze %dma_start3A_227 : memref<1x125x80xi32, #tpu.memory_space<hbm>> -> memref<125x80xi32, #tpu.memory_space<hbm>>
      tpu.enqueue_dma source(%dma_start3A_228 : memref<125x80xi32, #tpu.memory_space<hbm>>) target(%arg6 : memref<125x80xi32, #tpu.memory_space<vmem>>) target_semaphore(%run_scoped3A : memref<!tpu.dma_semaphore, #tpu.memory_space<semaphore_mem>>)
      %dma_wait3A = arith.constant 0 : i32
      %dma_wait3A_229 = arith.constant 0 : i32
      %dma_wait3A_230 = tpu.memref_slice %arg4[%add3A, %dma_wait3A, %dma_wait3A_229] : memref<32x125x80xi32, #tpu.memory_space<hbm>> -> memref<1x125x80xi32, #tpu.memory_space<hbm>>
      %dma_wait3A_231 = tpu.memref_squeeze %dma_wait3A_230 : memref<1x125x80xi32, #tpu.memory_space<hbm>> -> memref<125x80xi32, #tpu.memory_space<hbm>>
      %dma_wait3A_232 = arith.constant 0 : i32
      %dma_wait3A_233 = arith.constant 0 : i32
      %dma_wait3A_234 = tpu.memref_slice %arg4[%add3A, %dma_wait3A_232, %dma_wait3A_233] : memref<32x125x80xi32, #tpu.memory_space<hbm>> -> memref<1x125x80xi32, #tpu.memory_space<hbm>>
      %dma_wait3A_235 = tpu.memref_squeeze %dma_wait3A_234 : memref<1x125x80xi32, #tpu.memory_space<hbm>> -> memref<125x80xi32, #tpu.memory_space<hbm>>
      tpu.wait_dma2 semaphore(%run_scoped3A : memref<!tpu.dma_semaphore, #tpu.memory_space<semaphore_mem>>) src(%dma_wait3A_235 : memref<125x80xi32, #tpu.memory_space<hbm>>) dst(%arg6 : memref<125x80xi32, #tpu.memory_space<vmem>>)
      tpu.yield
    }) : () -> ()
    %barrier3A = arith.constant 0 : index
    tpu.barrier barrier_id(%barrier3A)
    %add3A_25 = arith.constant 0 : i32
    %add3A_26 = arith.addi %mul3A_2, %add3A_25 : i32
    %dma_start3A = arith.constant 0 : i32
    %dma_start3A_27 = arith.constant 0 : i32
    %dma_start3A_28 = arith.constant 0 : i32
    %dma_start3A_29 = arith.constant 0 : i32
    %dma_start3A_30 = tpu.memref_slice %arg7[%dma_start3A, %dma_start3A_28, %dma_start3A_29] : memref<5x80x32xf32, #tpu.memory_space<vmem>> -> memref<1x80x32xf32, #tpu.memory_space<vmem>>
    %dma_start3A_31 = tpu.memref_squeeze %dma_start3A_30 : memref<1x80x32xf32, #tpu.memory_space<vmem>> -> memref<80x32xf32, #tpu.memory_space<vmem>>
    %dma_start3A_32 = arith.constant 0 : i32
    %dma_start3A_33 = tpu.memref_slice %arg2[%add3A_26, %dma_start3A_32] : memref<320000x32xf32, #tpu.memory_space<hbm>> -> memref<80x32xf32, #tpu.memory_space<hbm>>
    %dma_start3A_34 = tpu.memref_slice %arg14[%dma_start3A_27] : memref<5x!tpu.dma_semaphore, #tpu.memory_space<semaphore_mem>> -> memref<1x!tpu.dma_semaphore, #tpu.memory_space<semaphore_mem>>
    %dma_start3A_35 = tpu.memref_squeeze %dma_start3A_34 : memref<1x!tpu.dma_semaphore, #tpu.memory_space<semaphore_mem>> -> memref<!tpu.dma_semaphore, #tpu.memory_space<semaphore_mem>>
    %dma_start3A_36 = arith.constant 0 : i32
    %dma_start3A_37 = arith.constant 0 : i32
    %dma_start3A_38 = tpu.memref_slice %arg7[%dma_start3A, %dma_start3A_36, %dma_start3A_37] : memref<5x80x32xf32, #tpu.memory_space<vmem>> -> memref<1x80x32xf32, #tpu.memory_space<vmem>>
    %dma_start3A_39 = tpu.memref_squeeze %dma_start3A_38 : memref<1x80x32xf32, #tpu.memory_space<vmem>> -> memref<80x32xf32, #tpu.memory_space<vmem>>
    %dma_start3A_40 = arith.constant 0 : i32
    %dma_start3A_41 = tpu.memref_slice %arg2[%add3A_26, %dma_start3A_40] : memref<320000x32xf32, #tpu.memory_space<hbm>> -> memref<80x32xf32, #tpu.memory_space<hbm>>
    tpu.enqueue_dma source(%dma_start3A_41 : memref<80x32xf32, #tpu.memory_space<hbm>>) target(%dma_start3A_39 : memref<80x32xf32, #tpu.memory_space<vmem>>) target_semaphore(%dma_start3A_35 : memref<!tpu.dma_semaphore, #tpu.memory_space<semaphore_mem>>)
    %dma_start3A_42 = arith.constant 0 : i32
    %dma_start3A_43 = arith.constant 0 : i32
    %dma_start3A_44 = arith.constant 0 : i32
    %dma_start3A_45 = arith.constant 0 : i32
    %dma_start3A_46 = tpu.memref_slice %arg8[%dma_start3A_42, %dma_start3A_44, %dma_start3A_45] : memref<5x80x16xf32, #tpu.memory_space<vmem>> -> memref<1x80x16xf32, #tpu.memory_space<vmem>>
    %dma_start3A_47 = tpu.memref_squeeze %dma_start3A_46 : memref<1x80x16xf32, #tpu.memory_space<vmem>> -> memref<80x16xf32, #tpu.memory_space<vmem>>
    %dma_start3A_48 = arith.constant 0 : i32
    %dma_start3A_49 = tpu.memref_slice %arg3[%add3A_26, %dma_start3A_48] : memref<320000x16xf32, #tpu.memory_space<hbm>> -> memref<80x16xf32, #tpu.memory_space<hbm>>
    %dma_start3A_50 = tpu.memref_slice %arg15[%dma_start3A_43] : memref<5x!tpu.dma_semaphore, #tpu.memory_space<semaphore_mem>> -> memref<1x!tpu.dma_semaphore, #tpu.memory_space<semaphore_mem>>
    %dma_start3A_51 = tpu.memref_squeeze %dma_start3A_50 : memref<1x!tpu.dma_semaphore, #tpu.memory_space<semaphore_mem>> -> memref<!tpu.dma_semaphore, #tpu.memory_space<semaphore_mem>>
    %dma_start3A_52 = arith.constant 0 : i32
    %dma_start3A_53 = arith.constant 0 : i32
    %dma_start3A_54 = tpu.memref_slice %arg8[%dma_start3A_42, %dma_start3A_52, %dma_start3A_53] : memref<5x80x16xf32, #tpu.memory_space<vmem>> -> memref<1x80x16xf32, #tpu.memory_space<vmem>>
    %dma_start3A_55 = tpu.memref_squeeze %dma_start3A_54 : memref<1x80x16xf32, #tpu.memory_space<vmem>> -> memref<80x16xf32, #tpu.memory_space<vmem>>
    %dma_start3A_56 = arith.constant 0 : i32
    %dma_start3A_57 = tpu.memref_slice %arg3[%add3A_26, %dma_start3A_56] : memref<320000x16xf32, #tpu.memory_space<hbm>> -> memref<80x16xf32, #tpu.memory_space<hbm>>
    tpu.enqueue_dma source(%dma_start3A_57 : memref<80x16xf32, #tpu.memory_space<hbm>>) target(%dma_start3A_55 : memref<80x16xf32, #tpu.memory_space<vmem>>) target_semaphore(%dma_start3A_51 : memref<!tpu.dma_semaphore, #tpu.memory_space<semaphore_mem>>)
    %add3A_58 = arith.constant 80 : i32
    %add3A_59 = arith.addi %mul3A_2, %add3A_58 : i32
    %dma_start3A_60 = arith.constant 1 : i32
    %dma_start3A_61 = arith.constant 1 : i32
    %dma_start3A_62 = arith.constant 0 : i32
    %dma_start3A_63 = arith.constant 0 : i32
    %dma_start3A_64 = tpu.memref_slice %arg7[%dma_start3A_60, %dma_start3A_62, %dma_start3A_63] : memref<5x80x32xf32, #tpu.memory_space<vmem>> -> memref<1x80x32xf32, #tpu.memory_space<vmem>>
    %dma_start3A_65 = tpu.memref_squeeze %dma_start3A_64 : memref<1x80x32xf32, #tpu.memory_space<vmem>> -> memref<80x32xf32, #tpu.memory_space<vmem>>
    %dma_start3A_66 = arith.constant 0 : i32
    %dma_start3A_67 = tpu.memref_slice %arg2[%add3A_59, %dma_start3A_66] : memref<320000x32xf32, #tpu.memory_space<hbm>> -> memref<80x32xf32, #tpu.memory_space<hbm>>
    %dma_start3A_68 = tpu.memref_slice %arg14[%dma_start3A_61] : memref<5x!tpu.dma_semaphore, #tpu.memory_space<semaphore_mem>> -> memref<1x!tpu.dma_semaphore, #tpu.memory_space<semaphore_mem>>
    %dma_start3A_69 = tpu.memref_squeeze %dma_start3A_68 : memref<1x!tpu.dma_semaphore, #tpu.memory_space<semaphore_mem>> -> memref<!tpu.dma_semaphore, #tpu.memory_space<semaphore_mem>>
    %dma_start3A_70 = arith.constant 0 : i32
    %dma_start3A_71 = arith.constant 0 : i32
    %dma_start3A_72 = tpu.memref_slice %arg7[%dma_start3A_60, %dma_start3A_70, %dma_start3A_71] : memref<5x80x32xf32, #tpu.memory_space<vmem>> -> memref<1x80x32xf32, #tpu.memory_space<vmem>>
    %dma_start3A_73 = tpu.memref_squeeze %dma_start3A_72 : memref<1x80x32xf32, #tpu.memory_space<vmem>> -> memref<80x32xf32, #tpu.memory_space<vmem>>
    %dma_start3A_74 = arith.constant 0 : i32
    %dma_start3A_75 = tpu.memref_slice %arg2[%add3A_59, %dma_start3A_74] : memref<320000x32xf32, #tpu.memory_space<hbm>> -> memref<80x32xf32, #tpu.memory_space<hbm>>
    tpu.enqueue_dma source(%dma_start3A_75 : memref<80x32xf32, #tpu.memory_space<hbm>>) target(%dma_start3A_73 : memref<80x32xf32, #tpu.memory_space<vmem>>) target_semaphore(%dma_start3A_69 : memref<!tpu.dma_semaphore, #tpu.memory_space<semaphore_mem>>)
    %dma_start3A_76 = arith.constant 1 : i32
    %dma_start3A_77 = arith.constant 1 : i32
    %dma_start3A_78 = arith.constant 0 : i32
    %dma_start3A_79 = arith.constant 0 : i32
    %dma_start3A_80 = tpu.memref_slice %arg8[%dma_start3A_76, %dma_start3A_78, %dma_start3A_79] : memref<5x80x16xf32, #tpu.memory_space<vmem>> -> memref<1x80x16xf32, #tpu.memory_space<vmem>>
    %dma_start3A_81 = tpu.memref_squeeze %dma_start3A_80 : memref<1x80x16xf32, #tpu.memory_space<vmem>> -> memref<80x16xf32, #tpu.memory_space<vmem>>
    %dma_start3A_82 = arith.constant 0 : i32
    %dma_start3A_83 = tpu.memref_slice %arg3[%add3A_59, %dma_start3A_82] : memref<320000x16xf32, #tpu.memory_space<hbm>> -> memref<80x16xf32, #tpu.memory_space<hbm>>
    %dma_start3A_84 = tpu.memref_slice %arg15[%dma_start3A_77] : memref<5x!tpu.dma_semaphore, #tpu.memory_space<semaphore_mem>> -> memref<1x!tpu.dma_semaphore, #tpu.memory_space<semaphore_mem>>
    %dma_start3A_85 = tpu.memref_squeeze %dma_start3A_84 : memref<1x!tpu.dma_semaphore, #tpu.memory_space<semaphore_mem>> -> memref<!tpu.dma_semaphore, #tpu.memory_space<semaphore_mem>>
    %dma_start3A_86 = arith.constant 0 : i32
    %dma_start3A_87 = arith.constant 0 : i32
    %dma_start3A_88 = tpu.memref_slice %arg8[%dma_start3A_76, %dma_start3A_86, %dma_start3A_87] : memref<5x80x16xf32, #tpu.memory_space<vmem>> -> memref<1x80x16xf32, #tpu.memory_space<vmem>>
    %dma_start3A_89 = tpu.memref_squeeze %dma_start3A_88 : memref<1x80x16xf32, #tpu.memory_space<vmem>> -> memref<80x16xf32, #tpu.memory_space<vmem>>
    %dma_start3A_90 = arith.constant 0 : i32
    %dma_start3A_91 = tpu.memref_slice %arg3[%add3A_59, %dma_start3A_90] : memref<320000x16xf32, #tpu.memory_space<hbm>> -> memref<80x16xf32, #tpu.memory_space<hbm>>
    tpu.enqueue_dma source(%dma_start3A_91 : memref<80x16xf32, #tpu.memory_space<hbm>>) target(%dma_start3A_89 : memref<80x16xf32, #tpu.memory_space<vmem>>) target_semaphore(%dma_start3A_85 : memref<!tpu.dma_semaphore, #tpu.memory_space<semaphore_mem>>)
    %add3A_92 = arith.constant 160 : i32
    %add3A_93 = arith.addi %mul3A_2, %add3A_92 : i32
    %dma_start3A_94 = arith.constant 2 : i32
    %dma_start3A_95 = arith.constant 2 : i32
    %dma_start3A_96 = arith.constant 0 : i32
    %dma_start3A_97 = arith.constant 0 : i32
    %dma_start3A_98 = tpu.memref_slice %arg7[%dma_start3A_94, %dma_start3A_96, %dma_start3A_97] : memref<5x80x32xf32, #tpu.memory_space<vmem>> -> memref<1x80x32xf32, #tpu.memory_space<vmem>>
    %dma_start3A_99 = tpu.memref_squeeze %dma_start3A_98 : memref<1x80x32xf32, #tpu.memory_space<vmem>> -> memref<80x32xf32, #tpu.memory_space<vmem>>
    %dma_start3A_100 = arith.constant 0 : i32
    %dma_start3A_101 = tpu.memref_slice %arg2[%add3A_93, %dma_start3A_100] : memref<320000x32xf32, #tpu.memory_space<hbm>> -> memref<80x32xf32, #tpu.memory_space<hbm>>
    %dma_start3A_102 = tpu.memref_slice %arg14[%dma_start3A_95] : memref<5x!tpu.dma_semaphore, #tpu.memory_space<semaphore_mem>> -> memref<1x!tpu.dma_semaphore, #tpu.memory_space<semaphore_mem>>
    %dma_start3A_103 = tpu.memref_squeeze %dma_start3A_102 : memref<1x!tpu.dma_semaphore, #tpu.memory_space<semaphore_mem>> -> memref<!tpu.dma_semaphore, #tpu.memory_space<semaphore_mem>>
    %dma_start3A_104 = arith.constant 0 : i32
    %dma_start3A_105 = arith.constant 0 : i32
    %dma_start3A_106 = tpu.memref_slice %arg7[%dma_start3A_94, %dma_start3A_104, %dma_start3A_105] : memref<5x80x32xf32, #tpu.memory_space<vmem>> -> memref<1x80x32xf32, #tpu.memory_space<vmem>>
    %dma_start3A_107 = tpu.memref_squeeze %dma_start3A_106 : memref<1x80x32xf32, #tpu.memory_space<vmem>> -> memref<80x32xf32, #tpu.memory_space<vmem>>
    %dma_start3A_108 = arith.constant 0 : i32
    %dma_start3A_109 = tpu.memref_slice %arg2[%add3A_93, %dma_start3A_108] : memref<320000x32xf32, #tpu.memory_space<hbm>> -> memref<80x32xf32, #tpu.memory_space<hbm>>
    tpu.enqueue_dma source(%dma_start3A_109 : memref<80x32xf32, #tpu.memory_space<hbm>>) target(%dma_start3A_107 : memref<80x32xf32, #tpu.memory_space<vmem>>) target_semaphore(%dma_start3A_103 : memref<!tpu.dma_semaphore, #tpu.memory_space<semaphore_mem>>)
    %dma_start3A_110 = arith.constant 2 : i32
    %dma_start3A_111 = arith.constant 2 : i32
    %dma_start3A_112 = arith.constant 0 : i32
    %dma_start3A_113 = arith.constant 0 : i32
    %dma_start3A_114 = tpu.memref_slice %arg8[%dma_start3A_110, %dma_start3A_112, %dma_start3A_113] : memref<5x80x16xf32, #tpu.memory_space<vmem>> -> memref<1x80x16xf32, #tpu.memory_space<vmem>>
    %dma_start3A_115 = tpu.memref_squeeze %dma_start3A_114 : memref<1x80x16xf32, #tpu.memory_space<vmem>> -> memref<80x16xf32, #tpu.memory_space<vmem>>
    %dma_start3A_116 = arith.constant 0 : i32
    %dma_start3A_117 = tpu.memref_slice %arg3[%add3A_93, %dma_start3A_116] : memref<320000x16xf32, #tpu.memory_space<hbm>> -> memref<80x16xf32, #tpu.memory_space<hbm>>
    %dma_start3A_118 = tpu.memref_slice %arg15[%dma_start3A_111] : memref<5x!tpu.dma_semaphore, #tpu.memory_space<semaphore_mem>> -> memref<1x!tpu.dma_semaphore, #tpu.memory_space<semaphore_mem>>
    %dma_start3A_119 = tpu.memref_squeeze %dma_start3A_118 : memref<1x!tpu.dma_semaphore, #tpu.memory_space<semaphore_mem>> -> memref<!tpu.dma_semaphore, #tpu.memory_space<semaphore_mem>>
    %dma_start3A_120 = arith.constant 0 : i32
    %dma_start3A_121 = arith.constant 0 : i32
    %dma_start3A_122 = tpu.memref_slice %arg8[%dma_start3A_110, %dma_start3A_120, %dma_start3A_121] : memref<5x80x16xf32, #tpu.memory_space<vmem>> -> memref<1x80x16xf32, #tpu.memory_space<vmem>>
    %dma_start3A_123 = tpu.memref_squeeze %dma_start3A_122 : memref<1x80x16xf32, #tpu.memory_space<vmem>> -> memref<80x16xf32, #tpu.memory_space<vmem>>
    %dma_start3A_124 = arith.constant 0 : i32
    %dma_start3A_125 = tpu.memref_slice %arg3[%add3A_93, %dma_start3A_124] : memref<320000x16xf32, #tpu.memory_space<hbm>> -> memref<80x16xf32, #tpu.memory_space<hbm>>
    tpu.enqueue_dma source(%dma_start3A_125 : memref<80x16xf32, #tpu.memory_space<hbm>>) target(%dma_start3A_123 : memref<80x16xf32, #tpu.memory_space<vmem>>) target_semaphore(%dma_start3A_119 : memref<!tpu.dma_semaphore, #tpu.memory_space<semaphore_mem>>)
    %add3A_126 = arith.constant 240 : i32
    %add3A_127 = arith.addi %mul3A_2, %add3A_126 : i32
    %dma_start3A_128 = arith.constant 3 : i32
    %dma_start3A_129 = arith.constant 3 : i32
    %dma_start3A_130 = arith.constant 0 : i32
    %dma_start3A_131 = arith.constant 0 : i32
    %dma_start3A_132 = tpu.memref_slice %arg7[%dma_start3A_128, %dma_start3A_130, %dma_start3A_131] : memref<5x80x32xf32, #tpu.memory_space<vmem>> -> memref<1x80x32xf32, #tpu.memory_space<vmem>>
    %dma_start3A_133 = tpu.memref_squeeze %dma_start3A_132 : memref<1x80x32xf32, #tpu.memory_space<vmem>> -> memref<80x32xf32, #tpu.memory_space<vmem>>
    %dma_start3A_134 = arith.constant 0 : i32
    %dma_start3A_135 = tpu.memref_slice %arg2[%add3A_127, %dma_start3A_134] : memref<320000x32xf32, #tpu.memory_space<hbm>> -> memref<80x32xf32, #tpu.memory_space<hbm>>
    %dma_start3A_136 = tpu.memref_slice %arg14[%dma_start3A_129] : memref<5x!tpu.dma_semaphore, #tpu.memory_space<semaphore_mem>> -> memref<1x!tpu.dma_semaphore, #tpu.memory_space<semaphore_mem>>
    %dma_start3A_137 = tpu.memref_squeeze %dma_start3A_136 : memref<1x!tpu.dma_semaphore, #tpu.memory_space<semaphore_mem>> -> memref<!tpu.dma_semaphore, #tpu.memory_space<semaphore_mem>>
    %dma_start3A_138 = arith.constant 0 : i32
    %dma_start3A_139 = arith.constant 0 : i32
    %dma_start3A_140 = tpu.memref_slice %arg7[%dma_start3A_128, %dma_start3A_138, %dma_start3A_139] : memref<5x80x32xf32, #tpu.memory_space<vmem>> -> memref<1x80x32xf32, #tpu.memory_space<vmem>>
    %dma_start3A_141 = tpu.memref_squeeze %dma_start3A_140 : memref<1x80x32xf32, #tpu.memory_space<vmem>> -> memref<80x32xf32, #tpu.memory_space<vmem>>
    %dma_start3A_142 = arith.constant 0 : i32
    %dma_start3A_143 = tpu.memref_slice %arg2[%add3A_127, %dma_start3A_142] : memref<320000x32xf32, #tpu.memory_space<hbm>> -> memref<80x32xf32, #tpu.memory_space<hbm>>
    tpu.enqueue_dma source(%dma_start3A_143 : memref<80x32xf32, #tpu.memory_space<hbm>>) target(%dma_start3A_141 : memref<80x32xf32, #tpu.memory_space<vmem>>) target_semaphore(%dma_start3A_137 : memref<!tpu.dma_semaphore, #tpu.memory_space<semaphore_mem>>)
    %dma_start3A_144 = arith.constant 3 : i32
    %dma_start3A_145 = arith.constant 3 : i32
    %dma_start3A_146 = arith.constant 0 : i32
    %dma_start3A_147 = arith.constant 0 : i32
    %dma_start3A_148 = tpu.memref_slice %arg8[%dma_start3A_144, %dma_start3A_146, %dma_start3A_147] : memref<5x80x16xf32, #tpu.memory_space<vmem>> -> memref<1x80x16xf32, #tpu.memory_space<vmem>>
    %dma_start3A_149 = tpu.memref_squeeze %dma_start3A_148 : memref<1x80x16xf32, #tpu.memory_space<vmem>> -> memref<80x16xf32, #tpu.memory_space<vmem>>
    %dma_start3A_150 = arith.constant 0 : i32
    %dma_start3A_151 = tpu.memref_slice %arg3[%add3A_127, %dma_start3A_150] : memref<320000x16xf32, #tpu.memory_space<hbm>> -> memref<80x16xf32, #tpu.memory_space<hbm>>
    %dma_start3A_152 = tpu.memref_slice %arg15[%dma_start3A_145] : memref<5x!tpu.dma_semaphore, #tpu.memory_space<semaphore_mem>> -> memref<1x!tpu.dma_semaphore, #tpu.memory_space<semaphore_mem>>
    %dma_start3A_153 = tpu.memref_squeeze %dma_start3A_152 : memref<1x!tpu.dma_semaphore, #tpu.memory_space<semaphore_mem>> -> memref<!tpu.dma_semaphore, #tpu.memory_space<semaphore_mem>>
    %dma_start3A_154 = arith.constant 0 : i32
    %dma_start3A_155 = arith.constant 0 : i32
    %dma_start3A_156 = tpu.memref_slice %arg8[%dma_start3A_144, %dma_start3A_154, %dma_start3A_155] : memref<5x80x16xf32, #tpu.memory_space<vmem>> -> memref<1x80x16xf32, #tpu.memory_space<vmem>>
    %dma_start3A_157 = tpu.memref_squeeze %dma_start3A_156 : memref<1x80x16xf32, #tpu.memory_space<vmem>> -> memref<80x16xf32, #tpu.memory_space<vmem>>
    %dma_start3A_158 = arith.constant 0 : i32
    %dma_start3A_159 = tpu.memref_slice %arg3[%add3A_127, %dma_start3A_158] : memref<320000x16xf32, #tpu.memory_space<hbm>> -> memref<80x16xf32, #tpu.memory_space<hbm>>
    tpu.enqueue_dma source(%dma_start3A_159 : memref<80x16xf32, #tpu.memory_space<hbm>>) target(%dma_start3A_157 : memref<80x16xf32, #tpu.memory_space<vmem>>) target_semaphore(%dma_start3A_153 : memref<!tpu.dma_semaphore, #tpu.memory_space<semaphore_mem>>)
    %add3A_160 = arith.constant 320 : i32
    %add3A_161 = arith.addi %mul3A_2, %add3A_160 : i32
    %dma_start3A_162 = arith.constant 4 : i32
    %dma_start3A_163 = arith.constant 4 : i32
    %dma_start3A_164 = arith.constant 0 : i32
    %dma_start3A_165 = arith.constant 0 : i32
    %dma_start3A_166 = tpu.memref_slice %arg7[%dma_start3A_162, %dma_start3A_164, %dma_start3A_165] : memref<5x80x32xf32, #tpu.memory_space<vmem>> -> memref<1x80x32xf32, #tpu.memory_space<vmem>>
    %dma_start3A_167 = tpu.memref_squeeze %dma_start3A_166 : memref<1x80x32xf32, #tpu.memory_space<vmem>> -> memref<80x32xf32, #tpu.memory_space<vmem>>
    %dma_start3A_168 = arith.constant 0 : i32
    %dma_start3A_169 = tpu.memref_slice %arg2[%add3A_161, %dma_start3A_168] : memref<320000x32xf32, #tpu.memory_space<hbm>> -> memref<80x32xf32, #tpu.memory_space<hbm>>
    %dma_start3A_170 = tpu.memref_slice %arg14[%dma_start3A_163] : memref<5x!tpu.dma_semaphore, #tpu.memory_space<semaphore_mem>> -> memref<1x!tpu.dma_semaphore, #tpu.memory_space<semaphore_mem>>
    %dma_start3A_171 = tpu.memref_squeeze %dma_start3A_170 : memref<1x!tpu.dma_semaphore, #tpu.memory_space<semaphore_mem>> -> memref<!tpu.dma_semaphore, #tpu.memory_space<semaphore_mem>>
    %dma_start3A_172 = arith.constant 0 : i32
    %dma_start3A_173 = arith.constant 0 : i32
    %dma_start3A_174 = tpu.memref_slice %arg7[%dma_start3A_162, %dma_start3A_172, %dma_start3A_173] : memref<5x80x32xf32, #tpu.memory_space<vmem>> -> memref<1x80x32xf32, #tpu.memory_space<vmem>>
    %dma_start3A_175 = tpu.memref_squeeze %dma_start3A_174 : memref<1x80x32xf32, #tpu.memory_space<vmem>> -> memref<80x32xf32, #tpu.memory_space<vmem>>
    %dma_start3A_176 = arith.constant 0 : i32
    %dma_start3A_177 = tpu.memref_slice %arg2[%add3A_161, %dma_start3A_176] : memref<320000x32xf32, #tpu.memory_space<hbm>> -> memref<80x32xf32, #tpu.memory_space<hbm>>
    tpu.enqueue_dma source(%dma_start3A_177 : memref<80x32xf32, #tpu.memory_space<hbm>>) target(%dma_start3A_175 : memref<80x32xf32, #tpu.memory_space<vmem>>) target_semaphore(%dma_start3A_171 : memref<!tpu.dma_semaphore, #tpu.memory_space<semaphore_mem>>)
    %dma_start3A_178 = arith.constant 4 : i32
    %dma_start3A_179 = arith.constant 4 : i32
    %dma_start3A_180 = arith.constant 0 : i32
    %dma_start3A_181 = arith.constant 0 : i32
    %dma_start3A_182 = tpu.memref_slice %arg8[%dma_start3A_178, %dma_start3A_180, %dma_start3A_181] : memref<5x80x16xf32, #tpu.memory_space<vmem>> -> memref<1x80x16xf32, #tpu.memory_space<vmem>>
    %dma_start3A_183 = tpu.memref_squeeze %dma_start3A_182 : memref<1x80x16xf32, #tpu.memory_space<vmem>> -> memref<80x16xf32, #tpu.memory_space<vmem>>
    %dma_start3A_184 = arith.constant 0 : i32
    %dma_start3A_185 = tpu.memref_slice %arg3[%add3A_161, %dma_start3A_184] : memref<320000x16xf32, #tpu.memory_space<hbm>> -> memref<80x16xf32, #tpu.memory_space<hbm>>
    %dma_start3A_186 = tpu.memref_slice %arg15[%dma_start3A_179] : memref<5x!tpu.dma_semaphore, #tpu.memory_space<semaphore_mem>> -> memref<1x!tpu.dma_semaphore, #tpu.memory_space<semaphore_mem>>
    %dma_start3A_187 = tpu.memref_squeeze %dma_start3A_186 : memref<1x!tpu.dma_semaphore, #tpu.memory_space<semaphore_mem>> -> memref<!tpu.dma_semaphore, #tpu.memory_space<semaphore_mem>>
    %dma_start3A_188 = arith.constant 0 : i32
    %dma_start3A_189 = arith.constant 0 : i32
    %dma_start3A_190 = tpu.memref_slice %arg8[%dma_start3A_178, %dma_start3A_188, %dma_start3A_189] : memref<5x80x16xf32, #tpu.memory_space<vmem>> -> memref<1x80x16xf32, #tpu.memory_space<vmem>>
    %dma_start3A_191 = tpu.memref_squeeze %dma_start3A_190 : memref<1x80x16xf32, #tpu.memory_space<vmem>> -> memref<80x16xf32, #tpu.memory_space<vmem>>
    %dma_start3A_192 = arith.constant 0 : i32
    %dma_start3A_193 = tpu.memref_slice %arg3[%add3A_161, %dma_start3A_192] : memref<320000x16xf32, #tpu.memory_space<hbm>> -> memref<80x16xf32, #tpu.memory_space<hbm>>
    tpu.enqueue_dma source(%dma_start3A_193 : memref<80x16xf32, #tpu.memory_space<hbm>>) target(%dma_start3A_191 : memref<80x16xf32, #tpu.memory_space<vmem>>) target_semaphore(%dma_start3A_187 : memref<!tpu.dma_semaphore, #tpu.memory_space<semaphore_mem>>)
    %scan3A_194 = arith.constant 0 : i32
    %scan3A_195 = arith.constant 0 : i32
    %scan3A_196 = arith.constant 25 : i32
    %scan3A_197 = arith.addi %scan3A_195, %scan3A_196 : i32
    %scan3A_198 = arith.constant 1 : i32
    scf.for %scan3A_221 = %scan3A_195 to %scan3A_197 step %scan3A_198  : i32 {
      %mul3A_222 = arith.constant 5 : i32
      %mul3A_223 = arith.muli %scan3A_221, %mul3A_222 : i32
      %add3A_224 = arith.constant 0 : i32
      %add3A_225 = arith.addi %mul3A_223, %add3A_224 : i32
      %dma_wait3A = arith.constant 0 : i32
      %dma_wait3A_226 = arith.constant 0 : i32
      %dma_wait3A_227 = arith.constant 0 : i32
      %dma_wait3A_228 = arith.constant 0 : i32
      %dma_wait3A_229 = tpu.memref_slice %arg7[%dma_wait3A, %dma_wait3A_227, %dma_wait3A_228] : memref<5x80x32xf32, #tpu.memory_space<vmem>> -> memref<1x80x32xf32, #tpu.memory_space<vmem>>
      %dma_wait3A_230 = tpu.memref_squeeze %dma_wait3A_229 : memref<1x80x32xf32, #tpu.memory_space<vmem>> -> memref<80x32xf32, #tpu.memory_space<vmem>>
      %dma_wait3A_231 = arith.constant 0 : i32
      %dma_wait3A_232 = arith.constant 0 : i32
      %dma_wait3A_233 = tpu.memref_slice %arg2[%dma_wait3A_231, %dma_wait3A_232] : memref<320000x32xf32, #tpu.memory_space<hbm>> -> memref<80x32xf32, #tpu.memory_space<hbm>>
      %dma_wait3A_234 = tpu.memref_slice %arg14[%dma_wait3A_226] : memref<5x!tpu.dma_semaphore, #tpu.memory_space<semaphore_mem>> -> memref<1x!tpu.dma_semaphore, #tpu.memory_space<semaphore_mem>>
      %dma_wait3A_235 = tpu.memref_squeeze %dma_wait3A_234 : memref<1x!tpu.dma_semaphore, #tpu.memory_space<semaphore_mem>> -> memref<!tpu.dma_semaphore, #tpu.memory_space<semaphore_mem>>
      %dma_wait3A_236 = arith.constant 0 : i32
      %dma_wait3A_237 = arith.constant 0 : i32
      %dma_wait3A_238 = tpu.memref_slice %arg7[%dma_wait3A, %dma_wait3A_236, %dma_wait3A_237] : memref<5x80x32xf32, #tpu.memory_space<vmem>> -> memref<1x80x32xf32, #tpu.memory_space<vmem>>
      %dma_wait3A_239 = tpu.memref_squeeze %dma_wait3A_238 : memref<1x80x32xf32, #tpu.memory_space<vmem>> -> memref<80x32xf32, #tpu.memory_space<vmem>>
      %dma_wait3A_240 = arith.constant 0 : i32
      %dma_wait3A_241 = arith.constant 0 : i32
      %dma_wait3A_242 = tpu.memref_slice %arg2[%dma_wait3A_240, %dma_wait3A_241] : memref<320000x32xf32, #tpu.memory_space<hbm>> -> memref<80x32xf32, #tpu.memory_space<hbm>>
      tpu.wait_dma2 semaphore(%dma_wait3A_235 : memref<!tpu.dma_semaphore, #tpu.memory_space<semaphore_mem>>) src(%dma_wait3A_242 : memref<80x32xf32, #tpu.memory_space<hbm>>) dst(%dma_wait3A_239 : memref<80x32xf32, #tpu.memory_space<vmem>>)
      %dma_wait3A_243 = arith.constant 0 : i32
      %dma_wait3A_244 = arith.constant 0 : i32
      %dma_wait3A_245 = arith.constant 0 : i32
      %dma_wait3A_246 = arith.constant 0 : i32
      %dma_wait3A_247 = tpu.memref_slice %arg8[%dma_wait3A_243, %dma_wait3A_245, %dma_wait3A_246] : memref<5x80x16xf32, #tpu.memory_space<vmem>> -> memref<1x80x16xf32, #tpu.memory_space<vmem>>
      %dma_wait3A_248 = tpu.memref_squeeze %dma_wait3A_247 : memref<1x80x16xf32, #tpu.memory_space<vmem>> -> memref<80x16xf32, #tpu.memory_space<vmem>>
      %dma_wait3A_249 = arith.constant 0 : i32
      %dma_wait3A_250 = arith.constant 0 : i32
      %dma_wait3A_251 = tpu.memref_slice %arg3[%dma_wait3A_249, %dma_wait3A_250] : memref<320000x16xf32, #tpu.memory_space<hbm>> -> memref<80x16xf32, #tpu.memory_space<hbm>>
      %dma_wait3A_252 = tpu.memref_slice %arg15[%dma_wait3A_244] : memref<5x!tpu.dma_semaphore, #tpu.memory_space<semaphore_mem>> -> memref<1x!tpu.dma_semaphore, #tpu.memory_space<semaphore_mem>>
      %dma_wait3A_253 = tpu.memref_squeeze %dma_wait3A_252 : memref<1x!tpu.dma_semaphore, #tpu.memory_space<semaphore_mem>> -> memref<!tpu.dma_semaphore, #tpu.memory_space<semaphore_mem>>
      %dma_wait3A_254 = arith.constant 0 : i32
      %dma_wait3A_255 = arith.constant 0 : i32
      %dma_wait3A_256 = tpu.memref_slice %arg8[%dma_wait3A_243, %dma_wait3A_254, %dma_wait3A_255] : memref<5x80x16xf32, #tpu.memory_space<vmem>> -> memref<1x80x16xf32, #tpu.memory_space<vmem>>
      %dma_wait3A_257 = tpu.memref_squeeze %dma_wait3A_256 : memref<1x80x16xf32, #tpu.memory_space<vmem>> -> memref<80x16xf32, #tpu.memory_space<vmem>>
      %dma_wait3A_258 = arith.constant 0 : i32
      %dma_wait3A_259 = arith.constant 0 : i32
      %dma_wait3A_260 = tpu.memref_slice %arg3[%dma_wait3A_258, %dma_wait3A_259] : memref<320000x16xf32, #tpu.memory_space<hbm>> -> memref<80x16xf32, #tpu.memory_space<hbm>>
      tpu.wait_dma2 semaphore(%dma_wait3A_253 : memref<!tpu.dma_semaphore, #tpu.memory_space<semaphore_mem>>) src(%dma_wait3A_260 : memref<80x16xf32, #tpu.memory_space<hbm>>) dst(%dma_wait3A_257 : memref<80x16xf32, #tpu.memory_space<vmem>>)
      %dma_start3A_261 = arith.constant 0 : i32
      %dma_start3A_262 = arith.constant 0 : i32
      %dma_start3A_263 = arith.constant 0 : i32
      %dma_start3A_264 = tpu.memref_slice %arg7[%dma_start3A_261, %dma_start3A_262, %dma_start3A_263] : memref<5x80x32xf32, #tpu.memory_space<vmem>> -> memref<1x80x32xf32, #tpu.memory_space<vmem>>
      %dma_start3A_265 = tpu.memref_squeeze %dma_start3A_264 : memref<1x80x32xf32, #tpu.memory_space<vmem>> -> memref<80x32xf32, #tpu.memory_space<vmem>>
      %dma_start3A_266 = arith.constant 0 : i32
      %dma_start3A_267 = tpu.memref_slice %arg6[%add3A_225, %dma_start3A_266] : memref<125x80xi32, #tpu.memory_space<vmem>> -> memref<1x80xi32, #tpu.memory_space<vmem>>
      %dma_start3A_268 = tpu.memref_squeeze %dma_start3A_267 : memref<1x80xi32, #tpu.memory_space<vmem>> -> memref<80xi32, #tpu.memory_space<vmem>>
      %dma_start3A_269 = arith.constant 0 : i32
      %dma_start3A_270 = arith.constant 0 : i32
      %dma_start3A_271 = tpu.memref_slice %arg9[%dma_start3A_269, %dma_start3A_270] : memref<10240x32xf32, #tpu.memory_space<vmem_shared>> -> memref<10240x32xf32, #tpu.memory_space<vmem_shared>>
      tpu.enqueue_indirect_dma source(%dma_start3A_265 : memref<80x32xf32, #tpu.memory_space<vmem>>) target(%dma_start3A_271 : memref<10240x32xf32, #tpu.memory_space<vmem_shared>>) offsets(%dma_start3A_268 : memref<80xi32, #tpu.memory_space<vmem>>) semaphore(%arg16 : memref<!tpu.dma_semaphore, #tpu.memory_space<semaphore_mem>>) {add = true}
      %dma_start3A_272 = arith.constant 0 : i32
      %dma_start3A_273 = arith.constant 0 : i32
      %dma_start3A_274 = arith.constant 0 : i32
      %dma_start3A_275 = tpu.memref_slice %arg8[%dma_start3A_272, %dma_start3A_273, %dma_start3A_274] : memref<5x80x16xf32, #tpu.memory_space<vmem>> -> memref<1x80x16xf32, #tpu.memory_space<vmem>>
      %dma_start3A_276 = tpu.memref_squeeze %dma_start3A_275 : memref<1x80x16xf32, #tpu.memory_space<vmem>> -> memref<80x16xf32, #tpu.memory_space<vmem>>
      %dma_start3A_277 = arith.constant 0 : i32
      %dma_start3A_278 = tpu.memref_slice %arg6[%add3A_225, %dma_start3A_277] : memref<125x80xi32, #tpu.memory_space<vmem>> -> memref<1x80xi32, #tpu.memory_space<vmem>>
      %dma_start3A_279 = tpu.memref_squeeze %dma_start3A_278 : memref<1x80xi32, #tpu.memory_space<vmem>> -> memref<80xi32, #tpu.memory_space<vmem>>
      %dma_start3A_280 = arith.constant 0 : i32
      %dma_start3A_281 = arith.constant 0 : i32
      %dma_start3A_282 = tpu.memref_slice %arg10[%dma_start3A_280, %dma_start3A_281] : memref<10240x16xf32, #tpu.memory_space<vmem_shared>> -> memref<10240x16xf32, #tpu.memory_space<vmem_shared>>
      tpu.enqueue_indirect_dma source(%dma_start3A_276 : memref<80x16xf32, #tpu.memory_space<vmem>>) target(%dma_start3A_282 : memref<10240x16xf32, #tpu.memory_space<vmem_shared>>) offsets(%dma_start3A_279 : memref<80xi32, #tpu.memory_space<vmem>>) semaphore(%arg17 : memref<!tpu.dma_semaphore, #tpu.memory_space<semaphore_mem>>) {add = true}
      %dma_wait3A_283 = arith.constant 0 : i32
      %dma_wait3A_284 = arith.constant 0 : i32
      %dma_wait3A_285 = arith.constant 0 : i32
      %dma_wait3A_286 = tpu.memref_slice %arg7[%dma_wait3A_283, %dma_wait3A_284, %dma_wait3A_285] : memref<5x80x32xf32, #tpu.memory_space<vmem>> -> memref<1x80x32xf32, #tpu.memory_space<vmem>>
      %dma_wait3A_287 = tpu.memref_squeeze %dma_wait3A_286 : memref<1x80x32xf32, #tpu.memory_space<vmem>> -> memref<80x32xf32, #tpu.memory_space<vmem>>
      %dma_wait3A_288 = arith.constant 0 : i32
      %dma_wait3A_289 = tpu.memref_slice %arg6[%add3A_225, %dma_wait3A_288] : memref<125x80xi32, #tpu.memory_space<vmem>> -> memref<1x80xi32, #tpu.memory_space<vmem>>
      %dma_wait3A_290 = tpu.memref_squeeze %dma_wait3A_289 : memref<1x80xi32, #tpu.memory_space<vmem>> -> memref<80xi32, #tpu.memory_space<vmem>>
      %dma_wait3A_291 = arith.constant 0 : i32
      %dma_wait3A_292 = arith.constant 0 : i32
      %dma_wait3A_293 = tpu.memref_slice %arg9[%dma_wait3A_291, %dma_wait3A_292] : memref<10240x32xf32, #tpu.memory_space<vmem_shared>> -> memref<10240x32xf32, #tpu.memory_space<vmem_shared>>
      tpu.wait_indirect_dma semaphore(%arg16 : memref<!tpu.dma_semaphore, #tpu.memory_space<semaphore_mem>>) src(%dma_wait3A_287 : memref<80x32xf32, #tpu.memory_space<vmem>>) dst(%dma_wait3A_293 : memref<10240x32xf32, #tpu.memory_space<vmem_shared>>)
      %dma_wait3A_294 = arith.constant 0 : i32
      %dma_wait3A_295 = arith.constant 0 : i32
      %dma_wait3A_296 = arith.constant 0 : i32
      %dma_wait3A_297 = tpu.memref_slice %arg8[%dma_wait3A_294, %dma_wait3A_295, %dma_wait3A_296] : memref<5x80x16xf32, #tpu.memory_space<vmem>> -> memref<1x80x16xf32, #tpu.memory_space<vmem>>
      %dma_wait3A_298 = tpu.memref_squeeze %dma_wait3A_297 : memref<1x80x16xf32, #tpu.memory_space<vmem>> -> memref<80x16xf32, #tpu.memory_space<vmem>>
      %dma_wait3A_299 = arith.constant 0 : i32
      %dma_wait3A_300 = tpu.memref_slice %arg6[%add3A_225, %dma_wait3A_299] : memref<125x80xi32, #tpu.memory_space<vmem>> -> memref<1x80xi32, #tpu.memory_space<vmem>>
      %dma_wait3A_301 = tpu.memref_squeeze %dma_wait3A_300 : memref<1x80xi32, #tpu.memory_space<vmem>> -> memref<80xi32, #tpu.memory_space<vmem>>
      %dma_wait3A_302 = arith.constant 0 : i32
      %dma_wait3A_303 = arith.constant 0 : i32
      %dma_wait3A_304 = tpu.memref_slice %arg10[%dma_wait3A_302, %dma_wait3A_303] : memref<10240x16xf32, #tpu.memory_space<vmem_shared>> -> memref<10240x16xf32, #tpu.memory_space<vmem_shared>>
      tpu.wait_indirect_dma semaphore(%arg17 : memref<!tpu.dma_semaphore, #tpu.memory_space<semaphore_mem>>) src(%dma_wait3A_298 : memref<80x16xf32, #tpu.memory_space<vmem>>) dst(%dma_wait3A_304 : memref<10240x16xf32, #tpu.memory_space<vmem_shared>>)
      %add3A_305 = arith.constant 5 : i32
      %add3A_306 = arith.addi %add3A_225, %add3A_305 : i32
      %min3A = arith.constant 124 : i32
      %min3A_307 = arith.minsi %add3A_306, %min3A : i32
      %add3A_308 = arith.constant 5 : i32
      %add3A_309 = arith.addi %add3A_225, %add3A_308 : i32
      %lt3A = arith.constant 125 : i32
      %lt3A_310 = arith.cmpi slt, %add3A_309, %lt3A : i32
      %convert_element_type3A = arith.extui %lt3A_310 : i1 to i32
      %cond3A = arith.constant 0 : i32
      %cond3A_311 = arith.cmpi ne, %convert_element_type3A, %cond3A : i32
      scf.if %cond3A_311 {
        %mul3A_692 = arith.constant 80 : i32
        %mul3A_693 = arith.muli %min3A_307, %mul3A_692 : i32
        %add3A_694 = arith.addi %mul3A_2, %mul3A_693 : i32
        %dma_start3A_695 = arith.constant 0 : i32
        %dma_start3A_696 = arith.constant 0 : i32
        %dma_start3A_697 = arith.constant 0 : i32
        %dma_start3A_698 = arith.constant 0 : i32
        %dma_start3A_699 = tpu.memref_slice %arg7[%dma_start3A_695, %dma_start3A_697, %dma_start3A_698] : memref<5x80x32xf32, #tpu.memory_space<vmem>> -> memref<1x80x32xf32, #tpu.memory_space<vmem>>
        %dma_start3A_700 = tpu.memref_squeeze %dma_start3A_699 : memref<1x80x32xf32, #tpu.memory_space<vmem>> -> memref<80x32xf32, #tpu.memory_space<vmem>>
        %dma_start3A_701 = arith.constant 0 : i32
        %dma_start3A_702 = tpu.memref_slice %arg2[%add3A_694, %dma_start3A_701] : memref<320000x32xf32, #tpu.memory_space<hbm>> -> memref<80x32xf32, #tpu.memory_space<hbm>>
        %dma_start3A_703 = tpu.memref_slice %arg14[%dma_start3A_696] : memref<5x!tpu.dma_semaphore, #tpu.memory_space<semaphore_mem>> -> memref<1x!tpu.dma_semaphore, #tpu.memory_space<semaphore_mem>>
        %dma_start3A_704 = tpu.memref_squeeze %dma_start3A_703 : memref<1x!tpu.dma_semaphore, #tpu.memory_space<semaphore_mem>> -> memref<!tpu.dma_semaphore, #tpu.memory_space<semaphore_mem>>
        %dma_start3A_705 = arith.constant 0 : i32
        %dma_start3A_706 = arith.constant 0 : i32
        %dma_start3A_707 = tpu.memref_slice %arg7[%dma_start3A_695, %dma_start3A_705, %dma_start3A_706] : memref<5x80x32xf32, #tpu.memory_space<vmem>> -> memref<1x80x32xf32, #tpu.memory_space<vmem>>
        %dma_start3A_708 = tpu.memref_squeeze %dma_start3A_707 : memref<1x80x32xf32, #tpu.memory_space<vmem>> -> memref<80x32xf32, #tpu.memory_space<vmem>>
        %dma_start3A_709 = arith.constant 0 : i32
        %dma_start3A_710 = tpu.memref_slice %arg2[%add3A_694, %dma_start3A_709] : memref<320000x32xf32, #tpu.memory_space<hbm>> -> memref<80x32xf32, #tpu.memory_space<hbm>>
        tpu.enqueue_dma source(%dma_start3A_710 : memref<80x32xf32, #tpu.memory_space<hbm>>) target(%dma_start3A_708 : memref<80x32xf32, #tpu.memory_space<vmem>>) target_semaphore(%dma_start3A_704 : memref<!tpu.dma_semaphore, #tpu.memory_space<semaphore_mem>>)
        %dma_start3A_711 = arith.constant 0 : i32
        %dma_start3A_712 = arith.constant 0 : i32
        %dma_start3A_713 = arith.constant 0 : i32
        %dma_start3A_714 = arith.constant 0 : i32
        %dma_start3A_715 = tpu.memref_slice %arg8[%dma_start3A_711, %dma_start3A_713, %dma_start3A_714] : memref<5x80x16xf32, #tpu.memory_space<vmem>> -> memref<1x80x16xf32, #tpu.memory_space<vmem>>
        %dma_start3A_716 = tpu.memref_squeeze %dma_start3A_715 : memref<1x80x16xf32, #tpu.memory_space<vmem>> -> memref<80x16xf32, #tpu.memory_space<vmem>>
        %dma_start3A_717 = arith.constant 0 : i32
        %dma_start3A_718 = tpu.memref_slice %arg3[%add3A_694, %dma_start3A_717] : memref<320000x16xf32, #tpu.memory_space<hbm>> -> memref<80x16xf32, #tpu.memory_space<hbm>>
        %dma_start3A_719 = tpu.memref_slice %arg15[%dma_start3A_712] : memref<5x!tpu.dma_semaphore, #tpu.memory_space<semaphore_mem>> -> memref<1x!tpu.dma_semaphore, #tpu.memory_space<semaphore_mem>>
        %dma_start3A_720 = tpu.memref_squeeze %dma_start3A_719 : memref<1x!tpu.dma_semaphore, #tpu.memory_space<semaphore_mem>> -> memref<!tpu.dma_semaphore, #tpu.memory_space<semaphore_mem>>
        %dma_start3A_721 = arith.constant 0 : i32
        %dma_start3A_722 = arith.constant 0 : i32
        %dma_start3A_723 = tpu.memref_slice %arg8[%dma_start3A_711, %dma_start3A_721, %dma_start3A_722] : memref<5x80x16xf32, #tpu.memory_space<vmem>> -> memref<1x80x16xf32, #tpu.memory_space<vmem>>
        %dma_start3A_724 = tpu.memref_squeeze %dma_start3A_723 : memref<1x80x16xf32, #tpu.memory_space<vmem>> -> memref<80x16xf32, #tpu.memory_space<vmem>>
        %dma_start3A_725 = arith.constant 0 : i32
        %dma_start3A_726 = tpu.memref_slice %arg3[%add3A_694, %dma_start3A_725] : memref<320000x16xf32, #tpu.memory_space<hbm>> -> memref<80x16xf32, #tpu.memory_space<hbm>>
        tpu.enqueue_dma source(%dma_start3A_726 : memref<80x16xf32, #tpu.memory_space<hbm>>) target(%dma_start3A_724 : memref<80x16xf32, #tpu.memory_space<vmem>>) target_semaphore(%dma_start3A_720 : memref<!tpu.dma_semaphore, #tpu.memory_space<semaphore_mem>>)
      } else {
      }
      %mul3A_312 = arith.constant 5 : i32
      %mul3A_313 = arith.muli %scan3A_221, %mul3A_312 : i32
      %add3A_314 = arith.constant 1 : i32
      %add3A_315 = arith.addi %mul3A_313, %add3A_314 : i32
      %dma_wait3A_316 = arith.constant 1 : i32
      %dma_wait3A_317 = arith.constant 1 : i32
      %dma_wait3A_318 = arith.constant 0 : i32
      %dma_wait3A_319 = arith.constant 0 : i32
      %dma_wait3A_320 = tpu.memref_slice %arg7[%dma_wait3A_316, %dma_wait3A_318, %dma_wait3A_319] : memref<5x80x32xf32, #tpu.memory_space<vmem>> -> memref<1x80x32xf32, #tpu.memory_space<vmem>>
      %dma_wait3A_321 = tpu.memref_squeeze %dma_wait3A_320 : memref<1x80x32xf32, #tpu.memory_space<vmem>> -> memref<80x32xf32, #tpu.memory_space<vmem>>
      %dma_wait3A_322 = arith.constant 0 : i32
      %dma_wait3A_323 = arith.constant 0 : i32
      %dma_wait3A_324 = tpu.memref_slice %arg2[%dma_wait3A_322, %dma_wait3A_323] : memref<320000x32xf32, #tpu.memory_space<hbm>> -> memref<80x32xf32, #tpu.memory_space<hbm>>
      %dma_wait3A_325 = tpu.memref_slice %arg14[%dma_wait3A_317] : memref<5x!tpu.dma_semaphore, #tpu.memory_space<semaphore_mem>> -> memref<1x!tpu.dma_semaphore, #tpu.memory_space<semaphore_mem>>
      %dma_wait3A_326 = tpu.memref_squeeze %dma_wait3A_325 : memref<1x!tpu.dma_semaphore, #tpu.memory_space<semaphore_mem>> -> memref<!tpu.dma_semaphore, #tpu.memory_space<semaphore_mem>>
      %dma_wait3A_327 = arith.constant 0 : i32
      %dma_wait3A_328 = arith.constant 0 : i32
      %dma_wait3A_329 = tpu.memref_slice %arg7[%dma_wait3A_316, %dma_wait3A_327, %dma_wait3A_328] : memref<5x80x32xf32, #tpu.memory_space<vmem>> -> memref<1x80x32xf32, #tpu.memory_space<vmem>>
      %dma_wait3A_330 = tpu.memref_squeeze %dma_wait3A_329 : memref<1x80x32xf32, #tpu.memory_space<vmem>> -> memref<80x32xf32, #tpu.memory_space<vmem>>
      %dma_wait3A_331 = arith.constant 0 : i32
      %dma_wait3A_332 = arith.constant 0 : i32
      %dma_wait3A_333 = tpu.memref_slice %arg2[%dma_wait3A_331, %dma_wait3A_332] : memref<320000x32xf32, #tpu.memory_space<hbm>> -> memref<80x32xf32, #tpu.memory_space<hbm>>
      tpu.wait_dma2 semaphore(%dma_wait3A_326 : memref<!tpu.dma_semaphore, #tpu.memory_space<semaphore_mem>>) src(%dma_wait3A_333 : memref<80x32xf32, #tpu.memory_space<hbm>>) dst(%dma_wait3A_330 : memref<80x32xf32, #tpu.memory_space<vmem>>)
      %dma_wait3A_334 = arith.constant 1 : i32
      %dma_wait3A_335 = arith.constant 1 : i32
      %dma_wait3A_336 = arith.constant 0 : i32
      %dma_wait3A_337 = arith.constant 0 : i32
      %dma_wait3A_338 = tpu.memref_slice %arg8[%dma_wait3A_334, %dma_wait3A_336, %dma_wait3A_337] : memref<5x80x16xf32, #tpu.memory_space<vmem>> -> memref<1x80x16xf32, #tpu.memory_space<vmem>>
      %dma_wait3A_339 = tpu.memref_squeeze %dma_wait3A_338 : memref<1x80x16xf32, #tpu.memory_space<vmem>> -> memref<80x16xf32, #tpu.memory_space<vmem>>
      %dma_wait3A_340 = arith.constant 0 : i32
      %dma_wait3A_341 = arith.constant 0 : i32
      %dma_wait3A_342 = tpu.memref_slice %arg3[%dma_wait3A_340, %dma_wait3A_341] : memref<320000x16xf32, #tpu.memory_space<hbm>> -> memref<80x16xf32, #tpu.memory_space<hbm>>
      %dma_wait3A_343 = tpu.memref_slice %arg15[%dma_wait3A_335] : memref<5x!tpu.dma_semaphore, #tpu.memory_space<semaphore_mem>> -> memref<1x!tpu.dma_semaphore, #tpu.memory_space<semaphore_mem>>
      %dma_wait3A_344 = tpu.memref_squeeze %dma_wait3A_343 : memref<1x!tpu.dma_semaphore, #tpu.memory_space<semaphore_mem>> -> memref<!tpu.dma_semaphore, #tpu.memory_space<semaphore_mem>>
      %dma_wait3A_345 = arith.constant 0 : i32
      %dma_wait3A_346 = arith.constant 0 : i32
      %dma_wait3A_347 = tpu.memref_slice %arg8[%dma_wait3A_334, %dma_wait3A_345, %dma_wait3A_346] : memref<5x80x16xf32, #tpu.memory_space<vmem>> -> memref<1x80x16xf32, #tpu.memory_space<vmem>>
      %dma_wait3A_348 = tpu.memref_squeeze %dma_wait3A_347 : memref<1x80x16xf32, #tpu.memory_space<vmem>> -> memref<80x16xf32, #tpu.memory_space<vmem>>
      %dma_wait3A_349 = arith.constant 0 : i32
      %dma_wait3A_350 = arith.constant 0 : i32
      %dma_wait3A_351 = tpu.memref_slice %arg3[%dma_wait3A_349, %dma_wait3A_350] : memref<320000x16xf32, #tpu.memory_space<hbm>> -> memref<80x16xf32, #tpu.memory_space<hbm>>
      tpu.wait_dma2 semaphore(%dma_wait3A_344 : memref<!tpu.dma_semaphore, #tpu.memory_space<semaphore_mem>>) src(%dma_wait3A_351 : memref<80x16xf32, #tpu.memory_space<hbm>>) dst(%dma_wait3A_348 : memref<80x16xf32, #tpu.memory_space<vmem>>)
      %dma_start3A_352 = arith.constant 1 : i32
      %dma_start3A_353 = arith.constant 0 : i32
      %dma_start3A_354 = arith.constant 0 : i32
      %dma_start3A_355 = tpu.memref_slice %arg7[%dma_start3A_352, %dma_start3A_353, %dma_start3A_354] : memref<5x80x32xf32, #tpu.memory_space<vmem>> -> memref<1x80x32xf32, #tpu.memory_space<vmem>>
      %dma_start3A_356 = tpu.memref_squeeze %dma_start3A_355 : memref<1x80x32xf32, #tpu.memory_space<vmem>> -> memref<80x32xf32, #tpu.memory_space<vmem>>
      %dma_start3A_357 = arith.constant 0 : i32
      %dma_start3A_358 = tpu.memref_slice %arg6[%add3A_315, %dma_start3A_357] : memref<125x80xi32, #tpu.memory_space<vmem>> -> memref<1x80xi32, #tpu.memory_space<vmem>>
      %dma_start3A_359 = tpu.memref_squeeze %dma_start3A_358 : memref<1x80xi32, #tpu.memory_space<vmem>> -> memref<80xi32, #tpu.memory_space<vmem>>
      %dma_start3A_360 = arith.constant 0 : i32
      %dma_start3A_361 = arith.constant 0 : i32
      %dma_start3A_362 = tpu.memref_slice %arg9[%dma_start3A_360, %dma_start3A_361] : memref<10240x32xf32, #tpu.memory_space<vmem_shared>> -> memref<10240x32xf32, #tpu.memory_space<vmem_shared>>
      tpu.enqueue_indirect_dma source(%dma_start3A_356 : memref<80x32xf32, #tpu.memory_space<vmem>>) target(%dma_start3A_362 : memref<10240x32xf32, #tpu.memory_space<vmem_shared>>) offsets(%dma_start3A_359 : memref<80xi32, #tpu.memory_space<vmem>>) semaphore(%arg16 : memref<!tpu.dma_semaphore, #tpu.memory_space<semaphore_mem>>) {add = true}
      %dma_start3A_363 = arith.constant 1 : i32
      %dma_start3A_364 = arith.constant 0 : i32
      %dma_start3A_365 = arith.constant 0 : i32
      %dma_start3A_366 = tpu.memref_slice %arg8[%dma_start3A_363, %dma_start3A_364, %dma_start3A_365] : memref<5x80x16xf32, #tpu.memory_space<vmem>> -> memref<1x80x16xf32, #tpu.memory_space<vmem>>
      %dma_start3A_367 = tpu.memref_squeeze %dma_start3A_366 : memref<1x80x16xf32, #tpu.memory_space<vmem>> -> memref<80x16xf32, #tpu.memory_space<vmem>>
      %dma_start3A_368 = arith.constant 0 : i32
      %dma_start3A_369 = tpu.memref_slice %arg6[%add3A_315, %dma_start3A_368] : memref<125x80xi32, #tpu.memory_space<vmem>> -> memref<1x80xi32, #tpu.memory_space<vmem>>
      %dma_start3A_370 = tpu.memref_squeeze %dma_start3A_369 : memref<1x80xi32, #tpu.memory_space<vmem>> -> memref<80xi32, #tpu.memory_space<vmem>>
      %dma_start3A_371 = arith.constant 0 : i32
      %dma_start3A_372 = arith.constant 0 : i32
      %dma_start3A_373 = tpu.memref_slice %arg10[%dma_start3A_371, %dma_start3A_372] : memref<10240x16xf32, #tpu.memory_space<vmem_shared>> -> memref<10240x16xf32, #tpu.memory_space<vmem_shared>>
      tpu.enqueue_indirect_dma source(%dma_start3A_367 : memref<80x16xf32, #tpu.memory_space<vmem>>) target(%dma_start3A_373 : memref<10240x16xf32, #tpu.memory_space<vmem_shared>>) offsets(%dma_start3A_370 : memref<80xi32, #tpu.memory_space<vmem>>) semaphore(%arg17 : memref<!tpu.dma_semaphore, #tpu.memory_space<semaphore_mem>>) {add = true}
      %dma_wait3A_374 = arith.constant 1 : i32
      %dma_wait3A_375 = arith.constant 0 : i32
      %dma_wait3A_376 = arith.constant 0 : i32
      %dma_wait3A_377 = tpu.memref_slice %arg7[%dma_wait3A_374, %dma_wait3A_375, %dma_wait3A_376] : memref<5x80x32xf32, #tpu.memory_space<vmem>> -> memref<1x80x32xf32, #tpu.memory_space<vmem>>
      %dma_wait3A_378 = tpu.memref_squeeze %dma_wait3A_377 : memref<1x80x32xf32, #tpu.memory_space<vmem>> -> memref<80x32xf32, #tpu.memory_space<vmem>>
      %dma_wait3A_379 = arith.constant 0 : i32
      %dma_wait3A_380 = tpu.memref_slice %arg6[%add3A_315, %dma_wait3A_379] : memref<125x80xi32, #tpu.memory_space<vmem>> -> memref<1x80xi32, #tpu.memory_space<vmem>>
      %dma_wait3A_381 = tpu.memref_squeeze %dma_wait3A_380 : memref<1x80xi32, #tpu.memory_space<vmem>> -> memref<80xi32, #tpu.memory_space<vmem>>
      %dma_wait3A_382 = arith.constant 0 : i32
      %dma_wait3A_383 = arith.constant 0 : i32
      %dma_wait3A_384 = tpu.memref_slice %arg9[%dma_wait3A_382, %dma_wait3A_383] : memref<10240x32xf32, #tpu.memory_space<vmem_shared>> -> memref<10240x32xf32, #tpu.memory_space<vmem_shared>>
      tpu.wait_indirect_dma semaphore(%arg16 : memref<!tpu.dma_semaphore, #tpu.memory_space<semaphore_mem>>) src(%dma_wait3A_378 : memref<80x32xf32, #tpu.memory_space<vmem>>) dst(%dma_wait3A_384 : memref<10240x32xf32, #tpu.memory_space<vmem_shared>>)
      %dma_wait3A_385 = arith.constant 1 : i32
      %dma_wait3A_386 = arith.constant 0 : i32
      %dma_wait3A_387 = arith.constant 0 : i32
      %dma_wait3A_388 = tpu.memref_slice %arg8[%dma_wait3A_385, %dma_wait3A_386, %dma_wait3A_387] : memref<5x80x16xf32, #tpu.memory_space<vmem>> -> memref<1x80x16xf32, #tpu.memory_space<vmem>>
      %dma_wait3A_389 = tpu.memref_squeeze %dma_wait3A_388 : memref<1x80x16xf32, #tpu.memory_space<vmem>> -> memref<80x16xf32, #tpu.memory_space<vmem>>
      %dma_wait3A_390 = arith.constant 0 : i32
      %dma_wait3A_391 = tpu.memref_slice %arg6[%add3A_315, %dma_wait3A_390] : memref<125x80xi32, #tpu.memory_space<vmem>> -> memref<1x80xi32, #tpu.memory_space<vmem>>
      %dma_wait3A_392 = tpu.memref_squeeze %dma_wait3A_391 : memref<1x80xi32, #tpu.memory_space<vmem>> -> memref<80xi32, #tpu.memory_space<vmem>>
      %dma_wait3A_393 = arith.constant 0 : i32
      %dma_wait3A_394 = arith.constant 0 : i32
      %dma_wait3A_395 = tpu.memref_slice %arg10[%dma_wait3A_393, %dma_wait3A_394] : memref<10240x16xf32, #tpu.memory_space<vmem_shared>> -> memref<10240x16xf32, #tpu.memory_space<vmem_shared>>
      tpu.wait_indirect_dma semaphore(%arg17 : memref<!tpu.dma_semaphore, #tpu.memory_space<semaphore_mem>>) src(%dma_wait3A_389 : memref<80x16xf32, #tpu.memory_space<vmem>>) dst(%dma_wait3A_395 : memref<10240x16xf32, #tpu.memory_space<vmem_shared>>)
      %add3A_396 = arith.constant 5 : i32
      %add3A_397 = arith.addi %add3A_315, %add3A_396 : i32
      %min3A_398 = arith.constant 124 : i32
      %min3A_399 = arith.minsi %add3A_397, %min3A_398 : i32
      %add3A_400 = arith.constant 5 : i32
      %add3A_401 = arith.addi %add3A_315, %add3A_400 : i32
      %lt3A_402 = arith.constant 125 : i32
      %lt3A_403 = arith.cmpi slt, %add3A_401, %lt3A_402 : i32
      %convert_element_type3A_404 = arith.extui %lt3A_403 : i1 to i32
      %cond3A_405 = arith.constant 0 : i32
      %cond3A_406 = arith.cmpi ne, %convert_element_type3A_404, %cond3A_405 : i32
      scf.if %cond3A_406 {
        %mul3A_692 = arith.constant 80 : i32
        %mul3A_693 = arith.muli %min3A_399, %mul3A_692 : i32
        %add3A_694 = arith.addi %mul3A_2, %mul3A_693 : i32
        %dma_start3A_695 = arith.constant 1 : i32
        %dma_start3A_696 = arith.constant 1 : i32
        %dma_start3A_697 = arith.constant 0 : i32
        %dma_start3A_698 = arith.constant 0 : i32
        %dma_start3A_699 = tpu.memref_slice %arg7[%dma_start3A_695, %dma_start3A_697, %dma_start3A_698] : memref<5x80x32xf32, #tpu.memory_space<vmem>> -> memref<1x80x32xf32, #tpu.memory_space<vmem>>
        %dma_start3A_700 = tpu.memref_squeeze %dma_start3A_699 : memref<1x80x32xf32, #tpu.memory_space<vmem>> -> memref<80x32xf32, #tpu.memory_space<vmem>>
        %dma_start3A_701 = arith.constant 0 : i32
        %dma_start3A_702 = tpu.memref_slice %arg2[%add3A_694, %dma_start3A_701] : memref<320000x32xf32, #tpu.memory_space<hbm>> -> memref<80x32xf32, #tpu.memory_space<hbm>>
        %dma_start3A_703 = tpu.memref_slice %arg14[%dma_start3A_696] : memref<5x!tpu.dma_semaphore, #tpu.memory_space<semaphore_mem>> -> memref<1x!tpu.dma_semaphore, #tpu.memory_space<semaphore_mem>>
        %dma_start3A_704 = tpu.memref_squeeze %dma_start3A_703 : memref<1x!tpu.dma_semaphore, #tpu.memory_space<semaphore_mem>> -> memref<!tpu.dma_semaphore, #tpu.memory_space<semaphore_mem>>
        %dma_start3A_705 = arith.constant 0 : i32
        %dma_start3A_706 = arith.constant 0 : i32
        %dma_start3A_707 = tpu.memref_slice %arg7[%dma_start3A_695, %dma_start3A_705, %dma_start3A_706] : memref<5x80x32xf32, #tpu.memory_space<vmem>> -> memref<1x80x32xf32, #tpu.memory_space<vmem>>
        %dma_start3A_708 = tpu.memref_squeeze %dma_start3A_707 : memref<1x80x32xf32, #tpu.memory_space<vmem>> -> memref<80x32xf32, #tpu.memory_space<vmem>>
        %dma_start3A_709 = arith.constant 0 : i32
        %dma_start3A_710 = tpu.memref_slice %arg2[%add3A_694, %dma_start3A_709] : memref<320000x32xf32, #tpu.memory_space<hbm>> -> memref<80x32xf32, #tpu.memory_space<hbm>>
        tpu.enqueue_dma source(%dma_start3A_710 : memref<80x32xf32, #tpu.memory_space<hbm>>) target(%dma_start3A_708 : memref<80x32xf32, #tpu.memory_space<vmem>>) target_semaphore(%dma_start3A_704 : memref<!tpu.dma_semaphore, #tpu.memory_space<semaphore_mem>>)
        %dma_start3A_711 = arith.constant 1 : i32
        %dma_start3A_712 = arith.constant 1 : i32
        %dma_start3A_713 = arith.constant 0 : i32
        %dma_start3A_714 = arith.constant 0 : i32
        %dma_start3A_715 = tpu.memref_slice %arg8[%dma_start3A_711, %dma_start3A_713, %dma_start3A_714] : memref<5x80x16xf32, #tpu.memory_space<vmem>> -> memref<1x80x16xf32, #tpu.memory_space<vmem>>
        %dma_start3A_716 = tpu.memref_squeeze %dma_start3A_715 : memref<1x80x16xf32, #tpu.memory_space<vmem>> -> memref<80x16xf32, #tpu.memory_space<vmem>>
        %dma_start3A_717 = arith.constant 0 : i32
        %dma_start3A_718 = tpu.memref_slice %arg3[%add3A_694, %dma_start3A_717] : memref<320000x16xf32, #tpu.memory_space<hbm>> -> memref<80x16xf32, #tpu.memory_space<hbm>>
        %dma_start3A_719 = tpu.memref_slice %arg15[%dma_start3A_712] : memref<5x!tpu.dma_semaphore, #tpu.memory_space<semaphore_mem>> -> memref<1x!tpu.dma_semaphore, #tpu.memory_space<semaphore_mem>>
        %dma_start3A_720 = tpu.memref_squeeze %dma_start3A_719 : memref<1x!tpu.dma_semaphore, #tpu.memory_space<semaphore_mem>> -> memref<!tpu.dma_semaphore, #tpu.memory_space<semaphore_mem>>
        %dma_start3A_721 = arith.constant 0 : i32
        %dma_start3A_722 = arith.constant 0 : i32
        %dma_start3A_723 = tpu.memref_slice %arg8[%dma_start3A_711, %dma_start3A_721, %dma_start3A_722] : memref<5x80x16xf32, #tpu.memory_space<vmem>> -> memref<1x80x16xf32, #tpu.memory_space<vmem>>
        %dma_start3A_724 = tpu.memref_squeeze %dma_start3A_723 : memref<1x80x16xf32, #tpu.memory_space<vmem>> -> memref<80x16xf32, #tpu.memory_space<vmem>>
        %dma_start3A_725 = arith.constant 0 : i32
        %dma_start3A_726 = tpu.memref_slice %arg3[%add3A_694, %dma_start3A_725] : memref<320000x16xf32, #tpu.memory_space<hbm>> -> memref<80x16xf32, #tpu.memory_space<hbm>>
        tpu.enqueue_dma source(%dma_start3A_726 : memref<80x16xf32, #tpu.memory_space<hbm>>) target(%dma_start3A_724 : memref<80x16xf32, #tpu.memory_space<vmem>>) target_semaphore(%dma_start3A_720 : memref<!tpu.dma_semaphore, #tpu.memory_space<semaphore_mem>>)
      } else {
      }
      %mul3A_407 = arith.constant 5 : i32
      %mul3A_408 = arith.muli %scan3A_221, %mul3A_407 : i32
      %add3A_409 = arith.constant 2 : i32
      %add3A_410 = arith.addi %mul3A_408, %add3A_409 : i32
      %dma_wait3A_411 = arith.constant 2 : i32
      %dma_wait3A_412 = arith.constant 2 : i32
      %dma_wait3A_413 = arith.constant 0 : i32
      %dma_wait3A_414 = arith.constant 0 : i32
      %dma_wait3A_415 = tpu.memref_slice %arg7[%dma_wait3A_411, %dma_wait3A_413, %dma_wait3A_414] : memref<5x80x32xf32, #tpu.memory_space<vmem>> -> memref<1x80x32xf32, #tpu.memory_space<vmem>>
      %dma_wait3A_416 = tpu.memref_squeeze %dma_wait3A_415 : memref<1x80x32xf32, #tpu.memory_space<vmem>> -> memref<80x32xf32, #tpu.memory_space<vmem>>
      %dma_wait3A_417 = arith.constant 0 : i32
      %dma_wait3A_418 = arith.constant 0 : i32
      %dma_wait3A_419 = tpu.memref_slice %arg2[%dma_wait3A_417, %dma_wait3A_418] : memref<320000x32xf32, #tpu.memory_space<hbm>> -> memref<80x32xf32, #tpu.memory_space<hbm>>
      %dma_wait3A_420 = tpu.memref_slice %arg14[%dma_wait3A_412] : memref<5x!tpu.dma_semaphore, #tpu.memory_space<semaphore_mem>> -> memref<1x!tpu.dma_semaphore, #tpu.memory_space<semaphore_mem>>
      %dma_wait3A_421 = tpu.memref_squeeze %dma_wait3A_420 : memref<1x!tpu.dma_semaphore, #tpu.memory_space<semaphore_mem>> -> memref<!tpu.dma_semaphore, #tpu.memory_space<semaphore_mem>>
      %dma_wait3A_422 = arith.constant 0 : i32
      %dma_wait3A_423 = arith.constant 0 : i32
      %dma_wait3A_424 = tpu.memref_slice %arg7[%dma_wait3A_411, %dma_wait3A_422, %dma_wait3A_423] : memref<5x80x32xf32, #tpu.memory_space<vmem>> -> memref<1x80x32xf32, #tpu.memory_space<vmem>>
      %dma_wait3A_425 = tpu.memref_squeeze %dma_wait3A_424 : memref<1x80x32xf32, #tpu.memory_space<vmem>> -> memref<80x32xf32, #tpu.memory_space<vmem>>
      %dma_wait3A_426 = arith.constant 0 : i32
      %dma_wait3A_427 = arith.constant 0 : i32
      %dma_wait3A_428 = tpu.memref_slice %arg2[%dma_wait3A_426, %dma_wait3A_427] : memref<320000x32xf32, #tpu.memory_space<hbm>> -> memref<80x32xf32, #tpu.memory_space<hbm>>
      tpu.wait_dma2 semaphore(%dma_wait3A_421 : memref<!tpu.dma_semaphore, #tpu.memory_space<semaphore_mem>>) src(%dma_wait3A_428 : memref<80x32xf32, #tpu.memory_space<hbm>>) dst(%dma_wait3A_425 : memref<80x32xf32, #tpu.memory_space<vmem>>)
      %dma_wait3A_429 = arith.constant 2 : i32
      %dma_wait3A_430 = arith.constant 2 : i32
      %dma_wait3A_431 = arith.constant 0 : i32
      %dma_wait3A_432 = arith.constant 0 : i32
      %dma_wait3A_433 = tpu.memref_slice %arg8[%dma_wait3A_429, %dma_wait3A_431, %dma_wait3A_432] : memref<5x80x16xf32, #tpu.memory_space<vmem>> -> memref<1x80x16xf32, #tpu.memory_space<vmem>>
      %dma_wait3A_434 = tpu.memref_squeeze %dma_wait3A_433 : memref<1x80x16xf32, #tpu.memory_space<vmem>> -> memref<80x16xf32, #tpu.memory_space<vmem>>
      %dma_wait3A_435 = arith.constant 0 : i32
      %dma_wait3A_436 = arith.constant 0 : i32
      %dma_wait3A_437 = tpu.memref_slice %arg3[%dma_wait3A_435, %dma_wait3A_436] : memref<320000x16xf32, #tpu.memory_space<hbm>> -> memref<80x16xf32, #tpu.memory_space<hbm>>
      %dma_wait3A_438 = tpu.memref_slice %arg15[%dma_wait3A_430] : memref<5x!tpu.dma_semaphore, #tpu.memory_space<semaphore_mem>> -> memref<1x!tpu.dma_semaphore, #tpu.memory_space<semaphore_mem>>
      %dma_wait3A_439 = tpu.memref_squeeze %dma_wait3A_438 : memref<1x!tpu.dma_semaphore, #tpu.memory_space<semaphore_mem>> -> memref<!tpu.dma_semaphore, #tpu.memory_space<semaphore_mem>>
      %dma_wait3A_440 = arith.constant 0 : i32
      %dma_wait3A_441 = arith.constant 0 : i32
      %dma_wait3A_442 = tpu.memref_slice %arg8[%dma_wait3A_429, %dma_wait3A_440, %dma_wait3A_441] : memref<5x80x16xf32, #tpu.memory_space<vmem>> -> memref<1x80x16xf32, #tpu.memory_space<vmem>>
      %dma_wait3A_443 = tpu.memref_squeeze %dma_wait3A_442 : memref<1x80x16xf32, #tpu.memory_space<vmem>> -> memref<80x16xf32, #tpu.memory_space<vmem>>
      %dma_wait3A_444 = arith.constant 0 : i32
      %dma_wait3A_445 = arith.constant 0 : i32
      %dma_wait3A_446 = tpu.memref_slice %arg3[%dma_wait3A_444, %dma_wait3A_445] : memref<320000x16xf32, #tpu.memory_space<hbm>> -> memref<80x16xf32, #tpu.memory_space<hbm>>
      tpu.wait_dma2 semaphore(%dma_wait3A_439 : memref<!tpu.dma_semaphore, #tpu.memory_space<semaphore_mem>>) src(%dma_wait3A_446 : memref<80x16xf32, #tpu.memory_space<hbm>>) dst(%dma_wait3A_443 : memref<80x16xf32, #tpu.memory_space<vmem>>)
      %dma_start3A_447 = arith.constant 2 : i32
      %dma_start3A_448 = arith.constant 0 : i32
      %dma_start3A_449 = arith.constant 0 : i32
      %dma_start3A_450 = tpu.memref_slice %arg7[%dma_start3A_447, %dma_start3A_448, %dma_start3A_449] : memref<5x80x32xf32, #tpu.memory_space<vmem>> -> memref<1x80x32xf32, #tpu.memory_space<vmem>>
      %dma_start3A_451 = tpu.memref_squeeze %dma_start3A_450 : memref<1x80x32xf32, #tpu.memory_space<vmem>> -> memref<80x32xf32, #tpu.memory_space<vmem>>
      %dma_start3A_452 = arith.constant 0 : i32
      %dma_start3A_453 = tpu.memref_slice %arg6[%add3A_410, %dma_start3A_452] : memref<125x80xi32, #tpu.memory_space<vmem>> -> memref<1x80xi32, #tpu.memory_space<vmem>>
      %dma_start3A_454 = tpu.memref_squeeze %dma_start3A_453 : memref<1x80xi32, #tpu.memory_space<vmem>> -> memref<80xi32, #tpu.memory_space<vmem>>
      %dma_start3A_455 = arith.constant 0 : i32
      %dma_start3A_456 = arith.constant 0 : i32
      %dma_start3A_457 = tpu.memref_slice %arg9[%dma_start3A_455, %dma_start3A_456] : memref<10240x32xf32, #tpu.memory_space<vmem_shared>> -> memref<10240x32xf32, #tpu.memory_space<vmem_shared>>
      tpu.enqueue_indirect_dma source(%dma_start3A_451 : memref<80x32xf32, #tpu.memory_space<vmem>>) target(%dma_start3A_457 : memref<10240x32xf32, #tpu.memory_space<vmem_shared>>) offsets(%dma_start3A_454 : memref<80xi32, #tpu.memory_space<vmem>>) semaphore(%arg16 : memref<!tpu.dma_semaphore, #tpu.memory_space<semaphore_mem>>) {add = true}
      %dma_start3A_458 = arith.constant 2 : i32
      %dma_start3A_459 = arith.constant 0 : i32
      %dma_start3A_460 = arith.constant 0 : i32
      %dma_start3A_461 = tpu.memref_slice %arg8[%dma_start3A_458, %dma_start3A_459, %dma_start3A_460] : memref<5x80x16xf32, #tpu.memory_space<vmem>> -> memref<1x80x16xf32, #tpu.memory_space<vmem>>
      %dma_start3A_462 = tpu.memref_squeeze %dma_start3A_461 : memref<1x80x16xf32, #tpu.memory_space<vmem>> -> memref<80x16xf32, #tpu.memory_space<vmem>>
      %dma_start3A_463 = arith.constant 0 : i32
      %dma_start3A_464 = tpu.memref_slice %arg6[%add3A_410, %dma_start3A_463] : memref<125x80xi32, #tpu.memory_space<vmem>> -> memref<1x80xi32, #tpu.memory_space<vmem>>
      %dma_start3A_465 = tpu.memref_squeeze %dma_start3A_464 : memref<1x80xi32, #tpu.memory_space<vmem>> -> memref<80xi32, #tpu.memory_space<vmem>>
      %dma_start3A_466 = arith.constant 0 : i32
      %dma_start3A_467 = arith.constant 0 : i32
      %dma_start3A_468 = tpu.memref_slice %arg10[%dma_start3A_466, %dma_start3A_467] : memref<10240x16xf32, #tpu.memory_space<vmem_shared>> -> memref<10240x16xf32, #tpu.memory_space<vmem_shared>>
      tpu.enqueue_indirect_dma source(%dma_start3A_462 : memref<80x16xf32, #tpu.memory_space<vmem>>) target(%dma_start3A_468 : memref<10240x16xf32, #tpu.memory_space<vmem_shared>>) offsets(%dma_start3A_465 : memref<80xi32, #tpu.memory_space<vmem>>) semaphore(%arg17 : memref<!tpu.dma_semaphore, #tpu.memory_space<semaphore_mem>>) {add = true}
      %dma_wait3A_469 = arith.constant 2 : i32
      %dma_wait3A_470 = arith.constant 0 : i32
      %dma_wait3A_471 = arith.constant 0 : i32
      %dma_wait3A_472 = tpu.memref_slice %arg7[%dma_wait3A_469, %dma_wait3A_470, %dma_wait3A_471] : memref<5x80x32xf32, #tpu.memory_space<vmem>> -> memref<1x80x32xf32, #tpu.memory_space<vmem>>
      %dma_wait3A_473 = tpu.memref_squeeze %dma_wait3A_472 : memref<1x80x32xf32, #tpu.memory_space<vmem>> -> memref<80x32xf32, #tpu.memory_space<vmem>>
      %dma_wait3A_474 = arith.constant 0 : i32
      %dma_wait3A_475 = tpu.memref_slice %arg6[%add3A_410, %dma_wait3A_474] : memref<125x80xi32, #tpu.memory_space<vmem>> -> memref<1x80xi32, #tpu.memory_space<vmem>>
      %dma_wait3A_476 = tpu.memref_squeeze %dma_wait3A_475 : memref<1x80xi32, #tpu.memory_space<vmem>> -> memref<80xi32, #tpu.memory_space<vmem>>
      %dma_wait3A_477 = arith.constant 0 : i32
      %dma_wait3A_478 = arith.constant 0 : i32
      %dma_wait3A_479 = tpu.memref_slice %arg9[%dma_wait3A_477, %dma_wait3A_478] : memref<10240x32xf32, #tpu.memory_space<vmem_shared>> -> memref<10240x32xf32, #tpu.memory_space<vmem_shared>>
      tpu.wait_indirect_dma semaphore(%arg16 : memref<!tpu.dma_semaphore, #tpu.memory_space<semaphore_mem>>) src(%dma_wait3A_473 : memref<80x32xf32, #tpu.memory_space<vmem>>) dst(%dma_wait3A_479 : memref<10240x32xf32, #tpu.memory_space<vmem_shared>>)
      %dma_wait3A_480 = arith.constant 2 : i32
      %dma_wait3A_481 = arith.constant 0 : i32
      %dma_wait3A_482 = arith.constant 0 : i32
      %dma_wait3A_483 = tpu.memref_slice %arg8[%dma_wait3A_480, %dma_wait3A_481, %dma_wait3A_482] : memref<5x80x16xf32, #tpu.memory_space<vmem>> -> memref<1x80x16xf32, #tpu.memory_space<vmem>>
      %dma_wait3A_484 = tpu.memref_squeeze %dma_wait3A_483 : memref<1x80x16xf32, #tpu.memory_space<vmem>> -> memref<80x16xf32, #tpu.memory_space<vmem>>
      %dma_wait3A_485 = arith.constant 0 : i32
      %dma_wait3A_486 = tpu.memref_slice %arg6[%add3A_410, %dma_wait3A_485] : memref<125x80xi32, #tpu.memory_space<vmem>> -> memref<1x80xi32, #tpu.memory_space<vmem>>
      %dma_wait3A_487 = tpu.memref_squeeze %dma_wait3A_486 : memref<1x80xi32, #tpu.memory_space<vmem>> -> memref<80xi32, #tpu.memory_space<vmem>>
      %dma_wait3A_488 = arith.constant 0 : i32
      %dma_wait3A_489 = arith.constant 0 : i32
      %dma_wait3A_490 = tpu.memref_slice %arg10[%dma_wait3A_488, %dma_wait3A_489] : memref<10240x16xf32, #tpu.memory_space<vmem_shared>> -> memref<10240x16xf32, #tpu.memory_space<vmem_shared>>
      tpu.wait_indirect_dma semaphore(%arg17 : memref<!tpu.dma_semaphore, #tpu.memory_space<semaphore_mem>>) src(%dma_wait3A_484 : memref<80x16xf32, #tpu.memory_space<vmem>>) dst(%dma_wait3A_490 : memref<10240x16xf32, #tpu.memory_space<vmem_shared>>)
      %add3A_491 = arith.constant 5 : i32
      %add3A_492 = arith.addi %add3A_410, %add3A_491 : i32
      %min3A_493 = arith.constant 124 : i32
      %min3A_494 = arith.minsi %add3A_492, %min3A_493 : i32
      %add3A_495 = arith.constant 5 : i32
      %add3A_496 = arith.addi %add3A_410, %add3A_495 : i32
      %lt3A_497 = arith.constant 125 : i32
      %lt3A_498 = arith.cmpi slt, %add3A_496, %lt3A_497 : i32
      %convert_element_type3A_499 = arith.extui %lt3A_498 : i1 to i32
      %cond3A_500 = arith.constant 0 : i32
      %cond3A_501 = arith.cmpi ne, %convert_element_type3A_499, %cond3A_500 : i32
      scf.if %cond3A_501 {
        %mul3A_692 = arith.constant 80 : i32
        %mul3A_693 = arith.muli %min3A_494, %mul3A_692 : i32
        %add3A_694 = arith.addi %mul3A_2, %mul3A_693 : i32
        %dma_start3A_695 = arith.constant 2 : i32
        %dma_start3A_696 = arith.constant 2 : i32
        %dma_start3A_697 = arith.constant 0 : i32
        %dma_start3A_698 = arith.constant 0 : i32
        %dma_start3A_699 = tpu.memref_slice %arg7[%dma_start3A_695, %dma_start3A_697, %dma_start3A_698] : memref<5x80x32xf32, #tpu.memory_space<vmem>> -> memref<1x80x32xf32, #tpu.memory_space<vmem>>
        %dma_start3A_700 = tpu.memref_squeeze %dma_start3A_699 : memref<1x80x32xf32, #tpu.memory_space<vmem>> -> memref<80x32xf32, #tpu.memory_space<vmem>>
        %dma_start3A_701 = arith.constant 0 : i32
        %dma_start3A_702 = tpu.memref_slice %arg2[%add3A_694, %dma_start3A_701] : memref<320000x32xf32, #tpu.memory_space<hbm>> -> memref<80x32xf32, #tpu.memory_space<hbm>>
        %dma_start3A_703 = tpu.memref_slice %arg14[%dma_start3A_696] : memref<5x!tpu.dma_semaphore, #tpu.memory_space<semaphore_mem>> -> memref<1x!tpu.dma_semaphore, #tpu.memory_space<semaphore_mem>>
        %dma_start3A_704 = tpu.memref_squeeze %dma_start3A_703 : memref<1x!tpu.dma_semaphore, #tpu.memory_space<semaphore_mem>> -> memref<!tpu.dma_semaphore, #tpu.memory_space<semaphore_mem>>
        %dma_start3A_705 = arith.constant 0 : i32
        %dma_start3A_706 = arith.constant 0 : i32
        %dma_start3A_707 = tpu.memref_slice %arg7[%dma_start3A_695, %dma_start3A_705, %dma_start3A_706] : memref<5x80x32xf32, #tpu.memory_space<vmem>> -> memref<1x80x32xf32, #tpu.memory_space<vmem>>
        %dma_start3A_708 = tpu.memref_squeeze %dma_start3A_707 : memref<1x80x32xf32, #tpu.memory_space<vmem>> -> memref<80x32xf32, #tpu.memory_space<vmem>>
        %dma_start3A_709 = arith.constant 0 : i32
        %dma_start3A_710 = tpu.memref_slice %arg2[%add3A_694, %dma_start3A_709] : memref<320000x32xf32, #tpu.memory_space<hbm>> -> memref<80x32xf32, #tpu.memory_space<hbm>>
        tpu.enqueue_dma source(%dma_start3A_710 : memref<80x32xf32, #tpu.memory_space<hbm>>) target(%dma_start3A_708 : memref<80x32xf32, #tpu.memory_space<vmem>>) target_semaphore(%dma_start3A_704 : memref<!tpu.dma_semaphore, #tpu.memory_space<semaphore_mem>>)
        %dma_start3A_711 = arith.constant 2 : i32
        %dma_start3A_712 = arith.constant 2 : i32
        %dma_start3A_713 = arith.constant 0 : i32
        %dma_start3A_714 = arith.constant 0 : i32
        %dma_start3A_715 = tpu.memref_slice %arg8[%dma_start3A_711, %dma_start3A_713, %dma_start3A_714] : memref<5x80x16xf32, #tpu.memory_space<vmem>> -> memref<1x80x16xf32, #tpu.memory_space<vmem>>
        %dma_start3A_716 = tpu.memref_squeeze %dma_start3A_715 : memref<1x80x16xf32, #tpu.memory_space<vmem>> -> memref<80x16xf32, #tpu.memory_space<vmem>>
        %dma_start3A_717 = arith.constant 0 : i32
        %dma_start3A_718 = tpu.memref_slice %arg3[%add3A_694, %dma_start3A_717] : memref<320000x16xf32, #tpu.memory_space<hbm>> -> memref<80x16xf32, #tpu.memory_space<hbm>>
        %dma_start3A_719 = tpu.memref_slice %arg15[%dma_start3A_712] : memref<5x!tpu.dma_semaphore, #tpu.memory_space<semaphore_mem>> -> memref<1x!tpu.dma_semaphore, #tpu.memory_space<semaphore_mem>>
        %dma_start3A_720 = tpu.memref_squeeze %dma_start3A_719 : memref<1x!tpu.dma_semaphore, #tpu.memory_space<semaphore_mem>> -> memref<!tpu.dma_semaphore, #tpu.memory_space<semaphore_mem>>
        %dma_start3A_721 = arith.constant 0 : i32
        %dma_start3A_722 = arith.constant 0 : i32
        %dma_start3A_723 = tpu.memref_slice %arg8[%dma_start3A_711, %dma_start3A_721, %dma_start3A_722] : memref<5x80x16xf32, #tpu.memory_space<vmem>> -> memref<1x80x16xf32, #tpu.memory_space<vmem>>
        %dma_start3A_724 = tpu.memref_squeeze %dma_start3A_723 : memref<1x80x16xf32, #tpu.memory_space<vmem>> -> memref<80x16xf32, #tpu.memory_space<vmem>>
        %dma_start3A_725 = arith.constant 0 : i32
        %dma_start3A_726 = tpu.memref_slice %arg3[%add3A_694, %dma_start3A_725] : memref<320000x16xf32, #tpu.memory_space<hbm>> -> memref<80x16xf32, #tpu.memory_space<hbm>>
        tpu.enqueue_dma source(%dma_start3A_726 : memref<80x16xf32, #tpu.memory_space<hbm>>) target(%dma_start3A_724 : memref<80x16xf32, #tpu.memory_space<vmem>>) target_semaphore(%dma_start3A_720 : memref<!tpu.dma_semaphore, #tpu.memory_space<semaphore_mem>>)
      } else {
      }
      %mul3A_502 = arith.constant 5 : i32
      %mul3A_503 = arith.muli %scan3A_221, %mul3A_502 : i32
      %add3A_504 = arith.constant 3 : i32
      %add3A_505 = arith.addi %mul3A_503, %add3A_504 : i32
      %dma_wait3A_506 = arith.constant 3 : i32
      %dma_wait3A_507 = arith.constant 3 : i32
      %dma_wait3A_508 = arith.constant 0 : i32
      %dma_wait3A_509 = arith.constant 0 : i32
      %dma_wait3A_510 = tpu.memref_slice %arg7[%dma_wait3A_506, %dma_wait3A_508, %dma_wait3A_509] : memref<5x80x32xf32, #tpu.memory_space<vmem>> -> memref<1x80x32xf32, #tpu.memory_space<vmem>>
      %dma_wait3A_511 = tpu.memref_squeeze %dma_wait3A_510 : memref<1x80x32xf32, #tpu.memory_space<vmem>> -> memref<80x32xf32, #tpu.memory_space<vmem>>
      %dma_wait3A_512 = arith.constant 0 : i32
      %dma_wait3A_513 = arith.constant 0 : i32
      %dma_wait3A_514 = tpu.memref_slice %arg2[%dma_wait3A_512, %dma_wait3A_513] : memref<320000x32xf32, #tpu.memory_space<hbm>> -> memref<80x32xf32, #tpu.memory_space<hbm>>
      %dma_wait3A_515 = tpu.memref_slice %arg14[%dma_wait3A_507] : memref<5x!tpu.dma_semaphore, #tpu.memory_space<semaphore_mem>> -> memref<1x!tpu.dma_semaphore, #tpu.memory_space<semaphore_mem>>
      %dma_wait3A_516 = tpu.memref_squeeze %dma_wait3A_515 : memref<1x!tpu.dma_semaphore, #tpu.memory_space<semaphore_mem>> -> memref<!tpu.dma_semaphore, #tpu.memory_space<semaphore_mem>>
      %dma_wait3A_517 = arith.constant 0 : i32
      %dma_wait3A_518 = arith.constant 0 : i32
      %dma_wait3A_519 = tpu.memref_slice %arg7[%dma_wait3A_506, %dma_wait3A_517, %dma_wait3A_518] : memref<5x80x32xf32, #tpu.memory_space<vmem>> -> memref<1x80x32xf32, #tpu.memory_space<vmem>>
      %dma_wait3A_520 = tpu.memref_squeeze %dma_wait3A_519 : memref<1x80x32xf32, #tpu.memory_space<vmem>> -> memref<80x32xf32, #tpu.memory_space<vmem>>
      %dma_wait3A_521 = arith.constant 0 : i32
      %dma_wait3A_522 = arith.constant 0 : i32
      %dma_wait3A_523 = tpu.memref_slice %arg2[%dma_wait3A_521, %dma_wait3A_522] : memref<320000x32xf32, #tpu.memory_space<hbm>> -> memref<80x32xf32, #tpu.memory_space<hbm>>
      tpu.wait_dma2 semaphore(%dma_wait3A_516 : memref<!tpu.dma_semaphore, #tpu.memory_space<semaphore_mem>>) src(%dma_wait3A_523 : memref<80x32xf32, #tpu.memory_space<hbm>>) dst(%dma_wait3A_520 : memref<80x32xf32, #tpu.memory_space<vmem>>)
      %dma_wait3A_524 = arith.constant 3 : i32
      %dma_wait3A_525 = arith.constant 3 : i32
      %dma_wait3A_526 = arith.constant 0 : i32
      %dma_wait3A_527 = arith.constant 0 : i32
      %dma_wait3A_528 = tpu.memref_slice %arg8[%dma_wait3A_524, %dma_wait3A_526, %dma_wait3A_527] : memref<5x80x16xf32, #tpu.memory_space<vmem>> -> memref<1x80x16xf32, #tpu.memory_space<vmem>>
      %dma_wait3A_529 = tpu.memref_squeeze %dma_wait3A_528 : memref<1x80x16xf32, #tpu.memory_space<vmem>> -> memref<80x16xf32, #tpu.memory_space<vmem>>
      %dma_wait3A_530 = arith.constant 0 : i32
      %dma_wait3A_531 = arith.constant 0 : i32
      %dma_wait3A_532 = tpu.memref_slice %arg3[%dma_wait3A_530, %dma_wait3A_531] : memref<320000x16xf32, #tpu.memory_space<hbm>> -> memref<80x16xf32, #tpu.memory_space<hbm>>
      %dma_wait3A_533 = tpu.memref_slice %arg15[%dma_wait3A_525] : memref<5x!tpu.dma_semaphore, #tpu.memory_space<semaphore_mem>> -> memref<1x!tpu.dma_semaphore, #tpu.memory_space<semaphore_mem>>
      %dma_wait3A_534 = tpu.memref_squeeze %dma_wait3A_533 : memref<1x!tpu.dma_semaphore, #tpu.memory_space<semaphore_mem>> -> memref<!tpu.dma_semaphore, #tpu.memory_space<semaphore_mem>>
      %dma_wait3A_535 = arith.constant 0 : i32
      %dma_wait3A_536 = arith.constant 0 : i32
      %dma_wait3A_537 = tpu.memref_slice %arg8[%dma_wait3A_524, %dma_wait3A_535, %dma_wait3A_536] : memref<5x80x16xf32, #tpu.memory_space<vmem>> -> memref<1x80x16xf32, #tpu.memory_space<vmem>>
      %dma_wait3A_538 = tpu.memref_squeeze %dma_wait3A_537 : memref<1x80x16xf32, #tpu.memory_space<vmem>> -> memref<80x16xf32, #tpu.memory_space<vmem>>
      %dma_wait3A_539 = arith.constant 0 : i32
      %dma_wait3A_540 = arith.constant 0 : i32
      %dma_wait3A_541 = tpu.memref_slice %arg3[%dma_wait3A_539, %dma_wait3A_540] : memref<320000x16xf32, #tpu.memory_space<hbm>> -> memref<80x16xf32, #tpu.memory_space<hbm>>
      tpu.wait_dma2 semaphore(%dma_wait3A_534 : memref<!tpu.dma_semaphore, #tpu.memory_space<semaphore_mem>>) src(%dma_wait3A_541 : memref<80x16xf32, #tpu.memory_space<hbm>>) dst(%dma_wait3A_538 : memref<80x16xf32, #tpu.memory_space<vmem>>)
      %dma_start3A_542 = arith.constant 3 : i32
      %dma_start3A_543 = arith.constant 0 : i32
      %dma_start3A_544 = arith.constant 0 : i32
      %dma_start3A_545 = tpu.memref_slice %arg7[%dma_start3A_542, %dma_start3A_543, %dma_start3A_544] : memref<5x80x32xf32, #tpu.memory_space<vmem>> -> memref<1x80x32xf32, #tpu.memory_space<vmem>>
      %dma_start3A_546 = tpu.memref_squeeze %dma_start3A_545 : memref<1x80x32xf32, #tpu.memory_space<vmem>> -> memref<80x32xf32, #tpu.memory_space<vmem>>
      %dma_start3A_547 = arith.constant 0 : i32
      %dma_start3A_548 = tpu.memref_slice %arg6[%add3A_505, %dma_start3A_547] : memref<125x80xi32, #tpu.memory_space<vmem>> -> memref<1x80xi32, #tpu.memory_space<vmem>>
      %dma_start3A_549 = tpu.memref_squeeze %dma_start3A_548 : memref<1x80xi32, #tpu.memory_space<vmem>> -> memref<80xi32, #tpu.memory_space<vmem>>
      %dma_start3A_550 = arith.constant 0 : i32
      %dma_start3A_551 = arith.constant 0 : i32
      %dma_start3A_552 = tpu.memref_slice %arg9[%dma_start3A_550, %dma_start3A_551] : memref<10240x32xf32, #tpu.memory_space<vmem_shared>> -> memref<10240x32xf32, #tpu.memory_space<vmem_shared>>
      tpu.enqueue_indirect_dma source(%dma_start3A_546 : memref<80x32xf32, #tpu.memory_space<vmem>>) target(%dma_start3A_552 : memref<10240x32xf32, #tpu.memory_space<vmem_shared>>) offsets(%dma_start3A_549 : memref<80xi32, #tpu.memory_space<vmem>>) semaphore(%arg16 : memref<!tpu.dma_semaphore, #tpu.memory_space<semaphore_mem>>) {add = true}
      %dma_start3A_553 = arith.constant 3 : i32
      %dma_start3A_554 = arith.constant 0 : i32
      %dma_start3A_555 = arith.constant 0 : i32
      %dma_start3A_556 = tpu.memref_slice %arg8[%dma_start3A_553, %dma_start3A_554, %dma_start3A_555] : memref<5x80x16xf32, #tpu.memory_space<vmem>> -> memref<1x80x16xf32, #tpu.memory_space<vmem>>
      %dma_start3A_557 = tpu.memref_squeeze %dma_start3A_556 : memref<1x80x16xf32, #tpu.memory_space<vmem>> -> memref<80x16xf32, #tpu.memory_space<vmem>>
      %dma_start3A_558 = arith.constant 0 : i32
      %dma_start3A_559 = tpu.memref_slice %arg6[%add3A_505, %dma_start3A_558] : memref<125x80xi32, #tpu.memory_space<vmem>> -> memref<1x80xi32, #tpu.memory_space<vmem>>
      %dma_start3A_560 = tpu.memref_squeeze %dma_start3A_559 : memref<1x80xi32, #tpu.memory_space<vmem>> -> memref<80xi32, #tpu.memory_space<vmem>>
      %dma_start3A_561 = arith.constant 0 : i32
      %dma_start3A_562 = arith.constant 0 : i32
      %dma_start3A_563 = tpu.memref_slice %arg10[%dma_start3A_561, %dma_start3A_562] : memref<10240x16xf32, #tpu.memory_space<vmem_shared>> -> memref<10240x16xf32, #tpu.memory_space<vmem_shared>>
      tpu.enqueue_indirect_dma source(%dma_start3A_557 : memref<80x16xf32, #tpu.memory_space<vmem>>) target(%dma_start3A_563 : memref<10240x16xf32, #tpu.memory_space<vmem_shared>>) offsets(%dma_start3A_560 : memref<80xi32, #tpu.memory_space<vmem>>) semaphore(%arg17 : memref<!tpu.dma_semaphore, #tpu.memory_space<semaphore_mem>>) {add = true}
      %dma_wait3A_564 = arith.constant 3 : i32
      %dma_wait3A_565 = arith.constant 0 : i32
      %dma_wait3A_566 = arith.constant 0 : i32
      %dma_wait3A_567 = tpu.memref_slice %arg7[%dma_wait3A_564, %dma_wait3A_565, %dma_wait3A_566] : memref<5x80x32xf32, #tpu.memory_space<vmem>> -> memref<1x80x32xf32, #tpu.memory_space<vmem>>
      %dma_wait3A_568 = tpu.memref_squeeze %dma_wait3A_567 : memref<1x80x32xf32, #tpu.memory_space<vmem>> -> memref<80x32xf32, #tpu.memory_space<vmem>>
      %dma_wait3A_569 = arith.constant 0 : i32
      %dma_wait3A_570 = tpu.memref_slice %arg6[%add3A_505, %dma_wait3A_569] : memref<125x80xi32, #tpu.memory_space<vmem>> -> memref<1x80xi32, #tpu.memory_space<vmem>>
      %dma_wait3A_571 = tpu.memref_squeeze %dma_wait3A_570 : memref<1x80xi32, #tpu.memory_space<vmem>> -> memref<80xi32, #tpu.memory_space<vmem>>
      %dma_wait3A_572 = arith.constant 0 : i32
      %dma_wait3A_573 = arith.constant 0 : i32
      %dma_wait3A_574 = tpu.memref_slice %arg9[%dma_wait3A_572, %dma_wait3A_573] : memref<10240x32xf32, #tpu.memory_space<vmem_shared>> -> memref<10240x32xf32, #tpu.memory_space<vmem_shared>>
      tpu.wait_indirect_dma semaphore(%arg16 : memref<!tpu.dma_semaphore, #tpu.memory_space<semaphore_mem>>) src(%dma_wait3A_568 : memref<80x32xf32, #tpu.memory_space<vmem>>) dst(%dma_wait3A_574 : memref<10240x32xf32, #tpu.memory_space<vmem_shared>>)
      %dma_wait3A_575 = arith.constant 3 : i32
      %dma_wait3A_576 = arith.constant 0 : i32
      %dma_wait3A_577 = arith.constant 0 : i32
      %dma_wait3A_578 = tpu.memref_slice %arg8[%dma_wait3A_575, %dma_wait3A_576, %dma_wait3A_577] : memref<5x80x16xf32, #tpu.memory_space<vmem>> -> memref<1x80x16xf32, #tpu.memory_space<vmem>>
      %dma_wait3A_579 = tpu.memref_squeeze %dma_wait3A_578 : memref<1x80x16xf32, #tpu.memory_space<vmem>> -> memref<80x16xf32, #tpu.memory_space<vmem>>
      %dma_wait3A_580 = arith.constant 0 : i32
      %dma_wait3A_581 = tpu.memref_slice %arg6[%add3A_505, %dma_wait3A_580] : memref<125x80xi32, #tpu.memory_space<vmem>> -> memref<1x80xi32, #tpu.memory_space<vmem>>
      %dma_wait3A_582 = tpu.memref_squeeze %dma_wait3A_581 : memref<1x80xi32, #tpu.memory_space<vmem>> -> memref<80xi32, #tpu.memory_space<vmem>>
      %dma_wait3A_583 = arith.constant 0 : i32
      %dma_wait3A_584 = arith.constant 0 : i32
      %dma_wait3A_585 = tpu.memref_slice %arg10[%dma_wait3A_583, %dma_wait3A_584] : memref<10240x16xf32, #tpu.memory_space<vmem_shared>> -> memref<10240x16xf32, #tpu.memory_space<vmem_shared>>
      tpu.wait_indirect_dma semaphore(%arg17 : memref<!tpu.dma_semaphore, #tpu.memory_space<semaphore_mem>>) src(%dma_wait3A_579 : memref<80x16xf32, #tpu.memory_space<vmem>>) dst(%dma_wait3A_585 : memref<10240x16xf32, #tpu.memory_space<vmem_shared>>)
      %add3A_586 = arith.constant 5 : i32
      %add3A_587 = arith.addi %add3A_505, %add3A_586 : i32
      %min3A_588 = arith.constant 124 : i32
      %min3A_589 = arith.minsi %add3A_587, %min3A_588 : i32
      %add3A_590 = arith.constant 5 : i32
      %add3A_591 = arith.addi %add3A_505, %add3A_590 : i32
      %lt3A_592 = arith.constant 125 : i32
      %lt3A_593 = arith.cmpi slt, %add3A_591, %lt3A_592 : i32
      %convert_element_type3A_594 = arith.extui %lt3A_593 : i1 to i32
      %cond3A_595 = arith.constant 0 : i32
      %cond3A_596 = arith.cmpi ne, %convert_element_type3A_594, %cond3A_595 : i32
      scf.if %cond3A_596 {
        %mul3A_692 = arith.constant 80 : i32
        %mul3A_693 = arith.muli %min3A_589, %mul3A_692 : i32
        %add3A_694 = arith.addi %mul3A_2, %mul3A_693 : i32
        %dma_start3A_695 = arith.constant 3 : i32
        %dma_start3A_696 = arith.constant 3 : i32
        %dma_start3A_697 = arith.constant 0 : i32
        %dma_start3A_698 = arith.constant 0 : i32
        %dma_start3A_699 = tpu.memref_slice %arg7[%dma_start3A_695, %dma_start3A_697, %dma_start3A_698] : memref<5x80x32xf32, #tpu.memory_space<vmem>> -> memref<1x80x32xf32, #tpu.memory_space<vmem>>
        %dma_start3A_700 = tpu.memref_squeeze %dma_start3A_699 : memref<1x80x32xf32, #tpu.memory_space<vmem>> -> memref<80x32xf32, #tpu.memory_space<vmem>>
        %dma_start3A_701 = arith.constant 0 : i32
        %dma_start3A_702 = tpu.memref_slice %arg2[%add3A_694, %dma_start3A_701] : memref<320000x32xf32, #tpu.memory_space<hbm>> -> memref<80x32xf32, #tpu.memory_space<hbm>>
        %dma_start3A_703 = tpu.memref_slice %arg14[%dma_start3A_696] : memref<5x!tpu.dma_semaphore, #tpu.memory_space<semaphore_mem>> -> memref<1x!tpu.dma_semaphore, #tpu.memory_space<semaphore_mem>>
        %dma_start3A_704 = tpu.memref_squeeze %dma_start3A_703 : memref<1x!tpu.dma_semaphore, #tpu.memory_space<semaphore_mem>> -> memref<!tpu.dma_semaphore, #tpu.memory_space<semaphore_mem>>
        %dma_start3A_705 = arith.constant 0 : i32
        %dma_start3A_706 = arith.constant 0 : i32
        %dma_start3A_707 = tpu.memref_slice %arg7[%dma_start3A_695, %dma_start3A_705, %dma_start3A_706] : memref<5x80x32xf32, #tpu.memory_space<vmem>> -> memref<1x80x32xf32, #tpu.memory_space<vmem>>
        %dma_start3A_708 = tpu.memref_squeeze %dma_start3A_707 : memref<1x80x32xf32, #tpu.memory_space<vmem>> -> memref<80x32xf32, #tpu.memory_space<vmem>>
        %dma_start3A_709 = arith.constant 0 : i32
        %dma_start3A_710 = tpu.memref_slice %arg2[%add3A_694, %dma_start3A_709] : memref<320000x32xf32, #tpu.memory_space<hbm>> -> memref<80x32xf32, #tpu.memory_space<hbm>>
        tpu.enqueue_dma source(%dma_start3A_710 : memref<80x32xf32, #tpu.memory_space<hbm>>) target(%dma_start3A_708 : memref<80x32xf32, #tpu.memory_space<vmem>>) target_semaphore(%dma_start3A_704 : memref<!tpu.dma_semaphore, #tpu.memory_space<semaphore_mem>>)
        %dma_start3A_711 = arith.constant 3 : i32
        %dma_start3A_712 = arith.constant 3 : i32
        %dma_start3A_713 = arith.constant 0 : i32
        %dma_start3A_714 = arith.constant 0 : i32
        %dma_start3A_715 = tpu.memref_slice %arg8[%dma_start3A_711, %dma_start3A_713, %dma_start3A_714] : memref<5x80x16xf32, #tpu.memory_space<vmem>> -> memref<1x80x16xf32, #tpu.memory_space<vmem>>
        %dma_start3A_716 = tpu.memref_squeeze %dma_start3A_715 : memref<1x80x16xf32, #tpu.memory_space<vmem>> -> memref<80x16xf32, #tpu.memory_space<vmem>>
        %dma_start3A_717 = arith.constant 0 : i32
        %dma_start3A_718 = tpu.memref_slice %arg3[%add3A_694, %dma_start3A_717] : memref<320000x16xf32, #tpu.memory_space<hbm>> -> memref<80x16xf32, #tpu.memory_space<hbm>>
        %dma_start3A_719 = tpu.memref_slice %arg15[%dma_start3A_712] : memref<5x!tpu.dma_semaphore, #tpu.memory_space<semaphore_mem>> -> memref<1x!tpu.dma_semaphore, #tpu.memory_space<semaphore_mem>>
        %dma_start3A_720 = tpu.memref_squeeze %dma_start3A_719 : memref<1x!tpu.dma_semaphore, #tpu.memory_space<semaphore_mem>> -> memref<!tpu.dma_semaphore, #tpu.memory_space<semaphore_mem>>
        %dma_start3A_721 = arith.constant 0 : i32
        %dma_start3A_722 = arith.constant 0 : i32
        %dma_start3A_723 = tpu.memref_slice %arg8[%dma_start3A_711, %dma_start3A_721, %dma_start3A_722] : memref<5x80x16xf32, #tpu.memory_space<vmem>> -> memref<1x80x16xf32, #tpu.memory_space<vmem>>
        %dma_start3A_724 = tpu.memref_squeeze %dma_start3A_723 : memref<1x80x16xf32, #tpu.memory_space<vmem>> -> memref<80x16xf32, #tpu.memory_space<vmem>>
        %dma_start3A_725 = arith.constant 0 : i32
        %dma_start3A_726 = tpu.memref_slice %arg3[%add3A_694, %dma_start3A_725] : memref<320000x16xf32, #tpu.memory_space<hbm>> -> memref<80x16xf32, #tpu.memory_space<hbm>>
        tpu.enqueue_dma source(%dma_start3A_726 : memref<80x16xf32, #tpu.memory_space<hbm>>) target(%dma_start3A_724 : memref<80x16xf32, #tpu.memory_space<vmem>>) target_semaphore(%dma_start3A_720 : memref<!tpu.dma_semaphore, #tpu.memory_space<semaphore_mem>>)
      } else {
      }
      %mul3A_597 = arith.constant 5 : i32
      %mul3A_598 = arith.muli %scan3A_221, %mul3A_597 : i32
      %add3A_599 = arith.constant 4 : i32
      %add3A_600 = arith.addi %mul3A_598, %add3A_599 : i32
      %dma_wait3A_601 = arith.constant 4 : i32
      %dma_wait3A_602 = arith.constant 4 : i32
      %dma_wait3A_603 = arith.constant 0 : i32
      %dma_wait3A_604 = arith.constant 0 : i32
      %dma_wait3A_605 = tpu.memref_slice %arg7[%dma_wait3A_601, %dma_wait3A_603, %dma_wait3A_604] : memref<5x80x32xf32, #tpu.memory_space<vmem>> -> memref<1x80x32xf32, #tpu.memory_space<vmem>>
      %dma_wait3A_606 = tpu.memref_squeeze %dma_wait3A_605 : memref<1x80x32xf32, #tpu.memory_space<vmem>> -> memref<80x32xf32, #tpu.memory_space<vmem>>
      %dma_wait3A_607 = arith.constant 0 : i32
      %dma_wait3A_608 = arith.constant 0 : i32
      %dma_wait3A_609 = tpu.memref_slice %arg2[%dma_wait3A_607, %dma_wait3A_608] : memref<320000x32xf32, #tpu.memory_space<hbm>> -> memref<80x32xf32, #tpu.memory_space<hbm>>
      %dma_wait3A_610 = tpu.memref_slice %arg14[%dma_wait3A_602] : memref<5x!tpu.dma_semaphore, #tpu.memory_space<semaphore_mem>> -> memref<1x!tpu.dma_semaphore, #tpu.memory_space<semaphore_mem>>
      %dma_wait3A_611 = tpu.memref_squeeze %dma_wait3A_610 : memref<1x!tpu.dma_semaphore, #tpu.memory_space<semaphore_mem>> -> memref<!tpu.dma_semaphore, #tpu.memory_space<semaphore_mem>>
      %dma_wait3A_612 = arith.constant 0 : i32
      %dma_wait3A_613 = arith.constant 0 : i32
      %dma_wait3A_614 = tpu.memref_slice %arg7[%dma_wait3A_601, %dma_wait3A_612, %dma_wait3A_613] : memref<5x80x32xf32, #tpu.memory_space<vmem>> -> memref<1x80x32xf32, #tpu.memory_space<vmem>>
      %dma_wait3A_615 = tpu.memref_squeeze %dma_wait3A_614 : memref<1x80x32xf32, #tpu.memory_space<vmem>> -> memref<80x32xf32, #tpu.memory_space<vmem>>
      %dma_wait3A_616 = arith.constant 0 : i32
      %dma_wait3A_617 = arith.constant 0 : i32
      %dma_wait3A_618 = tpu.memref_slice %arg2[%dma_wait3A_616, %dma_wait3A_617] : memref<320000x32xf32, #tpu.memory_space<hbm>> -> memref<80x32xf32, #tpu.memory_space<hbm>>
      tpu.wait_dma2 semaphore(%dma_wait3A_611 : memref<!tpu.dma_semaphore, #tpu.memory_space<semaphore_mem>>) src(%dma_wait3A_618 : memref<80x32xf32, #tpu.memory_space<hbm>>) dst(%dma_wait3A_615 : memref<80x32xf32, #tpu.memory_space<vmem>>)
      %dma_wait3A_619 = arith.constant 4 : i32
      %dma_wait3A_620 = arith.constant 4 : i32
      %dma_wait3A_621 = arith.constant 0 : i32
      %dma_wait3A_622 = arith.constant 0 : i32
      %dma_wait3A_623 = tpu.memref_slice %arg8[%dma_wait3A_619, %dma_wait3A_621, %dma_wait3A_622] : memref<5x80x16xf32, #tpu.memory_space<vmem>> -> memref<1x80x16xf32, #tpu.memory_space<vmem>>
      %dma_wait3A_624 = tpu.memref_squeeze %dma_wait3A_623 : memref<1x80x16xf32, #tpu.memory_space<vmem>> -> memref<80x16xf32, #tpu.memory_space<vmem>>
      %dma_wait3A_625 = arith.constant 0 : i32
      %dma_wait3A_626 = arith.constant 0 : i32
      %dma_wait3A_627 = tpu.memref_slice %arg3[%dma_wait3A_625, %dma_wait3A_626] : memref<320000x16xf32, #tpu.memory_space<hbm>> -> memref<80x16xf32, #tpu.memory_space<hbm>>
      %dma_wait3A_628 = tpu.memref_slice %arg15[%dma_wait3A_620] : memref<5x!tpu.dma_semaphore, #tpu.memory_space<semaphore_mem>> -> memref<1x!tpu.dma_semaphore, #tpu.memory_space<semaphore_mem>>
      %dma_wait3A_629 = tpu.memref_squeeze %dma_wait3A_628 : memref<1x!tpu.dma_semaphore, #tpu.memory_space<semaphore_mem>> -> memref<!tpu.dma_semaphore, #tpu.memory_space<semaphore_mem>>
      %dma_wait3A_630 = arith.constant 0 : i32
      %dma_wait3A_631 = arith.constant 0 : i32
      %dma_wait3A_632 = tpu.memref_slice %arg8[%dma_wait3A_619, %dma_wait3A_630, %dma_wait3A_631] : memref<5x80x16xf32, #tpu.memory_space<vmem>> -> memref<1x80x16xf32, #tpu.memory_space<vmem>>
      %dma_wait3A_633 = tpu.memref_squeeze %dma_wait3A_632 : memref<1x80x16xf32, #tpu.memory_space<vmem>> -> memref<80x16xf32, #tpu.memory_space<vmem>>
      %dma_wait3A_634 = arith.constant 0 : i32
      %dma_wait3A_635 = arith.constant 0 : i32
      %dma_wait3A_636 = tpu.memref_slice %arg3[%dma_wait3A_634, %dma_wait3A_635] : memref<320000x16xf32, #tpu.memory_space<hbm>> -> memref<80x16xf32, #tpu.memory_space<hbm>>
      tpu.wait_dma2 semaphore(%dma_wait3A_629 : memref<!tpu.dma_semaphore, #tpu.memory_space<semaphore_mem>>) src(%dma_wait3A_636 : memref<80x16xf32, #tpu.memory_space<hbm>>) dst(%dma_wait3A_633 : memref<80x16xf32, #tpu.memory_space<vmem>>)
      %dma_start3A_637 = arith.constant 4 : i32
      %dma_start3A_638 = arith.constant 0 : i32
      %dma_start3A_639 = arith.constant 0 : i32
      %dma_start3A_640 = tpu.memref_slice %arg7[%dma_start3A_637, %dma_start3A_638, %dma_start3A_639] : memref<5x80x32xf32, #tpu.memory_space<vmem>> -> memref<1x80x32xf32, #tpu.memory_space<vmem>>
      %dma_start3A_641 = tpu.memref_squeeze %dma_start3A_640 : memref<1x80x32xf32, #tpu.memory_space<vmem>> -> memref<80x32xf32, #tpu.memory_space<vmem>>
      %dma_start3A_642 = arith.constant 0 : i32
      %dma_start3A_643 = tpu.memref_slice %arg6[%add3A_600, %dma_start3A_642] : memref<125x80xi32, #tpu.memory_space<vmem>> -> memref<1x80xi32, #tpu.memory_space<vmem>>
      %dma_start3A_644 = tpu.memref_squeeze %dma_start3A_643 : memref<1x80xi32, #tpu.memory_space<vmem>> -> memref<80xi32, #tpu.memory_space<vmem>>
      %dma_start3A_645 = arith.constant 0 : i32
      %dma_start3A_646 = arith.constant 0 : i32
      %dma_start3A_647 = tpu.memref_slice %arg9[%dma_start3A_645, %dma_start3A_646] : memref<10240x32xf32, #tpu.memory_space<vmem_shared>> -> memref<10240x32xf32, #tpu.memory_space<vmem_shared>>
      tpu.enqueue_indirect_dma source(%dma_start3A_641 : memref<80x32xf32, #tpu.memory_space<vmem>>) target(%dma_start3A_647 : memref<10240x32xf32, #tpu.memory_space<vmem_shared>>) offsets(%dma_start3A_644 : memref<80xi32, #tpu.memory_space<vmem>>) semaphore(%arg16 : memref<!tpu.dma_semaphore, #tpu.memory_space<semaphore_mem>>) {add = true}
      %dma_start3A_648 = arith.constant 4 : i32
      %dma_start3A_649 = arith.constant 0 : i32
      %dma_start3A_650 = arith.constant 0 : i32
      %dma_start3A_651 = tpu.memref_slice %arg8[%dma_start3A_648, %dma_start3A_649, %dma_start3A_650] : memref<5x80x16xf32, #tpu.memory_space<vmem>> -> memref<1x80x16xf32, #tpu.memory_space<vmem>>
      %dma_start3A_652 = tpu.memref_squeeze %dma_start3A_651 : memref<1x80x16xf32, #tpu.memory_space<vmem>> -> memref<80x16xf32, #tpu.memory_space<vmem>>
      %dma_start3A_653 = arith.constant 0 : i32
      %dma_start3A_654 = tpu.memref_slice %arg6[%add3A_600, %dma_start3A_653] : memref<125x80xi32, #tpu.memory_space<vmem>> -> memref<1x80xi32, #tpu.memory_space<vmem>>
      %dma_start3A_655 = tpu.memref_squeeze %dma_start3A_654 : memref<1x80xi32, #tpu.memory_space<vmem>> -> memref<80xi32, #tpu.memory_space<vmem>>
      %dma_start3A_656 = arith.constant 0 : i32
      %dma_start3A_657 = arith.constant 0 : i32
      %dma_start3A_658 = tpu.memref_slice %arg10[%dma_start3A_656, %dma_start3A_657] : memref<10240x16xf32, #tpu.memory_space<vmem_shared>> -> memref<10240x16xf32, #tpu.memory_space<vmem_shared>>
      tpu.enqueue_indirect_dma source(%dma_start3A_652 : memref<80x16xf32, #tpu.memory_space<vmem>>) target(%dma_start3A_658 : memref<10240x16xf32, #tpu.memory_space<vmem_shared>>) offsets(%dma_start3A_655 : memref<80xi32, #tpu.memory_space<vmem>>) semaphore(%arg17 : memref<!tpu.dma_semaphore, #tpu.memory_space<semaphore_mem>>) {add = true}
      %dma_wait3A_659 = arith.constant 4 : i32
      %dma_wait3A_660 = arith.constant 0 : i32
      %dma_wait3A_661 = arith.constant 0 : i32
      %dma_wait3A_662 = tpu.memref_slice %arg7[%dma_wait3A_659, %dma_wait3A_660, %dma_wait3A_661] : memref<5x80x32xf32, #tpu.memory_space<vmem>> -> memref<1x80x32xf32, #tpu.memory_space<vmem>>
      %dma_wait3A_663 = tpu.memref_squeeze %dma_wait3A_662 : memref<1x80x32xf32, #tpu.memory_space<vmem>> -> memref<80x32xf32, #tpu.memory_space<vmem>>
      %dma_wait3A_664 = arith.constant 0 : i32
      %dma_wait3A_665 = tpu.memref_slice %arg6[%add3A_600, %dma_wait3A_664] : memref<125x80xi32, #tpu.memory_space<vmem>> -> memref<1x80xi32, #tpu.memory_space<vmem>>
      %dma_wait3A_666 = tpu.memref_squeeze %dma_wait3A_665 : memref<1x80xi32, #tpu.memory_space<vmem>> -> memref<80xi32, #tpu.memory_space<vmem>>
      %dma_wait3A_667 = arith.constant 0 : i32
      %dma_wait3A_668 = arith.constant 0 : i32
      %dma_wait3A_669 = tpu.memref_slice %arg9[%dma_wait3A_667, %dma_wait3A_668] : memref<10240x32xf32, #tpu.memory_space<vmem_shared>> -> memref<10240x32xf32, #tpu.memory_space<vmem_shared>>
      tpu.wait_indirect_dma semaphore(%arg16 : memref<!tpu.dma_semaphore, #tpu.memory_space<semaphore_mem>>) src(%dma_wait3A_663 : memref<80x32xf32, #tpu.memory_space<vmem>>) dst(%dma_wait3A_669 : memref<10240x32xf32, #tpu.memory_space<vmem_shared>>)
      %dma_wait3A_670 = arith.constant 4 : i32
      %dma_wait3A_671 = arith.constant 0 : i32
      %dma_wait3A_672 = arith.constant 0 : i32
      %dma_wait3A_673 = tpu.memref_slice %arg8[%dma_wait3A_670, %dma_wait3A_671, %dma_wait3A_672] : memref<5x80x16xf32, #tpu.memory_space<vmem>> -> memref<1x80x16xf32, #tpu.memory_space<vmem>>
      %dma_wait3A_674 = tpu.memref_squeeze %dma_wait3A_673 : memref<1x80x16xf32, #tpu.memory_space<vmem>> -> memref<80x16xf32, #tpu.memory_space<vmem>>
      %dma_wait3A_675 = arith.constant 0 : i32
      %dma_wait3A_676 = tpu.memref_slice %arg6[%add3A_600, %dma_wait3A_675] : memref<125x80xi32, #tpu.memory_space<vmem>> -> memref<1x80xi32, #tpu.memory_space<vmem>>
      %dma_wait3A_677 = tpu.memref_squeeze %dma_wait3A_676 : memref<1x80xi32, #tpu.memory_space<vmem>> -> memref<80xi32, #tpu.memory_space<vmem>>
      %dma_wait3A_678 = arith.constant 0 : i32
      %dma_wait3A_679 = arith.constant 0 : i32
      %dma_wait3A_680 = tpu.memref_slice %arg10[%dma_wait3A_678, %dma_wait3A_679] : memref<10240x16xf32, #tpu.memory_space<vmem_shared>> -> memref<10240x16xf32, #tpu.memory_space<vmem_shared>>
      tpu.wait_indirect_dma semaphore(%arg17 : memref<!tpu.dma_semaphore, #tpu.memory_space<semaphore_mem>>) src(%dma_wait3A_674 : memref<80x16xf32, #tpu.memory_space<vmem>>) dst(%dma_wait3A_680 : memref<10240x16xf32, #tpu.memory_space<vmem_shared>>)
      %add3A_681 = arith.constant 5 : i32
      %add3A_682 = arith.addi %add3A_600, %add3A_681 : i32
      %min3A_683 = arith.constant 124 : i32
      %min3A_684 = arith.minsi %add3A_682, %min3A_683 : i32
      %add3A_685 = arith.constant 5 : i32
      %add3A_686 = arith.addi %add3A_600, %add3A_685 : i32
      %lt3A_687 = arith.constant 125 : i32
      %lt3A_688 = arith.cmpi slt, %add3A_686, %lt3A_687 : i32
      %convert_element_type3A_689 = arith.extui %lt3A_688 : i1 to i32
      %cond3A_690 = arith.constant 0 : i32
      %cond3A_691 = arith.cmpi ne, %convert_element_type3A_689, %cond3A_690 : i32
      scf.if %cond3A_691 {
        %mul3A_692 = arith.constant 80 : i32
        %mul3A_693 = arith.muli %min3A_684, %mul3A_692 : i32
        %add3A_694 = arith.addi %mul3A_2, %mul3A_693 : i32
        %dma_start3A_695 = arith.constant 4 : i32
        %dma_start3A_696 = arith.constant 4 : i32
        %dma_start3A_697 = arith.constant 0 : i32
        %dma_start3A_698 = arith.constant 0 : i32
        %dma_start3A_699 = tpu.memref_slice %arg7[%dma_start3A_695, %dma_start3A_697, %dma_start3A_698] : memref<5x80x32xf32, #tpu.memory_space<vmem>> -> memref<1x80x32xf32, #tpu.memory_space<vmem>>
        %dma_start3A_700 = tpu.memref_squeeze %dma_start3A_699 : memref<1x80x32xf32, #tpu.memory_space<vmem>> -> memref<80x32xf32, #tpu.memory_space<vmem>>
        %dma_start3A_701 = arith.constant 0 : i32
        %dma_start3A_702 = tpu.memref_slice %arg2[%add3A_694, %dma_start3A_701] : memref<320000x32xf32, #tpu.memory_space<hbm>> -> memref<80x32xf32, #tpu.memory_space<hbm>>
        %dma_start3A_703 = tpu.memref_slice %arg14[%dma_start3A_696] : memref<5x!tpu.dma_semaphore, #tpu.memory_space<semaphore_mem>> -> memref<1x!tpu.dma_semaphore, #tpu.memory_space<semaphore_mem>>
        %dma_start3A_704 = tpu.memref_squeeze %dma_start3A_703 : memref<1x!tpu.dma_semaphore, #tpu.memory_space<semaphore_mem>> -> memref<!tpu.dma_semaphore, #tpu.memory_space<semaphore_mem>>
        %dma_start3A_705 = arith.constant 0 : i32
        %dma_start3A_706 = arith.constant 0 : i32
        %dma_start3A_707 = tpu.memref_slice %arg7[%dma_start3A_695, %dma_start3A_705, %dma_start3A_706] : memref<5x80x32xf32, #tpu.memory_space<vmem>> -> memref<1x80x32xf32, #tpu.memory_space<vmem>>
        %dma_start3A_708 = tpu.memref_squeeze %dma_start3A_707 : memref<1x80x32xf32, #tpu.memory_space<vmem>> -> memref<80x32xf32, #tpu.memory_space<vmem>>
        %dma_start3A_709 = arith.constant 0 : i32
        %dma_start3A_710 = tpu.memref_slice %arg2[%add3A_694, %dma_start3A_709] : memref<320000x32xf32, #tpu.memory_space<hbm>> -> memref<80x32xf32, #tpu.memory_space<hbm>>
        tpu.enqueue_dma source(%dma_start3A_710 : memref<80x32xf32, #tpu.memory_space<hbm>>) target(%dma_start3A_708 : memref<80x32xf32, #tpu.memory_space<vmem>>) target_semaphore(%dma_start3A_704 : memref<!tpu.dma_semaphore, #tpu.memory_space<semaphore_mem>>)
        %dma_start3A_711 = arith.constant 4 : i32
        %dma_start3A_712 = arith.constant 4 : i32
        %dma_start3A_713 = arith.constant 0 : i32
        %dma_start3A_714 = arith.constant 0 : i32
        %dma_start3A_715 = tpu.memref_slice %arg8[%dma_start3A_711, %dma_start3A_713, %dma_start3A_714] : memref<5x80x16xf32, #tpu.memory_space<vmem>> -> memref<1x80x16xf32, #tpu.memory_space<vmem>>
        %dma_start3A_716 = tpu.memref_squeeze %dma_start3A_715 : memref<1x80x16xf32, #tpu.memory_space<vmem>> -> memref<80x16xf32, #tpu.memory_space<vmem>>
        %dma_start3A_717 = arith.constant 0 : i32
        %dma_start3A_718 = tpu.memref_slice %arg3[%add3A_694, %dma_start3A_717] : memref<320000x16xf32, #tpu.memory_space<hbm>> -> memref<80x16xf32, #tpu.memory_space<hbm>>
        %dma_start3A_719 = tpu.memref_slice %arg15[%dma_start3A_712] : memref<5x!tpu.dma_semaphore, #tpu.memory_space<semaphore_mem>> -> memref<1x!tpu.dma_semaphore, #tpu.memory_space<semaphore_mem>>
        %dma_start3A_720 = tpu.memref_squeeze %dma_start3A_719 : memref<1x!tpu.dma_semaphore, #tpu.memory_space<semaphore_mem>> -> memref<!tpu.dma_semaphore, #tpu.memory_space<semaphore_mem>>
        %dma_start3A_721 = arith.constant 0 : i32
        %dma_start3A_722 = arith.constant 0 : i32
        %dma_start3A_723 = tpu.memref_slice %arg8[%dma_start3A_711, %dma_start3A_721, %dma_start3A_722] : memref<5x80x16xf32, #tpu.memory_space<vmem>> -> memref<1x80x16xf32, #tpu.memory_space<vmem>>
        %dma_start3A_724 = tpu.memref_squeeze %dma_start3A_723 : memref<1x80x16xf32, #tpu.memory_space<vmem>> -> memref<80x16xf32, #tpu.memory_space<vmem>>
        %dma_start3A_725 = arith.constant 0 : i32
        %dma_start3A_726 = tpu.memref_slice %arg3[%add3A_694, %dma_start3A_725] : memref<320000x16xf32, #tpu.memory_space<hbm>> -> memref<80x16xf32, #tpu.memory_space<hbm>>
        tpu.enqueue_dma source(%dma_start3A_726 : memref<80x16xf32, #tpu.memory_space<hbm>>) target(%dma_start3A_724 : memref<80x16xf32, #tpu.memory_space<vmem>>) target_semaphore(%dma_start3A_720 : memref<!tpu.dma_semaphore, #tpu.memory_space<semaphore_mem>>)
      } else {
      }
    }
    %scan3A_199 = arith.constant 25 : i32
    %barrier3A_200 = arith.constant 0 : index
    tpu.barrier barrier_id(%barrier3A_200)
    %mul3A_201 = arith.constant 640 : i32
    %mul3A_202 = arith.muli %arg1, %mul3A_201 : i32
    %add3A_203 = arith.constant 0 : i32
    %add3A_204 = arith.addi %mul3A_202, %add3A_203 : i32
    "tpu.region"() ({
      %run_scoped3A = tpu.sem_alloc : memref<!tpu.dma_semaphore, #tpu.memory_space<semaphore_mem>>
      %dma_start3A_221 = arith.constant 0 : i32
      %dma_start3A_222 = tpu.memref_slice %arg9[%add3A_204, %dma_start3A_221] : memref<10240x32xf32, #tpu.memory_space<vmem_shared>> -> memref<320x32xf32, #tpu.memory_space<vmem_shared>>
      %dma_start3A_223 = arith.constant 0 : i32
      %dma_start3A_224 = tpu.memref_slice %arg9[%add3A_204, %dma_start3A_223] : memref<10240x32xf32, #tpu.memory_space<vmem_shared>> -> memref<320x32xf32, #tpu.memory_space<vmem_shared>>
      tpu.enqueue_dma source(%dma_start3A_224 : memref<320x32xf32, #tpu.memory_space<vmem_shared>>) target(%arg11 : memref<320x32xf32, #tpu.memory_space<vmem>>) target_semaphore(%run_scoped3A : memref<!tpu.dma_semaphore, #tpu.memory_space<semaphore_mem>>)
      %dma_wait3A = arith.constant 0 : i32
      %dma_wait3A_225 = tpu.memref_slice %arg9[%add3A_204, %dma_wait3A] : memref<10240x32xf32, #tpu.memory_space<vmem_shared>> -> memref<320x32xf32, #tpu.memory_space<vmem_shared>>
      %dma_wait3A_226 = arith.constant 0 : i32
      %dma_wait3A_227 = tpu.memref_slice %arg9[%add3A_204, %dma_wait3A_226] : memref<10240x32xf32, #tpu.memory_space<vmem_shared>> -> memref<320x32xf32, #tpu.memory_space<vmem_shared>>
      tpu.wait_dma2 semaphore(%run_scoped3A : memref<!tpu.dma_semaphore, #tpu.memory_space<semaphore_mem>>) src(%dma_wait3A_227 : memref<320x32xf32, #tpu.memory_space<vmem_shared>>) dst(%arg11 : memref<320x32xf32, #tpu.memory_space<vmem>>)
      tpu.yield
    }) : () -> ()
    "tpu.region"() ({
      %run_scoped3A = tpu.sem_alloc : memref<!tpu.dma_semaphore, #tpu.memory_space<semaphore_mem>>
      %dma_start3A_221 = arith.constant 0 : i32
      %dma_start3A_222 = tpu.memref_slice %arg10[%add3A_204, %dma_start3A_221] : memref<10240x16xf32, #tpu.memory_space<vmem_shared>> -> memref<320x16xf32, #tpu.memory_space<vmem_shared>>
      %dma_start3A_223 = arith.constant 0 : i32
      %dma_start3A_224 = tpu.memref_slice %arg10[%add3A_204, %dma_start3A_223] : memref<10240x16xf32, #tpu.memory_space<vmem_shared>> -> memref<320x16xf32, #tpu.memory_space<vmem_shared>>
      tpu.enqueue_dma source(%dma_start3A_224 : memref<320x16xf32, #tpu.memory_space<vmem_shared>>) target(%arg12 : memref<320x16xf32, #tpu.memory_space<vmem>>) target_semaphore(%run_scoped3A : memref<!tpu.dma_semaphore, #tpu.memory_space<semaphore_mem>>)
      %dma_wait3A = arith.constant 0 : i32
      %dma_wait3A_225 = tpu.memref_slice %arg10[%add3A_204, %dma_wait3A] : memref<10240x16xf32, #tpu.memory_space<vmem_shared>> -> memref<320x16xf32, #tpu.memory_space<vmem_shared>>
      %dma_wait3A_226 = arith.constant 0 : i32
      %dma_wait3A_227 = tpu.memref_slice %arg10[%add3A_204, %dma_wait3A_226] : memref<10240x16xf32, #tpu.memory_space<vmem_shared>> -> memref<320x16xf32, #tpu.memory_space<vmem_shared>>
      tpu.wait_dma2 semaphore(%run_scoped3A : memref<!tpu.dma_semaphore, #tpu.memory_space<semaphore_mem>>) src(%dma_wait3A_227 : memref<320x16xf32, #tpu.memory_space<vmem_shared>>) dst(%arg12 : memref<320x16xf32, #tpu.memory_space<vmem>>)
      tpu.yield
    }) : () -> ()
    %scan3A_205 = arith.constant 0 : i32
    %scan3A_206 = arith.constant 0 : i32
    %scan3A_207 = arith.constant 320 : i32
    %scan3A_208 = arith.addi %scan3A_206, %scan3A_207 : i32
    %scan3A_209 = arith.constant 1 : i32
    scf.for %scan3A_221 = %scan3A_206 to %scan3A_208 step %scan3A_209  : i32 {
      %get3A = arith.index_cast %scan3A_221 : i32 to index
      %get3A_222 = arith.constant 0 : index
      %get3A_223 = tpu.vector_load %arg11[%get3A, %get3A_222] {strides = array<i32>} : memref<320x32xf32, #tpu.memory_space<vmem>>, vector<1x16xf32>,
      %get3A_224 = vector.shape_cast %get3A_223 : vector<1x16xf32> to vector<16xf32>
      %swap3A = arith.index_cast %scan3A_221 : i32 to index
      %swap3A_225 = arith.constant 0 : index
      %swap3A_226 = tpu.vector_load %arg13[%swap3A, %swap3A_225] {strides = array<i32>} : memref<320x128xf32, #tpu.memory_space<vmem>>, vector<1x16xf32>,
      %swap3A_227 = vector.shape_cast %swap3A_226 : vector<1x16xf32> to vector<16xf32>
      %swap3A_228 = vector.shape_cast %get3A_224 : vector<16xf32> to vector<1x16xf32>
      tpu.vector_store %arg13[%swap3A, %swap3A_225], %swap3A_228 {strides = array<i32>} : memref<320x128xf32, #tpu.memory_space<vmem>>, vector<1x16xf32>,
      %get3A_229 = arith.index_cast %scan3A_221 : i32 to index
      %get3A_230 = arith.constant 16 : index
      %get3A_231 = tpu.vector_load %arg11[%get3A_229, %get3A_230] {strides = array<i32>} : memref<320x32xf32, #tpu.memory_space<vmem>>, vector<1x16xf32>,
      %get3A_232 = vector.shape_cast %get3A_231 : vector<1x16xf32> to vector<16xf32>
      %swap3A_233 = arith.index_cast %scan3A_221 : i32 to index
      %swap3A_234 = arith.constant 16 : index
      %swap3A_235 = tpu.vector_load %arg13[%swap3A_233, %swap3A_234] {strides = array<i32>} : memref<320x128xf32, #tpu.memory_space<vmem>>, vector<1x16xf32>,
      %swap3A_236 = vector.shape_cast %swap3A_235 : vector<1x16xf32> to vector<16xf32>
      %swap3A_237 = vector.shape_cast %get3A_232 : vector<16xf32> to vector<1x16xf32>
      tpu.vector_store %arg13[%swap3A_233, %swap3A_234], %swap3A_237 {strides = array<i32>} : memref<320x128xf32, #tpu.memory_space<vmem>>, vector<1x16xf32>,
      %get3A_238 = arith.index_cast %scan3A_221 : i32 to index
      %get3A_239 = arith.constant 0 : index
      %get3A_240 = tpu.vector_load %arg12[%get3A_238, %get3A_239] {strides = array<i32>} : memref<320x16xf32, #tpu.memory_space<vmem>>, vector<1x16xf32>,
      %get3A_241 = vector.shape_cast %get3A_240 : vector<1x16xf32> to vector<16xf32>
      %swap3A_242 = arith.index_cast %scan3A_221 : i32 to index
      %swap3A_243 = arith.constant 32 : index
      %swap3A_244 = tpu.vector_load %arg13[%swap3A_242, %swap3A_243] {strides = array<i32>} : memref<320x128xf32, #tpu.memory_space<vmem>>, vector<1x16xf32>,
      %swap3A_245 = vector.shape_cast %swap3A_244 : vector<1x16xf32> to vector<16xf32>
      %swap3A_246 = vector.shape_cast %get3A_241 : vector<16xf32> to vector<1x16xf32>
      tpu.vector_store %arg13[%swap3A_242, %swap3A_243], %swap3A_246 {strides = array<i32>} : memref<320x128xf32, #tpu.memory_space<vmem>>, vector<1x16xf32>,
    }
    %scan3A_210 = arith.constant 320 : i32
    "tpu.region"() ({
      %run_scoped3A = tpu.sem_alloc : memref<!tpu.dma_semaphore, #tpu.memory_space<semaphore_mem>>
      %dma_start3A_221 = arith.constant 0 : i32
      %dma_start3A_222 = tpu.memref_slice %arg5[%arg0, %add3A_204, %dma_start3A_221] : memref<2x10240x128xf32, #tpu.memory_space<hbm>> -> memref<1x320x128xf32, #tpu.memory_space<hbm>>
      %dma_start3A_223 = tpu.memref_squeeze %dma_start3A_222 : memref<1x320x128xf32, #tpu.memory_space<hbm>> -> memref<320x128xf32, #tpu.memory_space<hbm>>
      %dma_start3A_224 = arith.constant 0 : i32
      %dma_start3A_225 = tpu.memref_slice %arg5[%arg0, %add3A_204, %dma_start3A_224] : memref<2x10240x128xf32, #tpu.memory_space<hbm>> -> memref<1x320x128xf32, #tpu.memory_space<hbm>>
      %dma_start3A_226 = tpu.memref_squeeze %dma_start3A_225 : memref<1x320x128xf32, #tpu.memory_space<hbm>> -> memref<320x128xf32, #tpu.memory_space<hbm>>
      tpu.enqueue_dma source(%arg13 : memref<320x128xf32, #tpu.memory_space<vmem>>) target(%dma_start3A_226 : memref<320x128xf32, #tpu.memory_space<hbm>>) target_semaphore(%run_scoped3A : memref<!tpu.dma_semaphore, #tpu.memory_space<semaphore_mem>>)
      %dma_wait3A = arith.constant 0 : i32
      %dma_wait3A_227 = tpu.memref_slice %arg5[%arg0, %add3A_204, %dma_wait3A] : memref<2x10240x128xf32, #tpu.memory_space<hbm>> -> memref<1x320x128xf32, #tpu.memory_space<hbm>>
      %dma_wait3A_228 = tpu.memref_squeeze %dma_wait3A_227 : memref<1x320x128xf32, #tpu.memory_space<hbm>> -> memref<320x128xf32, #tpu.memory_space<hbm>>
      %dma_wait3A_229 = arith.constant 0 : i32
      %dma_wait3A_230 = tpu.memref_slice %arg5[%arg0, %add3A_204, %dma_wait3A_229] : memref<2x10240x128xf32, #tpu.memory_space<hbm>> -> memref<1x320x128xf32, #tpu.memory_space<hbm>>
      %dma_wait3A_231 = tpu.memref_squeeze %dma_wait3A_230 : memref<1x320x128xf32, #tpu.memory_space<hbm>> -> memref<320x128xf32, #tpu.memory_space<hbm>>
      tpu.wait_dma2 semaphore(%run_scoped3A : memref<!tpu.dma_semaphore, #tpu.memory_space<semaphore_mem>>) src(%arg13 : memref<320x128xf32, #tpu.memory_space<vmem>>) dst(%dma_wait3A_231 : memref<320x128xf32, #tpu.memory_space<hbm>>)
      tpu.yield
    }) : () -> ()
    %mul3A_211 = arith.constant 640 : i32
    %mul3A_212 = arith.muli %arg1, %mul3A_211 : i32
    %add3A_213 = arith.constant 320 : i32
    %add3A_214 = arith.addi %mul3A_212, %add3A_213 : i32
    "tpu.region"() ({
      %run_scoped3A = tpu.sem_alloc : memref<!tpu.dma_semaphore, #tpu.memory_space<semaphore_mem>>
      %dma_start3A_221 = arith.constant 0 : i32
      %dma_start3A_222 = tpu.memref_slice %arg9[%add3A_214, %dma_start3A_221] : memref<10240x32xf32, #tpu.memory_space<vmem_shared>> -> memref<320x32xf32, #tpu.memory_space<vmem_shared>>
      %dma_start3A_223 = arith.constant 0 : i32
      %dma_start3A_224 = tpu.memref_slice %arg9[%add3A_214, %dma_start3A_223] : memref<10240x32xf32, #tpu.memory_space<vmem_shared>> -> memref<320x32xf32, #tpu.memory_space<vmem_shared>>
      tpu.enqueue_dma source(%dma_start3A_224 : memref<320x32xf32, #tpu.memory_space<vmem_shared>>) target(%arg11 : memref<320x32xf32, #tpu.memory_space<vmem>>) target_semaphore(%run_scoped3A : memref<!tpu.dma_semaphore, #tpu.memory_space<semaphore_mem>>)
      %dma_wait3A = arith.constant 0 : i32
      %dma_wait3A_225 = tpu.memref_slice %arg9[%add3A_214, %dma_wait3A] : memref<10240x32xf32, #tpu.memory_space<vmem_shared>> -> memref<320x32xf32, #tpu.memory_space<vmem_shared>>
      %dma_wait3A_226 = arith.constant 0 : i32
      %dma_wait3A_227 = tpu.memref_slice %arg9[%add3A_214, %dma_wait3A_226] : memref<10240x32xf32, #tpu.memory_space<vmem_shared>> -> memref<320x32xf32, #tpu.memory_space<vmem_shared>>
      tpu.wait_dma2 semaphore(%run_scoped3A : memref<!tpu.dma_semaphore, #tpu.memory_space<semaphore_mem>>) src(%dma_wait3A_227 : memref<320x32xf32, #tpu.memory_space<vmem_shared>>) dst(%arg11 : memref<320x32xf32, #tpu.memory_space<vmem>>)
      tpu.yield
    }) : () -> ()
    "tpu.region"() ({
      %run_scoped3A = tpu.sem_alloc : memref<!tpu.dma_semaphore, #tpu.memory_space<semaphore_mem>>
      %dma_start3A_221 = arith.constant 0 : i32
      %dma_start3A_222 = tpu.memref_slice %arg10[%add3A_214, %dma_start3A_221] : memref<10240x16xf32, #tpu.memory_space<vmem_shared>> -> memref<320x16xf32, #tpu.memory_space<vmem_shared>>
      %dma_start3A_223 = arith.constant 0 : i32
      %dma_start3A_224 = tpu.memref_slice %arg10[%add3A_214, %dma_start3A_223] : memref<10240x16xf32, #tpu.memory_space<vmem_shared>> -> memref<320x16xf32, #tpu.memory_space<vmem_shared>>
      tpu.enqueue_dma source(%dma_start3A_224 : memref<320x16xf32, #tpu.memory_space<vmem_shared>>) target(%arg12 : memref<320x16xf32, #tpu.memory_space<vmem>>) target_semaphore(%run_scoped3A : memref<!tpu.dma_semaphore, #tpu.memory_space<semaphore_mem>>)
      %dma_wait3A = arith.constant 0 : i32
      %dma_wait3A_225 = tpu.memref_slice %arg10[%add3A_214, %dma_wait3A] : memref<10240x16xf32, #tpu.memory_space<vmem_shared>> -> memref<320x16xf32, #tpu.memory_space<vmem_shared>>
      %dma_wait3A_226 = arith.constant 0 : i32
      %dma_wait3A_227 = tpu.memref_slice %arg10[%add3A_214, %dma_wait3A_226] : memref<10240x16xf32, #tpu.memory_space<vmem_shared>> -> memref<320x16xf32, #tpu.memory_space<vmem_shared>>
      tpu.wait_dma2 semaphore(%run_scoped3A : memref<!tpu.dma_semaphore, #tpu.memory_space<semaphore_mem>>) src(%dma_wait3A_227 : memref<320x16xf32, #tpu.memory_space<vmem_shared>>) dst(%arg12 : memref<320x16xf32, #tpu.memory_space<vmem>>)
      tpu.yield
    }) : () -> ()
    %scan3A_215 = arith.constant 0 : i32
    %scan3A_216 = arith.constant 0 : i32
    %scan3A_217 = arith.constant 320 : i32
    %scan3A_218 = arith.addi %scan3A_216, %scan3A_217 : i32
    %scan3A_219 = arith.constant 1 : i32
    scf.for %scan3A_221 = %scan3A_216 to %scan3A_218 step %scan3A_219  : i32 {
      %get3A = arith.index_cast %scan3A_221 : i32 to index
      %get3A_222 = arith.constant 0 : index
      %get3A_223 = tpu.vector_load %arg11[%get3A, %get3A_222] {strides = array<i32>} : memref<320x32xf32, #tpu.memory_space<vmem>>, vector<1x16xf32>,
      %get3A_224 = vector.shape_cast %get3A_223 : vector<1x16xf32> to vector<16xf32>
      %swap3A = arith.index_cast %scan3A_221 : i32 to index
      %swap3A_225 = arith.constant 0 : index
      %swap3A_226 = tpu.vector_load %arg13[%swap3A, %swap3A_225] {strides = array<i32>} : memref<320x128xf32, #tpu.memory_space<vmem>>, vector<1x16xf32>,
      %swap3A_227 = vector.shape_cast %swap3A_226 : vector<1x16xf32> to vector<16xf32>
      %swap3A_228 = vector.shape_cast %get3A_224 : vector<16xf32> to vector<1x16xf32>
      tpu.vector_store %arg13[%swap3A, %swap3A_225], %swap3A_228 {strides = array<i32>} : memref<320x128xf32, #tpu.memory_space<vmem>>, vector<1x16xf32>,
      %get3A_229 = arith.index_cast %scan3A_221 : i32 to index
      %get3A_230 = arith.constant 16 : index
      %get3A_231 = tpu.vector_load %arg11[%get3A_229, %get3A_230] {strides = array<i32>} : memref<320x32xf32, #tpu.memory_space<vmem>>, vector<1x16xf32>,
      %get3A_232 = vector.shape_cast %get3A_231 : vector<1x16xf32> to vector<16xf32>
      %swap3A_233 = arith.index_cast %scan3A_221 : i32 to index
      %swap3A_234 = arith.constant 16 : index
      %swap3A_235 = tpu.vector_load %arg13[%swap3A_233, %swap3A_234] {strides = array<i32>} : memref<320x128xf32, #tpu.memory_space<vmem>>, vector<1x16xf32>,
      %swap3A_236 = vector.shape_cast %swap3A_235 : vector<1x16xf32> to vector<16xf32>
      %swap3A_237 = vector.shape_cast %get3A_232 : vector<16xf32> to vector<1x16xf32>
      tpu.vector_store %arg13[%swap3A_233, %swap3A_234], %swap3A_237 {strides = array<i32>} : memref<320x128xf32, #tpu.memory_space<vmem>>, vector<1x16xf32>,
      %get3A_238 = arith.index_cast %scan3A_221 : i32 to index
      %get3A_239 = arith.constant 0 : index
      %get3A_240 = tpu.vector_load %arg12[%get3A_238, %get3A_239] {strides = array<i32>} : memref<320x16xf32, #tpu.memory_space<vmem>>, vector<1x16xf32>,
      %get3A_241 = vector.shape_cast %get3A_240 : vector<1x16xf32> to vector<16xf32>
      %swap3A_242 = arith.index_cast %scan3A_221 : i32 to index
      %swap3A_243 = arith.constant 32 : index
      %swap3A_244 = tpu.vector_load %arg13[%swap3A_242, %swap3A_243] {strides = array<i32>} : memref<320x128xf32, #tpu.memory_space<vmem>>, vector<1x16xf32>,
      %swap3A_245 = vector.shape_cast %swap3A_244 : vector<1x16xf32> to vector<16xf32>
      %swap3A_246 = vector.shape_cast %get3A_241 : vector<16xf32> to vector<1x16xf32>
      tpu.vector_store %arg13[%swap3A_242, %swap3A_243], %swap3A_246 {strides = array<i32>} : memref<320x128xf32, #tpu.memory_space<vmem>>, vector<1x16xf32>,
    }
    %scan3A_220 = arith.constant 320 : i32
    "tpu.region"() ({
      %run_scoped3A = tpu.sem_alloc : memref<!tpu.dma_semaphore, #tpu.memory_space<semaphore_mem>>
      %dma_start3A_221 = arith.constant 0 : i32
      %dma_start3A_222 = tpu.memref_slice %arg5[%arg0, %add3A_214, %dma_start3A_221] : memref<2x10240x128xf32, #tpu.memory_space<hbm>> -> memref<1x320x128xf32, #tpu.memory_space<hbm>>
      %dma_start3A_223 = tpu.memref_squeeze %dma_start3A_222 : memref<1x320x128xf32, #tpu.memory_space<hbm>> -> memref<320x128xf32, #tpu.memory_space<hbm>>
      %dma_start3A_224 = arith.constant 0 : i32
      %dma_start3A_225 = tpu.memref_slice %arg5[%arg0, %add3A_214, %dma_start3A_224] : memref<2x10240x128xf32, #tpu.memory_space<hbm>> -> memref<1x320x128xf32, #tpu.memory_space<hbm>>
      %dma_start3A_226 = tpu.memref_squeeze %dma_start3A_225 : memref<1x320x128xf32, #tpu.memory_space<hbm>> -> memref<320x128xf32, #tpu.memory_space<hbm>>
      tpu.enqueue_dma source(%arg13 : memref<320x128xf32, #tpu.memory_space<vmem>>) target(%dma_start3A_226 : memref<320x128xf32, #tpu.memory_space<hbm>>) target_semaphore(%run_scoped3A : memref<!tpu.dma_semaphore, #tpu.memory_space<semaphore_mem>>)
      %dma_wait3A = arith.constant 0 : i32
      %dma_wait3A_227 = tpu.memref_slice %arg5[%arg0, %add3A_214, %dma_wait3A] : memref<2x10240x128xf32, #tpu.memory_space<hbm>> -> memref<1x320x128xf32, #tpu.memory_space<hbm>>
      %dma_wait3A_228 = tpu.memref_squeeze %dma_wait3A_227 : memref<1x320x128xf32, #tpu.memory_space<hbm>> -> memref<320x128xf32, #tpu.memory_space<hbm>>
      %dma_wait3A_229 = arith.constant 0 : i32
      %dma_wait3A_230 = tpu.memref_slice %arg5[%arg0, %add3A_214, %dma_wait3A_229] : memref<2x10240x128xf32, #tpu.memory_space<hbm>> -> memref<1x320x128xf32, #tpu.memory_space<hbm>>
      %dma_wait3A_231 = tpu.memref_squeeze %dma_wait3A_230 : memref<1x320x128xf32, #tpu.memory_space<hbm>> -> memref<320x128xf32, #tpu.memory_space<hbm>>
      tpu.wait_dma2 semaphore(%run_scoped3A : memref<!tpu.dma_semaphore, #tpu.memory_space<semaphore_mem>>) src(%arg13 : memref<320x128xf32, #tpu.memory_space<vmem>>) dst(%dma_wait3A_231 : memref<320x128xf32, #tpu.memory_space<hbm>>)
      tpu.yield
    }) : () -> ()
    return
  }
}

module attributes {stable_mosaic.version = 14 : i64} {
  func.func @_tca_body(%arg0: memref<10000x32xf32, #tpu.memory_space<vmem>>, %arg1: memref<10000x128xf32, #tpu.memory_space<vmem>>, %arg2: memref<32x48xf32, #tpu.memory_space<vmem>>, %arg3: memref<128x48xf32, #tpu.memory_space<vmem>>, %arg4: memref<32x48xf32, #tpu.memory_space<vmem>>, %arg5: memref<128x48xf32, #tpu.memory_space<vmem>>, %arg6: memref<10000x48xf32, #tpu.memory_space<vmem>>, %arg7: memref<10000x48xf32, #tpu.memory_space<vmem>>) attributes {dimension_semantics = [], scalar_prefetch = 0 : i64, scratch_operands = 0 : i64, tpu.core_type = #tpu.core_type<tc>} {
    %get3A = arith.constant 0 : index
    %get3A_0 = arith.constant 0 : index
    %get3A_1 = vector.load %arg0[%get3A, %get3A_0] : memref<10000x32xf32, #tpu.memory_space<vmem>>, vector<10000x32xf32>
    %get3A_2 = arith.constant 0 : index
    %get3A_3 = arith.constant 0 : index
    %get3A_4 = vector.load %arg1[%get3A_2, %get3A_3] : memref<10000x128xf32, #tpu.memory_space<vmem>>, vector<10000x128xf32>
    %get3A_5 = arith.constant 0 : index
    %get3A_6 = arith.constant 0 : index
    %get3A_7 = vector.load %arg2[%get3A_5, %get3A_6] : memref<32x48xf32, #tpu.memory_space<vmem>>, vector<32x48xf32>
    %dot_general3A = arith.constant dense<0.000000e+00> : vector<10000x48xf32>
    %dot_general3A_8 = tpu.matmul %get3A_1, %get3A_7, %dot_general3A {dimension_numbers = #tpu.dot_dimension_numbers<[1], [0], [0], [1], [0, 0, 1, 1], [], []>, transpose_lhs_hint = false} : vector<10000x32xf32>, vector<32x48xf32>, vector<10000x48xf32> -> vector<10000x48xf32>
    %get3A_9 = arith.constant 0 : index
    %get3A_10 = arith.constant 0 : index
    %get3A_11 = vector.load %arg3[%get3A_9, %get3A_10] : memref<128x48xf32, #tpu.memory_space<vmem>>, vector<128x48xf32>
    %dot_general3A_12 = arith.constant dense<0.000000e+00> : vector<10000x48xf32>
    %dot_general3A_13 = tpu.matmul %get3A_4, %get3A_11, %dot_general3A_12 {dimension_numbers = #tpu.dot_dimension_numbers<[1], [0], [0], [1], [0, 0, 1, 1], [], []>, transpose_lhs_hint = false} : vector<10000x128xf32>, vector<128x48xf32>, vector<10000x48xf32> -> vector<10000x48xf32>
    %add3A = arith.addf %dot_general3A_8, %dot_general3A_13 : vector<10000x48xf32>
    %swap3A = arith.constant 0 : index
    %swap3A_14 = arith.constant 0 : index
    %swap3A_15 = vector.load %arg6[%swap3A, %swap3A_14] : memref<10000x48xf32, #tpu.memory_space<vmem>>, vector<10000x48xf32>
    tpu.vector_store %arg6[%swap3A, %swap3A_14], %add3A {strides = array<i32>} : memref<10000x48xf32, #tpu.memory_space<vmem>>, vector<10000x48xf32>,
    %get3A_16 = arith.constant 0 : index
    %get3A_17 = arith.constant 0 : index
    %get3A_18 = vector.load %arg4[%get3A_16, %get3A_17] : memref<32x48xf32, #tpu.memory_space<vmem>>, vector<32x48xf32>
    %dot_general3A_19 = arith.constant dense<0.000000e+00> : vector<10000x48xf32>
    %dot_general3A_20 = tpu.matmul %get3A_1, %get3A_18, %dot_general3A_19 {dimension_numbers = #tpu.dot_dimension_numbers<[1], [0], [0], [1], [0, 0, 1, 1], [], []>, transpose_lhs_hint = false} : vector<10000x32xf32>, vector<32x48xf32>, vector<10000x48xf32> -> vector<10000x48xf32>
    %get3A_21 = arith.constant 0 : index
    %get3A_22 = arith.constant 0 : index
    %get3A_23 = vector.load %arg5[%get3A_21, %get3A_22] : memref<128x48xf32, #tpu.memory_space<vmem>>, vector<128x48xf32>
    %dot_general3A_24 = arith.constant dense<0.000000e+00> : vector<10000x48xf32>
    %dot_general3A_25 = tpu.matmul %get3A_4, %get3A_23, %dot_general3A_24 {dimension_numbers = #tpu.dot_dimension_numbers<[1], [0], [0], [1], [0, 0, 1, 1], [], []>, transpose_lhs_hint = false} : vector<10000x128xf32>, vector<128x48xf32>, vector<10000x48xf32> -> vector<10000x48xf32>
    %add3A_26 = arith.addf %dot_general3A_20, %dot_general3A_25 : vector<10000x48xf32>
    %swap3A_27 = arith.constant 0 : index
    %swap3A_28 = arith.constant 0 : index
    %swap3A_29 = vector.load %arg7[%swap3A_27, %swap3A_28] : memref<10000x48xf32, #tpu.memory_space<vmem>>, vector<10000x48xf32>
    tpu.vector_store %arg7[%swap3A_27, %swap3A_28], %add3A_26 {strides = array<i32>} : memref<10000x48xf32, #tpu.memory_space<vmem>>, vector<10000x48xf32>,
    return
  }
}

module attributes {stable_mosaic.version = 14 : i64} {
  func.func @_tcc_body(%arg0: i32, %arg1: memref<6000x128xf32, #tpu.memory_space<vmem>>, %arg2: memref<2000x256xbf16, #tpu.memory_space<vmem>>, %arg3: memref<2000x128xbf16, #tpu.memory_space<vmem>>, %arg4: memref<256x384xbf16, #tpu.memory_space<vmem>>, %arg5: memref<128x384xbf16, #tpu.memory_space<vmem>>, %arg6: memref<32x384xf32, #tpu.memory_space<vmem>>, %arg7: memref<32x384xf32, #tpu.memory_space<vmem>>, %arg8: memref<1x32xf32, #tpu.memory_space<vmem>>, %arg9: memref<1x32xf32, #tpu.memory_space<vmem>>, %arg10: memref<1x384xf32, #tpu.memory_space<vmem>>, %arg11: memref<4000x128xf32, #tpu.memory_space<vmem>>, %arg12: memref<2000x128xf32, #tpu.memory_space<vmem>>) attributes {dimension_semantics = [#tpu.dimension_semantics<parallel>], iteration_bounds = array<i64: 20>, scalar_prefetch = 0 : i64, scratch_operands = 0 : i64, tpu.core_type = #tpu.core_type<tc>, window_params = [{transform_indices = @transform_0, window_bounds = array<i64: 6000, 128>}, {transform_indices = @transform_1, window_bounds = array<i64: 2000, 256>}, {transform_indices = @transform_2, window_bounds = array<i64: 2000, 128>}, {pipeline_mode = #tpu.pipeline_mode<synchronous>, transform_indices = @transform_3, window_bounds = array<i64: 256, 384>}, {pipeline_mode = #tpu.pipeline_mode<synchronous>, transform_indices = @transform_4, window_bounds = array<i64: 128, 384>}, {pipeline_mode = #tpu.pipeline_mode<synchronous>, transform_indices = @transform_5, window_bounds = array<i64: 32, 384>}, {pipeline_mode = #tpu.pipeline_mode<synchronous>, transform_indices = @transform_6, window_bounds = array<i64: 32, 384>}, {pipeline_mode = #tpu.pipeline_mode<synchronous>, transform_indices = @transform_7, window_bounds = array<i64: 1, 32>}, {pipeline_mode = #tpu.pipeline_mode<synchronous>, transform_indices = @transform_8, window_bounds = array<i64: 1, 32>}, {pipeline_mode = #tpu.pipeline_mode<synchronous>, transform_indices = @transform_9, window_bounds = array<i64: 1, 384>}, {transform_indices = @transform_10, window_bounds = array<i64: 4000, 128>}, {transform_indices = @transform_11, window_bounds = array<i64: 2000, 128>}]} {
    %get3A = arith.constant 0 : index
    %get3A_0 = arith.constant 0 : index
    %get3A_1 = vector.load %arg8[%get3A, %get3A_0] : memref<1x32xf32, #tpu.memory_space<vmem>>, vector<1x32xf32>
    %get3A_2 = arith.constant 0 : index
    %get3A_3 = arith.constant 0 : index
    %get3A_4 = vector.load %arg6[%get3A_2, %get3A_3] : memref<32x384xf32, #tpu.memory_space<vmem>>, vector<32x384xf32>
    %dot_general3A = arith.constant dense<0.000000e+00> : vector<1x384xf32>
    %dot_general3A_5 = tpu.matmul %get3A_1, %get3A_4, %dot_general3A {dimension_numbers = #tpu.dot_dimension_numbers<[1], [0], [0], [1], [0, 0, 1, 1], [], []>, transpose_lhs_hint = false} : vector<1x32xf32>, vector<32x384xf32>, vector<1x384xf32> -> vector<1x384xf32>
    %get3A_6 = arith.constant 0 : index
    %get3A_7 = arith.constant 0 : index
    %get3A_8 = vector.load %arg9[%get3A_6, %get3A_7] : memref<1x32xf32, #tpu.memory_space<vmem>>, vector<1x32xf32>
    %get3A_9 = arith.constant 0 : index
    %get3A_10 = arith.constant 0 : index
    %get3A_11 = vector.load %arg7[%get3A_9, %get3A_10] : memref<32x384xf32, #tpu.memory_space<vmem>>, vector<32x384xf32>
    %dot_general3A_12 = arith.constant dense<0.000000e+00> : vector<1x384xf32>
    %dot_general3A_13 = tpu.matmul %get3A_8, %get3A_11, %dot_general3A_12 {dimension_numbers = #tpu.dot_dimension_numbers<[1], [0], [0], [1], [0, 0, 1, 1], [], []>, transpose_lhs_hint = false} : vector<1x32xf32>, vector<32x384xf32>, vector<1x384xf32> -> vector<1x384xf32>
    %add3A = arith.addf %dot_general3A_5, %dot_general3A_13 : vector<1x384xf32>
    %get3A_14 = arith.constant 0 : index
    %get3A_15 = arith.constant 0 : index
    %get3A_16 = vector.load %arg10[%get3A_14, %get3A_15] : memref<1x384xf32, #tpu.memory_space<vmem>>, vector<1x384xf32>
    %add3A_17 = arith.addf %add3A, %get3A_16 : vector<1x384xf32>
    %get3A_18 = arith.constant 0 : index
    %get3A_19 = arith.constant 0 : index
    %get3A_20 = vector.load %arg1[%get3A_18, %get3A_19] : memref<6000x128xf32, #tpu.memory_space<vmem>>, vector<6000x128xf32>
    %reshape3A = vector.shape_cast %get3A_20 : vector<6000x128xf32> to vector<2000x384xf32>
    %get3A_21 = arith.constant 0 : index
    %get3A_22 = arith.constant 0 : index
    %get3A_23 = vector.load %arg2[%get3A_21, %get3A_22] : memref<2000x256xbf16, #tpu.memory_space<vmem>>, vector<2000x256xbf16>
    %get3A_24 = arith.constant 0 : index
    %get3A_25 = arith.constant 0 : index
    %get3A_26 = vector.load %arg4[%get3A_24, %get3A_25] : memref<256x384xbf16, #tpu.memory_space<vmem>>, vector<256x384xbf16>
    %dot_general3A_27 = arith.constant dense<0.000000e+00> : vector<2000x384xf32>
    %dot_general3A_28 = tpu.matmul %get3A_23, %get3A_26, %dot_general3A_27 {dimension_numbers = #tpu.dot_dimension_numbers<[1], [0], [0], [1], [0, 0, 1, 1], [], []>, transpose_lhs_hint = false} : vector<2000x256xbf16>, vector<256x384xbf16>, vector<2000x384xf32> -> vector<2000x384xf32>
    %add3A_29 = arith.addf %reshape3A, %dot_general3A_28 : vector<2000x384xf32>
    %get3A_30 = arith.constant 0 : index
    %get3A_31 = arith.constant 0 : index
    %get3A_32 = vector.load %arg3[%get3A_30, %get3A_31] : memref<2000x128xbf16, #tpu.memory_space<vmem>>, vector<2000x128xbf16>
    %get3A_33 = arith.constant 0 : index
    %get3A_34 = arith.constant 0 : index
    %get3A_35 = vector.load %arg5[%get3A_33, %get3A_34] : memref<128x384xbf16, #tpu.memory_space<vmem>>, vector<128x384xbf16>
    %dot_general3A_36 = arith.constant dense<0.000000e+00> : vector<2000x384xf32>
    %dot_general3A_37 = tpu.matmul %get3A_32, %get3A_35, %dot_general3A_36 {dimension_numbers = #tpu.dot_dimension_numbers<[1], [0], [0], [1], [0, 0, 1, 1], [], []>, transpose_lhs_hint = false} : vector<2000x128xbf16>, vector<128x384xbf16>, vector<2000x384xf32> -> vector<2000x384xf32>
    %add3A_38 = arith.addf %add3A_29, %dot_general3A_37 : vector<2000x384xf32>
    %add3A_39 = vector.broadcast %add3A_17 : vector<1x384xf32> to vector<2000x384xf32>
    %add3A_40 = arith.addf %add3A_38, %add3A_39 : vector<2000x384xf32>
    %tanh3A = math.tanh %add3A_40 : vector<2000x384xf32>
    %slice3A = vector.extract_strided_slice %tanh3A {offsets = [0, 0], sizes = [2000, 32], strides = [1, 1]} : vector<2000x384xf32> to vector<2000x32xf32>
    %slice3A_41 = vector.extract_strided_slice %tanh3A {offsets = [0, 48], sizes = [2000, 32], strides = [1, 1]} : vector<2000x384xf32> to vector<2000x32xf32>
    %slice3A_42 = vector.extract_strided_slice %tanh3A {offsets = [0, 96], sizes = [2000, 32], strides = [1, 1]} : vector<2000x384xf32> to vector<2000x32xf32>
    %slice3A_43 = vector.extract_strided_slice %tanh3A {offsets = [0, 144], sizes = [2000, 32], strides = [1, 1]} : vector<2000x384xf32> to vector<2000x32xf32>
    %slice3A_44 = vector.extract_strided_slice %tanh3A {offsets = [0, 192], sizes = [2000, 32], strides = [1, 1]} : vector<2000x384xf32> to vector<2000x32xf32>
    %slice3A_45 = vector.extract_strided_slice %tanh3A {offsets = [0, 240], sizes = [2000, 32], strides = [1, 1]} : vector<2000x384xf32> to vector<2000x32xf32>
    %slice3A_46 = vector.extract_strided_slice %tanh3A {offsets = [0, 288], sizes = [2000, 32], strides = [1, 1]} : vector<2000x384xf32> to vector<2000x32xf32>
    %slice3A_47 = vector.extract_strided_slice %tanh3A {offsets = [0, 336], sizes = [2000, 32], strides = [1, 1]} : vector<2000x384xf32> to vector<2000x32xf32>
    %concatenate3A = tpu.concatenate %slice3A, %slice3A_41, %slice3A_42, %slice3A_43, %slice3A_44, %slice3A_45, %slice3A_46, %slice3A_47 in 1 : vector<2000x32xf32>, vector<2000x32xf32>, vector<2000x32xf32>, vector<2000x32xf32>, vector<2000x32xf32>, vector<2000x32xf32>, vector<2000x32xf32>, vector<2000x32xf32> -> vector<2000x256xf32>
    %reshape3A_48 = vector.shape_cast %concatenate3A : vector<2000x256xf32> to vector<4000x128xf32>
    %swap3A = arith.constant 0 : index
    %swap3A_49 = arith.constant 0 : index
    %swap3A_50 = vector.load %arg11[%swap3A, %swap3A_49] : memref<4000x128xf32, #tpu.memory_space<vmem>>, vector<4000x128xf32>
    tpu.vector_store %arg11[%swap3A, %swap3A_49], %reshape3A_48 {strides = array<i32>} : memref<4000x128xf32, #tpu.memory_space<vmem>>, vector<4000x128xf32>,
    %slice3A_51 = vector.extract_strided_slice %tanh3A {offsets = [0, 32], sizes = [2000, 16], strides = [1, 1]} : vector<2000x384xf32> to vector<2000x16xf32>
    %slice3A_52 = vector.extract_strided_slice %tanh3A {offsets = [0, 80], sizes = [2000, 16], strides = [1, 1]} : vector<2000x384xf32> to vector<2000x16xf32>
    %slice3A_53 = vector.extract_strided_slice %tanh3A {offsets = [0, 128], sizes = [2000, 16], strides = [1, 1]} : vector<2000x384xf32> to vector<2000x16xf32>
    %slice3A_54 = vector.extract_strided_slice %tanh3A {offsets = [0, 176], sizes = [2000, 16], strides = [1, 1]} : vector<2000x384xf32> to vector<2000x16xf32>
    %slice3A_55 = vector.extract_strided_slice %tanh3A {offsets = [0, 224], sizes = [2000, 16], strides = [1, 1]} : vector<2000x384xf32> to vector<2000x16xf32>
    %slice3A_56 = vector.extract_strided_slice %tanh3A {offsets = [0, 272], sizes = [2000, 16], strides = [1, 1]} : vector<2000x384xf32> to vector<2000x16xf32>
    %slice3A_57 = vector.extract_strided_slice %tanh3A {offsets = [0, 320], sizes = [2000, 16], strides = [1, 1]} : vector<2000x384xf32> to vector<2000x16xf32>
    %slice3A_58 = vector.extract_strided_slice %tanh3A {offsets = [0, 368], sizes = [2000, 16], strides = [1, 1]} : vector<2000x384xf32> to vector<2000x16xf32>
    %concatenate3A_59 = tpu.concatenate %slice3A_51, %slice3A_52, %slice3A_53, %slice3A_54, %slice3A_55, %slice3A_56, %slice3A_57, %slice3A_58 in 1 : vector<2000x16xf32>, vector<2000x16xf32>, vector<2000x16xf32>, vector<2000x16xf32>, vector<2000x16xf32>, vector<2000x16xf32>, vector<2000x16xf32>, vector<2000x16xf32> -> vector<2000x128xf32>
    %swap3A_60 = arith.constant 0 : index
    %swap3A_61 = arith.constant 0 : index
    %swap3A_62 = vector.load %arg12[%swap3A_60, %swap3A_61] : memref<2000x128xf32, #tpu.memory_space<vmem>>, vector<2000x128xf32>
    tpu.vector_store %arg12[%swap3A_60, %swap3A_61], %concatenate3A_59 {strides = array<i32>} : memref<2000x128xf32, #tpu.memory_space<vmem>>, vector<2000x128xf32>,
    return
  }
  func.func @transform_0(%arg0: i32) -> (i32, i32) {
    %c0_i32 = arith.constant 0 : i32
    %c0_i32_0 = arith.constant 0 : i32
    return %arg0, %c0_i32 : i32, i32
  }
  func.func @transform_1(%arg0: i32) -> (i32, i32) {
    %c0_i32 = arith.constant 0 : i32
    %c0_i32_0 = arith.constant 0 : i32
    return %arg0, %c0_i32 : i32, i32
  }
  func.func @transform_2(%arg0: i32) -> (i32, i32) {
    %c0_i32 = arith.constant 0 : i32
    %c0_i32_0 = arith.constant 0 : i32
    return %arg0, %c0_i32 : i32, i32
  }
  func.func @transform_3(%arg0: i32) -> (i32, i32) {
    %c0_i32 = arith.constant 0 : i32
    %c0_i32_0 = arith.constant 0 : i32
    %c0_i32_1 = arith.constant 0 : i32
    return %c0_i32, %c0_i32_0 : i32, i32
  }
  func.func @transform_4(%arg0: i32) -> (i32, i32) {
    %c0_i32 = arith.constant 0 : i32
    %c0_i32_0 = arith.constant 0 : i32
    %c0_i32_1 = arith.constant 0 : i32
    return %c0_i32, %c0_i32_0 : i32, i32
  }
  func.func @transform_5(%arg0: i32) -> (i32, i32) {
    %c0_i32 = arith.constant 0 : i32
    %c0_i32_0 = arith.constant 0 : i32
    %c0_i32_1 = arith.constant 0 : i32
    return %c0_i32, %c0_i32_0 : i32, i32
  }
  func.func @transform_6(%arg0: i32) -> (i32, i32) {
    %c0_i32 = arith.constant 0 : i32
    %c0_i32_0 = arith.constant 0 : i32
    %c0_i32_1 = arith.constant 0 : i32
    return %c0_i32, %c0_i32_0 : i32, i32
  }
  func.func @transform_7(%arg0: i32) -> (i32, i32) {
    %c0_i32 = arith.constant 0 : i32
    %c0_i32_0 = arith.constant 0 : i32
    %c0_i32_1 = arith.constant 0 : i32
    return %c0_i32, %c0_i32_0 : i32, i32
  }
  func.func @transform_8(%arg0: i32) -> (i32, i32) {
    %c0_i32 = arith.constant 0 : i32
    %c0_i32_0 = arith.constant 0 : i32
    %c0_i32_1 = arith.constant 0 : i32
    return %c0_i32, %c0_i32_0 : i32, i32
  }
  func.func @transform_9(%arg0: i32) -> (i32, i32) {
    %c0_i32 = arith.constant 0 : i32
    %c0_i32_0 = arith.constant 0 : i32
    %c0_i32_1 = arith.constant 0 : i32
    return %c0_i32, %c0_i32_0 : i32, i32
  }
  func.func @transform_10(%arg0: i32) -> (i32, i32) {
    %c0_i32 = arith.constant 0 : i32
    %c0_i32_0 = arith.constant 0 : i32
    return %arg0, %c0_i32 : i32, i32
  }
  func.func @transform_11(%arg0: i32) -> (i32, i32) {
    %c0_i32 = arith.constant 0 : i32
    %c0_i32_0 = arith.constant 0 : i32
    return %arg0, %c0_i32 : i32, i32
  }
}

module attributes {stable_mosaic.version = 14 : i64} {
  func.func @_tce_body(%arg0: i32, %arg1: memref<2000x32xf32, #tpu.memory_space<vmem>>, %arg2: memref<2000x128xf32, #tpu.memory_space<vmem>>, %arg3: memref<2x2000x128xf32, #tpu.memory_space<vmem>>, %arg4: memref<32x160xf32, #tpu.memory_space<vmem>>, %arg5: memref<128x160xf32, #tpu.memory_space<vmem>>, %arg6: memref<32x160xf32, #tpu.memory_space<vmem>>, %arg7: memref<16x160xf32, #tpu.memory_space<vmem>>, %arg8: memref<32x160xf32, #tpu.memory_space<vmem>>, %arg9: memref<32x160xf32, #tpu.memory_space<vmem>>, %arg10: memref<1x160xf32, #tpu.memory_space<vmem>>, %arg11: memref<32x64xf32, #tpu.memory_space<vmem>>, %arg12: memref<32x64xf32, #tpu.memory_space<vmem>>, %arg13: memref<160x64xf32, #tpu.memory_space<vmem>>, %arg14: memref<48x64xf32, #tpu.memory_space<vmem>>, %arg15: memref<1x64xf32, #tpu.memory_space<vmem>>, %arg16: memref<1x32xf32, #tpu.memory_space<vmem>>, %arg17: memref<1x32xf32, #tpu.memory_space<vmem>>, %arg18: memref<2000x32xf32, #tpu.memory_space<vmem>>, %arg19: memref<2000x128xf32, #tpu.memory_space<vmem>>, %arg20: memref<1x32xf32, #tpu.memory_space<vmem>>, %arg21: memref<1x32xf32, #tpu.memory_space<vmem>>, %arg22: memref<1x160xf32, #tpu.memory_space<vmem>>, %arg23: memref<1x48xf32, #tpu.memory_space<vmem>>) attributes {dimension_semantics = [#tpu.dimension_semantics<arbitrary>], iteration_bounds = array<i64: 5>, scalar_prefetch = 0 : i64, scratch_operands = 2 : i64, tpu.core_type = #tpu.core_type<tc>, window_params = [{transform_indices = @transform_0, window_bounds = array<i64: 2000, 32>}, {transform_indices = @transform_1, window_bounds = array<i64: 2000, 128>}, {transform_indices = @transform_2, window_bounds = array<i64: 2, 2000, 128>}, {pipeline_mode = #tpu.pipeline_mode<synchronous>, transform_indices = @transform_3, window_bounds = array<i64: 32, 160>}, {pipeline_mode = #tpu.pipeline_mode<synchronous>, transform_indices = @transform_4, window_bounds = array<i64: 128, 160>}, {pipeline_mode = #tpu.pipeline_mode<synchronous>, transform_indices = @transform_5, window_bounds = array<i64: 32, 160>}, {pipeline_mode = #tpu.pipeline_mode<synchronous>, transform_indices = @transform_6, window_bounds = array<i64: 16, 160>}, {pipeline_mode = #tpu.pipeline_mode<synchronous>, transform_indices = @transform_7, window_bounds = array<i64: 32, 160>}, {pipeline_mode = #tpu.pipeline_mode<synchronous>, transform_indices = @transform_8, window_bounds = array<i64: 32, 160>}, {pipeline_mode = #tpu.pipeline_mode<synchronous>, transform_indices = @transform_9, window_bounds = array<i64: 1, 160>}, {pipeline_mode = #tpu.pipeline_mode<synchronous>, transform_indices = @transform_10, window_bounds = array<i64: 32, 64>}, {pipeline_mode = #tpu.pipeline_mode<synchronous>, transform_indices = @transform_11, window_bounds = array<i64: 32, 64>}, {pipeline_mode = #tpu.pipeline_mode<synchronous>, transform_indices = @transform_12, window_bounds = array<i64: 160, 64>}, {pipeline_mode = #tpu.pipeline_mode<synchronous>, transform_indices = @transform_13, window_bounds = array<i64: 48, 64>}, {pipeline_mode = #tpu.pipeline_mode<synchronous>, transform_indices = @transform_14, window_bounds = array<i64: 1, 64>}, {pipeline_mode = #tpu.pipeline_mode<synchronous>, transform_indices = @transform_15, window_bounds = array<i64: 1, 32>}, {pipeline_mode = #tpu.pipeline_mode<synchronous>, transform_indices = @transform_16, window_bounds = array<i64: 1, 32>}, {transform_indices = @transform_17, window_bounds = array<i64: 2000, 32>}, {transform_indices = @transform_18, window_bounds = array<i64: 2000, 128>}, {pipeline_mode = #tpu.pipeline_mode<synchronous>, transform_indices = @transform_19, window_bounds = array<i64: 1, 32>}, {pipeline_mode = #tpu.pipeline_mode<synchronous>, transform_indices = @transform_20, window_bounds = array<i64: 1, 32>}]} {
    %get3A = arith.constant 0 : index
    %get3A_0 = arith.constant 0 : index
    %get3A_1 = arith.constant 0 : index
    %get3A_2 = vector.load %arg3[%get3A, %get3A_0, %get3A_1] : memref<2x2000x128xf32, #tpu.memory_space<vmem>>, vector<1x2000x128xf32>
    %get3A_3 = vector.shape_cast %get3A_2 : vector<1x2000x128xf32> to vector<2000x128xf32>
    %get3A_4 = arith.constant 1 : index
    %get3A_5 = arith.constant 0 : index
    %get3A_6 = arith.constant 0 : index
    %get3A_7 = vector.load %arg3[%get3A_4, %get3A_5, %get3A_6] : memref<2x2000x128xf32, #tpu.memory_space<vmem>>, vector<1x2000x128xf32>
    %get3A_8 = vector.shape_cast %get3A_7 : vector<1x2000x128xf32> to vector<2000x128xf32>
    %add3A = arith.addf %get3A_3, %get3A_8 : vector<2000x128xf32>
    %slice3A = vector.extract_strided_slice %add3A {offsets = [0, 0], sizes = [2000, 32], strides = [1, 1]} : vector<2000x128xf32> to vector<2000x32xf32>
    %slice3A_9 = vector.extract_strided_slice %add3A {offsets = [0, 32], sizes = [2000, 16], strides = [1, 1]} : vector<2000x128xf32> to vector<2000x16xf32>
    %get3A_10 = arith.constant 0 : index
    %get3A_11 = arith.constant 0 : index
    %get3A_12 = vector.load %arg16[%get3A_10, %get3A_11] : memref<1x32xf32, #tpu.memory_space<vmem>>, vector<1x32xf32>
    %get3A_13 = arith.constant 0 : index
    %get3A_14 = arith.constant 0 : index
    %get3A_15 = vector.load %arg8[%get3A_13, %get3A_14] : memref<32x160xf32, #tpu.memory_space<vmem>>, vector<32x160xf32>
    %dot_general3A = arith.constant dense<0.000000e+00> : vector<1x160xf32>
    %dot_general3A_16 = tpu.matmul %get3A_12, %get3A_15, %dot_general3A {dimension_numbers = #tpu.dot_dimension_numbers<[1], [0], [0], [1], [0, 0, 1, 1], [], []>, transpose_lhs_hint = false} : vector<1x32xf32>, vector<32x160xf32>, vector<1x160xf32> -> vector<1x160xf32>
    %get3A_17 = arith.constant 0 : index
    %get3A_18 = arith.constant 0 : index
    %get3A_19 = vector.load %arg17[%get3A_17, %get3A_18] : memref<1x32xf32, #tpu.memory_space<vmem>>, vector<1x32xf32>
    %get3A_20 = arith.constant 0 : index
    %get3A_21 = arith.constant 0 : index
    %get3A_22 = vector.load %arg9[%get3A_20, %get3A_21] : memref<32x160xf32, #tpu.memory_space<vmem>>, vector<32x160xf32>
    %dot_general3A_23 = arith.constant dense<0.000000e+00> : vector<1x160xf32>
    %dot_general3A_24 = tpu.matmul %get3A_19, %get3A_22, %dot_general3A_23 {dimension_numbers = #tpu.dot_dimension_numbers<[1], [0], [0], [1], [0, 0, 1, 1], [], []>, transpose_lhs_hint = false} : vector<1x32xf32>, vector<32x160xf32>, vector<1x160xf32> -> vector<1x160xf32>
    %add3A_25 = arith.addf %dot_general3A_16, %dot_general3A_24 : vector<1x160xf32>
    %get3A_26 = arith.constant 0 : index
    %get3A_27 = arith.constant 0 : index
    %get3A_28 = vector.load %arg10[%get3A_26, %get3A_27] : memref<1x160xf32, #tpu.memory_space<vmem>>, vector<1x160xf32>
    %add3A_29 = arith.addf %add3A_25, %get3A_28 : vector<1x160xf32>
    %get3A_30 = arith.constant 0 : index
    %get3A_31 = arith.constant 0 : index
    %get3A_32 = vector.load %arg1[%get3A_30, %get3A_31] : memref<2000x32xf32, #tpu.memory_space<vmem>>, vector<2000x32xf32>
    %get3A_33 = arith.constant 0 : index
    %get3A_34 = arith.constant 0 : index
    %get3A_35 = vector.load %arg4[%get3A_33, %get3A_34] : memref<32x160xf32, #tpu.memory_space<vmem>>, vector<32x160xf32>
    %dot_general3A_36 = arith.constant dense<0.000000e+00> : vector<2000x160xf32>
    %dot_general3A_37 = tpu.matmul %get3A_32, %get3A_35, %dot_general3A_36 {dimension_numbers = #tpu.dot_dimension_numbers<[1], [0], [0], [1], [0, 0, 1, 1], [], []>, transpose_lhs_hint = false} : vector<2000x32xf32>, vector<32x160xf32>, vector<2000x160xf32> -> vector<2000x160xf32>
    %get3A_38 = arith.constant 0 : index
    %get3A_39 = arith.constant 0 : index
    %get3A_40 = vector.load %arg2[%get3A_38, %get3A_39] : memref<2000x128xf32, #tpu.memory_space<vmem>>, vector<2000x128xf32>
    %get3A_41 = arith.constant 0 : index
    %get3A_42 = arith.constant 0 : index
    %get3A_43 = vector.load %arg5[%get3A_41, %get3A_42] : memref<128x160xf32, #tpu.memory_space<vmem>>, vector<128x160xf32>
    %dot_general3A_44 = arith.constant dense<0.000000e+00> : vector<2000x160xf32>
    %dot_general3A_45 = tpu.matmul %get3A_40, %get3A_43, %dot_general3A_44 {dimension_numbers = #tpu.dot_dimension_numbers<[1], [0], [0], [1], [0, 0, 1, 1], [], []>, transpose_lhs_hint = false} : vector<2000x128xf32>, vector<128x160xf32>, vector<2000x160xf32> -> vector<2000x160xf32>
    %add3A_46 = arith.addf %dot_general3A_37, %dot_general3A_45 : vector<2000x160xf32>
    %get3A_47 = arith.constant 0 : index
    %get3A_48 = arith.constant 0 : index
    %get3A_49 = vector.load %arg6[%get3A_47, %get3A_48] : memref<32x160xf32, #tpu.memory_space<vmem>>, vector<32x160xf32>
    %dot_general3A_50 = arith.constant dense<0.000000e+00> : vector<2000x160xf32>
    %dot_general3A_51 = tpu.matmul %slice3A, %get3A_49, %dot_general3A_50 {dimension_numbers = #tpu.dot_dimension_numbers<[1], [0], [0], [1], [0, 0, 1, 1], [], []>, transpose_lhs_hint = false} : vector<2000x32xf32>, vector<32x160xf32>, vector<2000x160xf32> -> vector<2000x160xf32>
    %add3A_52 = arith.addf %add3A_46, %dot_general3A_51 : vector<2000x160xf32>
    %get3A_53 = arith.constant 0 : index
    %get3A_54 = arith.constant 0 : index
    %get3A_55 = vector.load %arg7[%get3A_53, %get3A_54] : memref<16x160xf32, #tpu.memory_space<vmem>>, vector<16x160xf32>
    %dot_general3A_56 = arith.constant dense<0.000000e+00> : vector<2000x160xf32>
    %dot_general3A_57 = tpu.matmul %slice3A_9, %get3A_55, %dot_general3A_56 {dimension_numbers = #tpu.dot_dimension_numbers<[1], [0], [0], [1], [0, 0, 1, 1], [], []>, transpose_lhs_hint = false} : vector<2000x16xf32>, vector<16x160xf32>, vector<2000x160xf32> -> vector<2000x160xf32>
    %add3A_58 = arith.addf %add3A_52, %dot_general3A_57 : vector<2000x160xf32>
    %add3A_59 = vector.broadcast %add3A_29 : vector<1x160xf32> to vector<2000x160xf32>
    %add3A_60 = arith.addf %add3A_58, %add3A_59 : vector<2000x160xf32>
    %tanh3A = math.tanh %add3A_60 : vector<2000x160xf32>
    %slice3A_61 = vector.extract_strided_slice %tanh3A {offsets = [0, 0], sizes = [2000, 32], strides = [1, 1]} : vector<2000x160xf32> to vector<2000x32xf32>
    %swap3A = arith.constant 0 : index
    %swap3A_62 = arith.constant 0 : index
    %swap3A_63 = vector.load %arg18[%swap3A, %swap3A_62] : memref<2000x32xf32, #tpu.memory_space<vmem>>, vector<2000x32xf32>
    tpu.vector_store %arg18[%swap3A, %swap3A_62], %slice3A_61 {strides = array<i32>} : memref<2000x32xf32, #tpu.memory_space<vmem>>, vector<2000x32xf32>,
    %slice3A_64 = vector.extract_strided_slice %tanh3A {offsets = [0, 32], sizes = [2000, 128], strides = [1, 1]} : vector<2000x160xf32> to vector<2000x128xf32>
    %swap3A_65 = arith.constant 0 : index
    %swap3A_66 = arith.constant 0 : index
    %swap3A_67 = vector.load %arg19[%swap3A_65, %swap3A_66] : memref<2000x128xf32, #tpu.memory_space<vmem>>, vector<2000x128xf32>
    tpu.vector_store %arg19[%swap3A_65, %swap3A_66], %slice3A_64 {strides = array<i32>} : memref<2000x128xf32, #tpu.memory_space<vmem>>, vector<2000x128xf32>,
    %eq3A = arith.constant 0 : i32
    %eq3A_68 = arith.cmpi eq, %arg0, %eq3A : i32
    %convert_element_type3A = arith.extui %eq3A_68 : i1 to i32
    %cond3A = arith.constant 0 : i32
    %cond3A_69 = arith.cmpi ne, %convert_element_type3A, %cond3A : i32
    scf.if %cond3A_69 {
      %broadcast_in_dim3A_139 = arith.constant 0.000000e+00 : f32
      %broadcast_in_dim3A_140 = vector.broadcast %broadcast_in_dim3A_139 : f32 to vector<1x160xf32>
      %swap3A_141 = arith.constant 0 : index
      %swap3A_142 = arith.constant 0 : index
      %swap3A_143 = vector.load %arg22[%swap3A_141, %swap3A_142] : memref<1x160xf32, #tpu.memory_space<vmem>>, vector<1x160xf32>
      tpu.vector_store %arg22[%swap3A_141, %swap3A_142], %broadcast_in_dim3A_140 {strides = array<i32>} : memref<1x160xf32, #tpu.memory_space<vmem>>, vector<1x160xf32>,
      %broadcast_in_dim3A_144 = arith.constant 0.000000e+00 : f32
      %broadcast_in_dim3A_145 = vector.broadcast %broadcast_in_dim3A_144 : f32 to vector<1x48xf32>
      %swap3A_146 = arith.constant 0 : index
      %swap3A_147 = arith.constant 0 : index
      %swap3A_148 = vector.load %arg23[%swap3A_146, %swap3A_147] : memref<1x48xf32, #tpu.memory_space<vmem>>, vector<1x48xf32>
      tpu.vector_store %arg23[%swap3A_146, %swap3A_147], %broadcast_in_dim3A_145 {strides = array<i32>} : memref<1x48xf32, #tpu.memory_space<vmem>>, vector<1x48xf32>,
    } else {
    }
    %get3A_70 = arith.constant 0 : index
    %get3A_71 = arith.constant 0 : index
    %get3A_72 = vector.load %arg22[%get3A_70, %get3A_71] : memref<1x160xf32, #tpu.memory_space<vmem>>, vector<1x160xf32>
    %reduce_sum3A = arith.constant dense<0.000000e+00> : vector<160xf32>
    %reduce_sum3A_73 = vector.multi_reduction <add>, %tanh3A, %reduce_sum3A [0] : vector<2000x160xf32> to vector<160xf32>
    %broadcast_in_dim3A = vector.shape_cast %reduce_sum3A_73 : vector<160xf32> to vector<1x160xf32>
    %add3A_74 = arith.addf %get3A_72, %broadcast_in_dim3A : vector<1x160xf32>
    %swap3A_75 = arith.constant 0 : index
    %swap3A_76 = arith.constant 0 : index
    %swap3A_77 = vector.load %arg22[%swap3A_75, %swap3A_76] : memref<1x160xf32, #tpu.memory_space<vmem>>, vector<1x160xf32>
    tpu.vector_store %arg22[%swap3A_75, %swap3A_76], %add3A_74 {strides = array<i32>} : memref<1x160xf32, #tpu.memory_space<vmem>>, vector<1x160xf32>,
    %get3A_78 = arith.constant 0 : index
    %get3A_79 = arith.constant 0 : index
    %get3A_80 = vector.load %arg23[%get3A_78, %get3A_79] : memref<1x48xf32, #tpu.memory_space<vmem>>, vector<1x48xf32>
    %reduce_sum3A_81 = arith.constant dense<0.000000e+00> : vector<32xf32>
    %reduce_sum3A_82 = vector.multi_reduction <add>, %slice3A, %reduce_sum3A_81 [0] : vector<2000x32xf32> to vector<32xf32>
    %broadcast_in_dim3A_83 = vector.shape_cast %reduce_sum3A_82 : vector<32xf32> to vector<1x32xf32>
    %reduce_sum3A_84 = arith.constant dense<0.000000e+00> : vector<16xf32>
    %reduce_sum3A_85 = vector.multi_reduction <add>, %slice3A_9, %reduce_sum3A_84 [0] : vector<2000x16xf32> to vector<16xf32>
    %broadcast_in_dim3A_86 = vector.shape_cast %reduce_sum3A_85 : vector<16xf32> to vector<1x16xf32>
    %concatenate3A = tpu.concatenate %broadcast_in_dim3A_83, %broadcast_in_dim3A_86 in 1 : vector<1x32xf32>, vector<1x16xf32> -> vector<1x48xf32>
    %add3A_87 = arith.addf %get3A_80, %concatenate3A : vector<1x48xf32>
    %swap3A_88 = arith.constant 0 : index
    %swap3A_89 = arith.constant 0 : index
    %swap3A_90 = vector.load %arg23[%swap3A_88, %swap3A_89] : memref<1x48xf32, #tpu.memory_space<vmem>>, vector<1x48xf32>
    tpu.vector_store %arg23[%swap3A_88, %swap3A_89], %add3A_87 {strides = array<i32>} : memref<1x48xf32, #tpu.memory_space<vmem>>, vector<1x48xf32>,
    %get3A_91 = arith.constant 0 : index
    %get3A_92 = arith.constant 0 : index
    %get3A_93 = vector.load %arg16[%get3A_91, %get3A_92] : memref<1x32xf32, #tpu.memory_space<vmem>>, vector<1x32xf32>
    %get3A_94 = arith.constant 0 : index
    %get3A_95 = arith.constant 0 : index
    %get3A_96 = vector.load %arg11[%get3A_94, %get3A_95] : memref<32x64xf32, #tpu.memory_space<vmem>>, vector<32x64xf32>
    %dot_general3A_97 = arith.constant dense<0.000000e+00> : vector<1x64xf32>
    %dot_general3A_98 = tpu.matmul %get3A_93, %get3A_96, %dot_general3A_97 {dimension_numbers = #tpu.dot_dimension_numbers<[1], [0], [0], [1], [0, 0, 1, 1], [], []>, transpose_lhs_hint = false} : vector<1x32xf32>, vector<32x64xf32>, vector<1x64xf32> -> vector<1x64xf32>
    %get3A_99 = arith.constant 0 : index
    %get3A_100 = arith.constant 0 : index
    %get3A_101 = vector.load %arg17[%get3A_99, %get3A_100] : memref<1x32xf32, #tpu.memory_space<vmem>>, vector<1x32xf32>
    %get3A_102 = arith.constant 0 : index
    %get3A_103 = arith.constant 0 : index
    %get3A_104 = vector.load %arg12[%get3A_102, %get3A_103] : memref<32x64xf32, #tpu.memory_space<vmem>>, vector<32x64xf32>
    %dot_general3A_105 = arith.constant dense<0.000000e+00> : vector<1x64xf32>
    %dot_general3A_106 = tpu.matmul %get3A_101, %get3A_104, %dot_general3A_105 {dimension_numbers = #tpu.dot_dimension_numbers<[1], [0], [0], [1], [0, 0, 1, 1], [], []>, transpose_lhs_hint = false} : vector<1x32xf32>, vector<32x64xf32>, vector<1x64xf32> -> vector<1x64xf32>
    %add3A_107 = arith.addf %dot_general3A_98, %dot_general3A_106 : vector<1x64xf32>
    %get3A_108 = arith.constant 0 : index
    %get3A_109 = arith.constant 0 : index
    %get3A_110 = vector.load %arg15[%get3A_108, %get3A_109] : memref<1x64xf32, #tpu.memory_space<vmem>>, vector<1x64xf32>
    %add3A_111 = arith.addf %add3A_107, %get3A_110 : vector<1x64xf32>
    %get3A_112 = arith.constant 0 : index
    %get3A_113 = arith.constant 0 : index
    %get3A_114 = vector.load %arg22[%get3A_112, %get3A_113] : memref<1x160xf32, #tpu.memory_space<vmem>>, vector<1x160xf32>
    %get3A_115 = arith.constant 0 : index
    %get3A_116 = arith.constant 0 : index
    %get3A_117 = vector.load %arg13[%get3A_115, %get3A_116] : memref<160x64xf32, #tpu.memory_space<vmem>>, vector<160x64xf32>
    %dot_general3A_118 = arith.constant dense<0.000000e+00> : vector<1x64xf32>
    %dot_general3A_119 = tpu.matmul %get3A_114, %get3A_117, %dot_general3A_118 {dimension_numbers = #tpu.dot_dimension_numbers<[1], [0], [0], [1], [0, 0, 1, 1], [], []>, transpose_lhs_hint = false} : vector<1x160xf32>, vector<160x64xf32>, vector<1x64xf32> -> vector<1x64xf32>
    %add3A_120 = arith.addf %add3A_111, %dot_general3A_119 : vector<1x64xf32>
    %get3A_121 = arith.constant 0 : index
    %get3A_122 = arith.constant 0 : index
    %get3A_123 = vector.load %arg23[%get3A_121, %get3A_122] : memref<1x48xf32, #tpu.memory_space<vmem>>, vector<1x48xf32>
    %get3A_124 = arith.constant 0 : index
    %get3A_125 = arith.constant 0 : index
    %get3A_126 = vector.load %arg14[%get3A_124, %get3A_125] : memref<48x64xf32, #tpu.memory_space<vmem>>, vector<48x64xf32>
    %dot_general3A_127 = arith.constant dense<0.000000e+00> : vector<1x64xf32>
    %dot_general3A_128 = tpu.matmul %get3A_123, %get3A_126, %dot_general3A_127 {dimension_numbers = #tpu.dot_dimension_numbers<[1], [0], [0], [1], [0, 0, 1, 1], [], []>, transpose_lhs_hint = false} : vector<1x48xf32>, vector<48x64xf32>, vector<1x64xf32> -> vector<1x64xf32>
    %add3A_129 = arith.addf %add3A_120, %dot_general3A_128 : vector<1x64xf32>
    %tanh3A_130 = math.tanh %add3A_129 : vector<1x64xf32>
    %slice3A_131 = vector.extract_strided_slice %tanh3A_130 {offsets = [0, 0], sizes = [1, 32], strides = [1, 1]} : vector<1x64xf32> to vector<1x32xf32>
    %swap3A_132 = arith.constant 0 : index
    %swap3A_133 = arith.constant 0 : index
    %swap3A_134 = vector.load %arg20[%swap3A_132, %swap3A_133] : memref<1x32xf32, #tpu.memory_space<vmem>>, vector<1x32xf32>
    tpu.vector_store %arg20[%swap3A_132, %swap3A_133], %slice3A_131 {strides = array<i32>} : memref<1x32xf32, #tpu.memory_space<vmem>>, vector<1x32xf32>,
    %slice3A_135 = vector.extract_strided_slice %tanh3A_130 {offsets = [0, 32], sizes = [1, 32], strides = [1, 1]} : vector<1x64xf32> to vector<1x32xf32>
    %swap3A_136 = arith.constant 0 : index
    %swap3A_137 = arith.constant 0 : index
    %swap3A_138 = vector.load %arg21[%swap3A_136, %swap3A_137] : memref<1x32xf32, #tpu.memory_space<vmem>>, vector<1x32xf32>
    tpu.vector_store %arg21[%swap3A_136, %swap3A_137], %slice3A_135 {strides = array<i32>} : memref<1x32xf32, #tpu.memory_space<vmem>>, vector<1x32xf32>,
    return
  }
  func.func @transform_0(%arg0: i32) -> (i32, i32) {
    %c0_i32 = arith.constant 0 : i32
    %c0_i32_0 = arith.constant 0 : i32
    return %arg0, %c0_i32 : i32, i32
  }
  func.func @transform_1(%arg0: i32) -> (i32, i32) {
    %c0_i32 = arith.constant 0 : i32
    %c0_i32_0 = arith.constant 0 : i32
    return %arg0, %c0_i32 : i32, i32
  }
  func.func @transform_2(%arg0: i32) -> (i32, i32, i32) {
    %c0_i32 = arith.constant 0 : i32
    %c0_i32_0 = arith.constant 0 : i32
    %c0_i32_1 = arith.constant 0 : i32
    return %c0_i32, %arg0, %c0_i32_0 : i32, i32, i32
  }
  func.func @transform_3(%arg0: i32) -> (i32, i32) {
    %c0_i32 = arith.constant 0 : i32
    %c0_i32_0 = arith.constant 0 : i32
    %c0_i32_1 = arith.constant 0 : i32
    return %c0_i32, %c0_i32_0 : i32, i32
  }
  func.func @transform_4(%arg0: i32) -> (i32, i32) {
    %c0_i32 = arith.constant 0 : i32
    %c0_i32_0 = arith.constant 0 : i32
    %c0_i32_1 = arith.constant 0 : i32
    return %c0_i32, %c0_i32_0 : i32, i32
  }
  func.func @transform_5(%arg0: i32) -> (i32, i32) {
    %c0_i32 = arith.constant 0 : i32
    %c0_i32_0 = arith.constant 0 : i32
    %c0_i32_1 = arith.constant 0 : i32
    return %c0_i32, %c0_i32_0 : i32, i32
  }
  func.func @transform_6(%arg0: i32) -> (i32, i32) {
    %c0_i32 = arith.constant 0 : i32
    %c0_i32_0 = arith.constant 0 : i32
    %c0_i32_1 = arith.constant 0 : i32
    return %c0_i32, %c0_i32_0 : i32, i32
  }
  func.func @transform_7(%arg0: i32) -> (i32, i32) {
    %c0_i32 = arith.constant 0 : i32
    %c0_i32_0 = arith.constant 0 : i32
    %c0_i32_1 = arith.constant 0 : i32
    return %c0_i32, %c0_i32_0 : i32, i32
  }
  func.func @transform_8(%arg0: i32) -> (i32, i32) {
    %c0_i32 = arith.constant 0 : i32
    %c0_i32_0 = arith.constant 0 : i32
    %c0_i32_1 = arith.constant 0 : i32
    return %c0_i32, %c0_i32_0 : i32, i32
  }
  func.func @transform_9(%arg0: i32) -> (i32, i32) {
    %c0_i32 = arith.constant 0 : i32
    %c0_i32_0 = arith.constant 0 : i32
    %c0_i32_1 = arith.constant 0 : i32
    return %c0_i32, %c0_i32_0 : i32, i32
  }
  func.func @transform_10(%arg0: i32) -> (i32, i32) {
    %c0_i32 = arith.constant 0 : i32
    %c0_i32_0 = arith.constant 0 : i32
    %c0_i32_1 = arith.constant 0 : i32
    return %c0_i32, %c0_i32_0 : i32, i32
  }
  func.func @transform_11(%arg0: i32) -> (i32, i32) {
    %c0_i32 = arith.constant 0 : i32
    %c0_i32_0 = arith.constant 0 : i32
    %c0_i32_1 = arith.constant 0 : i32
    return %c0_i32, %c0_i32_0 : i32, i32
  }
  func.func @transform_12(%arg0: i32) -> (i32, i32) {
    %c0_i32 = arith.constant 0 : i32
    %c0_i32_0 = arith.constant 0 : i32
    %c0_i32_1 = arith.constant 0 : i32
    return %c0_i32, %c0_i32_0 : i32, i32
  }
  func.func @transform_13(%arg0: i32) -> (i32, i32) {
    %c0_i32 = arith.constant 0 : i32
    %c0_i32_0 = arith.constant 0 : i32
    %c0_i32_1 = arith.constant 0 : i32
    return %c0_i32, %c0_i32_0 : i32, i32
  }
  func.func @transform_14(%arg0: i32) -> (i32, i32) {
    %c0_i32 = arith.constant 0 : i32
    %c0_i32_0 = arith.constant 0 : i32
    %c0_i32_1 = arith.constant 0 : i32
    return %c0_i32, %c0_i32_0 : i32, i32
  }
  func.func @transform_15(%arg0: i32) -> (i32, i32) {
    %c0_i32 = arith.constant 0 : i32
    %c0_i32_0 = arith.constant 0 : i32
    %c0_i32_1 = arith.constant 0 : i32
    return %c0_i32, %c0_i32_0 : i32, i32
  }
  func.func @transform_16(%arg0: i32) -> (i32, i32) {
    %c0_i32 = arith.constant 0 : i32
    %c0_i32_0 = arith.constant 0 : i32
    %c0_i32_1 = arith.constant 0 : i32
    return %c0_i32, %c0_i32_0 : i32, i32
  }
  func.func @transform_17(%arg0: i32) -> (i32, i32) {
    %c0_i32 = arith.constant 0 : i32
    %c0_i32_0 = arith.constant 0 : i32
    return %arg0, %c0_i32 : i32, i32
  }
  func.func @transform_18(%arg0: i32) -> (i32, i32) {
    %c0_i32 = arith.constant 0 : i32
    %c0_i32_0 = arith.constant 0 : i32
    return %arg0, %c0_i32 : i32, i32
  }
  func.func @transform_19(%arg0: i32) -> (i32, i32) {
    %c0_i32 = arith.constant 0 : i32
    %c0_i32_0 = arith.constant 0 : i32
    %c0_i32_1 = arith.constant 0 : i32
    return %c0_i32, %c0_i32_0 : i32, i32
  }
  func.func @transform_20(%arg0: i32) -> (i32, i32) {
    %c0_i32 = arith.constant 0 : i32
    %c0_i32_0 = arith.constant 0 : i32
    %c0_i32_1 = arith.constant 0 : i32
    return %c0_i32, %c0_i32_0 : i32, i32
  }
}

</mosaic_0001>

<sc_bundles>
// kernel: kernel.10.cloned.1.call-start
scs
__scs_entry_jumppad:
0x0: {  	(pc) =	sbr.rel $0x88, $3  }
0x1: {  	(tag) =	ssettag $0x0;
	lr =	simm.s32 $0x1  }
0x2: {  	[smem:$0x3F94] =	sst lr;
	_ =	strace $0xD0000000  }
0x3: {  	_ = 	snop  }
0x4: {  	_ = 	snop  }
0x5: {  	_ = 	snop  }
0x6: {  	_ = 	snop  }
0x7: {  	_ = 	snop  }
__scs_overlays_trampoline_lowered:
0x8: {  	[smem:$0x3FA3] =	sst s0  }
0x9: {  	[smem:$0x3FA4] =	sst s1  }
0xa: {  	[smem:$0x3FA5] =	sst s2  }
0xb: {  	[smem:$0x3FA6] =	sst s3  }
0xc: {  	[smem:$0x3FA7] =	sst s4  }
0xd: {  	[smem:$0x3FA8] =	sst s5  }
0xe: {  	[smem:$0x3FA9] =	sst s6  }
0xf: {  	[smem:$0x3FAA] =	sst s7  }
0x10: {  	[smem:$0x3FAB] =	sst s8  }
0x11: {  	[smem:$0x3FAC] =	sst s9;
	s0 =	simm.s32 @!p0 $0x0  }
0x12: {  	s1 =	sld [smem:$0x3F92];
	s0 =	simm.s32 @p0 $0x1  }
0x13: {  	[smem:$0x3FAD] =	sst s0;
	s0 =	simm.s32 @!p1 $0x0  }
0x14: {  	s2 =	sld [smem:$0x3F91];
	s0 =	simm.s32 @p1 $0x1  }
0x15: {  	[smem:$0x3FAE] =	sst s0;
	s0 =	simm.s32 @!p2 $0x0  }
0x16: {  	s3 =	sld [smem:$0x3FDB];
	s0 =	simm.s32 @p2 $0x1  }
0x17: {  	s4 =	simm.s32 $0x1BF5;
	[smem:$0x3FB0] =	sst s0  }
0x18: {  	s0 =	sld [smem:$0x3F93];
	_ =	swait.ge [sflag:s4], $0x0  }
0x19: {  	s7 =	sld [smem:$0x3F94]  }
0x1a: {  	s8 =	sadd.s32 $0xFFFFE003, lr  }
0x1b: {  	s9 =	sadd.s32 $0xFFFFFEF7, lr;
	s5 =	simm.s32 $0xFFFFFFFF;
	p2 =	slt.u32 s8, $0xFFFFF086  }
0x1c: {  	p1 =	slt.u32 s9, $0xF7A;
	s5 =	simm.s32 @!p2 $0x0  }
0x1d: {  	s5 =	simm.s32 @p1 $0x1;
	p0 =	seq.s32 s7, s2  }
0x1e: {  	s7 =	smul.u32 @!p0 $0xF7A, s2;
	p2 =	seq.s32 @!p0 s5, $0x0  }
0x1f: {  	s9 =	smul.u32 $0xF7A, s1;
	s8 =	simm.s32 @!p0 $0x1BF5;
	p2 =	por !p2, p0  }
0x20: {  	[sflag:s8] =	ssyncset.s32 @!p0 $0xFFFFF086;
	s6 =	sadd.s32 @!p0 s3, s7;
	s7 =	simm.s32 @!p0 $0x108  }
0x21: {  	s3 =	sadd.s32 s3, s9;
	s6 =	sadd.s32 @!p0 $0x88, s6;
	s7 =	simm.s32 @p2 $0x1082  }
0x22: {  	[simem:s7], [sflag:s8] =	dma.local @!p0 [hbm:s6], $0xF7A  }
0x23: {  	s9 =	sor.u32 $0xD0000000, s2;
	s6 =	simm.s32 $0x108;
	_ =	swait.ge @!p0 [sflag:s8], $0x0  }
0x24: {  	s3 =	sadd.s32 $0x88, s3;
	s6 =	simm.s32 @!p1 $0x1082;
	[sflag:s4] =	ssyncset.s32 $0xFFFFF086  }
0x25: {  	[simem:s6], [sflag:s4] =	dma.local [hbm:s3], $0xF7A  }
0x26: {  	[smem:$0x3F94] =	sst s1;
	(tag) =	ssettag s2;
	_ =	strace s9  }
0x27: {  	s1 =	sld [smem:$0x3FA4]  }
0x28: {  	s2 =	sld [smem:$0x3FA5]  }
0x29: {  	s4 =	sld [smem:$0x3FA7]  }
0x2a: {  	p0 =	seq.s32 s5, $0x0;
	s5 =	sld [smem:$0x3FA8]  }
0x2b: {  	s6 =	sld [smem:$0x3FA9]  }
0x2c: {  	s7 =	sld [smem:$0x3FAA]  }
0x2d: {  	s3 =	simm.s32 $0x108;
	s8 =	sld [smem:$0x3FAB]  }
0x2e: {  	s3 =	simm.s32 @!p0 $0x1082;
	s9 =	sld [smem:$0x3FAC]  }
0x2f: {  	lr =	sadd.s32 s0, s3;
	s0 =	sld [smem:$0x3FA3]  }
0x30: {  	s3 =	sld [smem:$0x3FA6]  }
0x31: {  	[smem:$0x3FAF] =	sst s10  }
0x32: {  	s10 =	sld [smem:$0x3FAD];
	_ =	sdelay $0x3  }
0x33: {  	p0 =	seq.s32 s10, $0x1;
	s10 =	sld [smem:$0x3FAF];
	_ =	sdelay $0x3  }
0x34: {  	[smem:$0x3FAF] =	sst s10  }
0x35: {  	s10 =	sld [smem:$0x3FAE];
	_ =	sdelay $0x3  }
0x36: {  	p1 =	seq.s32 s10, $0x1;
	s10 =	sld [smem:$0x3FAF];
	_ =	sdelay $0x3  }
0x37: {  	[smem:$0x3FAF] =	sst s10  }
0x38: {  	s10 =	sld [smem:$0x3FB0]  }
0x39: {  	_ = 	snop;
	(pc) =	sbr.ind lr, $3  }
0x3a: {  	_ = 	snop  }
0x3b: {  	_ = 	snop  }
0x3c: {  	p2 =	seq.s32 s10, $0x1;
	s10 =	sld [smem:$0x3FAF]  }
0x3d: {  	_ =	shalt  }
0x3e: {  	_ =	shalt  }
0x3f: {  	_ =	shalt  }
0x40: {  	_ =	shalt  }
0x41: {  	_ =	shalt  }
0x42: {  	_ =	shalt  }
0x43: {  	_ =	shalt  }
0x44: {  	_ =	shalt  }
0x45: {  	_ =	shalt  }
0x46: {  	_ =	shalt  }
0x47: {  	_ =	shalt  }
0x48: {  	_ =	shalt  }
0x49: {  	_ =	shalt  }
0x4a: {  	_ =	shalt  }
0x4b: {  	_ =	shalt  }
0x4c: {  	_ =	shalt  }
0x4d: {  	_ =	shalt  }
0x4e: {  	_ =	shalt  }
0x4f: {  	_ =	shalt  }
0x50: {  	_ =	shalt  }
0x51: {  	_ =	shalt  }
0x52: {  	_ =	shalt  }
0x53: {  	_ =	shalt  }
0x54: {  	_ =	shalt  }
0x55: {  	_ =	shalt  }
0x56: {  	_ =	shalt  }
0x57: {  	_ =	shalt  }
0x58: {  	_ =	shalt  }
0x59: {  	_ =	shalt  }
0x5a: {  	_ =	shalt  }
0x5b: {  	_ =	shalt  }
0x5c: {  	_ =	shalt  }
0x5d: {  	_ =	shalt  }
0x5e: {  	_ =	shalt  }
0x5f: {  	_ =	shalt  }
0x60: {  	_ =	shalt  }
0x61: {  	_ =	shalt  }
0x62: {  	_ =	shalt  }
0x63: {  	_ =	shalt  }
0x64: {  	_ =	shalt  }
0x65: {  	_ =	shalt  }
0x66: {  	_ =	shalt  }
0x67: {  	_ =	shalt  }
0x68: {  	_ =	shalt  }
0x69: {  	_ =	shalt  }
0x6a: {  	_ =	shalt  }
0x6b: {  	_ =	shalt  }
0x6c: {  	_ =	shalt  }
0x6d: {  	_ =	shalt  }
0x6e: {  	_ =	shalt  }
0x6f: {  	_ =	shalt  }
0x70: {  	_ =	shalt  }
0x71: {  	_ =	shalt  }
0x72: {  	_ =	shalt  }
0x73: {  	_ =	shalt  }
0x74: {  	_ =	shalt  }
0x75: {  	_ =	shalt  }
0x76: {  	_ =	shalt  }
0x77: {  	_ =	shalt  }
0x78: {  	_ =	shalt  }
0x79: {  	_ =	shalt  }
0x7a: {  	_ =	shalt  }
0x7b: {  	_ =	shalt  }
0x7c: {  	_ =	shalt  }
0x7d: {  	_ =	shalt  }
0x7e: {  	_ =	shalt  }
0x7f: {  	_ =	shalt  }
0x80: {  	_ =	shalt  }
0x81: {  	_ =	shalt  }
0x82: {  	_ =	shalt  }
0x83: {  	_ =	shalt  }
0x84: {  	_ =	shalt  }
0x85: {  	_ =	shalt  }
0x86: {  	_ =	shalt  }
0x87: {  	_ =	shalt  }
.Lfunc_end0:
.L_simem_size_0:
called_computation.2_lowered:
.L_overlay_start_0:
0x88: {  	s2 =	sld [smem:$0x3FD9]  }
0x89: {  	s3 =	sld [smem:$0x3FFE];
	_ =	sdelay $0x1  }
0x8a: {  	s1 =	srdreg.scid  }
0x8b: {  	s0 =	sand.u32 $0x1, s1  }
0x8c: {  	s14 =	sshll.u32 s0, $0xA;
	s2 =	sadd.s32 s3, s2  }
0x8d: {  	s2 =	sadd.s32 s2, s14  }
0x8e: {  	[smem:$0x3FBB] =	sst s2  }
0x8f: {  	_ = 	snop  }
0x90: {  	s2 =	sld [smem:$0x3FD0];
	_ =	sdelay $0x2  }
0x91: {  	s15 =	simm.s32 $0xB;
	s4 =	simm.s32 $0x10  }
0x92: {  	[smem:s4], [sflag:s15] =	dma.local [hbm:s2], $0x1  }
0x93: {  	_ =	swait.eq [sflag:s15], $0x1  }
0x94: {  	[sflag:s15] =	ssyncset.done $0x0  }
0x95: {  	[sflag:s15] =	ssyncadd.s32 $0xFFFFFFFF  }
0x96: {  	s16 =	sld [smem:$0x10];
	(tm) =	ssettm $0x1  }
0x97: {  	s17 =	sld [smem:$0x3FFB];
	_ =	sdelay $0x3  }
0x98: {  	_ =	strace s17  }
0x99: {  	s3 =	sld [smem:$0x3FFC];
	_ =	sdelay $0x3  }
0x9a: {  	_ =	strace s3  }
0x9b: {  	s3 =	sld [smem:$0x3FFD];
	_ =	sdelay $0x3  }
0x9c: {  	_ =	strace s3  }
0x9d: {  	_ =	strace $0x8FFFFFFF  }
0x9e: {  	s18 =	sld [smem:$0x3FDB];
	_ =	sdelay $0x1  }
0x9f: {  	s19 =	simm.s32 $_scs_section_size  }
0xa0: {  	s5 =	simm.s32 $_size__tile_overlayer_lowered;
	s6 =	simm.s32 $_tile_overlayer_lowered  }
0xa1: {  	s22 =	simm.s32 $0x1BFF;
	s21 =	sshll.u32 s6, $0x1;
	s3 =	sadd.s32 s19, s18  }
0xa2: {  	s7 =	simm.s32 $0x0;
	s20 =	sshll.u32 s5, $0x1;
	s5 =	sadd.s32 s21, s3  }
0xa3: {  	[timem:s7], [sflag:s22] =	dma.local [hbm:s5], s20  }
0xa4: {  	_ =	swait.ge [sflag:s22], s20  }
0xa5: {  	s4 =	ssub.s32 $0x0, s20;
	[sflag:s22] =	ssyncset.done $0x0  }
0xa6: {  	[sflag:s22] =	ssyncadd.s32 s4;
	_ =	sdelay $0x1  }
0xa7: {  	s23 =	simm.s32 $0x1B8B  }
0xa8: {  	_ =	swait.ge [sflag:s23], $0x1  }
0xa9: {  	[sflag:s23] =	ssyncset.done $0x0  }
0xaa: {  	s25 =	simm.s32 $0x1B8E;
	s24 =	sld [smem:$0x3FFE];
	[sflag:s23] =	ssyncadd.s32 $0xFFFFFFFF  }
0xab: {  	s26 =	simm.s32 $execute0_lowered;
	[smem:$0x3FD2] =	sst s25  }
0xac: {  	s5 =	sshll.u32 s26, $0x1;
	_ =	strace $0x80000049;
	[dreg:$0x1] =	wrdreg $0xFFFFFFFF  }
0xad: {  	s28 =	simm.s32 $_size_execute0_lowered;
	s3 =	sadd.s32 s3, s5;
	[dreg:$0x0] =	wrdreg $0x0  }
0xae: {  	s5 =	sshll.u32 s28, $0x1;
	[dreg:$0x2] =	wrdreg s3  }
0xaf: {  	[dreg:$0x3] =	wrdreg s5  }
0xb0: {  	[dreg:$0x4] =	wrdreg $0xC0  }
0xb1: {  	_ =	task [dreg:s7], $0x5FFFF  }
0xb2: {  	[dreg:$0x1] =	wrdreg $0xFFFFFFFF  }
0xb3: {  	[dreg:$0x0] =	wrdreg $0x60  }
0xb4: {  	[dreg:$0x2] =	wrdreg s24  }
0xb5: {  	[dreg:$0x3] =	wrdreg s16  }
0xb6: {  	[dreg:$0x4] =	wrdreg $0x72100  }
0xb7: {  	[dreg:$0x5] =	wrdreg $0xC2100  }
0xb8: {  	[dreg:$0x6] =	wrdreg $0xA  }
0xb9: {  	_ =	task.clear_ibuf [dreg:s7], $0x7FFFF;
	_ =	strace $0x90000049  }
0xba: {  	s29 =	simm.s32 $0xA;
	_ =	strace $0x8000004B  }
0xbb: {  	_ =	swait.ge [sflag:s29], $0x1  }
0xbc: {  	[sflag:s29] =	ssyncadd.s32 $0xFFFFFFFF  }
0xbd: {  	_ =	strace $0x9000004B  }
0xbe: {  	_ =	sfence  }
0xbf: {  	s30 =	sld [smem:$0x0];
	_ =	sdelay $0x2  }
0xc0: {  	s31 =	sshll.u32 s1, $0xD;
	s1 =	sshrl.u32 s1, $0x2  }
0xc1: {  	s3 =	sand.u32 $0x4000, s31;
	s1 =	sadd.s32 s1, s30  }
0xc2: {  	s0 =	sor.u32 s3, s0;
	s1 =	sshll.u32 s1, $0x11  }
0xc3: {  	s0 =	sor.u32 s1, s0  }
0xc4: {  	s0 =	sadd.s32 $0x8F2B, s0  }
0xc5: {  	[sflag:s0] =	ssyncadd.remote.s32 $0x1  }
0xc6: {  	_ =	sfence.sel $0xFFFF  }
0xc7: {  	[dreg:$0x0] =	wrdreg $0xFFFFFFFF;
	(pc) =	sbr.abs _section_cstart, $3  }
0xc8: {  	[dreg:$0x1] =	wrdreg $0xFFFFFFFF  }
0xc9: {  	_ =	task.clear_ibuf [dreg:s7], $0x2FFFF;
	_ =	strace $0x9FFFFFFF  }
0xca: {  	(tm) =	ssettm $0x7FFFFFFF  }
0xcb: {  	_ =	shalt  }
tec
execute0_lowered:
.L_overlay_start_1:
0x0: {  	(tag) =	ssettag $0x1  }
0x1: {  	s1 =	rddreg [dreg:$0x0]  }
0x2: {  	s5 =	rddreg [dreg:$0x1]  }
0x3: {  	s2 =	srdreg.scid;
	s18 =	stileid.u32;
	s29 =	simm.s32 $0x7  }
0x4: {  	s7 =	sand.u32 $0x1, s2;
	s12 =	sshll.u32 s18, $0x1;
	s13 =	smul.u32 $0x280, s18  }
0x5: {  	s30 =	simm.s32 $0x3;
	s4 =	smul.u32 $0x14000, s18;
	s8 =	sor.u32 s7, s12  }
0x6: {  	s31 =	simm.s32 $0x8;
	s0 =	sadd.s32 $0x1F2400, s1;
	s10 =	smul.u32 $0x2710, s8  }
0x7: {  	s6 =	sadd.s32 $0x32AC00, s1;
	s3 =	ssub.s32 $0x2, s7;
	s12 =	smul.u32 $0x4E20, s8  }
0x8: {  	s14 =	sshrl.u32 s3, $0x1;
	s2 =	sadd.s32 $0x140, s13;
	s13 =	smul.u32 $0x140000, s7  }
0x9: {  	s9 =	sadd.s32 $0x4E00, s1;
	s7 =	smul.u32 $0x2710, s7;
	s1 =	ssub.s32 s3, s14  }
0xa: {  	s3 =	sshll.u32 s2, $0x7;
	s14 =	smul.u32 $0x4E20, s18;
	s11 =	sshrl.u32 s10, $0x3  }
0xb: {  	s15 =	sadd.s32 s6, s12;
	s12 =	sadd.s32 $0xA0, s10;
	s5 =	sadd.s32 s5, s11  }
0xc: {  	[dreg:$0x6] =	wrdreg s15;
	s17 =	sshll.u32 s12, $0x1;
	s7 =	sadd.s32 s7, s14  }
0xd: {  	[dreg:$0x5] =	wrdreg s5;
	s5 =	smul.u32 $0x9C40, s8;
	s8 =	sadd.s32 $0x50, s10  }
0xe: {  	s22 =	sadd.s32 $0x2D0, s7;
	s23 =	sadd.s32 $0x280, s7;
	s16 =	sshll.u32 s8, $0x1  }
0xf: {  	s26 =	sadd.s32 $0x230, s7;
	s14 =	sshrl.u32 s22, $0x4;
	s11 =	sadd.s32 s6, s16  }
0x10: {  	s16 =	sadd.s32 s4, s13;
	s13 =	sadd.s32 s13, s3;
	s24 =	sshll.u32 s14, $0x5  }
0x11: {  	s5 =	sadd.s32 s0, s5;
	s3 =	sshrl.u32 s3, $0x2;
	[dreg:$0x7] =	wrdreg s11  }
0x12: {  	s11 =	sadd.s32 s6, s17;
	s20 =	sshrl.u32 s16, $0x3;
	[dreg:$0x12] =	wrdreg s5  }
0x13: {  	s13 =	sshrl.u32 s13, $0x3;
	s16 =	sshrl.u32 s26, $0x4;
	[dreg:$0x8] =	wrdreg s11  }
0x14: {  	s11 =	sadd.s32 $0xF0, s10;
	s10 =	sadd.s32 $0x140, s10;
	s21 =	sadd.s32 s9, s20  }
0x15: {  	s9 =	sadd.s32 s9, s13;
	s15 =	sshll.u32 s11, $0x1;
	[dreg:$0xb] =	wrdreg s21  }
0x16: {  	s19 =	sshll.u32 s10, $0x1;
	[dreg:$0xc] =	wrdreg s9;
	s9 =	sadd.s32 s24, s6  }
0x17: {  	s21 =	sshll.u32 s16, $0x5;
	s24 =	sshll.u32 s8, $0x2;
	s26 =	sshll.u32 s11, $0x2  }
0x18: {  	s10 =	sshll.u32 s10, $0x2;
	s11 =	sshll.u32 s14, $0x6;
	[dreg:$0xd] =	wrdreg s9  }
0x19: {  	s15 =	sadd.s32 s6, s15;
	s8 =	sadd.s32 s0, s26;
	s26 =	rddreg [dreg:$0x3]  }
0x1a: {  	s14 =	sshll.u32 s16, $0x6;
	s13 =	sadd.s32 s21, s6;
	[dreg:$0x9] =	wrdreg s15  }
0x1b: {  	s5 =	sadd.s32 s0, s24;
	s24 =	sadd.s32 s14, s0;
	[dreg:$0xf] =	wrdreg s13  }
0x1c: {  	s14 =	simm.s32 $0x1;
	s15 =	sadd.s32 s6, s19;
	[dreg:$0x13] =	wrdreg s5  }
0x1d: {  	s19 =	sadd.s32 $0x1E0, s7;
	s7 =	sadd.s32 $0x190, s7;
	[dreg:$0x15] =	wrdreg s8  }
0x1e: {  	s5 =	sadd.s32 s0, s10;
	[dreg:$0xa] =	wrdreg s15;
	s15 =	sshrl.u32 s23, $0x4  }
0x1f: {  	s20 =	sshrl.u32 s19, $0x4;
	s23 =	simm.s32 $0x0;
	[dreg:$0x16] =	wrdreg s5  }
0x20: {  	s7 =	sshrl.u32 s7, $0x4;
	s25 =	sshll.u32 s15, $0x5;
	[smem:$0x7FF] =	sst s23  }
0x21: {  	s22 =	sshll.u32 s20, $0x5;
	s17 =	sshll.u32 s7, $0x5;
	s23 =	rddreg [dreg:$0x2]  }
0x22: {  	s16 =	sshll.u32 s7, $0x6;
	s9 =	sadd.s32 s25, s6;
	s13 =	sadd.s32 s22, s6  }
0x23: {  	s6 =	sadd.s32 s17, s6;
	s25 =	sshll.u32 s12, $0x2;
	s12 =	sshll.u32 s15, $0x6  }
0x24: {  	s15 =	sshll.u32 s20, $0x6;
	s17 =	smul.u32 $0xA000, s18;
	s28 =	sadd.s32 s16, s0  }
0x25: {  	s18 =	sshrl.u32 s4, $0x2;
	s20 =	sshll.u32 s2, $0x4;
	[dreg:$0xe] =	wrdreg s9  }
0x26: {  	s22 =	smax.u32 s1, $0x1;
	s16 =	simm.s32 $0x6;
	[dreg:$0x10] =	wrdreg s13  }
0x27: {  	s1 =	simm.s32 $0x4;
	s2 =	simm.s32 $0xA;
	[dreg:$0x11] =	wrdreg s6  }
0x28: {  	s6 =	sadd.s32 s0, s25;
	s13 =	sadd.s32 s11, s0;
	s21 =	sadd.s32 s12, s0  }
0x29: {  	s25 =	sadd.s32 s15, s0;
	s9 =	sadd.s32 s18, s23;
	s11 =	sadd.s32 s3, s23  }
0x2a: {  	s12 =	simm.s32 $0x4F10;
	s15 =	simm.s32 $0x6D10;
	[dreg:$0x14] =	wrdreg s6  }
0x2b: {  	s18 =	simm.s32 $0xB;
	s0 =	simm.s32 $0x2;
	[dreg:$0x17] =	wrdreg s13  }
0x2c: {  	s3 =	simm.s32 $0x5;
	_ =	strace $0x8000004A;
	[dreg:$0x1c] =	wrdreg s22  }
0x2d: {  	s19 =	sshrl.u32 s17, $0x2;
	s13 =	sadd.s32 s20, s26;
	[dreg:$0x18] =	wrdreg s9  }
0x2e: {  	s20 =	simm.s32 $0xEA10;
	s17 =	simm.s32 $0x50;
	[dreg:$0x1a] =	wrdreg s11  }
0x2f: {  	s6 =	simm.s32 $0x0;
	s10 =	sadd.s32 s19, s26;
	[dreg:$0x1b] =	wrdreg s13  }
0x30: {  	v0 =	vimm.f32 $0.0e+00;
	s19 =	simm.s32 $0xC;
	s22 =	simm.s32 $0x9;
	[dreg:$0x19] =	wrdreg s10  }
.LBB2_1:
0x31: {  	s4 =	simm.s32 $0xEA20  }
0x32: {  	[tilespmem:s4+$0xFFFFFFF0] =	vst v0  }
0x33: {  	[dreg:$0x1d] =	wrdreg s6;
	s5 =	simm.s32 $0x40;
	s6 =	simm.s32 $0x0;
	[tilespmem:s4+$0x0] =	vst v0  }
.LBB2_2:
0x34: {  	p0 =	sne.s32 s5, $0x4FC0  }
0x35: {  	[tilespmem:s6+$0x11210] =	vst v0;
	s4 =	sadd.s32 $0x20, s4;
	s6 =	smov.u32 s5;
	s5 =	sadd.s32 $0x40, s5  }
.Ltmp0:
0x36: {  	[tilespmem:s4+$0xFFFFFFF0] =	vst v0;
	(pc) =	sbr.rel @p0 .LBB2_2-.Ltmp0, $2  }
0x37: {  	_ =	sdelay $0x2  }
0x38: {  	s6 =	sshra.s32 s6, $0x2;
	[tilespmem:s4+$0x0] =	vst v0  }
0x39: {  	[tilespmem:s6+$0x11210] =	vst v0  }
0x3a: {  	[spmem:s9] =	stream.linear.scatter [tilespmem:s20], [sflag:$0xD], $0x2800, $0x38;
	[tilespmem:$0x1C610] =	vst v63  }
0x3b: {  	s9 =	simm.s32 $0xD  }
0x3c: {  	_ =	swait.ge [sflag:s9], $0x2800  }
0x3d: {  	[sflag:s9] =	ssyncset.done $0x0  }
0x3e: {  	s4 =	simm.s32 $0x11210;
	[sflag:s9] =	ssyncadd.s32 $0xFFFFD800  }
0x3f: {  	[spmem:s10] =	stream.linear.scatter [tilespmem:s4], [sflag:$0xD], $0x1400, $0x38;
	[tilespmem:$0x1C610] =	vst v63  }
0x40: {  	_ =	swait.ge [sflag:s9], $0x1400  }
0x41: {  	[sflag:s9] =	ssyncset.done $0x0  }
0x42: {  	[sflag:s9] =	ssyncadd.s32 $0xFFFFEC00  }
0x43: {  	[spmem:s11] =	stream.linear.scatter [tilespmem:s20], [sflag:$0xD], $0x2800, $0x38;
	[tilespmem:$0x1C610] =	vst v63  }
0x44: {  	_ =	swait.ge [sflag:s9], $0x2800  }
0x45: {  	[sflag:s9] =	ssyncset.done $0x0  }
0x46: {  	[sflag:s9] =	ssyncadd.s32 $0xFFFFD800  }
0x47: {  	[spmem:s13] =	stream.linear.scatter [tilespmem:s4], [sflag:$0xD], $0x1400, $0x38;
	[tilespmem:$0x1C610] =	vst v63  }
0x48: {  	_ =	swait.ge [sflag:s9], $0x1400  }
0x49: {  	[sflag:s9] =	ssyncset.done $0x0  }
0x4a: {  	s4 =	simm.s32 $0x0;
	s5 =	rddreg [dreg:$0x5];
	[sflag:s9] =	ssyncadd.s32 $0xFFFFEC00  }
0x4b: {  	[tilespmem:s4], [sflag:$0xD] =	stream.linear.gather [hbm4b:s5+s4], $0x2710, $0x38;
	[tilespmem:$0x1C610] =	vst v63  }
0x4c: {  	_ =	swait.ge [sflag:s9], $0x2710  }
0x4d: {  	[sflag:s9] =	ssyncset.done $0x0  }
0x4e: {  	[sflag:s9] =	ssyncadd.s32 $0xFFFFD8F0  }
0x4f: {  	[bflag:$0x0] =	sbarrier.arrive $0xFFFF  }
0x50: {  	s13 =	rddreg [dreg:$0x12]  }
0x51: {  	s6 =	rddreg [dreg:$0x6]  }
0x52: {  	s8 =	rddreg [dreg:$0x13]  }
0x53: {  	s10 =	rddreg [dreg:$0x7]  }
0x54: {  	s20 =	simm.s32 $0x2710;
	s5 =	rddreg [dreg:$0x11]  }
0x55: {  	[tilespmem:s20], [sflag:$0x1] =	stream.linear.gather [hbm4b:s13+s4], $0xA00, $0x38;
	[tilespmem:$0x1C610] =	vst v63  }
0x56: {  	s7 =	simm.s32 $0x5910;
	s13 =	rddreg [dreg:$0x14]  }
0x57: {  	[tilespmem:s7], [sflag:$0x6] =	stream.linear.gather [hbm4b:s6+s4], $0x500, $0x38;
	[tilespmem:$0x1C610] =	vst v63  }
0x58: {  	s9 =	simm.s32 $0x3110;
	s6 =	rddreg [dreg:$0x8]  }
0x59: {  	[tilespmem:s9], [sflag:$0x2] =	stream.linear.gather [hbm4b:s8+s4], $0xA00, $0x38;
	[tilespmem:$0x1C610] =	vst v63  }
0x5a: {  	s11 =	simm.s32 $0x5E10;
	s8 =	rddreg [dreg:$0x15]  }
0x5b: {  	[tilespmem:s11], [sflag:$0x7] =	stream.linear.gather [hbm4b:s10+s4], $0x500, $0x38;
	[tilespmem:$0x1C610] =	vst v63  }
0x5c: {  	s20 =	simm.s32 $0x3B10;
	s10 =	rddreg [dreg:$0x9]  }
0x5d: {  	[tilespmem:s20], [sflag:$0x3] =	stream.linear.gather [hbm4b:s13+s4], $0xA00, $0x38;
	[tilespmem:$0x1C610] =	vst v63  }
0x5e: {  	s13 =	rddreg [dreg:$0x16]  }
0x5f: {  	s7 =	simm.s32 $0x6310;
	s20 =	rddreg [dreg:$0xa]  }
0x60: {  	[tilespmem:s7], [sflag:$0x8] =	stream.linear.gather [hbm4b:s6+s4], $0x500, $0x38;
	[tilespmem:$0x1C610] =	vst v63  }
0x61: {  	s9 =	simm.s32 $0x4510;
	s6 =	rddreg [dreg:$0x10]  }
0x62: {  	[tilespmem:s9], [sflag:$0x4] =	stream.linear.gather [hbm4b:s8+s4], $0xA00, $0x38;
	[tilespmem:$0x1C610] =	vst v63  }
0x63: {  	s11 =	simm.s32 $0x6810;
	s7 =	rddreg [dreg:$0xf]  }
0x64: {  	[tilespmem:s11], [sflag:$0x9] =	stream.linear.gather [hbm4b:s10+s4], $0x500, $0x38;
	[tilespmem:$0x1C610] =	vst v63  }
0x65: {  	s8 =	rddreg [dreg:$0xe]  }
0x66: {  	[tilespmem:s12], [sflag:$0x5] =	stream.linear.gather [hbm4b:s13+s4], $0xA00, $0x38;
	[tilespmem:$0x1C610] =	vst v63  }
0x67: {  	s9 =	rddreg [dreg:$0xd]  }
0x68: {  	[tilespmem:s15], [sflag:$0xA] =	stream.linear.gather [hbm4b:s20+s4], $0x500, $0x38;
	[tilespmem:$0x1C610] =	vst v63  }
.LBB2_4:
0x69: {  	_ =	swait.ge [sflag:s14], $0xA00  }
0x6a: {  	[sflag:s14] =	ssyncset.done $0x0  }
0x6b: {  	[sflag:s14] =	ssyncadd.s32 $0xFFFFF600  }
0x6c: {  	_ =	swait.ge [sflag:s16], $0x500  }
0x6d: {  	[sflag:s16] =	ssyncset.done $0x0  }
0x6e: {  	s10 =	sshra.s32 s4, $0x2;
	s11 =	simm.s32 $0x2710;
	[sflag:s16] =	ssyncadd.s32 $0xFFFFFB00  }
0x6f: {  	[spmem:s23] =	stream.indirect.scatter.add.f32 [tilespmem:s11], [sflag:$0xB], $0x20, s10, s17, $0xb8;
	[tilespmem:$0x1C610] =	vst v63  }
0x70: {  	s20 =	simm.s32 $0x5910  }
0x71: {  	[spmem:s26] =	stream.indirect.scatter.add.f32 [tilespmem:s20], [sflag:$0xC], $0x10, s10, s17, $0xb8;
	[tilespmem:$0x1C610] =	vst v63  }
0x72: {  	_ =	swait.ge [sflag:s18], $0xA00  }
0x73: {  	[sflag:s18] =	ssyncset.done $0x0  }
0x74: {  	[sflag:s18] =	ssyncadd.s32 $0xFFFFF600  }
0x75: {  	p0 =	seq.s32 s4, $0x9600;
	_ =	swait.ge [sflag:s19], $0x500  }
0x76: {  	s13 =	sadd.s32 @!p0 s4, s28;
	[sflag:s19] =	ssyncset.done $0x0  }
0x77: {  	s11 =	simm.s32 @!p0 $0x0;
	s20 =	simm.s32 @!p0 $0x2710;
	[sflag:s19] =	ssyncadd.s32 $0xFFFFFB00  }
0x78: {  	[tilespmem:s20], [sflag:$0x1] =	stream.linear.gather @!p0 [hbm4b:s13+s11], $0xA00, $0x38;
	[tilespmem:$0x1C610] =	vst v63  }
0x79: {  	s13 =	simm.s32 @!p0 $0x5910  }
0x7a: {  	[tilespmem:s13], [sflag:$0x6] =	stream.linear.gather @!p0 [hbm4b:s5+s11], $0x500, $0x38;
	[tilespmem:$0x1C610] =	vst v63  }
0x7b: {  	_ =	swait.ge [sflag:s0], $0xA00  }
0x7c: {  	[sflag:s0] =	ssyncset.done $0x0  }
0x7d: {  	[sflag:s0] =	ssyncadd.s32 $0xFFFFF600  }
0x7e: {  	_ =	swait.ge [sflag:s29], $0x500  }
0x7f: {  	[sflag:s29] =	ssyncset.done $0x0  }
0x80: {  	s20 =	simm.s32 $0x3110;
	s13 =	sadd.s32 $0x50, s10;
	[sflag:s29] =	ssyncadd.s32 $0xFFFFFB00  }
0x81: {  	[spmem:s23] =	stream.indirect.scatter.add.f32 [tilespmem:s20], [sflag:$0xB], $0x20, s13, s17, $0xb8;
	[tilespmem:$0x1C610] =	vst v63  }
0x82: {  	s20 =	simm.s32 $0x5E10  }
0x83: {  	[spmem:s26] =	stream.indirect.scatter.add.f32 [tilespmem:s20], [sflag:$0xC], $0x10, s13, s17, $0xb8;
	[tilespmem:$0x1C610] =	vst v63  }
0x84: {  	_ =	swait.ge [sflag:s18], $0xA00  }
0x85: {  	[sflag:s18] =	ssyncset.done $0x0  }
0x86: {  	[sflag:s18] =	ssyncadd.s32 $0xFFFFF600  }
0x87: {  	_ =	swait.ge [sflag:s19], $0x500  }
0x88: {  	[sflag:s19] =	ssyncset.done $0x0  }
0x89: {  	s13 =	sadd.s32 @!p0 s4, s25;
	s20 =	simm.s32 @!p0 $0x3110;
	[sflag:s19] =	ssyncadd.s32 $0xFFFFFB00  }
0x8a: {  	[tilespmem:s20], [sflag:$0x2] =	stream.linear.gather @!p0 [hbm4b:s13+s11], $0xA00, $0x38;
	[tilespmem:$0x1C610] =	vst v63  }
0x8b: {  	s13 =	simm.s32 @!p0 $0x5E10  }
0x8c: {  	[tilespmem:s13], [sflag:$0x7] =	stream.linear.gather @!p0 [hbm4b:s6+s11], $0x500, $0x38;
	[tilespmem:$0x1C610] =	vst v63  }
0x8d: {  	_ =	swait.ge [sflag:s30], $0xA00  }
0x8e: {  	[sflag:s30] =	ssyncset.done $0x0  }
0x8f: {  	[sflag:s30] =	ssyncadd.s32 $0xFFFFF600  }
0x90: {  	_ =	swait.ge [sflag:s31], $0x500  }
0x91: {  	[sflag:s31] =	ssyncset.done $0x0  }
0x92: {  	s20 =	simm.s32 $0x3B10;
	s13 =	sadd.s32 $0xA0, s10;
	[sflag:s31] =	ssyncadd.s32 $0xFFFFFB00  }
0x93: {  	[spmem:s23] =	stream.indirect.scatter.add.f32 [tilespmem:s20], [sflag:$0xB], $0x20, s13, s17, $0xb8;
	[tilespmem:$0x1C610] =	vst v63  }
0x94: {  	s20 =	simm.s32 $0x6310  }
0x95: {  	[spmem:s26] =	stream.indirect.scatter.add.f32 [tilespmem:s20], [sflag:$0xC], $0x10, s13, s17, $0xb8;
	[tilespmem:$0x1C610] =	vst v63  }
0x96: {  	_ =	swait.ge [sflag:s18], $0xA00  }
0x97: {  	[sflag:s18] =	ssyncset.done $0x0  }
0x98: {  	[sflag:s18] =	ssyncadd.s32 $0xFFFFF600  }
0x99: {  	_ =	swait.ge [sflag:s19], $0x500  }
0x9a: {  	[sflag:s19] =	ssyncset.done $0x0  }
0x9b: {  	s13 =	sadd.s32 @!p0 s4, s24;
	s20 =	simm.s32 @!p0 $0x3B10;
	[sflag:s19] =	ssyncadd.s32 $0xFFFFFB00  }
0x9c: {  	[tilespmem:s20], [sflag:$0x3] =	stream.linear.gather @!p0 [hbm4b:s13+s11], $0xA00, $0x38;
	[tilespmem:$0x1C610] =	vst v63  }
0x9d: {  	s13 =	simm.s32 @!p0 $0x6310  }
0x9e: {  	[tilespmem:s13], [sflag:$0x8] =	stream.linear.gather @!p0 [hbm4b:s7+s11], $0x500, $0x38;
	[tilespmem:$0x1C610] =	vst v63  }
0x9f: {  	_ =	swait.ge [sflag:s1], $0xA00  }
0xa0: {  	[sflag:s1] =	ssyncset.done $0x0  }
0xa1: {  	[sflag:s1] =	ssyncadd.s32 $0xFFFFF600  }
0xa2: {  	_ =	swait.ge [sflag:s22], $0x500  }
0xa3: {  	[sflag:s22] =	ssyncset.done $0x0  }
0xa4: {  	s20 =	simm.s32 $0x4510;
	s13 =	sadd.s32 $0xF0, s10;
	[sflag:s22] =	ssyncadd.s32 $0xFFFFFB00  }
0xa5: {  	[spmem:s23] =	stream.indirect.scatter.add.f32 [tilespmem:s20], [sflag:$0xB], $0x20, s13, s17, $0xb8;
	[tilespmem:$0x1C610] =	vst v63  }
0xa6: {  	s20 =	simm.s32 $0x6810  }
0xa7: {  	[spmem:s26] =	stream.indirect.scatter.add.f32 [tilespmem:s20], [sflag:$0xC], $0x10, s13, s17, $0xb8;
	[tilespmem:$0x1C610] =	vst v63  }
0xa8: {  	_ =	swait.ge [sflag:s18], $0xA00  }
0xa9: {  	[sflag:s18] =	ssyncset.done $0x0  }
0xaa: {  	[sflag:s18] =	ssyncadd.s32 $0xFFFFF600  }
0xab: {  	_ =	swait.ge [sflag:s19], $0x500  }
0xac: {  	[sflag:s19] =	ssyncset.done $0x0  }
0xad: {  	s13 =	sadd.s32 @!p0 s4, s21;
	s20 =	simm.s32 @!p0 $0x4510;
	[sflag:s19] =	ssyncadd.s32 $0xFFFFFB00  }
0xae: {  	[tilespmem:s20], [sflag:$0x4] =	stream.linear.gather @!p0 [hbm4b:s13+s11], $0xA00, $0x38;
	[tilespmem:$0x1C610] =	vst v63  }
0xaf: {  	s13 =	simm.s32 @!p0 $0x6810  }
0xb0: {  	[tilespmem:s13], [sflag:$0x9] =	stream.linear.gather @!p0 [hbm4b:s8+s11], $0x500, $0x38;
	[tilespmem:$0x1C610] =	vst v63  }
0xb1: {  	_ =	swait.ge [sflag:s3], $0xA00  }
0xb2: {  	[sflag:s3] =	ssyncset.done $0x0  }
0xb3: {  	[sflag:s3] =	ssyncadd.s32 $0xFFFFF600  }
0xb4: {  	_ =	swait.ge [sflag:s2], $0x500  }
0xb5: {  	[sflag:s2] =	ssyncset.done $0x0  }
0xb6: {  	s10 =	sadd.s32 $0x140, s10;
	[sflag:s2] =	ssyncadd.s32 $0xFFFFFB00  }
0xb7: {  	[spmem:s23] =	stream.indirect.scatter.add.f32 [tilespmem:s12], [sflag:$0xB], $0x20, s10, s17, $0xb8;
	[tilespmem:$0x1C610] =	vst v63  }
0xb8: {  	_ = 	snop  }
0xb9: {  	[spmem:s26] =	stream.indirect.scatter.add.f32 [tilespmem:s15], [sflag:$0xC], $0x10, s10, s17, $0xb8;
	[tilespmem:$0x1C610] =	vst v63  }
0xba: {  	_ =	swait.ge [sflag:s18], $0xA00  }
.Ltmp1:
0xbb: {  	[sflag:s18] =	ssyncset.done $0x0;
	(pc) =	sbr.rel @p0 .LBB2_6-.Ltmp1, $4  }
0xbc: {  	[sflag:s18] =	ssyncadd.s32 $0xFFFFF600  }
0xbd: {  	_ =	swait.ge [sflag:s19], $0x500  }
0xbe: {  	[sflag:s19] =	ssyncset.done $0x0  }
0xbf: {  	[sflag:s19] =	ssyncadd.s32 $0xFFFFFB00  }
0xc0: {  	s10 =	rddreg [dreg:$0x17]  }
.Ltmp2:
0xc1: {  	s11 =	simm.s32 $0x0;
	s10 =	sadd.s32 s4, s10;
	(pc) =	sbr.rel .LBB2_4-.Ltmp2, $4  }
0xc2: {  	[tilespmem:s12], [sflag:$0x5] =	stream.linear.gather [hbm4b:s10+s11], $0xA00, $0x38;
	[tilespmem:$0x1C610] =	vst v63  }
0xc3: {  	s8 =	sadd.s32 $0x320, s8;
	s7 =	sadd.s32 $0x320, s7;
	s6 =	sadd.s32 $0x320, s6  }
0xc4: {  	[tilespmem:s15], [sflag:$0xA] =	stream.linear.gather [hbm4b:s9+s11], $0x500, $0x38;
	[tilespmem:$0x1C610] =	vst v63  }
0xc5: {  	s5 =	sadd.s32 $0x320, s5;
	s4 =	sadd.s32 $0x640, s4;
	s9 =	sadd.s32 $0x320, s9  }
.LBB2_6:
0xc6: {  	[bflag:$0x0] =	sbarrier.arrive $0xFFFF  }
0xc7: {  	s20 =	simm.s32 $0xEA10;
	s4 =	simm.s32 $0xD;
	s9 =	rddreg [dreg:$0x18]  }
0xc8: {  	[tilespmem:s20], [sflag:$0xD] =	stream.linear.gather [spmem:s9], $0x2800, $0x38;
	[tilespmem:$0x1C610] =	vst v63  }
0xc9: {  	_ =	swait.ge [sflag:s4], $0x2800  }
0xca: {  	[sflag:s4] =	ssyncset.done $0x0  }
0xcb: {  	s5 =	simm.s32 $0x11210;
	s10 =	rddreg [dreg:$0x19];
	[sflag:s4] =	ssyncadd.s32 $0xFFFFD800  }
0xcc: {  	[tilespmem:s5], [sflag:$0xD] =	stream.linear.gather [spmem:s10], $0x1400, $0x38;
	[tilespmem:$0x1C610] =	vst v63  }
0xcd: {  	_ =	swait.ge [sflag:s4], $0x1400  }
0xce: {  	[sflag:s4] =	ssyncset.done $0x0  }
0xcf: {  	s11 =	simm.s32 $0xEA20;
	[sflag:s4] =	ssyncadd.s32 $0xFFFFEC00  }
0xd0: {  	v1 =	vld [tilespmem:s11+$0xFFFFFFF0];
	_ =	sdelay $0x3  }
0xd1: {  	s4 =	simm.s32 $0x12630  }
0xd2: {  	[tilespmem:s4+$0xFFFFFFE0] =	vst v1  }
0xd3: {  	v1 =	vld [tilespmem:s11+$0x0];
	_ =	sdelay $0x4  }
0xd4: {  	s13 =	simm.s32 $0x0;
	[tilespmem:s4+$0xFFFFFFF0] =	vst v1  }
0xd5: {  	v1 =	vld [tilespmem:s13+$0x11210];
	_ =	sdelay $0x4  }
0xd6: {  	s6 =	simm.s32 $0xEA40;
	[tilespmem:s4+$0x0] =	vst v1  }
0xd7: {  	s7 =	simm.s32 $0x80;
	s5 =	simm.s32 $0x40;
	s13 =	rddreg [dreg:$0x1b];
	v1 =	vld [tilespmem:s6+$0xFFFFFFF0]  }
.LBB2_7:
0xd8: {  	p0 =	sne.s32 s7, $0x4FC0;
	_ =	sdelay $0x2  }
0xd9: {  	s4 =	sadd.s32 $0x80, s4  }
0xda: {  	[tilespmem:s4+$0xFFFFFFE0] =	vst v1  }
0xdb: {  	v1 =	vld [tilespmem:s6+$0x0];
	_ =	sdelay $0x4  }
0xdc: {  	s8 =	sshra.s32 s5, $0x2;
	s5 =	smov.u32 s7;
	[tilespmem:s4+$0xFFFFFFF0] =	vst v1  }
0xdd: {  	v1 =	vld [tilespmem:s8+$0x11210];
	_ =	sdelay $0x1  }
.Ltmp3:
0xde: {  	(pc) =	sbr.rel @p0 .LBB2_7-.Ltmp3, $3  }
0xdf: {  	_ =	sdelay $0x1  }
0xe0: {  	s6 =	sadd.s32 $0x20, s6;
	[tilespmem:s4+$0x0] =	vst v1  }
0xe1: {  	s7 =	sadd.s32 $0x40, s7;
	v1 =	vld [tilespmem:s6+$0xFFFFFFF0]  }
0xe2: {  	_ =	sdelay $0x2  }
0xe3: {  	s4 =	sadd.s32 $0x80, s4  }
0xe4: {  	[tilespmem:s4+$0xFFFFFFE0] =	vst v1  }
0xe5: {  	v1 =	vld [tilespmem:s6+$0x0];
	_ =	sdelay $0x4  }
0xe6: {  	s5 =	sshra.s32 s5, $0x2;
	[tilespmem:s4+$0xFFFFFFF0] =	vst v1  }
0xe7: {  	v1 =	vld [tilespmem:s5+$0x11210];
	_ =	sdelay $0x3  }
0xe8: {  	s7 =	simm.s32 $0x12610  }
0xe9: {  	s8 =	simm.s32 $0xD;
	s6 =	rddreg [dreg:$0xb];
	s5 =	simm.s32 $0x0;
	[tilespmem:s4+$0x0] =	vst v1  }
0xea: {  	[hbm4b:s6+s5] =	stream.linear.scatter [tilespmem:s7], [sflag:$0xD], $0xA000, $0x38;
	[tilespmem:$0x1C610] =	vst v63  }
0xeb: {  	_ =	swait.ge [sflag:s8], $0xA000  }
0xec: {  	[sflag:s8] =	ssyncset.done $0x0  }
0xed: {  	s11 =	rddreg [dreg:$0x1a];
	[sflag:s8] =	ssyncadd.s32 $0xFFFF6000  }
0xee: {  	[tilespmem:s20], [sflag:$0xD] =	stream.linear.gather [spmem:s11], $0x2800, $0x38;
	[tilespmem:$0x1C610] =	vst v63  }
0xef: {  	_ =	swait.ge [sflag:s8], $0x2800  }
0xf0: {  	[sflag:s8] =	ssyncset.done $0x0  }
0xf1: {  	s6 =	simm.s32 $0x11210;
	[sflag:s8] =	ssyncadd.s32 $0xFFFFD800  }
0xf2: {  	[tilespmem:s6], [sflag:$0xD] =	stream.linear.gather [spmem:s13], $0x1400, $0x38;
	[tilespmem:$0x1C610] =	vst v63  }
0xf3: {  	_ =	swait.ge [sflag:s8], $0x1400  }
0xf4: {  	[sflag:s8] =	ssyncset.done $0x0  }
0xf5: {  	s7 =	simm.s32 $0xEA20;
	[sflag:s8] =	ssyncadd.s32 $0xFFFFEC00  }
0xf6: {  	v1 =	vld [tilespmem:s7+$0xFFFFFFF0];
	_ =	sdelay $0x3  }
0xf7: {  	s4 =	simm.s32 $0x12630  }
0xf8: {  	[tilespmem:s4+$0xFFFFFFE0] =	vst v1  }
0xf9: {  	v1 =	vld [tilespmem:s7+$0x0];
	_ =	sdelay $0x4  }
0xfa: {  	s8 =	simm.s32 $0x0;
	[tilespmem:s4+$0xFFFFFFF0] =	vst v1  }
0xfb: {  	v1 =	vld [tilespmem:s8+$0x11210];
	_ =	sdelay $0x4  }
0xfc: {  	s6 =	simm.s32 $0xEA40;
	[tilespmem:s4+$0x0] =	vst v1  }
0xfd: {  	s5 =	simm.s32 $0x40;
	s7 =	simm.s32 $0x80;
	v1 =	vld [tilespmem:s6+$0xFFFFFFF0]  }
.LBB2_9:
0xfe: {  	p0 =	sne.s32 s7, $0x4FC0;
	_ =	sdelay $0x2  }
0xff: {  	s4 =	sadd.s32 $0x80, s4  }
0x100: {  	[tilespmem:s4+$0xFFFFFFE0] =	vst v1  }
0x101: {  	v1 =	vld [tilespmem:s6+$0x0];
	_ =	sdelay $0x4  }
0x102: {  	s8 =	sshra.s32 s5, $0x2;
	s5 =	smov.u32 s7;
	[tilespmem:s4+$0xFFFFFFF0] =	vst v1  }
0x103: {  	v1 =	vld [tilespmem:s8+$0x11210];
	_ =	sdelay $0x1  }
.Ltmp4:
0x104: {  	(pc) =	sbr.rel @p0 .LBB2_9-.Ltmp4, $3  }
0x105: {  	_ =	sdelay $0x1  }
0x106: {  	s6 =	sadd.s32 $0x20, s6;
	[tilespmem:s4+$0x0] =	vst v1  }
0x107: {  	s7 =	sadd.s32 $0x40, s7;
	v1 =	vld [tilespmem:s6+$0xFFFFFFF0]  }
0x108: {  	_ =	sdelay $0x2  }
0x109: {  	s4 =	sadd.s32 $0x80, s4  }
0x10a: {  	[tilespmem:s4+$0xFFFFFFE0] =	vst v1  }
0x10b: {  	v1 =	vld [tilespmem:s6+$0x0];
	_ =	sdelay $0x4  }
0x10c: {  	s5 =	sshra.s32 s5, $0x2;
	[tilespmem:s4+$0xFFFFFFF0] =	vst v1  }
0x10d: {  	v1 =	vld [tilespmem:s5+$0x11210];
	_ =	sdelay $0x3  }
0x10e: {  	s7 =	simm.s32 $0x0  }
0x10f: {  	s8 =	simm.s32 $0x12610;
	s6 =	rddreg [dreg:$0xc];
	s5 =	simm.s32 $0xD;
	[tilespmem:s4+$0x0] =	vst v1  }
0x110: {  	[hbm4b:s6+s7] =	stream.linear.scatter [tilespmem:s8], [sflag:$0xD], $0xA000, $0x38;
	[tilespmem:$0x1C610] =	vst v63  }
0x111: {  	_ =	swait.ge [sflag:s5], $0xA000  }
0x112: {  	s7 =	rddreg [dreg:$0x1d]  }
0x113: {  	s8 =	rddreg [dreg:$0x1c];
	s6 =	sadd.s32 $0x1, s7  }
0x114: {  	p0 =	sne.s32 s6, s8  }
.Ltmp5:
0x115: {  	_ = 	snop;
	(pc) =	sbr.rel @p0 .LBB2_1-.Ltmp5, $3  }
0x116: {  	_ =	sdelay $0x1  }
0x117: {  	[sflag:s5] =	ssyncset.done $0x0  }
0x118: {  	[sflag:s5] =	ssyncadd.s32 $0xFFFF6000  }
0x119: {  	_ =	sfence.sel $0x180000  }
0x11a: {  	[bflag:$0x0] =	sbarrier.arrive $0xFFFF  }
0x11b: {  	_ =	strace $0x9000004A  }
0x11c: {  	s0 =	stileid.u32;
	[bflag:$0x2] =	sbarrier.arrive $0xFFFF  }
0x11d: {  	p0 =	sne.s32 s0, $0x0;
	s0 =	rddreg [dreg:$0x4]  }
0x11e: {  	s0 =	sadd.s32 @!p0 $0x100000, s0  }
0x11f: {  	[sflag:s0] =	ssyncadd.tile.s32 @!p0 $0x1;
	_ =	shalt  }
.Lfunc_end2:
_tile_overlayer_lowered:
.L_overlay_start_2:
0x120: {  	(tag) =	ssettag $0x2  }
0x121: {  	s0 =	rddreg [dreg:$0x0];
	s2 =	stileid.u32  }
0x122: {  	s1 =	rddreg [dreg:$0x1];
	p0 =	sne.s32 s2, $0x0  }
0x123: {  	s3 =	rddreg [dreg:$0x2];
	[bflag:$0x3] =	sbarrier.arrive $0xFFFF;
	s2 =	simm.s32 @!p0 $0x1C0D  }
0x124: {  	[timem:s3], [sflag:s2] =	dma.local @!p0 [hbm:s0], s1  }
0x125: {  	s0 =	simm.s32 @!p0 $0xD  }
0x126: {  	_ =	swait.ge @!p0 [sflag:s0], s1  }
0x127: {  	s1 =	ssub.s32 @!p0 $0x0, s1;
	[sflag:s0] =	ssyncset.done @!p0 $0x0  }
0x128: {  	[sflag:s0] =	ssyncadd.s32 @!p0 s1  }
0x129: {  	[bflag:$0x3] =	sbarrier.arrive $0xFFFF  }
0x12a: {  	_ =	shalt  }

// kernel: kernel.7.cloned.1.call-start
scs
__scs_entry_jumppad:
0x0: {  	(pc) =	sbr.rel $0x88, $3  }
0x1: {  	(tag) =	ssettag $0x0;
	lr =	simm.s32 $0x1  }
0x2: {  	[smem:$0x3F94] =	sst lr;
	_ =	strace $0xD0000000  }
0x3: {  	_ = 	snop  }
0x4: {  	_ = 	snop  }
0x5: {  	_ = 	snop  }
0x6: {  	_ = 	snop  }
0x7: {  	_ = 	snop  }
__scs_overlays_trampoline_lowered:
0x8: {  	[smem:$0x3FA3] =	sst s0  }
0x9: {  	[smem:$0x3FA4] =	sst s1  }
0xa: {  	[smem:$0x3FA5] =	sst s2  }
0xb: {  	[smem:$0x3FA6] =	sst s3  }
0xc: {  	[smem:$0x3FA7] =	sst s4  }
0xd: {  	[smem:$0x3FA8] =	sst s5  }
0xe: {  	[smem:$0x3FA9] =	sst s6  }
0xf: {  	[smem:$0x3FAA] =	sst s7  }
0x10: {  	[smem:$0x3FAB] =	sst s8  }
0x11: {  	[smem:$0x3FAC] =	sst s9;
	s0 =	simm.s32 @!p0 $0x0  }
0x12: {  	s1 =	sld [smem:$0x3F92];
	s0 =	simm.s32 @p0 $0x1  }
0x13: {  	[smem:$0x3FAD] =	sst s0;
	s0 =	simm.s32 @!p1 $0x0  }
0x14: {  	s2 =	sld [smem:$0x3F91];
	s0 =	simm.s32 @p1 $0x1  }
0x15: {  	[smem:$0x3FAE] =	sst s0;
	s0 =	simm.s32 @!p2 $0x0  }
0x16: {  	s3 =	sld [smem:$0x3FDB];
	s0 =	simm.s32 @p2 $0x1  }
0x17: {  	s4 =	simm.s32 $0x1BF5;
	[smem:$0x3FB0] =	sst s0  }
0x18: {  	s0 =	sld [smem:$0x3F93];
	_ =	swait.ge [sflag:s4], $0x0  }
0x19: {  	s7 =	sld [smem:$0x3F94]  }
0x1a: {  	s8 =	sadd.s32 $0xFFFFE003, lr  }
0x1b: {  	s9 =	sadd.s32 $0xFFFFFEF7, lr;
	s5 =	simm.s32 $0xFFFFFFFF;
	p2 =	slt.u32 s8, $0xFFFFF086  }
0x1c: {  	p1 =	slt.u32 s9, $0xF7A;
	s5 =	simm.s32 @!p2 $0x0  }
0x1d: {  	s5 =	simm.s32 @p1 $0x1;
	p0 =	seq.s32 s7, s2  }
0x1e: {  	s7 =	smul.u32 @!p0 $0xF7A, s2;
	p2 =	seq.s32 @!p0 s5, $0x0  }
0x1f: {  	s9 =	smul.u32 $0xF7A, s1;
	s8 =	simm.s32 @!p0 $0x1BF5;
	p2 =	por !p2, p0  }
0x20: {  	[sflag:s8] =	ssyncset.s32 @!p0 $0xFFFFF086;
	s6 =	sadd.s32 @!p0 s3, s7;
	s7 =	simm.s32 @!p0 $0x108  }
0x21: {  	s3 =	sadd.s32 s3, s9;
	s6 =	sadd.s32 @!p0 $0x88, s6;
	s7 =	simm.s32 @p2 $0x1082  }
0x22: {  	[simem:s7], [sflag:s8] =	dma.local @!p0 [hbm:s6], $0xF7A  }
0x23: {  	s9 =	sor.u32 $0xD0000000, s2;
	s6 =	simm.s32 $0x108;
	_ =	swait.ge @!p0 [sflag:s8], $0x0  }
0x24: {  	s3 =	sadd.s32 $0x88, s3;
	s6 =	simm.s32 @!p1 $0x1082;
	[sflag:s4] =	ssyncset.s32 $0xFFFFF086  }
0x25: {  	[simem:s6], [sflag:s4] =	dma.local [hbm:s3], $0xF7A  }
0x26: {  	[smem:$0x3F94] =	sst s1;
	(tag) =	ssettag s2;
	_ =	strace s9  }
0x27: {  	s1 =	sld [smem:$0x3FA4]  }
0x28: {  	s2 =	sld [smem:$0x3FA5]  }
0x29: {  	s4 =	sld [smem:$0x3FA7]  }
0x2a: {  	p0 =	seq.s32 s5, $0x0;
	s5 =	sld [smem:$0x3FA8]  }
0x2b: {  	s6 =	sld [smem:$0x3FA9]  }
0x2c: {  	s7 =	sld [smem:$0x3FAA]  }
0x2d: {  	s3 =	simm.s32 $0x108;
	s8 =	sld [smem:$0x3FAB]  }
0x2e: {  	s3 =	simm.s32 @!p0 $0x1082;
	s9 =	sld [smem:$0x3FAC]  }
0x2f: {  	lr =	sadd.s32 s0, s3;
	s0 =	sld [smem:$0x3FA3]  }
0x30: {  	s3 =	sld [smem:$0x3FA6]  }
0x31: {  	[smem:$0x3FAF] =	sst s10  }
0x32: {  	s10 =	sld [smem:$0x3FAD];
	_ =	sdelay $0x3  }
0x33: {  	p0 =	seq.s32 s10, $0x1;
	s10 =	sld [smem:$0x3FAF];
	_ =	sdelay $0x3  }
0x34: {  	[smem:$0x3FAF] =	sst s10  }
0x35: {  	s10 =	sld [smem:$0x3FAE];
	_ =	sdelay $0x3  }
0x36: {  	p1 =	seq.s32 s10, $0x1;
	s10 =	sld [smem:$0x3FAF];
	_ =	sdelay $0x3  }
0x37: {  	[smem:$0x3FAF] =	sst s10  }
0x38: {  	s10 =	sld [smem:$0x3FB0]  }
0x39: {  	_ = 	snop;
	(pc) =	sbr.ind lr, $3  }
0x3a: {  	_ = 	snop  }
0x3b: {  	_ = 	snop  }
0x3c: {  	p2 =	seq.s32 s10, $0x1;
	s10 =	sld [smem:$0x3FAF]  }
0x3d: {  	_ =	shalt  }
0x3e: {  	_ =	shalt  }
0x3f: {  	_ =	shalt  }
0x40: {  	_ =	shalt  }
0x41: {  	_ =	shalt  }
0x42: {  	_ =	shalt  }
0x43: {  	_ =	shalt  }
0x44: {  	_ =	shalt  }
0x45: {  	_ =	shalt  }
0x46: {  	_ =	shalt  }
0x47: {  	_ =	shalt  }
0x48: {  	_ =	shalt  }
0x49: {  	_ =	shalt  }
0x4a: {  	_ =	shalt  }
0x4b: {  	_ =	shalt  }
0x4c: {  	_ =	shalt  }
0x4d: {  	_ =	shalt  }
0x4e: {  	_ =	shalt  }
0x4f: {  	_ =	shalt  }
0x50: {  	_ =	shalt  }
0x51: {  	_ =	shalt  }
0x52: {  	_ =	shalt  }
0x53: {  	_ =	shalt  }
0x54: {  	_ =	shalt  }
0x55: {  	_ =	shalt  }
0x56: {  	_ =	shalt  }
0x57: {  	_ =	shalt  }
0x58: {  	_ =	shalt  }
0x59: {  	_ =	shalt  }
0x5a: {  	_ =	shalt  }
0x5b: {  	_ =	shalt  }
0x5c: {  	_ =	shalt  }
0x5d: {  	_ =	shalt  }
0x5e: {  	_ =	shalt  }
0x5f: {  	_ =	shalt  }
0x60: {  	_ =	shalt  }
0x61: {  	_ =	shalt  }
0x62: {  	_ =	shalt  }
0x63: {  	_ =	shalt  }
0x64: {  	_ =	shalt  }
0x65: {  	_ =	shalt  }
0x66: {  	_ =	shalt  }
0x67: {  	_ =	shalt  }
0x68: {  	_ =	shalt  }
0x69: {  	_ =	shalt  }
0x6a: {  	_ =	shalt  }
0x6b: {  	_ =	shalt  }
0x6c: {  	_ =	shalt  }
0x6d: {  	_ =	shalt  }
0x6e: {  	_ =	shalt  }
0x6f: {  	_ =	shalt  }
0x70: {  	_ =	shalt  }
0x71: {  	_ =	shalt  }
0x72: {  	_ =	shalt  }
0x73: {  	_ =	shalt  }
0x74: {  	_ =	shalt  }
0x75: {  	_ =	shalt  }
0x76: {  	_ =	shalt  }
0x77: {  	_ =	shalt  }
0x78: {  	_ =	shalt  }
0x79: {  	_ =	shalt  }
0x7a: {  	_ =	shalt  }
0x7b: {  	_ =	shalt  }
0x7c: {  	_ =	shalt  }
0x7d: {  	_ =	shalt  }
0x7e: {  	_ =	shalt  }
0x7f: {  	_ =	shalt  }
0x80: {  	_ =	shalt  }
0x81: {  	_ =	shalt  }
0x82: {  	_ =	shalt  }
0x83: {  	_ =	shalt  }
0x84: {  	_ =	shalt  }
0x85: {  	_ =	shalt  }
0x86: {  	_ =	shalt  }
0x87: {  	_ =	shalt  }
.Lfunc_end0:
.L_simem_size_0:
called_computation.1_lowered:
.L_overlay_start_0:
0x88: {  	s2 =	sld [smem:$0x3FD9]  }
0x89: {  	s3 =	sld [smem:$0x3FFE];
	_ =	sdelay $0x1  }
0x8a: {  	s1 =	srdreg.scid  }
0x8b: {  	s0 =	sand.u32 $0x1, s1  }
0x8c: {  	s14 =	sshll.u32 s0, $0xA;
	s2 =	sadd.s32 s3, s2  }
0x8d: {  	s2 =	sadd.s32 s2, s14  }
0x8e: {  	[smem:$0x3FBB] =	sst s2  }
0x8f: {  	_ = 	snop  }
0x90: {  	s2 =	sld [smem:$0x3FD0];
	_ =	sdelay $0x2  }
0x91: {  	s15 =	simm.s32 $0xB;
	s4 =	simm.s32 $0x10  }
0x92: {  	[smem:s4], [sflag:s15] =	dma.local [hbm:s2], $0x1  }
0x93: {  	_ =	swait.eq [sflag:s15], $0x1  }
0x94: {  	[sflag:s15] =	ssyncset.done $0x0  }
0x95: {  	s16 =	sld [smem:$0x10];
	[sflag:s15] =	ssyncadd.s32 $0xFFFFFFFF  }
0x96: {  	s17 =	sld [smem:$0x11];
	(tm) =	ssettm $0x1  }
0x97: {  	s18 =	sld [smem:$0x3FFB];
	_ =	sdelay $0x3  }
0x98: {  	_ =	strace s18  }
0x99: {  	s4 =	sld [smem:$0x3FFC];
	_ =	sdelay $0x3  }
0x9a: {  	_ =	strace s4  }
0x9b: {  	s4 =	sld [smem:$0x3FFD];
	_ =	sdelay $0x3  }
0x9c: {  	_ =	strace s4  }
0x9d: {  	_ =	strace $0x8FFFFFFF  }
0x9e: {  	s19 =	sld [smem:$0x3FDB];
	_ =	sdelay $0x1  }
0x9f: {  	s5 =	simm.s32 $_scs_section_size  }
0xa0: {  	s6 =	simm.s32 $_size__tile_overlayer_lowered;
	s7 =	simm.s32 $_tile_overlayer_lowered  }
0xa1: {  	s22 =	simm.s32 $0x1BFF;
	s21 =	sshll.u32 s7, $0x1;
	s4 =	sadd.s32 s5, s19  }
0xa2: {  	s8 =	simm.s32 $0x0;
	s20 =	sshll.u32 s6, $0x1;
	s6 =	sadd.s32 s21, s4  }
0xa3: {  	[timem:s8], [sflag:s22] =	dma.local [hbm:s6], s20  }
0xa4: {  	_ =	swait.ge [sflag:s22], s20  }
0xa5: {  	s5 =	ssub.s32 $0x0, s20;
	[sflag:s22] =	ssyncset.done $0x0  }
0xa6: {  	[sflag:s22] =	ssyncadd.s32 s5;
	_ =	sdelay $0x1  }
0xa7: {  	s23 =	simm.s32 $0x1B8B  }
0xa8: {  	_ =	swait.ge [sflag:s23], $0x1  }
0xa9: {  	[sflag:s23] =	ssyncset.done $0x0  }
0xaa: {  	s25 =	simm.s32 $0x1B8E;
	s24 =	sld [smem:$0x3FFE];
	[sflag:s23] =	ssyncadd.s32 $0xFFFFFFFF  }
0xab: {  	s26 =	simm.s32 $execute0_lowered;
	[smem:$0x3FD2] =	sst s25  }
0xac: {  	s6 =	sshll.u32 s26, $0x1;
	_ =	strace $0x80000046;
	[dreg:$0x1] =	wrdreg $0xFFFFFFFF  }
0xad: {  	s28 =	simm.s32 $_size_execute0_lowered;
	s4 =	sadd.s32 s4, s6;
	[dreg:$0x0] =	wrdreg $0x0  }
0xae: {  	s6 =	sshll.u32 s28, $0x1;
	[dreg:$0x2] =	wrdreg s4  }
0xaf: {  	[dreg:$0x3] =	wrdreg s6  }
0xb0: {  	[dreg:$0x4] =	wrdreg $0xC0  }
0xb1: {  	_ =	task [dreg:s8], $0x5FFFF  }
0xb2: {  	[dreg:$0x1] =	wrdreg $0xFFFFFFFF  }
0xb3: {  	[dreg:$0x0] =	wrdreg $0x60  }
0xb4: {  	[dreg:$0x2] =	wrdreg s17  }
0xb5: {  	[dreg:$0x3] =	wrdreg s24  }
0xb6: {  	[dreg:$0x4] =	wrdreg s16  }
0xb7: {  	[dreg:$0x5] =	wrdreg $0x9  }
0xb8: {  	_ =	task.clear_ibuf [dreg:s8], $0x6FFFF;
	_ =	strace $0x90000046  }
0xb9: {  	s29 =	simm.s32 $0x9;
	_ =	strace $0x80000048  }
0xba: {  	_ =	swait.ge [sflag:s29], $0x1  }
0xbb: {  	[sflag:s29] =	ssyncadd.s32 $0xFFFFFFFF  }
0xbc: {  	_ =	strace $0x90000048  }
0xbd: {  	_ =	sfence  }
0xbe: {  	s30 =	sld [smem:$0x0];
	_ =	sdelay $0x2  }
0xbf: {  	s31 =	sshll.u32 s1, $0xD;
	s1 =	sshrl.u32 s1, $0x2  }
0xc0: {  	s3 =	sand.u32 $0x4000, s31;
	s1 =	sadd.s32 s1, s30  }
0xc1: {  	s0 =	sor.u32 s3, s0;
	s1 =	sshll.u32 s1, $0x11  }
0xc2: {  	s0 =	sor.u32 s1, s0  }
0xc3: {  	s0 =	sadd.s32 $0x8F2B, s0  }
0xc4: {  	[sflag:s0] =	ssyncadd.remote.s32 $0x1  }
0xc5: {  	_ =	sfence.sel $0xFFFF  }
0xc6: {  	[dreg:$0x0] =	wrdreg $0xFFFFFFFF;
	(pc) =	sbr.abs _section_cstart, $3  }
0xc7: {  	[dreg:$0x1] =	wrdreg $0xFFFFFFFF  }
0xc8: {  	_ =	task.clear_ibuf [dreg:s8], $0x2FFFF;
	_ =	strace $0x9FFFFFFF  }
0xc9: {  	(tm) =	ssettm $0x7FFFFFFF  }
tec
execute0_lowered:
.L_overlay_start_1:
0x0: {  	(tag) =	ssettag $0x1  }
0x1: {  	s1 =	rddreg [dreg:$0x0]  }
0x2: {  	s0 =	rddreg [dreg:$0x1];
	s2 =	srdreg.scid  }
0x3: {  	s3 =	stileid.u32;
	s7 =	rddreg [dreg:$0x2]  }
0x4: {  	s16 =	simm.s32 $0x50;
	s18 =	simm.s32 $0x1;
	s19 =	simm.s32 $0x6  }
0x5: {  	s20 =	simm.s32 $0xE420;
	s21 =	simm.s32 $0x2;
	s22 =	simm.s32 $0x7  }
0x6: {  	s23 =	simm.s32 $0xF320;
	s28 =	simm.s32 $0x4;
	s29 =	simm.s32 $0x9  }
0x7: {  	s30 =	simm.s32 $0x11120;
	s31 =	simm.s32 $0x5;
	s13 =	simm.s32 $0x0  }
0x8: {  	s2 =	sand.u32 $0x1, s2;
	s4 =	sshll.u32 s3, $0x1;
	s3 =	simm.s32 $0x0  }
0x9: {  	s5 =	sadd.s32 $0xEC00, s0;
	s4 =	sor.u32 s2, s4;
	s2 =	ssub.s32 $0x2, s2  }
0xa: {  	[smem:$0x7FF] =	sst s3;
	s4 =	smul.u32 $0x2710, s4;
	s9 =	sshrl.u32 s2, $0x1  }
0xb: {  	s6 =	sadd.s32 $0x1D800, s0;
	_ =	strace $0x80000047;
	s24 =	ssub.s32 s2, s9  }
0xc: {  	s8 =	sshrl.u32 s4, $0x3;
	s9 =	sadd.s32 $0x50, s4;
	s11 =	sadd.s32 $0xF0, s4  }
.Ltmp0:
0xd: {  	s12 =	sadd.s32 $0x140, s4;
	s10 =	sadd.s32 s8, s0;
	(pc) =	sbr.rel .LBB2_1-.Ltmp0, $4  }
0xe: {  	s26 =	sadd.s32 s7, s8;
	s0 =	smax.u32 s24, $0x1;
	s24 =	simm.s32 $0x3  }
0xf: {  	s7 =	simm.s32 $0x12020;
	s25 =	sadd.s32 $0x4E00, s10;
	[dreg:$0x5] =	wrdreg s26  }
0x10: {  	s10 =	sadd.s32 $0xA0, s4;
	[dreg:$0x6] =	wrdreg s0;
	s26 =	simm.s32 $0x10220  }
0x11: {  	s0 =	simm.s32 $0xA;
	[dreg:$0x4] =	wrdreg s25;
	s25 =	simm.s32 $0x8  }
.LBB2_14:
0x12: {  	s2 =	simm.s32 $0xB  }
0x13: {  	_ =	swait.ge [sflag:s2], $0xF00  }
0x14: {  	[sflag:s2] =	ssyncset.done $0x0  }
0x15: {  	s13 =	simm.s32 $0xC;
	[sflag:s2] =	ssyncadd.s32 $0xFFFFF100  }
0x16: {  	_ =	swait.ge [sflag:s13], $0xF00  }
0x17: {  	[sflag:s13] =	ssyncset.done $0x0  }
0x18: {  	s14 =	simm.s32 $0xD;
	[sflag:s13] =	ssyncadd.s32 $0xFFFFF100  }
0x19: {  	_ =	swait.ge [sflag:s14], $0xF00  }
0x1a: {  	[sflag:s14] =	ssyncset.done $0x0  }
0x1b: {  	s15 =	simm.s32 $0xE;
	[sflag:s14] =	ssyncadd.s32 $0xFFFFF100  }
0x1c: {  	_ =	swait.ge [sflag:s15], $0xF00  }
0x1d: {  	[sflag:s15] =	ssyncset.done $0x0  }
0x1e: {  	s8 =	simm.s32 $0xF;
	[sflag:s15] =	ssyncadd.s32 $0xFFFFF100  }
0x1f: {  	_ =	swait.ge [sflag:s8], $0xF00  }
0x20: {  	s13 =	rddreg [dreg:$0x7]  }
0x21: {  	s17 =	rddreg [dreg:$0x6];
	s13 =	sadd.s32 $0x1, s13  }
0x22: {  	p0 =	sne.s32 s13, s17  }
.Ltmp1:
0x23: {  	_ = 	snop;
	(pc) =	sbr.rel @!p0 .LBB2_15-.Ltmp1, $3  }
0x24: {  	_ =	sdelay $0x1  }
0x25: {  	[sflag:s8] =	ssyncset.done $0x0  }
0x26: {  	[sflag:s8] =	ssyncadd.s32 $0xFFFFF100  }
.LBB2_1:
0x27: {  	[dreg:$0x7] =	wrdreg s13  }
0x28: {  	s2 =	rddreg [dreg:$0x4];
	s8 =	simm.s32 $0x10  }
0x29: {  	[tilespmem:s3], [sflag:$0x10] =	stream.linear.gather [hbm4b:s2+s3], $0x2710, $0x38;
	[tilespmem:$0x12F20] =	vst v63  }
0x2a: {  	_ =	swait.ge [sflag:s8], $0x2710  }
0x2b: {  	[sflag:s8] =	ssyncset.done $0x0  }
0x2c: {  	s15 =	simm.s32 $0x2710;
	s14 =	rddreg [dreg:$0x5];
	[sflag:s8] =	ssyncadd.s32 $0xFFFFD8F0  }
0x2d: {  	[tilespmem:s15], [sflag:$0x10] =	stream.linear.gather [hbm4b:s14+s3], $0x2710, $0x38;
	[tilespmem:$0x12F20] =	vst v63  }
0x2e: {  	_ =	swait.ge [sflag:s8], $0x2710  }
0x2f: {  	[sflag:s8] =	ssyncset.done $0x0  }
0x30: {  	s17 =	simm.s32 $0x4E20;
	[sflag:s8] =	ssyncadd.s32 $0xFFFFD8F0  }
0x31: {  	[tilespmem:s17], [sflag:$0x1] =	stream.indirect.gather [hbm4b:s1+s16], $0x30, s3, s16, $0xb8;
	[tilespmem:$0x12F20] =	vst v63  }
0x32: {  	s8 =	simm.s32 $0x9920  }
0x33: {  	[tilespmem:s8], [sflag:$0x6] =	stream.indirect.gather [hbm4b:s5+s16], $0x30, s15, s16, $0xb8;
	[tilespmem:$0x12F20] =	vst v63  }
0x34: {  	s14 =	simm.s32 $0x5D20  }
0x35: {  	[tilespmem:s14], [sflag:$0x2] =	stream.indirect.gather [hbm4b:s1+s16], $0x30, s16, s16, $0xb8;
	[tilespmem:$0x12F20] =	vst v63  }
0x36: {  	s17 =	simm.s32 $0xA820;
	s15 =	simm.s32 $0x2760  }
0x37: {  	[tilespmem:s17], [sflag:$0x7] =	stream.indirect.gather [hbm4b:s5+s16], $0x30, s15, s16, $0xb8;
	[tilespmem:$0x12F20] =	vst v63  }
0x38: {  	s13 =	simm.s32 $0xA0;
	s14 =	simm.s32 $0x6C20  }
0x39: {  	[tilespmem:s14], [sflag:$0x3] =	stream.indirect.gather [hbm4b:s1+s16], $0x30, s13, s16, $0xb8;
	[tilespmem:$0x12F20] =	vst v63  }
0x3a: {  	s15 =	simm.s32 $0x27B0;
	s17 =	simm.s32 $0xB720  }
0x3b: {  	[tilespmem:s17], [sflag:$0x8] =	stream.indirect.gather [hbm4b:s5+s16], $0x30, s15, s16, $0xb8;
	[tilespmem:$0x12F20] =	vst v63  }
0x3c: {  	s13 =	simm.s32 $0xF0;
	s14 =	simm.s32 $0x7B20  }
0x3d: {  	[tilespmem:s14], [sflag:$0x4] =	stream.indirect.gather [hbm4b:s1+s16], $0x30, s13, s16, $0xb8;
	[tilespmem:$0x12F20] =	vst v63  }
0x3e: {  	s15 =	simm.s32 $0x2800;
	s17 =	simm.s32 $0xC620  }
0x3f: {  	[tilespmem:s17], [sflag:$0x9] =	stream.indirect.gather [hbm4b:s5+s16], $0x30, s15, s16, $0xb8;
	[tilespmem:$0x12F20] =	vst v63  }
0x40: {  	s13 =	simm.s32 $0x140;
	s14 =	simm.s32 $0x8A20  }
0x41: {  	[tilespmem:s14], [sflag:$0x5] =	stream.indirect.gather [hbm4b:s1+s16], $0x30, s13, s16, $0xb8;
	[tilespmem:$0x12F20] =	vst v63  }
0x42: {  	s15 =	simm.s32 $0x2850;
	s17 =	simm.s32 $0xD520  }
0x43: {  	[tilespmem:s17], [sflag:$0xA] =	stream.indirect.gather [hbm4b:s5+s16], $0x30, s15, s16, $0xb8;
	[tilespmem:$0x12F20] =	vst v63  }
0x44: {  	s15 =	simm.s32 $0x0  }
.LBB2_2:
0x45: {  	_ =	swait.ge [sflag:s18], $0xF00  }
0x46: {  	[sflag:s18] =	ssyncset.done $0x0  }
0x47: {  	[sflag:s18] =	ssyncadd.s32 $0xFFFFF100  }
0x48: {  	_ =	swait.ge [sflag:s19], $0xF00  }
0x49: {  	p0 =	seq.s32 s15, $0x0;
	[sflag:s19] =	ssyncset.done $0x0  }
0x4a: {  	s2 =	simm.s32 @!p0 $0xB;
	[sflag:s19] =	ssyncadd.s32 $0xFFFFF100  }
0x4b: {  	_ =	swait.ge @!p0 [sflag:s2], $0xF00  }
0x4c: {  	[sflag:s2] =	ssyncset.done @!p0 $0x0  }
0x4d: {  	s13 =	simm.s32 $0x0;
	[sflag:s2] =	ssyncadd.s32 @!p0 $0xFFFFF100  }
0x4e: {  	v1 =	vld [tilespmem:s13+$0x4E40]  }
0x4f: {  	v2 =	vld [tilespmem:s13+$0x9940]  }
0x50: {  	v4 =	vld [tilespmem:s13+$0x4E20]  }
0x51: {  	v5 =	vld [tilespmem:s13+$0x9920]  }
0x52: {  	v6 =	vld [tilespmem:s13+$0x4E30]  }
0x53: {  	s14 =	simm.s32 $0x30;
	v7 =	vld [tilespmem:s13+$0x9930]  }
0x54: {  	v0 =	vld [tilespmem:s14+$0x4E40];
	v2 =	vadd.f32 v2, v1  }
0x55: {  	v3 =	vld [tilespmem:s14+$0x9940]  }
0x56: {  	v1 =	vld [tilespmem:s14+$0x4E20];
	v5 =	vadd.f32 v5, v4;
	[tilespmem:s13+$0xE440] =	vst v2  }
0x57: {  	v4 =	vld [tilespmem:s14+$0x9920]  }
0x58: {  	s8 =	simm.s32 $0x180;
	v2 =	vld [tilespmem:s14+$0x4E30];
	[tilespmem:s13+$0xE420] =	vst v5;
	v5 =	vadd.f32 v7, v6  }
.LBB2_3:
0x59: {  	s2 =	sshra.s32 s8, $0x2;
	v6 =	vld [tilespmem:s14+$0x9930];
	p1 =	sne.s32 s8, $0x3B40  }
.Ltmp2:
0x5a: {  	s8 =	sadd.s32 $0xC0, s8;
	v7 =	vadd.f32 v3, v0;
	v0 =	vld [tilespmem:s2+$0x4E40];
	[tilespmem:s13+$0xE430] =	vst v5;
	(pc) =	sbr.rel @p1 .LBB2_3-.Ltmp2, $4  }
0x5b: {  	s13 =	smov.u32 s14;
	s14 =	smov.u32 s2;
	v3 =	vld [tilespmem:s2+$0x9940]  }
0x5c: {  	v5 =	vadd.f32 v4, v1;
	v1 =	vld [tilespmem:s14+$0x4E20];
	[tilespmem:s13+$0xE440] =	vst v7  }
0x5d: {  	v4 =	vld [tilespmem:s14+$0x9920]  }
0x5e: {  	[tilespmem:s13+$0xE420] =	vst v5;
	v5 =	vadd.f32 v6, v2;
	v2 =	vld [tilespmem:s14+$0x4E30]  }
0x5f: {  	v6 =	vld [tilespmem:s14+$0x9930];
	_ =	sdelay $0x1  }
0x60: {  	s8 =	smul.u32 $0x190, s15  }
0x61: {  	v0 =	vadd.f32 v3, v0  }
0x62: {  	[tilespmem:s13+$0xE430] =	vst v5;
	s2 =	sadd.s32 s4, s8;
	v1 =	vadd.f32 v4, v1  }
0x63: {  	[tilespmem:s14+$0xE440] =	vst v0;
	s2 =	smul.u32 $0x6, s2;
	v0 =	vadd.f32 v6, v2  }
0x64: {  	[tilespmem:s14+$0xE420] =	vst v1  }
0x65: {  	p1 =	seq.s32 s15, $0x18;
	s2 =	sadd.s32 s6, s2;
	[tilespmem:s14+$0xE430] =	vst v0  }
0x66: {  	[hbm4b:s2+s3] =	stream.linear.scatter [tilespmem:s20], [sflag:$0xB], $0xF00, $0x38;
	[tilespmem:$0x12F20] =	vst v63  }
0x67: {  	s13 =	simm.s32 @!p1 $0x50;
	s14 =	simm.s32 @!p1 $0x4E20;
	s2 =	sadd.s32 @!p1 $0x190, s8  }
0x68: {  	[tilespmem:s14], [sflag:$0x1] =	stream.indirect.gather @!p1 [hbm4b:s1+s13], $0x30, s2, s13, $0xb8;
	[tilespmem:$0x12F20] =	vst v63  }
0x69: {  	s2 =	sadd.s32 @!p1 $0x28A0, s8;
	s14 =	simm.s32 @!p1 $0x9920  }
0x6a: {  	[tilespmem:s14], [sflag:$0x6] =	stream.indirect.gather @!p1 [hbm4b:s5+s13], $0x30, s2, s13, $0xb8;
	[tilespmem:$0x12F20] =	vst v63  }
0x6b: {  	_ =	swait.ge [sflag:s21], $0xF00  }
0x6c: {  	[sflag:s21] =	ssyncset.done $0x0  }
0x6d: {  	[sflag:s21] =	ssyncadd.s32 $0xFFFFF100  }
0x6e: {  	_ =	swait.ge [sflag:s22], $0xF00  }
0x6f: {  	[sflag:s22] =	ssyncset.done $0x0  }
0x70: {  	s2 =	simm.s32 @!p0 $0xC;
	[sflag:s22] =	ssyncadd.s32 $0xFFFFF100  }
0x71: {  	_ =	swait.ge @!p0 [sflag:s2], $0xF00  }
0x72: {  	[sflag:s2] =	ssyncset.done @!p0 $0x0  }
0x73: {  	s13 =	simm.s32 $0x0;
	[sflag:s2] =	ssyncadd.s32 @!p0 $0xFFFFF100  }
0x74: {  	v1 =	vld [tilespmem:s13+$0x5D40]  }
0x75: {  	v2 =	vld [tilespmem:s13+$0xA840]  }
0x76: {  	v4 =	vld [tilespmem:s13+$0x5D20]  }
0x77: {  	v5 =	vld [tilespmem:s13+$0xA820]  }
0x78: {  	v6 =	vld [tilespmem:s13+$0x5D30]  }
0x79: {  	s14 =	simm.s32 $0x30;
	v7 =	vld [tilespmem:s13+$0xA830]  }
0x7a: {  	v0 =	vld [tilespmem:s14+$0x5D40];
	v2 =	vadd.f32 v2, v1  }
0x7b: {  	v3 =	vld [tilespmem:s14+$0xA840]  }
0x7c: {  	v1 =	vld [tilespmem:s14+$0x5D20];
	v5 =	vadd.f32 v5, v4;
	[tilespmem:s13+$0xF340] =	vst v2  }
0x7d: {  	v4 =	vld [tilespmem:s14+$0xA820]  }
0x7e: {  	s2 =	simm.s32 $0x180;
	v2 =	vld [tilespmem:s14+$0x5D30];
	[tilespmem:s13+$0xF320] =	vst v5;
	v5 =	vadd.f32 v7, v6  }
.LBB2_5:
0x7f: {  	s17 =	sshra.s32 s2, $0x2;
	v6 =	vld [tilespmem:s14+$0xA830];
	p2 =	sne.s32 s2, $0x3B40  }
.Ltmp3:
0x80: {  	s2 =	sadd.s32 $0xC0, s2;
	v7 =	vadd.f32 v3, v0;
	v0 =	vld [tilespmem:s17+$0x5D40];
	[tilespmem:s13+$0xF330] =	vst v5;
	(pc) =	sbr.rel @p2 .LBB2_5-.Ltmp3, $4  }
0x81: {  	s13 =	smov.u32 s14;
	s14 =	smov.u32 s17;
	v3 =	vld [tilespmem:s17+$0xA840]  }
0x82: {  	v5 =	vadd.f32 v4, v1;
	v1 =	vld [tilespmem:s14+$0x5D20];
	[tilespmem:s13+$0xF340] =	vst v7  }
0x83: {  	v4 =	vld [tilespmem:s14+$0xA820]  }
0x84: {  	[tilespmem:s13+$0xF320] =	vst v5;
	v5 =	vadd.f32 v6, v2;
	v2 =	vld [tilespmem:s14+$0x5D30]  }
0x85: {  	v6 =	vld [tilespmem:s14+$0xA830];
	_ =	sdelay $0x2  }
0x86: {  	v0 =	vadd.f32 v3, v0  }
0x87: {  	s2 =	sadd.s32 s8, s9;
	[tilespmem:s13+$0xF330] =	vst v5;
	v1 =	vadd.f32 v4, v1  }
0x88: {  	s2 =	smul.u32 $0x6, s2;
	[tilespmem:s14+$0xF340] =	vst v0;
	v0 =	vadd.f32 v6, v2  }
0x89: {  	[tilespmem:s14+$0xF320] =	vst v1  }
0x8a: {  	s2 =	sadd.s32 s6, s2;
	[tilespmem:s14+$0xF330] =	vst v0  }
0x8b: {  	[hbm4b:s2+s3] =	stream.linear.scatter [tilespmem:s23], [sflag:$0xC], $0xF00, $0x38;
	[tilespmem:$0x12F20] =	vst v63  }
0x8c: {  	s13 =	simm.s32 @!p1 $0x50;
	s14 =	simm.s32 @!p1 $0x5D20;
	s2 =	sadd.s32 @!p1 $0x1E0, s8  }
0x8d: {  	[tilespmem:s14], [sflag:$0x2] =	stream.indirect.gather @!p1 [hbm4b:s1+s13], $0x30, s2, s13, $0xb8;
	[tilespmem:$0x12F20] =	vst v63  }
0x8e: {  	s2 =	sadd.s32 @!p1 $0x28F0, s8;
	s14 =	simm.s32 @!p1 $0xA820  }
0x8f: {  	[tilespmem:s14], [sflag:$0x7] =	stream.indirect.gather @!p1 [hbm4b:s5+s13], $0x30, s2, s13, $0xb8;
	[tilespmem:$0x12F20] =	vst v63  }
0x90: {  	_ =	swait.ge [sflag:s24], $0xF00  }
0x91: {  	[sflag:s24] =	ssyncset.done $0x0  }
0x92: {  	[sflag:s24] =	ssyncadd.s32 $0xFFFFF100  }
0x93: {  	_ =	swait.ge [sflag:s25], $0xF00  }
0x94: {  	[sflag:s25] =	ssyncset.done $0x0  }
0x95: {  	s2 =	simm.s32 @!p0 $0xD;
	[sflag:s25] =	ssyncadd.s32 $0xFFFFF100  }
0x96: {  	_ =	swait.ge @!p0 [sflag:s2], $0xF00  }
0x97: {  	[sflag:s2] =	ssyncset.done @!p0 $0x0  }
0x98: {  	s13 =	simm.s32 $0x0;
	[sflag:s2] =	ssyncadd.s32 @!p0 $0xFFFFF100  }
0x99: {  	v1 =	vld [tilespmem:s13+$0x6C40]  }
0x9a: {  	v2 =	vld [tilespmem:s13+$0xB740]  }
0x9b: {  	v4 =	vld [tilespmem:s13+$0x6C20]  }
0x9c: {  	v5 =	vld [tilespmem:s13+$0xB720]  }
0x9d: {  	v6 =	vld [tilespmem:s13+$0x6C30]  }
0x9e: {  	s14 =	simm.s32 $0x30;
	v7 =	vld [tilespmem:s13+$0xB730]  }
0x9f: {  	v0 =	vld [tilespmem:s14+$0x6C40];
	v2 =	vadd.f32 v2, v1  }
0xa0: {  	v3 =	vld [tilespmem:s14+$0xB740]  }
0xa1: {  	v1 =	vld [tilespmem:s14+$0x6C20];
	v5 =	vadd.f32 v5, v4;
	[tilespmem:s13+$0x10240] =	vst v2  }
0xa2: {  	v4 =	vld [tilespmem:s14+$0xB720]  }
0xa3: {  	s2 =	simm.s32 $0x180;
	v2 =	vld [tilespmem:s14+$0x6C30];
	[tilespmem:s13+$0x10220] =	vst v5;
	v5 =	vadd.f32 v7, v6  }
.LBB2_7:
0xa4: {  	s17 =	sshra.s32 s2, $0x2;
	v6 =	vld [tilespmem:s14+$0xB730];
	p2 =	sne.s32 s2, $0x3B40  }
.Ltmp4:
0xa5: {  	s2 =	sadd.s32 $0xC0, s2;
	v7 =	vadd.f32 v3, v0;
	v0 =	vld [tilespmem:s17+$0x6C40];
	[tilespmem:s13+$0x10230] =	vst v5;
	(pc) =	sbr.rel @p2 .LBB2_7-.Ltmp4, $4  }
0xa6: {  	s13 =	smov.u32 s14;
	s14 =	smov.u32 s17;
	v3 =	vld [tilespmem:s17+$0xB740]  }
0xa7: {  	v5 =	vadd.f32 v4, v1;
	v1 =	vld [tilespmem:s14+$0x6C20];
	[tilespmem:s13+$0x10240] =	vst v7  }
0xa8: {  	v4 =	vld [tilespmem:s14+$0xB720]  }
0xa9: {  	[tilespmem:s13+$0x10220] =	vst v5;
	v5 =	vadd.f32 v6, v2;
	v2 =	vld [tilespmem:s14+$0x6C30]  }
0xaa: {  	v6 =	vld [tilespmem:s14+$0xB730];
	_ =	sdelay $0x2  }
0xab: {  	v0 =	vadd.f32 v3, v0  }
0xac: {  	s2 =	sadd.s32 s8, s10;
	[tilespmem:s13+$0x10230] =	vst v5;
	v1 =	vadd.f32 v4, v1  }
0xad: {  	s2 =	smul.u32 $0x6, s2;
	[tilespmem:s14+$0x10240] =	vst v0;
	v0 =	vadd.f32 v6, v2  }
0xae: {  	[tilespmem:s14+$0x10220] =	vst v1  }
0xaf: {  	s2 =	sadd.s32 s6, s2;
	[tilespmem:s14+$0x10230] =	vst v0  }
0xb0: {  	[hbm4b:s2+s3] =	stream.linear.scatter [tilespmem:s26], [sflag:$0xD], $0xF00, $0x38;
	[tilespmem:$0x12F20] =	vst v63  }
0xb1: {  	s13 =	simm.s32 @!p1 $0x50;
	s14 =	simm.s32 @!p1 $0x6C20;
	s2 =	sadd.s32 @!p1 $0x230, s8  }
0xb2: {  	[tilespmem:s14], [sflag:$0x3] =	stream.indirect.gather @!p1 [hbm4b:s1+s13], $0x30, s2, s13, $0xb8;
	[tilespmem:$0x12F20] =	vst v63  }
0xb3: {  	s2 =	sadd.s32 @!p1 $0x2940, s8;
	s14 =	simm.s32 @!p1 $0xB720  }
0xb4: {  	[tilespmem:s14], [sflag:$0x8] =	stream.indirect.gather @!p1 [hbm4b:s5+s13], $0x30, s2, s13, $0xb8;
	[tilespmem:$0x12F20] =	vst v63  }
0xb5: {  	_ =	swait.ge [sflag:s28], $0xF00  }
0xb6: {  	[sflag:s28] =	ssyncset.done $0x0  }
0xb7: {  	[sflag:s28] =	ssyncadd.s32 $0xFFFFF100  }
0xb8: {  	_ =	swait.ge [sflag:s29], $0xF00  }
0xb9: {  	[sflag:s29] =	ssyncset.done $0x0  }
0xba: {  	s2 =	simm.s32 @!p0 $0xE;
	[sflag:s29] =	ssyncadd.s32 $0xFFFFF100  }
0xbb: {  	_ =	swait.ge @!p0 [sflag:s2], $0xF00  }
0xbc: {  	[sflag:s2] =	ssyncset.done @!p0 $0x0  }
0xbd: {  	s13 =	simm.s32 $0x0;
	[sflag:s2] =	ssyncadd.s32 @!p0 $0xFFFFF100  }
0xbe: {  	v1 =	vld [tilespmem:s13+$0x7B40]  }
0xbf: {  	v2 =	vld [tilespmem:s13+$0xC640]  }
0xc0: {  	v4 =	vld [tilespmem:s13+$0x7B20]  }
0xc1: {  	v5 =	vld [tilespmem:s13+$0xC620]  }
0xc2: {  	v6 =	vld [tilespmem:s13+$0x7B30]  }
0xc3: {  	s14 =	simm.s32 $0x30;
	v7 =	vld [tilespmem:s13+$0xC630]  }
0xc4: {  	v0 =	vld [tilespmem:s14+$0x7B40];
	v2 =	vadd.f32 v2, v1  }
0xc5: {  	v3 =	vld [tilespmem:s14+$0xC640]  }
0xc6: {  	v1 =	vld [tilespmem:s14+$0x7B20];
	v5 =	vadd.f32 v5, v4;
	[tilespmem:s13+$0x11140] =	vst v2  }
0xc7: {  	v4 =	vld [tilespmem:s14+$0xC620]  }
0xc8: {  	s2 =	simm.s32 $0x180;
	v2 =	vld [tilespmem:s14+$0x7B30];
	[tilespmem:s13+$0x11120] =	vst v5;
	v5 =	vadd.f32 v7, v6  }
.LBB2_9:
0xc9: {  	s17 =	sshra.s32 s2, $0x2;
	v6 =	vld [tilespmem:s14+$0xC630];
	p2 =	sne.s32 s2, $0x3B40  }
.Ltmp5:
0xca: {  	s2 =	sadd.s32 $0xC0, s2;
	v7 =	vadd.f32 v3, v0;
	v0 =	vld [tilespmem:s17+$0x7B40];
	[tilespmem:s13+$0x11130] =	vst v5;
	(pc) =	sbr.rel @p2 .LBB2_9-.Ltmp5, $4  }
0xcb: {  	s13 =	smov.u32 s14;
	s14 =	smov.u32 s17;
	v3 =	vld [tilespmem:s17+$0xC640]  }
0xcc: {  	v5 =	vadd.f32 v4, v1;
	v1 =	vld [tilespmem:s14+$0x7B20];
	[tilespmem:s13+$0x11140] =	vst v7  }
0xcd: {  	v4 =	vld [tilespmem:s14+$0xC620]  }
0xce: {  	[tilespmem:s13+$0x11120] =	vst v5;
	v5 =	vadd.f32 v6, v2;
	v2 =	vld [tilespmem:s14+$0x7B30]  }
0xcf: {  	v6 =	vld [tilespmem:s14+$0xC630];
	_ =	sdelay $0x2  }
0xd0: {  	v0 =	vadd.f32 v3, v0  }
0xd1: {  	s2 =	sadd.s32 s8, s11;
	[tilespmem:s13+$0x11130] =	vst v5;
	v1 =	vadd.f32 v4, v1  }
0xd2: {  	s2 =	smul.u32 $0x6, s2;
	[tilespmem:s14+$0x11140] =	vst v0;
	v0 =	vadd.f32 v6, v2  }
0xd3: {  	[tilespmem:s14+$0x11120] =	vst v1  }
0xd4: {  	s2 =	sadd.s32 s6, s2;
	[tilespmem:s14+$0x11130] =	vst v0  }
0xd5: {  	[hbm4b:s2+s3] =	stream.linear.scatter [tilespmem:s30], [sflag:$0xE], $0xF00, $0x38;
	[tilespmem:$0x12F20] =	vst v63  }
0xd6: {  	s13 =	simm.s32 @!p1 $0x50;
	s14 =	simm.s32 @!p1 $0x7B20;
	s2 =	sadd.s32 @!p1 $0x280, s8  }
0xd7: {  	[tilespmem:s14], [sflag:$0x4] =	stream.indirect.gather @!p1 [hbm4b:s1+s13], $0x30, s2, s13, $0xb8;
	[tilespmem:$0x12F20] =	vst v63  }
0xd8: {  	s2 =	sadd.s32 @!p1 $0x2990, s8;
	s14 =	simm.s32 @!p1 $0xC620  }
0xd9: {  	[tilespmem:s14], [sflag:$0x9] =	stream.indirect.gather @!p1 [hbm4b:s5+s13], $0x30, s2, s13, $0xb8;
	[tilespmem:$0x12F20] =	vst v63  }
0xda: {  	_ =	swait.ge [sflag:s31], $0xF00  }
0xdb: {  	[sflag:s31] =	ssyncset.done $0x0  }
0xdc: {  	[sflag:s31] =	ssyncadd.s32 $0xFFFFF100  }
0xdd: {  	_ =	swait.ge [sflag:s0], $0xF00  }
0xde: {  	[sflag:s0] =	ssyncset.done $0x0  }
0xdf: {  	s2 =	simm.s32 @!p0 $0xF;
	[sflag:s0] =	ssyncadd.s32 $0xFFFFF100  }
0xe0: {  	_ =	swait.ge @!p0 [sflag:s2], $0xF00  }
0xe1: {  	[sflag:s2] =	ssyncset.done @!p0 $0x0  }
0xe2: {  	s13 =	simm.s32 $0x0;
	[sflag:s2] =	ssyncadd.s32 @!p0 $0xFFFFF100  }
0xe3: {  	v1 =	vld [tilespmem:s13+$0x8A40]  }
0xe4: {  	v2 =	vld [tilespmem:s13+$0xD540]  }
0xe5: {  	v4 =	vld [tilespmem:s13+$0x8A20]  }
0xe6: {  	v5 =	vld [tilespmem:s13+$0xD520]  }
0xe7: {  	v6 =	vld [tilespmem:s13+$0x8A30]  }
0xe8: {  	s14 =	simm.s32 $0x30;
	v7 =	vld [tilespmem:s13+$0xD530]  }
0xe9: {  	v0 =	vld [tilespmem:s14+$0x8A40];
	v2 =	vadd.f32 v2, v1  }
0xea: {  	v3 =	vld [tilespmem:s14+$0xD540]  }
0xeb: {  	v1 =	vld [tilespmem:s14+$0x8A20];
	v5 =	vadd.f32 v5, v4;
	[tilespmem:s13+$0x12040] =	vst v2  }
0xec: {  	v4 =	vld [tilespmem:s14+$0xD520]  }
0xed: {  	s2 =	simm.s32 $0x180;
	v2 =	vld [tilespmem:s14+$0x8A30];
	[tilespmem:s13+$0x12020] =	vst v5;
	v5 =	vadd.f32 v7, v6  }
.LBB2_11:
0xee: {  	s17 =	sshra.s32 s2, $0x2;
	v6 =	vld [tilespmem:s14+$0xD530];
	p0 =	sne.s32 s2, $0x3B40  }
.Ltmp6:
0xef: {  	s2 =	sadd.s32 $0xC0, s2;
	v7 =	vadd.f32 v3, v0;
	v0 =	vld [tilespmem:s17+$0x8A40];
	[tilespmem:s13+$0x12030] =	vst v5;
	(pc) =	sbr.rel @p0 .LBB2_11-.Ltmp6, $4  }
0xf0: {  	s13 =	smov.u32 s14;
	s14 =	smov.u32 s17;
	v3 =	vld [tilespmem:s17+$0xD540]  }
0xf1: {  	v5 =	vadd.f32 v4, v1;
	v1 =	vld [tilespmem:s14+$0x8A20];
	[tilespmem:s13+$0x12040] =	vst v7  }
0xf2: {  	v4 =	vld [tilespmem:s14+$0xD520]  }
0xf3: {  	[tilespmem:s13+$0x12020] =	vst v5;
	v5 =	vadd.f32 v6, v2;
	v2 =	vld [tilespmem:s14+$0x8A30]  }
0xf4: {  	v6 =	vld [tilespmem:s14+$0xD530];
	_ =	sdelay $0x2  }
0xf5: {  	v0 =	vadd.f32 v3, v0  }
.Ltmp7:
0xf6: {  	s2 =	sadd.s32 s8, s12;
	[tilespmem:s13+$0x12030] =	vst v5;
	v1 =	vadd.f32 v4, v1;
	(pc) =	sbr.rel @p1 .LBB2_14-.Ltmp7, $4  }
0xf7: {  	s2 =	smul.u32 $0x6, s2;
	[tilespmem:s14+$0x12040] =	vst v0;
	v63 =	vadd.f32 v6, v2  }
0xf8: {  	[tilespmem:s14+$0x12020] =	vst v1  }
0xf9: {  	s2 =	sadd.s32 s6, s2;
	[tilespmem:s14+$0x12030] =	vst v63  }
0xfa: {  	[hbm4b:s2+s3] =	stream.linear.scatter [tilespmem:s7], [sflag:$0xF], $0xF00, $0x38;
	[tilespmem:$0x12F20] =	vst v63  }
.Ltmp8:
0xfb: {  	(pc) =	sbr.rel .LBB2_2-.Ltmp8, $4  }
0xfc: {  	s2 =	sadd.s32 $0x2D0, s8;
	s13 =	simm.s32 $0x8A20  }
0xfd: {  	[tilespmem:s13], [sflag:$0x5] =	stream.indirect.gather [hbm4b:s1+s16], $0x30, s2, s16, $0xb8;
	[tilespmem:$0x12F20] =	vst v63  }
0xfe: {  	s14 =	sadd.s32 $0x29E0, s8;
	s17 =	simm.s32 $0xD520;
	s15 =	sadd.s32 $0x1, s15  }
0xff: {  	[tilespmem:s17], [sflag:$0xA] =	stream.indirect.gather [hbm4b:s5+s16], $0x30, s14, s16, $0xb8;
	[tilespmem:$0x12F20] =	vst v63  }
.LBB2_15:
0x100: {  	_ =	sfence.sel $0x180000  }
0x101: {  	[bflag:$0x0] =	sbarrier.arrive $0xFFFF  }
0x102: {  	_ =	strace $0x90000047  }
0x103: {  	s0 =	stileid.u32;
	[bflag:$0x2] =	sbarrier.arrive $0xFFFF  }
0x104: {  	p0 =	sne.s32 s0, $0x0;
	s0 =	rddreg [dreg:$0x3]  }
0x105: {  	s0 =	sadd.s32 @!p0 $0x100000, s0  }
0x106: {  	[sflag:s0] =	ssyncadd.tile.s32 @!p0 $0x1;
	_ =	shalt  }
.Lfunc_end2:
_tile_overlayer_lowered:
.L_overlay_start_2:
0x107: {  	(tag) =	ssettag $0x2  }
0x108: {  	s0 =	rddreg [dreg:$0x0];
	s2 =	stileid.u32  }
0x109: {  	s1 =	rddreg [dreg:$0x1];
	p0 =	sne.s32 s2, $0x0  }
0x10a: {  	s3 =	rddreg [dreg:$0x2];
	[bflag:$0x3] =	sbarrier.arrive $0xFFFF;
	s2 =	simm.s32 @!p0 $0x1C10  }
0x10b: {  	[timem:s3], [sflag:s2] =	dma.local @!p0 [hbm:s0], s1  }
0x10c: {  	s0 =	simm.s32 @!p0 $0x10  }
0x10d: {  	_ =	swait.ge @!p0 [sflag:s0], s1  }
0x10e: {  	s1 =	ssub.s32 @!p0 $0x0, s1;
	[sflag:s0] =	ssyncset.done @!p0 $0x0  }
0x10f: {  	[sflag:s0] =	ssyncadd.s32 @!p0 s1  }
0x110: {  	[bflag:$0x3] =	sbarrier.arrive $0xFFFF  }
0x111: {  	_ =	shalt  }

// kernel: sparse-core-data-format-call.cloned.1.call-start
scs
called_computation_lowered:
.L_overlay_start_0:
0x0: {  	s2 =	sld [smem:$0x3FD9]  }
0x1: {  	s3 =	sld [smem:$0x3FFE];
	_ =	sdelay $0x1  }
0x2: {  	s1 =	srdreg.scid  }
0x3: {  	s0 =	sand.u32 $0x1, s1  }
0x4: {  	s16 =	sshll.u32 s0, $0xA;
	s2 =	sadd.s32 s3, s2  }
0x5: {  	s2 =	sadd.s32 s2, s16  }
0x6: {  	[smem:$0x3FBB] =	sst s2  }
0x7: {  	_ = 	snop  }
0x8: {  	s2 =	sld [smem:$0x3FD0];
	_ =	sdelay $0x2  }
0x9: {  	s17 =	simm.s32 $0xB;
	s4 =	simm.s32 $0x10  }
0xa: {  	[smem:s4], [sflag:s17] =	dma.local [hbm:s2], $0x1  }
0xb: {  	_ =	swait.eq [sflag:s17], $0x1  }
0xc: {  	[sflag:s17] =	ssyncset.done $0x0  }
0xd: {  	[sflag:s17] =	ssyncadd.s32 $0xFFFFFFFF  }
0xe: {  	s18 =	sld [smem:$0x11];
	(tm) =	ssettm $0x1  }
0xf: {  	s19 =	sld [smem:$0x3FFB];
	_ =	sdelay $0x3  }
0x10: {  	_ =	strace s19  }
0x11: {  	s2 =	sld [smem:$0x3FFC];
	_ =	sdelay $0x3  }
0x12: {  	_ =	strace s2  }
0x13: {  	s2 =	sld [smem:$0x3FFD];
	_ =	sdelay $0x3  }
0x14: {  	_ =	strace s2  }
0x15: {  	_ =	strace $0x8FFFFFFF  }
0x16: {  	s20 =	sld [smem:$0x3FDB];
	_ =	sdelay $0x1  }
0x17: {  	s21 =	simm.s32 $_scs_section_size  }
0x18: {  	s5 =	simm.s32 $_size__tile_overlayer_lowered;
	s6 =	simm.s32 $_tile_overlayer_lowered  }
0x19: {  	s7 =	simm.s32 $0x1BFF;
	s22 =	sshll.u32 s6, $0x1;
	s4 =	sadd.s32 s21, s20  }
0x1a: {  	s23 =	simm.s32 $0x0;
	s5 =	sshll.u32 s5, $0x1;
	s6 =	sadd.s32 s22, s4  }
0x1b: {  	[timem:s23], [sflag:s7] =	dma.local [hbm:s6], s5  }
0x1c: {  	_ =	swait.ge [sflag:s7], s5  }
0x1d: {  	s5 =	ssub.s32 $0x0, s5;
	[sflag:s7] =	ssyncset.done $0x0  }
0x1e: {  	[sflag:s7] =	ssyncadd.s32 s5;
	_ =	sdelay $0x1  }
0x1f: {  	s24 =	simm.s32 $0x1B8B  }
0x20: {  	_ =	swait.ge [sflag:s24], $0x1  }
0x21: {  	[sflag:s24] =	ssyncset.done $0x0  }
0x22: {  	[sflag:s24] =	ssyncadd.s32 $0xFFFFFFFF  }
0x23: {  	s5 =	sld [smem:$0x0]  }
0x24: {  	s6 =	sand.u32 $0xFFFFFFFE, s1  }
0x25: {  	p0 =	sne.s32 s1, s6  }
0x26: {  	s6 =	sshll.u32 @p0 s6, $0xE  }
0x27: {  	s6 =	sadd.s32 @p0 $0x11B8D, s6;
	s7 =	sshll.u32 @p0 s5, $0x11  }
0x28: {  	s6 =	sor.u32 @p0 s7, s6  }
0x29: {  	[sflag:s6] =	ssyncadd.remote.s32 @p0 $0x1;
	_ =	sdelay $0x1  }
0x2a: {  	s6 =	simm.s32 @p0 $0x1B8D  }
0x2b: {  	_ =	swait.eq @p0 [sflag:s6], $0x1  }
0x2c: {  	[sflag:s6] =	ssyncadd.s32 @p0 $0xFFFFFFFF  }
0x2d: {  	s7 =	sshll.u32 @!p0 s1, $0xE  }
0x2e: {  	s7 =	sor.u32 @!p0 $0x4000, s7;
	s6 =	simm.s32 @!p0 $0x1B8D  }
0x2f: {  	s5 =	sshll.u32 @!p0 s5, $0x11;
	s7 =	sadd.s32 @!p0 $0x11B8D, s7;
	_ =	swait.eq @!p0 [sflag:s6], $0x1  }
0x30: {  	s5 =	sor.u32 @!p0 s5, s7;
	[sflag:s6] =	ssyncadd.s32 @!p0 $0xFFFFFFFF  }
0x31: {  	s26 =	simm.s32 $0x1B8E;
	s25 =	sld [smem:$0x3FFE];
	[sflag:s5] =	ssyncadd.remote.s32 @!p0 $0x1  }
0x32: {  	s27 =	simm.s32 $execute0_lowered;
	[smem:$0x3FD2] =	sst s26  }
0x33: {  	s6 =	sshll.u32 s27, $0x1;
	_ =	strace $0x8000004C;
	[dreg:$0x1] =	wrdreg $0xFFFFFFFF  }
0x34: {  	s28 =	simm.s32 $_size_execute0_lowered;
	s4 =	sadd.s32 s4, s6;
	[dreg:$0x0] =	wrdreg $0x0  }
0x35: {  	s6 =	sshll.u32 s28, $0x1;
	[dreg:$0x2] =	wrdreg s4  }
0x36: {  	[dreg:$0x3] =	wrdreg s6  }
0x37: {  	[dreg:$0x4] =	wrdreg $0xC0  }
0x38: {  	_ =	task [dreg:s23], $0x5FFFF  }
0x39: {  	[dreg:$0x1] =	wrdreg $0xFFFFFFFF  }
0x3a: {  	[dreg:$0x0] =	wrdreg $0x60  }
0x3b: {  	[dreg:$0x2] =	wrdreg s25  }
0x3c: {  	[dreg:$0x3] =	wrdreg s18  }
0x3d: {  	[dreg:$0x4] =	wrdreg $0x9  }
0x3e: {  	_ =	task.clear_ibuf [dreg:s23], $0x5FFFF;
	_ =	strace $0x9000004C  }
0x3f: {  	s29 =	simm.s32 $0x9;
	_ =	strace $0x8000004E  }
0x40: {  	_ =	swait.ge [sflag:s29], $0x1  }
0x41: {  	[sflag:s29] =	ssyncadd.s32 $0xFFFFFFFF  }
0x42: {  	_ =	strace $0x9000004E  }
0x43: {  	_ =	sfence  }
0x44: {  	s30 =	sld [smem:$0x0];
	_ =	sdelay $0x2  }
0x45: {  	s31 =	sshll.u32 s1, $0xD;
	s1 =	sshrl.u32 s1, $0x2  }
0x46: {  	s4 =	sand.u32 $0x4000, s31;
	s1 =	sadd.s32 s1, s30  }
0x47: {  	s0 =	sor.u32 s4, s0;
	s1 =	sshll.u32 s1, $0x11  }
0x48: {  	s0 =	sor.u32 s1, s0  }
0x49: {  	s0 =	sadd.s32 $0x8F2B, s0  }
0x4a: {  	[sflag:s0] =	ssyncadd.remote.s32 $0x1  }
0x4b: {  	_ =	sfence.sel $0xFFFF  }
0x4c: {  	[dreg:$0x0] =	wrdreg $0xFFFFFFFF;
	(pc) =	sbr.abs _section_cstart, $3  }
0x4d: {  	[dreg:$0x1] =	wrdreg $0xFFFFFFFF  }
0x4e: {  	_ =	task.clear_ibuf [dreg:s23], $0x2FFFF;
	_ =	strace $0x9FFFFFFF  }
0x4f: {  	(tm) =	ssettm $0x7FFFFFFF  }
tec
execute0_lowered:
.L_overlay_start_1:
0x0: {  	(tag) =	ssettag $0x1  }
0x1: {  	s0 =	srdreg.scid  }
0x2: {  	s1 =	sshll.u32 s0, $0x4  }
0x3: {  	s4 =	rddreg [dreg:$0x0];
	s0 =	stileid.u32;
	s1 =	sand.u32 $0x10, s1  }
0x4: {  	s2 =	rddreg [dreg:$0x1];
	s7 =	simm.s32 $0x1;
	s1 =	sor.u32 s0, s1  }
0x5: {  	s8 =	simm.s32 $0x2;
	s11 =	simm.s32 $0x0;
	s3 =	sshll.u32 s1, $0x7  }
0x6: {  	s10 =	simm.s32 $0x0;
	s4 =	sadd.s32 $0x3C7000, s4;
	s6 =	ssub.s32 $0x4E200, s3  }
.Ltmp0:
0x7: {  	s1 =	rddreg [dreg:$0x2];
	s5 =	sand.u32 $0xF80, s6;
	(pc) =	sbr.rel .LBB1_1-.Ltmp0, $4  }
0x8: {  	_ =	strace $0x8000004D;
	s9 =	smov.u32 s3;
	p0 =	sne.s32 s5, $0x0  }
0x9: {  	s6 =	sshrl.u32 s6, $0xC;
	s5 =	simm.s32 $0x1;
	s7 =	simm.s32 @!p0 $0x0  }
0xa: {  	[sflag:s5] =	ssyncpa.u1 $0x0;
	p0 =	por $0x0, $0x0;
	s6 =	sadd.s32 s7, s6  }
0xb: {  	[sflag:s8] =	ssyncpa.u1 $0x0;
	s8 =	simm.s32 $0x271000;
	s7 =	sadd.s32 $0x1, s6  }
.LBB1_4:
0xc: {  	s14 =	sshll.u32 s11, $0x3  }
0xd: {  	s30 =	sand.u32 $0x7F, s11;
	s14 =	sand.u32 $0xFFFFFC00, s14  }
0xe: {  	s11 =	sor.u32 s30, s14  }
0xf: {  	s15 =	smulhi.u32 $0xD1B71759, s11;
	_ =	sdelay $0x1  }
0x10: {  	s14 =	smulhi.u32 $0xD1B71759, s14;
	s15 =	sshrl.u32 s15, $0x12  }
0x11: {  	s15 =	smul.u32 $0x4E200, s15  }
0x12: {  	s14 =	sshrl.u32 s14, $0x12  }
0x13: {  	s14 =	sand.u32 $0x1F, s14;
	s11 =	ssub.s32 s11, s15  }
0x14: {  	s14 =	smul.u32 $0x9C40, s14;
	s15 =	sshrl.u32 s11, $0x3;
	s11 =	sand.u32 $0x7, s11  }
0x15: {  	s15 =	sadd.s32 s2, s15;
	s11 =	sshll.u32 s11, $0x12  }
0x16: {  	[tilespmem:s13+$0x0 ss:$0x81] =	vst.msk $0xffff, v0;
	s31 =	sadd.s32 s14, s15;
	s11 =	sor.u32 $0x400, s11  }
0x17: {  	[hbm4b:s31+s11] =	stream.strided.scatter [tilespmem:s12], [sflag:$0x2], $0x1000, s8, s11, $0x20;
	[tilespmem:$0x4040] =	vst v63  }
.LBB1_5:
0x18: {  	s13 =	sadd.s32 $0x1000, s9  }
0x19: {  	p2 =	sgt.s32 s13, $0x4E1FF  }
0x1a: {  	s13 =	smov.u32 @p2 s3;
	p2 =	sne.s32 s10, s7  }
.Ltmp1:
0x1b: {  	p1 =	slt.u32 s10, $0x2;
	(pc) =	sbr.rel @!p2 .LBB1_6-.Ltmp1, $4  }
0x1c: {  	s12 =	simm.s32 @!p1 $0x2  }
0x1d: {  	s14 =	sadd.s32 $0x1, s10;
	_ =	swait.ge @!p1 [sflag:s12], $0x1000  }
0x1e: {  	s11 =	smov.u32 s9;
	p0 =	por !p0, !p0;
	[sflag:s12] =	ssyncset.done @!p1 $0x0  }
0x1f: {  	s10 =	smov.u32 s14;
	s9 =	smov.u32 s13;
	[sflag:s12] =	ssyncadd.s32 @!p1 $0xFFFFF000  }
.LBB1_1:
0x20: {  	p1 =	sge.u32 s10, s6  }
0x21: {  	s12 =	sand.u32 @!p1 $0x1FFFFFF, s9  }
0x22: {  	s13 =	smulhi.u32 @!p1 $0x1A36E2F, s12;
	_ =	sdelay $0x1  }
0x23: {  	s13 =	sshrl.u32 @!p1 s13, $0xB  }
0x24: {  	s13 =	smul.u32 @!p1 $0x4E200, s13;
	_ =	sdelay $0x1  }
0x25: {  	s31 =	sadd.s32 $0xFFFFFFFF, s10;
	s14 =	sxor.u32 @!p1 $0xFFFFFFFF, s10;
	s12 =	ssub.s32 @!p1 s12, s13  }
0x26: {  	s15 =	simm.s32 @!p1 $0x80;
	s14 =	sshll.u32 @!p1 s14, $0xC;
	s12 =	sshll.u32 @!p1 s12, $0x4  }
0x27: {  	s13 =	sand.u32 @!p1 $0x1000, s14;
	s14 =	simm.s32 @!p1 $0x20;
	s12 =	sadd.s32 @!p1 s4, s12  }
0x28: {  	[tilespmem:s13], [sflag:$0x1] =	stream.strided.gather @!p1 [hbm4b:s12+s14], $0x1000, s15, s14, $0x38;
	[tilespmem:$0x4040] =	vst v63  }
0x29: {  	p1 =	sge.u32 s31, s6  }
.Ltmp2:
0x2a: {  	_ = 	snop;
	(pc) =	sbr.rel @p1 .LBB1_5-.Ltmp2, $1  }
0x2b: {  	_ =	sdelay $0x3  }
0x2c: {  	s12 =	simm.s32 $0x1  }
0x2d: {  	_ =	swait.ge [sflag:s5], $0x1000;
	s12 =	simm.s32 @!p0 $0x0  }
0x2e: {  	[sflag:s5] =	ssyncset.done $0x0;
	s13 =	sshll.u32 s12, $0xC  }
0x2f: {  	[sflag:s5] =	ssyncadd.s32 $0xFFFFF000;
	s16 =	sor.u32 $0x10, s13  }
0x30: {  	s12 =	smul.u32 $0x4080, s12;
	v1 =	vld [tilespmem:s16+$0x0]  }
0x31: {  	s30 =	sand.u32 $0x1, s10;
	v0 =	vld [tilespmem:s16+$0xFFFFFFF0]  }
0x32: {  	s13 =	smul.u32 $0x4080, s30;
	s12 =	sshrl.u32 s12, $0x2  }
0x33: {  	s14 =	sor.u32 $0x2000, s12  }
0x34: {  	s31 =	sshrl.u32 s13, $0x2;
	s13 =	sadd.s32 $0x0, s14  }
0x35: {  	s15 =	simm.s32 $0x4;
	s16 =	sadd.s32 $0x20, s16;
	s12 =	sor.u32 $0x2000, s31;
	[tilespmem:s13+$0x810 ss:$0x81] =	vst.msk $0xffff, v1  }
.LBB1_3:
0x36: {  	v1 =	vld [tilespmem:s16+$0x0];
	p1 =	sne.s32 s15, $0x1FC;
	[tilespmem:s13+$0x0 ss:$0x81] =	vst.msk $0xffff, v0;
	s13 =	smov.u32 s15;
	s15 =	sadd.s32 $0x4, s15  }
.Ltmp3:
0x37: {  	v0 =	vld [tilespmem:s16+$0xFFFFFFF0];
	(pc) =	sbr.rel @p1 .LBB1_3-.Ltmp3, $4  }
0x38: {  	_ = 	snop  }
0x39: {  	s13 =	sshra.s32 s13, $0x2  }
0x3a: {  	s13 =	sadd.s32 s13, s14  }
0x3b: {  	s16 =	sadd.s32 $0x20, s16;
	[tilespmem:s13+$0x810 ss:$0x81] =	vst.msk $0xffff, v1  }
.Ltmp4:
0x3c: {  	_ = 	snop;
	(pc) =	sbr.rel .LBB1_4-.Ltmp4, $1  }
0x3d: {  	_ =	sdelay $0x3  }
.LBB1_6:
0x3e: {  	_ =	sfence.sel $0x180000  }
0x3f: {  	s2 =	simm.s32 $0x1;
	[bflag:$0x0] =	sbarrier.arrive $0xFFFF  }
0x40: {  	s31 =	simm.s32 $0x2;
	[sflag:s2] =	ssyncpa.u1 $0x1  }
0x41: {  	[sflag:s31] =	ssyncpa.u1 $0x1  }
0x42: {  	p0 =	sne.s32 s0, $0x0;
	_ =	strace $0x9000004D  }
0x43: {  	s0 =	sadd.s32 @!p0 $0x100000, s1;
	[bflag:$0x2] =	sbarrier.arrive $0xFFFF  }
0x44: {  	[sflag:s0] =	ssyncadd.tile.s32 @!p0 $0x1;
	_ =	shalt  }
.Lfunc_end1:
_tile_overlayer_lowered:
.L_overlay_start_2:
0x45: {  	(tag) =	ssettag $0x2  }
0x46: {  	s0 =	rddreg [dreg:$0x0];
	s2 =	stileid.u32  }
0x47: {  	s1 =	rddreg [dreg:$0x1];
	p0 =	sne.s32 s2, $0x0  }
0x48: {  	s3 =	rddreg [dreg:$0x2];
	[bflag:$0x3] =	sbarrier.arrive $0xFFFF;
	s2 =	simm.s32 @!p0 $0x1C01  }
0x49: {  	[timem:s3], [sflag:s2] =	dma.local @!p0 [hbm:s0], s1  }
0x4a: {  	s0 =	simm.s32 @!p0 $0x1  }
0x4b: {  	_ =	swait.ge @!p0 [sflag:s0], s1  }
0x4c: {  	s1 =	ssub.s32 @!p0 $0x0, s1;
	[sflag:s0] =	ssyncset.done @!p0 $0x0  }
0x4d: {  	[sflag:s0] =	ssyncadd.s32 @!p0 s1  }
0x4e: {  	[bflag:$0x3] =	sbarrier.arrive $0xFFFF  }
0x4f: {  	_ =	shalt  }

</sc_bundles>
